<compile_context>
chip_gen: v7x
topology: tpu7x:2x2x1
jax: 0.10.2.dev20260603
libtpu: 0.0.44.dev20260713+nightly
codegen_flags: <defaults>
</compile_context>

<pallas_src>
import dataclasses
import functools

import jax
import jax.numpy as jnp
from jax import lax
from jax.experimental import pallas as pl
from jax.experimental.pallas import tpu as pltpu
from jax.experimental.pallas import tpu_sc as plsc

N = 10240
E = 327680
IN_CH = 128
HID = 64
NPG = 128
G = N // NPG
WROW = 128
WSELF = 80
NC = 2
NS = 16
NW = NC * NS
EPW = E // NW
CK = 128
NCHUNK = EPW // CK
MB = 16
RPT = N // NS


def _tc_prep(x_ref, w_ref, asrc_ref, adst_ref, h128_ref, self_ref,
             alpha_ref):
    h = jnp.dot(x_ref[...], w_ref[...], preferred_element_type=jnp.float32)
    a_s = jnp.sum(h * asrc_ref[...], axis=1)
    a_d = jnp.sum(h * adst_ref[...], axis=1)
    e = a_s + a_d
    w_self = jnp.exp(jnp.where(e >= 0.0, e, 0.2 * e))
    n = h.shape[0]
    ones = jnp.ones((n, 1), jnp.float32)
    h128_ref[...] = jnp.concatenate(
        [h, ones, a_s[:, None],
         jnp.zeros((n, WROW - HID - 2), jnp.float32)], axis=1)
    h80 = jnp.concatenate(
        [h, ones, jnp.zeros((n, WSELF - HID - 1), jnp.float32)], axis=1)
    self_ref[...] = h80 * w_self[:, None]
    alpha_ref[...] = jnp.stack([a_s, a_d], axis=0)


def _sc_edges(h128_hbm, alpha2_hbm, src_hbm, dst_hbm, out_hbm,
              src_v, dst_v, adst_v, rows_a, rows_b, acc_sh, sem_ga, sem_gb):
    cid = lax.axis_index("c")
    sid = lax.axis_index("s")
    wid = cid * NS + sid

    pltpu.sync_copy(alpha2_hbm.at[1], adst_v)

    @pl.loop(0, CK)
    def _zero_rows(j):
        for c in range(WROW // 16):
            rows_a[j, pl.ds(c * 16, 16)] = jnp.zeros((16,), jnp.float32)

    @pl.loop(0, RPT // CK)
    def _zero_acc(k):
        pltpu.sync_copy(rows_a, acc_sh.at[pl.ds(sid * RPT + k * CK, CK)])

    plsc.subcore_barrier()

    def gather_start(lg, buf, sem):
        pltpu.async_copy(h128_hbm.at[src_v.at[lg]], buf, sem)

    def gather_wait(lg, buf, sem):
        pltpu.make_async_copy(h128_hbm.at[src_v.at[lg]], buf, sem).wait()

    def process(lg, buf, gsem, prefetch):
        gather_wait(lg, buf, gsem)

        @pl.loop(0, CK // 16)
        def _group(i):
            dv = dst_v[lg, pl.ds(i * 16, 16)]
            rvec = lax.iota(jnp.int32, 16) + i * 16
            cvec = jnp.full((16,), HID + 1, jnp.int32)
            e = (plsc.load_gather(buf, [rvec, cvec])
                 + plsc.load_gather(adst_v, [dv]))
            e = jnp.where(e >= 0.0, e, 0.2 * e)
            wv = jnp.exp(e)
            for j in range(16):
                ws = wv[j]
                r = i * 16 + j
                for c in range(4):
                    buf[r, pl.ds(c * 16, 16)] = (
                        buf[r, pl.ds(c * 16, 16)] * ws)
                buf[r, pl.ds(HID, 16)] = jnp.full((16,), ws, jnp.float32)

        pltpu.sync_copy(buf, acc_sh.at[dst_v.at[lg]], add=True)

        if prefetch:
            gather_start(lg + 2, buf, gsem)

    @pl.loop(0, NCHUNK // MB)
    def _block(mb):
        pltpu.sync_copy(src_hbm.at[wid, pl.ds(mb * MB, MB)], src_v)
        pltpu.sync_copy(dst_hbm.at[wid, pl.ds(mb * MB, MB)], dst_v)
        gather_start(0, rows_a, sem_ga)
        gather_start(1, rows_b, sem_gb)

        @pl.loop(0, MB // 2 - 1)
        def _pair(p):
            process(p * 2, rows_a, sem_ga, True)
            process(p * 2 + 1, rows_b, sem_gb, True)

        process(MB - 2, rows_a, sem_ga, False)
        process(MB - 1, rows_b, sem_gb, False)

    plsc.subcore_barrier()

    pltpu.sync_copy(acc_sh.at[pl.ds(sid * RPT, RPT)],
                    out_hbm.at[cid, pl.ds(sid * RPT, RPT)])


GB = 8


def _tc_head(parts_ref, self_ref, b1_ref, w2_ref, lb_ref, out_ref):
    tot = parts_ref[0] + parts_ref[1]
    num = tot[:, :HID] + self_ref[:, :HID]
    den = tot[:, HID:HID + 1] + self_ref[:, HID:HID + 1]
    act = jnp.maximum(num / den + b1_ref[...], 0.0)
    prod = act * w2_ref[...]
    y = jnp.sum(prod.reshape(GB, NPG, HID), axis=(1, 2)) + lb_ref[0, 0]
    out_ref[...] = (1.0 / (1.0 + jnp.exp(-y)))[:, None]


def kernel(x, edge_index, batch, W1, att_src, att_dst, b1, lin_W, lin_b):
    src3 = edge_index[0].reshape(NW, NCHUNK, CK).astype(jnp.int32)
    dst3 = edge_index[1].reshape(NW, NCHUNK, CK).astype(jnp.int32)

    h128, self80, alpha2 = pl.pallas_call(
        _tc_prep,
        out_shape=[
            jax.ShapeDtypeStruct((N, WROW), jnp.float32),
            jax.ShapeDtypeStruct((N, WSELF), jnp.float32),
            jax.ShapeDtypeStruct((2, N), jnp.float32),
        ],
    )(x, W1, att_src.reshape(1, HID), att_dst.reshape(1, HID))

    cp = pltpu.CompilerParams()
    if "needs_layout_passes" in pltpu.CompilerParams.__dataclass_fields__:
        cp = dataclasses.replace(cp, needs_layout_passes=False)
    sc_fn = functools.partial(
        pl.kernel,
        compiler_params=cp,
        out_type=jax.ShapeDtypeStruct((NC, N, WROW), jnp.float32),
        mesh=plsc.VectorSubcoreMesh(core_axis_name="c", subcore_axis_name="s"),
        scratch_types=[
            pltpu.VMEM((MB, CK), jnp.int32),
            pltpu.VMEM((MB, CK), jnp.int32),
            pltpu.VMEM((N,), jnp.float32),
            pltpu.VMEM((CK, WROW), jnp.float32),
            pltpu.VMEM((CK, WROW), jnp.float32),
            pltpu.VMEM_SHARED((N, WROW), jnp.float32),
            pltpu.SemaphoreType.DMA,
            pltpu.SemaphoreType.DMA,
        ],
    )(_sc_edges)
    parts = sc_fn(h128, alpha2, src3, dst3)

    w2t = jnp.tile(lin_W.reshape(NPG, HID), (GB, 1))
    out = pl.pallas_call(
        _tc_head,
        grid=(G // GB,),
        in_specs=[
            pl.BlockSpec((NC, GB * NPG, WROW), lambda g: (0, g, 0)),
            pl.BlockSpec((GB * NPG, WSELF), lambda g: (g, 0)),
            pl.BlockSpec((1, HID), lambda g: (0, 0)),
            pl.BlockSpec((GB * NPG, HID), lambda g: (0, 0)),
            pl.BlockSpec((1, 1), lambda g: (0, 0)),
        ],
        out_specs=pl.BlockSpec((GB, 1), lambda g: (g, 0)),
        out_shape=jax.ShapeDtypeStruct((G, 1), jnp.float32),
    )(parts, self80, b1.reshape(1, HID), w2t, lin_b.reshape(1, 1))
    return out

# --- scband reference (transcript-rebuilt; emitter-appended) ---
"""Pipeline reference for scband-gat-39298950758976 (READ-ONLY COPY).

The authoritative reference and input builder live on the scoring server;
editing this copy changes nothing except your own understanding.
"""

import jax, jax.numpy as jnp
import numpy as np

N = 10240
E = 327680
IN_CH = 128
HID = 64
NODES_PER_GRAPH = 128
G = N // NODES_PER_GRAPH


def setup_inputs(seed: int = 0) -> dict:
    key = jax.random.key(seed)
    ks = jax.random.split(key, 8)
    x = jax.random.normal(ks[0], (N, IN_CH), dtype=jnp.float32)
    edge_index = jax.random.randint(ks[1], (2, E), 0, N)
    # batch: exactly 128 contiguous nodes per graph (sorted), matching linearize's reshape
    batch = jnp.repeat(jnp.arange(G), NODES_PER_GRAPH)
    # GATConv parameters (heads=1, concat default)
    W1 = jax.random.normal(ks[2], (IN_CH, HID), dtype=jnp.float32) * (1.0 / np.sqrt(IN_CH))
    att_src = jax.random.normal(ks[3], (HID,), dtype=jnp.float32) * 0.1
    att_dst = jax.random.normal(ks[4], (HID,), dtype=jnp.float32) * 0.1
    b1 = jnp.zeros((HID,), dtype=jnp.float32)
    # final linear: 128*hid -> 1
    lin_W = jax.random.normal(ks[5], (NODES_PER_GRAPH * HID, 1), dtype=jnp.float32) * (1.0 / np.sqrt(NODES_PER_GRAPH * HID))
    lin_b = jnp.zeros((1,), dtype=jnp.float32)
    return {"x": x, "edge_index": edge_index, "batch": batch,
            "W1": W1, "att_src": att_src, "att_dst": att_dst, "b1": b1,
            "lin_W": lin_W, "lin_b": lin_b}


def gat_conv(x, edge_index, W, a_src, a_dst, b):
    n = x.shape[0]
    h = x @ W                                   # [N, HID]
    # add self loops (PyG GATConv default add_self_loops=True)
    loop = jnp.arange(n)
    src = jnp.concatenate([edge_index[0], loop])
    dst = jnp.concatenate([edge_index[1], loop])
    alpha_src = jnp.sum(h * a_src, axis=-1)      # [N]
    alpha_dst = jnp.sum(h * a_dst, axis=-1)      # [N]
    e = alpha_src[src] + alpha_dst[dst]          # gather per edge
    e = jax.nn.leaky_relu(e, negative_slope=0.2)
    # softmax over incoming edges of each dst node
    e_max = jax.ops.segment_max(e, dst, num_segments=n)
    e_exp = jnp.exp(e - e_max[dst])
    denom = jax.ops.segment_sum(e_exp, dst, num_segments=n)
    coef = e_exp / denom[dst]
    out = jax.ops.segment_sum(coef[:, None] * h[src], dst, num_segments=n)  # scatter-add
    return out + b


def reference(x, edge_index, batch, W1, att_src, att_dst, b1, lin_W, lin_b):
    h = jax.nn.relu(gat_conv(x, edge_index, W1, att_src, att_dst, b1))
    # linearize: group the 128 nodes of each graph into one flat vector
    g = h.reshape(G, NODES_PER_GRAPH * HID)
    out = g @ lin_W + lin_b
    return jax.nn.sigmoid(out)

if __name__ == "__main__":
    import jax
    _d = setup_inputs()
    print(jax.jit(kernel)(*tuple(_d.values())))

</pallas_src>

<mosaic_0001>
#map = affine_map<(d0, d1) -> (0, 0)>
#map1 = affine_map<(d0, d1) -> (0, 0, 0)>
module attributes {stable_mosaic.version = 14 : i64} {
  func.func @_sc_edges(%arg0: i32, %arg1: i32, %arg2: memref<10240x128xf32, #tpu.memory_space<hbm>>, %arg3: memref<2x10240xf32, #tpu.memory_space<hbm>>, %arg4: memref<32x80x128xi32, #tpu.memory_space<hbm>>, %arg5: memref<32x80x128xi32, #tpu.memory_space<hbm>>, %arg6: memref<2x10240x128xf32, #tpu.memory_space<hbm>>, %arg7: memref<16x128xi32, #tpu.memory_space<vmem>>, %arg8: memref<16x128xi32, #tpu.memory_space<vmem>>, %arg9: memref<10240xf32, #tpu.memory_space<vmem>>, %arg10: memref<128x128xf32, #tpu.memory_space<vmem>>, %arg11: memref<128x128xf32, #tpu.memory_space<vmem>>, %arg12: memref<10240x128xf32, #tpu.memory_space<vmem_shared>>, %arg13: memref<!tpu.dma_semaphore, #tpu.memory_space<semaphore_mem>>, %arg14: memref<!tpu.dma_semaphore, #tpu.memory_space<semaphore_mem>>) attributes {dimension_semantics = [#tpu.dimension_semantics<core_parallel>, #tpu.dimension_semantics<subcore_parallel>], iteration_bounds = array<i64: 2, 16>, scalar_prefetch = 0 : i64, scratch_operands = 8 : i64, tpu.core_type = #tpu.core_type<sc_vector_subcore>, window_params = [{transform_indices = #map}, {transform_indices = #map}, {transform_indices = #map1}, {transform_indices = #map1}, {transform_indices = #map1}]} {
    %mul3A = arith.constant 16 : i32
    %mul3A_0 = arith.muli %arg0, %mul3A : i32
    %add3A = arith.addi %mul3A_0, %arg1 : i32
    %run_scoped3A = arith.constant 1 : i32
    "tpu.region"() ({
      %run_scoped3A_20 = tpu.sem_alloc : memref<!tpu.dma_semaphore, #tpu.memory_space<semaphore_mem>>
      %dma_start3A = arith.constant 0 : i32
      %dma_start3A_21 = tpu.memref_slice %arg3[%run_scoped3A, %dma_start3A] : memref<2x10240xf32, #tpu.memory_space<hbm>> -> memref<1x10240xf32, #tpu.memory_space<hbm>>
      %dma_start3A_22 = tpu.memref_squeeze %dma_start3A_21 : memref<1x10240xf32, #tpu.memory_space<hbm>> -> memref<10240xf32, #tpu.memory_space<hbm>>
      %dma_start3A_23 = arith.constant 0 : i32
      %dma_start3A_24 = tpu.memref_slice %arg3[%run_scoped3A, %dma_start3A_23] : memref<2x10240xf32, #tpu.memory_space<hbm>> -> memref<1x10240xf32, #tpu.memory_space<hbm>>
      %dma_start3A_25 = tpu.memref_squeeze %dma_start3A_24 : memref<1x10240xf32, #tpu.memory_space<hbm>> -> memref<10240xf32, #tpu.memory_space<hbm>>
      tpu.enqueue_dma source(%dma_start3A_25 : memref<10240xf32, #tpu.memory_space<hbm>>) target(%arg9 : memref<10240xf32, #tpu.memory_space<vmem>>) target_semaphore(%run_scoped3A_20 : memref<!tpu.dma_semaphore, #tpu.memory_space<semaphore_mem>>)
      %dma_wait3A = arith.constant 0 : i32
      %dma_wait3A_26 = tpu.memref_slice %arg3[%run_scoped3A, %dma_wait3A] : memref<2x10240xf32, #tpu.memory_space<hbm>> -> memref<1x10240xf32, #tpu.memory_space<hbm>>
      %dma_wait3A_27 = tpu.memref_squeeze %dma_wait3A_26 : memref<1x10240xf32, #tpu.memory_space<hbm>> -> memref<10240xf32, #tpu.memory_space<hbm>>
      %dma_wait3A_28 = arith.constant 0 : i32
      %dma_wait3A_29 = tpu.memref_slice %arg3[%run_scoped3A, %dma_wait3A_28] : memref<2x10240xf32, #tpu.memory_space<hbm>> -> memref<1x10240xf32, #tpu.memory_space<hbm>>
      %dma_wait3A_30 = tpu.memref_squeeze %dma_wait3A_29 : memref<1x10240xf32, #tpu.memory_space<hbm>> -> memref<10240xf32, #tpu.memory_space<hbm>>
      tpu.wait_dma2 semaphore(%run_scoped3A_20 : memref<!tpu.dma_semaphore, #tpu.memory_space<semaphore_mem>>) src(%dma_wait3A_30 : memref<10240xf32, #tpu.memory_space<hbm>>) dst(%arg9 : memref<10240xf32, #tpu.memory_space<vmem>>)
      tpu.yield
    }) : () -> ()
    %scan3A = arith.constant 0 : i32
    %scan3A_1 = arith.constant 128 : i32
    %scan3A_2 = arith.addi %scan3A, %scan3A_1 : i32
    %scan3A_3 = arith.constant 1 : i32
    scf.for %scan3A_20 = %scan3A to %scan3A_2 step %scan3A_3  : i32 {
      %mul3A_21 = arith.constant 1 : i32
      %mul3A_22 = arith.muli %scan3A_20, %mul3A_21 : i32
      %add3A_23 = arith.constant 0 : i32
      %add3A_24 = arith.addi %add3A_23, %mul3A_22 : i32
      %broadcast_in_dim3A = arith.constant 0.000000e+00 : f32
      %broadcast_in_dim3A_25 = vector.broadcast %broadcast_in_dim3A : f32 to vector<16xf32>
      %swap3A = arith.index_cast %add3A_24 : i32 to index
      %swap3A_26 = arith.constant 0 : index
      %swap3A_27 = tpu.vector_load %arg10[%swap3A, %swap3A_26] {strides = array<i32>} : memref<128x128xf32, #tpu.memory_space<vmem>>, vector<16xf32>,
      tpu.vector_store %arg10[%swap3A, %swap3A_26], %broadcast_in_dim3A_25 {strides = array<i32>} : memref<128x128xf32, #tpu.memory_space<vmem>>, vector<16xf32>,
      %broadcast_in_dim3A_28 = arith.constant 0.000000e+00 : f32
      %broadcast_in_dim3A_29 = vector.broadcast %broadcast_in_dim3A_28 : f32 to vector<16xf32>
      %swap3A_30 = arith.index_cast %add3A_24 : i32 to index
      %swap3A_31 = arith.constant 16 : index
      %swap3A_32 = tpu.vector_load %arg10[%swap3A_30, %swap3A_31] {strides = array<i32>} : memref<128x128xf32, #tpu.memory_space<vmem>>, vector<16xf32>,
      tpu.vector_store %arg10[%swap3A_30, %swap3A_31], %broadcast_in_dim3A_29 {strides = array<i32>} : memref<128x128xf32, #tpu.memory_space<vmem>>, vector<16xf32>,
      %broadcast_in_dim3A_33 = arith.constant 0.000000e+00 : f32
      %broadcast_in_dim3A_34 = vector.broadcast %broadcast_in_dim3A_33 : f32 to vector<16xf32>
      %swap3A_35 = arith.index_cast %add3A_24 : i32 to index
      %swap3A_36 = arith.constant 32 : index
      %swap3A_37 = tpu.vector_load %arg10[%swap3A_35, %swap3A_36] {strides = array<i32>} : memref<128x128xf32, #tpu.memory_space<vmem>>, vector<16xf32>,
      tpu.vector_store %arg10[%swap3A_35, %swap3A_36], %broadcast_in_dim3A_34 {strides = array<i32>} : memref<128x128xf32, #tpu.memory_space<vmem>>, vector<16xf32>,
      %broadcast_in_dim3A_38 = arith.constant 0.000000e+00 : f32
      %broadcast_in_dim3A_39 = vector.broadcast %broadcast_in_dim3A_38 : f32 to vector<16xf32>
      %swap3A_40 = arith.index_cast %add3A_24 : i32 to index
      %swap3A_41 = arith.constant 48 : index
      %swap3A_42 = tpu.vector_load %arg10[%swap3A_40, %swap3A_41] {strides = array<i32>} : memref<128x128xf32, #tpu.memory_space<vmem>>, vector<16xf32>,
      tpu.vector_store %arg10[%swap3A_40, %swap3A_41], %broadcast_in_dim3A_39 {strides = array<i32>} : memref<128x128xf32, #tpu.memory_space<vmem>>, vector<16xf32>,
      %broadcast_in_dim3A_43 = arith.constant 0.000000e+00 : f32
      %broadcast_in_dim3A_44 = vector.broadcast %broadcast_in_dim3A_43 : f32 to vector<16xf32>
      %swap3A_45 = arith.index_cast %add3A_24 : i32 to index
      %swap3A_46 = arith.constant 64 : index
      %swap3A_47 = tpu.vector_load %arg10[%swap3A_45, %swap3A_46] {strides = array<i32>} : memref<128x128xf32, #tpu.memory_space<vmem>>, vector<16xf32>,
      tpu.vector_store %arg10[%swap3A_45, %swap3A_46], %broadcast_in_dim3A_44 {strides = array<i32>} : memref<128x128xf32, #tpu.memory_space<vmem>>, vector<16xf32>,
      %broadcast_in_dim3A_48 = arith.constant 0.000000e+00 : f32
      %broadcast_in_dim3A_49 = vector.broadcast %broadcast_in_dim3A_48 : f32 to vector<16xf32>
      %swap3A_50 = arith.index_cast %add3A_24 : i32 to index
      %swap3A_51 = arith.constant 80 : index
      %swap3A_52 = tpu.vector_load %arg10[%swap3A_50, %swap3A_51] {strides = array<i32>} : memref<128x128xf32, #tpu.memory_space<vmem>>, vector<16xf32>,
      tpu.vector_store %arg10[%swap3A_50, %swap3A_51], %broadcast_in_dim3A_49 {strides = array<i32>} : memref<128x128xf32, #tpu.memory_space<vmem>>, vector<16xf32>,
      %broadcast_in_dim3A_53 = arith.constant 0.000000e+00 : f32
      %broadcast_in_dim3A_54 = vector.broadcast %broadcast_in_dim3A_53 : f32 to vector<16xf32>
      %swap3A_55 = arith.index_cast %add3A_24 : i32 to index
      %swap3A_56 = arith.constant 96 : index
      %swap3A_57 = tpu.vector_load %arg10[%swap3A_55, %swap3A_56] {strides = array<i32>} : memref<128x128xf32, #tpu.memory_space<vmem>>, vector<16xf32>,
      tpu.vector_store %arg10[%swap3A_55, %swap3A_56], %broadcast_in_dim3A_54 {strides = array<i32>} : memref<128x128xf32, #tpu.memory_space<vmem>>, vector<16xf32>,
      %broadcast_in_dim3A_58 = arith.constant 0.000000e+00 : f32
      %broadcast_in_dim3A_59 = vector.broadcast %broadcast_in_dim3A_58 : f32 to vector<16xf32>
      %swap3A_60 = arith.index_cast %add3A_24 : i32 to index
      %swap3A_61 = arith.constant 112 : index
      %swap3A_62 = tpu.vector_load %arg10[%swap3A_60, %swap3A_61] {strides = array<i32>} : memref<128x128xf32, #tpu.memory_space<vmem>>, vector<16xf32>,
      tpu.vector_store %arg10[%swap3A_60, %swap3A_61], %broadcast_in_dim3A_59 {strides = array<i32>} : memref<128x128xf32, #tpu.memory_space<vmem>>, vector<16xf32>,
    }
    %scan3A_4 = arith.constant 128 : i32
    %scan3A_5 = arith.constant 0 : i32
    %scan3A_6 = arith.constant 5 : i32
    %scan3A_7 = arith.addi %scan3A_5, %scan3A_6 : i32
    %scan3A_8 = arith.constant 1 : i32
    scf.for %scan3A_20 = %scan3A_5 to %scan3A_7 step %scan3A_8  : i32 {
      %mul3A_21 = arith.constant 1 : i32
      %mul3A_22 = arith.muli %scan3A_20, %mul3A_21 : i32
      %add3A_23 = arith.constant 0 : i32
      %add3A_24 = arith.addi %add3A_23, %mul3A_22 : i32
      %mul3A_25 = arith.constant 640 : i32
      %mul3A_26 = arith.muli %arg1, %mul3A_25 : i32
      %mul3A_27 = arith.constant 128 : i32
      %mul3A_28 = arith.muli %add3A_24, %mul3A_27 : i32
      %add3A_29 = arith.addi %mul3A_26, %mul3A_28 : i32
      "tpu.region"() ({
        %run_scoped3A_30 = tpu.sem_alloc : memref<!tpu.dma_semaphore, #tpu.memory_space<semaphore_mem>>
        %dma_start3A = arith.constant 0 : i32
        %dma_start3A_31 = tpu.memref_slice %arg12[%add3A_29, %dma_start3A] : memref<10240x128xf32, #tpu.memory_space<vmem_shared>> -> memref<128x128xf32, #tpu.memory_space<vmem_shared>>
        %dma_start3A_32 = arith.constant 0 : i32
        %dma_start3A_33 = tpu.memref_slice %arg12[%add3A_29, %dma_start3A_32] : memref<10240x128xf32, #tpu.memory_space<vmem_shared>> -> memref<128x128xf32, #tpu.memory_space<vmem_shared>>
        tpu.enqueue_dma source(%arg10 : memref<128x128xf32, #tpu.memory_space<vmem>>) target(%dma_start3A_33 : memref<128x128xf32, #tpu.memory_space<vmem_shared>>) target_semaphore(%run_scoped3A_30 : memref<!tpu.dma_semaphore, #tpu.memory_space<semaphore_mem>>)
        %dma_wait3A = arith.constant 0 : i32
        %dma_wait3A_34 = tpu.memref_slice %arg12[%add3A_29, %dma_wait3A] : memref<10240x128xf32, #tpu.memory_space<vmem_shared>> -> memref<128x128xf32, #tpu.memory_space<vmem_shared>>
        %dma_wait3A_35 = arith.constant 0 : i32
        %dma_wait3A_36 = tpu.memref_slice %arg12[%add3A_29, %dma_wait3A_35] : memref<10240x128xf32, #tpu.memory_space<vmem_shared>> -> memref<128x128xf32, #tpu.memory_space<vmem_shared>>
        tpu.wait_dma2 semaphore(%run_scoped3A_30 : memref<!tpu.dma_semaphore, #tpu.memory_space<semaphore_mem>>) src(%arg10 : memref<128x128xf32, #tpu.memory_space<vmem>>) dst(%dma_wait3A_36 : memref<128x128xf32, #tpu.memory_space<vmem_shared>>)
        tpu.yield
      }) : () -> ()
    }
    %scan3A_9 = arith.constant 5 : i32
    %barrier3A = arith.constant 0 : index
    tpu.barrier barrier_id(%barrier3A)
    %scan3A_10 = arith.constant 0 : i32
    %scan3A_11 = arith.constant 5 : i32
    %scan3A_12 = arith.addi %scan3A_10, %scan3A_11 : i32
    %scan3A_13 = arith.constant 1 : i32
    scf.for %scan3A_20 = %scan3A_10 to %scan3A_12 step %scan3A_13  : i32 {
      %mul3A_21 = arith.constant 1 : i32
      %mul3A_22 = arith.muli %scan3A_20, %mul3A_21 : i32
      %add3A_23 = arith.constant 0 : i32
      %add3A_24 = arith.addi %add3A_23, %mul3A_22 : i32
      %mul3A_25 = arith.constant 16 : i32
      %mul3A_26 = arith.muli %add3A_24, %mul3A_25 : i32
      "tpu.region"() ({
        %run_scoped3A_72 = tpu.sem_alloc : memref<!tpu.dma_semaphore, #tpu.memory_space<semaphore_mem>>
        %dma_start3A_73 = arith.constant 0 : i32
        %dma_start3A_74 = tpu.memref_slice %arg4[%add3A, %mul3A_26, %dma_start3A_73] : memref<32x80x128xi32, #tpu.memory_space<hbm>> -> memref<1x16x128xi32, #tpu.memory_space<hbm>>
        %dma_start3A_75 = tpu.memref_squeeze %dma_start3A_74 : memref<1x16x128xi32, #tpu.memory_space<hbm>> -> memref<16x128xi32, #tpu.memory_space<hbm>>
        %dma_start3A_76 = arith.constant 0 : i32
        %dma_start3A_77 = tpu.memref_slice %arg4[%add3A, %mul3A_26, %dma_start3A_76] : memref<32x80x128xi32, #tpu.memory_space<hbm>> -> memref<1x16x128xi32, #tpu.memory_space<hbm>>
        %dma_start3A_78 = tpu.memref_squeeze %dma_start3A_77 : memref<1x16x128xi32, #tpu.memory_space<hbm>> -> memref<16x128xi32, #tpu.memory_space<hbm>>
        tpu.enqueue_dma source(%dma_start3A_78 : memref<16x128xi32, #tpu.memory_space<hbm>>) target(%arg7 : memref<16x128xi32, #tpu.memory_space<vmem>>) target_semaphore(%run_scoped3A_72 : memref<!tpu.dma_semaphore, #tpu.memory_space<semaphore_mem>>)
        %dma_wait3A_79 = arith.constant 0 : i32
        %dma_wait3A_80 = tpu.memref_slice %arg4[%add3A, %mul3A_26, %dma_wait3A_79] : memref<32x80x128xi32, #tpu.memory_space<hbm>> -> memref<1x16x128xi32, #tpu.memory_space<hbm>>
        %dma_wait3A_81 = tpu.memref_squeeze %dma_wait3A_80 : memref<1x16x128xi32, #tpu.memory_space<hbm>> -> memref<16x128xi32, #tpu.memory_space<hbm>>
        %dma_wait3A_82 = arith.constant 0 : i32
        %dma_wait3A_83 = tpu.memref_slice %arg4[%add3A, %mul3A_26, %dma_wait3A_82] : memref<32x80x128xi32, #tpu.memory_space<hbm>> -> memref<1x16x128xi32, #tpu.memory_space<hbm>>
        %dma_wait3A_84 = tpu.memref_squeeze %dma_wait3A_83 : memref<1x16x128xi32, #tpu.memory_space<hbm>> -> memref<16x128xi32, #tpu.memory_space<hbm>>
        tpu.wait_dma2 semaphore(%run_scoped3A_72 : memref<!tpu.dma_semaphore, #tpu.memory_space<semaphore_mem>>) src(%dma_wait3A_84 : memref<16x128xi32, #tpu.memory_space<hbm>>) dst(%arg7 : memref<16x128xi32, #tpu.memory_space<vmem>>)
        tpu.yield
      }) : () -> ()
      %mul3A_27 = arith.constant 16 : i32
      %mul3A_28 = arith.muli %add3A_24, %mul3A_27 : i32
      "tpu.region"() ({
        %run_scoped3A_72 = tpu.sem_alloc : memref<!tpu.dma_semaphore, #tpu.memory_space<semaphore_mem>>
        %dma_start3A_73 = arith.constant 0 : i32
        %dma_start3A_74 = tpu.memref_slice %arg5[%add3A, %mul3A_28, %dma_start3A_73] : memref<32x80x128xi32, #tpu.memory_space<hbm>> -> memref<1x16x128xi32, #tpu.memory_space<hbm>>
        %dma_start3A_75 = tpu.memref_squeeze %dma_start3A_74 : memref<1x16x128xi32, #tpu.memory_space<hbm>> -> memref<16x128xi32, #tpu.memory_space<hbm>>
        %dma_start3A_76 = arith.constant 0 : i32
        %dma_start3A_77 = tpu.memref_slice %arg5[%add3A, %mul3A_28, %dma_start3A_76] : memref<32x80x128xi32, #tpu.memory_space<hbm>> -> memref<1x16x128xi32, #tpu.memory_space<hbm>>
        %dma_start3A_78 = tpu.memref_squeeze %dma_start3A_77 : memref<1x16x128xi32, #tpu.memory_space<hbm>> -> memref<16x128xi32, #tpu.memory_space<hbm>>
        tpu.enqueue_dma source(%dma_start3A_78 : memref<16x128xi32, #tpu.memory_space<hbm>>) target(%arg8 : memref<16x128xi32, #tpu.memory_space<vmem>>) target_semaphore(%run_scoped3A_72 : memref<!tpu.dma_semaphore, #tpu.memory_space<semaphore_mem>>)
        %dma_wait3A_79 = arith.constant 0 : i32
        %dma_wait3A_80 = tpu.memref_slice %arg5[%add3A, %mul3A_28, %dma_wait3A_79] : memref<32x80x128xi32, #tpu.memory_space<hbm>> -> memref<1x16x128xi32, #tpu.memory_space<hbm>>
        %dma_wait3A_81 = tpu.memref_squeeze %dma_wait3A_80 : memref<1x16x128xi32, #tpu.memory_space<hbm>> -> memref<16x128xi32, #tpu.memory_space<hbm>>
        %dma_wait3A_82 = arith.constant 0 : i32
        %dma_wait3A_83 = tpu.memref_slice %arg5[%add3A, %mul3A_28, %dma_wait3A_82] : memref<32x80x128xi32, #tpu.memory_space<hbm>> -> memref<1x16x128xi32, #tpu.memory_space<hbm>>
        %dma_wait3A_84 = tpu.memref_squeeze %dma_wait3A_83 : memref<1x16x128xi32, #tpu.memory_space<hbm>> -> memref<16x128xi32, #tpu.memory_space<hbm>>
        tpu.wait_dma2 semaphore(%run_scoped3A_72 : memref<!tpu.dma_semaphore, #tpu.memory_space<semaphore_mem>>) src(%dma_wait3A_84 : memref<16x128xi32, #tpu.memory_space<hbm>>) dst(%arg8 : memref<16x128xi32, #tpu.memory_space<vmem>>)
        tpu.yield
      }) : () -> ()
      %dma_start3A = arith.constant 0 : i32
      %dma_start3A_29 = arith.constant 0 : i32
      %dma_start3A_30 = tpu.memref_slice %arg7[%dma_start3A, %dma_start3A_29] : memref<16x128xi32, #tpu.memory_space<vmem>> -> memref<1x128xi32, #tpu.memory_space<vmem>>
      %dma_start3A_31 = tpu.memref_squeeze %dma_start3A_30 : memref<1x128xi32, #tpu.memory_space<vmem>> -> memref<128xi32, #tpu.memory_space<vmem>>
      %dma_start3A_32 = arith.constant 0 : i32
      %dma_start3A_33 = arith.constant 0 : i32
      %dma_start3A_34 = tpu.memref_slice %arg2[%dma_start3A_32, %dma_start3A_33] : memref<10240x128xf32, #tpu.memory_space<hbm>> -> memref<10240x128xf32, #tpu.memory_space<hbm>>
      tpu.enqueue_indirect_dma source(%dma_start3A_34 : memref<10240x128xf32, #tpu.memory_space<hbm>>) target(%arg10 : memref<128x128xf32, #tpu.memory_space<vmem>>) offsets(%dma_start3A_31 : memref<128xi32, #tpu.memory_space<vmem>>) semaphore(%arg13 : memref<!tpu.dma_semaphore, #tpu.memory_space<semaphore_mem>>)
      %dma_start3A_35 = arith.constant 1 : i32
      %dma_start3A_36 = arith.constant 0 : i32
      %dma_start3A_37 = tpu.memref_slice %arg7[%dma_start3A_35, %dma_start3A_36] : memref<16x128xi32, #tpu.memory_space<vmem>> -> memref<1x128xi32, #tpu.memory_space<vmem>>
      %dma_start3A_38 = tpu.memref_squeeze %dma_start3A_37 : memref<1x128xi32, #tpu.memory_space<vmem>> -> memref<128xi32, #tpu.memory_space<vmem>>
      %dma_start3A_39 = arith.constant 0 : i32
      %dma_start3A_40 = arith.constant 0 : i32
      %dma_start3A_41 = tpu.memref_slice %arg2[%dma_start3A_39, %dma_start3A_40] : memref<10240x128xf32, #tpu.memory_space<hbm>> -> memref<10240x128xf32, #tpu.memory_space<hbm>>
      tpu.enqueue_indirect_dma source(%dma_start3A_41 : memref<10240x128xf32, #tpu.memory_space<hbm>>) target(%arg11 : memref<128x128xf32, #tpu.memory_space<vmem>>) offsets(%dma_start3A_38 : memref<128xi32, #tpu.memory_space<vmem>>) semaphore(%arg14 : memref<!tpu.dma_semaphore, #tpu.memory_space<semaphore_mem>>)
      %scan3A_42 = arith.constant 0 : i32
      %scan3A_43 = arith.constant 7 : i32
      %scan3A_44 = arith.addi %scan3A_42, %scan3A_43 : i32
      %scan3A_45 = arith.constant 1 : i32
      scf.for %scan3A_72 = %scan3A_42 to %scan3A_44 step %scan3A_45  : i32 {
        %mul3A_73 = arith.constant 1 : i32
        %mul3A_74 = arith.muli %scan3A_72, %mul3A_73 : i32
        %add3A_75 = arith.constant 0 : i32
        %add3A_76 = arith.addi %add3A_75, %mul3A_74 : i32
        %mul3A_77 = arith.constant 2 : i32
        %mul3A_78 = arith.muli %add3A_76, %mul3A_77 : i32
        %dma_wait3A_79 = arith.constant 0 : i32
        %dma_wait3A_80 = tpu.memref_slice %arg7[%mul3A_78, %dma_wait3A_79] : memref<16x128xi32, #tpu.memory_space<vmem>> -> memref<1x128xi32, #tpu.memory_space<vmem>>
        %dma_wait3A_81 = tpu.memref_squeeze %dma_wait3A_80 : memref<1x128xi32, #tpu.memory_space<vmem>> -> memref<128xi32, #tpu.memory_space<vmem>>
        %dma_wait3A_82 = arith.constant 0 : i32
        %dma_wait3A_83 = arith.constant 0 : i32
        %dma_wait3A_84 = tpu.memref_slice %arg2[%dma_wait3A_82, %dma_wait3A_83] : memref<10240x128xf32, #tpu.memory_space<hbm>> -> memref<10240x128xf32, #tpu.memory_space<hbm>>
        tpu.wait_indirect_dma semaphore(%arg13 : memref<!tpu.dma_semaphore, #tpu.memory_space<semaphore_mem>>) src(%dma_wait3A_84 : memref<10240x128xf32, #tpu.memory_space<hbm>>) dst(%arg10 : memref<128x128xf32, #tpu.memory_space<vmem>>)
        %scan3A_85 = arith.constant 0 : i32
        %scan3A_86 = arith.constant 8 : i32
        %scan3A_87 = arith.addi %scan3A_85, %scan3A_86 : i32
        %scan3A_88 = arith.constant 1 : i32
        scf.for %scan3A_121 = %scan3A_85 to %scan3A_87 step %scan3A_88  : i32 {
          %mul3A_122 = arith.constant 1 : i32
          %mul3A_123 = arith.muli %scan3A_121, %mul3A_122 : i32
          %add3A_124 = arith.constant 0 : i32
          %add3A_125 = arith.addi %add3A_124, %mul3A_123 : i32
          %mul3A_126 = arith.constant 16 : i32
          %mul3A_127 = arith.muli %add3A_125, %mul3A_126 : i32
          %get3A = arith.index_cast %mul3A_78 : i32 to index
          %get3A_128 = arith.index_cast %mul3A_127 : i32 to index
          %get3A_129 = tpu.vector_load %arg8[%get3A, %get3A_128] {strides = array<i32>} : memref<16x128xi32, #tpu.memory_space<vmem>>, vector<16xi32>,
          %iota3A = tpu.iota {dimensions = array<i32: 0>} : vector<16xi32>
          %mul3A_130 = arith.constant 16 : i32
          %mul3A_131 = arith.muli %add3A_125, %mul3A_130 : i32
          %add3A_132 = vector.broadcast %mul3A_131 : i32 to vector<16xi32>
          %add3A_133 = arith.addi %iota3A, %add3A_132 : vector<16xi32>
          %broadcast_in_dim3A = arith.constant 65 : i32
          %broadcast_in_dim3A_134 = vector.broadcast %broadcast_in_dim3A : i32 to vector<16xi32>
          %gather3A = tpu.vector_load_idx %arg10[%add3A_133, %broadcast_in_dim3A_134] : memref<128x128xf32, #tpu.memory_space<vmem>>[vector<16xi32>, vector<16xi32>], vector<16xf32>,
          %gather3A_135 = tpu.vector_load_idx %arg9[%get3A_129] : memref<10240xf32, #tpu.memory_space<vmem>>[vector<16xi32>], vector<16xf32>,
          %add3A_136 = arith.addf %gather3A, %gather3A_135 : vector<16xf32>
          %ge3A = arith.constant 0.000000e+00 : f32
          %ge3A_137 = vector.broadcast %ge3A : f32 to vector<16xf32>
          %ge3A_138 = arith.cmpf oge, %add3A_136, %ge3A_137 : vector<16xf32>
          %mul3A_139 = arith.constant 2.000000e-01 : f32
          %mul3A_140 = vector.broadcast %mul3A_139 : f32 to vector<16xf32>
          %mul3A_141 = arith.mulf %mul3A_140, %add3A_136 : vector<16xf32>
          %select_n3A = arith.select %ge3A_138, %add3A_136, %mul3A_141 : vector<16xi1>, vector<16xf32>
          %exp3A = math.exp %select_n3A : vector<16xf32>
          %slice3A = vector.extract_strided_slice %exp3A {offsets = [0], sizes = [1], strides = [1]} : vector<16xf32> to vector<1xf32>
          %squeeze3A = vector.extract %slice3A[0] : f32 from vector<1xf32>
          %mul3A_142 = arith.constant 16 : i32
          %mul3A_143 = arith.muli %add3A_125, %mul3A_142 : i32
          %add3A_144 = arith.constant 0 : i32
          %add3A_145 = arith.addi %mul3A_143, %add3A_144 : i32
          %get3A_146 = arith.index_cast %add3A_145 : i32 to index
          %get3A_147 = arith.constant 0 : index
          %get3A_148 = tpu.vector_load %arg10[%get3A_146, %get3A_147] {strides = array<i32>} : memref<128x128xf32, #tpu.memory_space<vmem>>, vector<16xf32>,
          %mul3A_149 = vector.broadcast %squeeze3A : f32 to vector<16xf32>
          %mul3A_150 = arith.mulf %get3A_148, %mul3A_149 : vector<16xf32>
          %swap3A = arith.index_cast %add3A_145 : i32 to index
          %swap3A_151 = arith.constant 0 : index
          %swap3A_152 = tpu.vector_load %arg10[%swap3A, %swap3A_151] {strides = array<i32>} : memref<128x128xf32, #tpu.memory_space<vmem>>, vector<16xf32>,
          tpu.vector_store %arg10[%swap3A, %swap3A_151], %mul3A_150 {strides = array<i32>} : memref<128x128xf32, #tpu.memory_space<vmem>>, vector<16xf32>,
          %get3A_153 = arith.index_cast %add3A_145 : i32 to index
          %get3A_154 = arith.constant 16 : index
          %get3A_155 = tpu.vector_load %arg10[%get3A_153, %get3A_154] {strides = array<i32>} : memref<128x128xf32, #tpu.memory_space<vmem>>, vector<16xf32>,
          %mul3A_156 = vector.broadcast %squeeze3A : f32 to vector<16xf32>
          %mul3A_157 = arith.mulf %get3A_155, %mul3A_156 : vector<16xf32>
          %swap3A_158 = arith.index_cast %add3A_145 : i32 to index
          %swap3A_159 = arith.constant 16 : index
          %swap3A_160 = tpu.vector_load %arg10[%swap3A_158, %swap3A_159] {strides = array<i32>} : memref<128x128xf32, #tpu.memory_space<vmem>>, vector<16xf32>,
          tpu.vector_store %arg10[%swap3A_158, %swap3A_159], %mul3A_157 {strides = array<i32>} : memref<128x128xf32, #tpu.memory_space<vmem>>, vector<16xf32>,
          %get3A_161 = arith.index_cast %add3A_145 : i32 to index
          %get3A_162 = arith.constant 32 : index
          %get3A_163 = tpu.vector_load %arg10[%get3A_161, %get3A_162] {strides = array<i32>} : memref<128x128xf32, #tpu.memory_space<vmem>>, vector<16xf32>,
          %mul3A_164 = vector.broadcast %squeeze3A : f32 to vector<16xf32>
          %mul3A_165 = arith.mulf %get3A_163, %mul3A_164 : vector<16xf32>
          %swap3A_166 = arith.index_cast %add3A_145 : i32 to index
          %swap3A_167 = arith.constant 32 : index
          %swap3A_168 = tpu.vector_load %arg10[%swap3A_166, %swap3A_167] {strides = array<i32>} : memref<128x128xf32, #tpu.memory_space<vmem>>, vector<16xf32>,
          tpu.vector_store %arg10[%swap3A_166, %swap3A_167], %mul3A_165 {strides = array<i32>} : memref<128x128xf32, #tpu.memory_space<vmem>>, vector<16xf32>,
          %get3A_169 = arith.index_cast %add3A_145 : i32 to index
          %get3A_170 = arith.constant 48 : index
          %get3A_171 = tpu.vector_load %arg10[%get3A_169, %get3A_170] {strides = array<i32>} : memref<128x128xf32, #tpu.memory_space<vmem>>, vector<16xf32>,
          %mul3A_172 = vector.broadcast %squeeze3A : f32 to vector<16xf32>
          %mul3A_173 = arith.mulf %get3A_171, %mul3A_172 : vector<16xf32>
          %swap3A_174 = arith.index_cast %add3A_145 : i32 to index
          %swap3A_175 = arith.constant 48 : index
          %swap3A_176 = tpu.vector_load %arg10[%swap3A_174, %swap3A_175] {strides = array<i32>} : memref<128x128xf32, #tpu.memory_space<vmem>>, vector<16xf32>,
          tpu.vector_store %arg10[%swap3A_174, %swap3A_175], %mul3A_173 {strides = array<i32>} : memref<128x128xf32, #tpu.memory_space<vmem>>, vector<16xf32>,
          %broadcast_in_dim3A_177 = vector.broadcast %squeeze3A : f32 to vector<16xf32>
          %swap3A_178 = arith.index_cast %add3A_145 : i32 to index
          %swap3A_179 = arith.constant 64 : index
          %swap3A_180 = tpu.vector_load %arg10[%swap3A_178, %swap3A_179] {strides = array<i32>} : memref<128x128xf32, #tpu.memory_space<vmem>>, vector<16xf32>,
          tpu.vector_store %arg10[%swap3A_178, %swap3A_179], %broadcast_in_dim3A_177 {strides = array<i32>} : memref<128x128xf32, #tpu.memory_space<vmem>>, vector<16xf32>,
          %slice3A_181 = vector.extract_strided_slice %exp3A {offsets = [1], sizes = [1], strides = [1]} : vector<16xf32> to vector<1xf32>
          %squeeze3A_182 = vector.extract %slice3A_181[0] : f32 from vector<1xf32>
          %mul3A_183 = arith.constant 16 : i32
          %mul3A_184 = arith.muli %add3A_125, %mul3A_183 : i32
          %add3A_185 = arith.constant 1 : i32
          %add3A_186 = arith.addi %mul3A_184, %add3A_185 : i32
          %get3A_187 = arith.index_cast %add3A_186 : i32 to index
          %get3A_188 = arith.constant 0 : index
          %get3A_189 = tpu.vector_load %arg10[%get3A_187, %get3A_188] {strides = array<i32>} : memref<128x128xf32, #tpu.memory_space<vmem>>, vector<16xf32>,
          %mul3A_190 = vector.broadcast %squeeze3A_182 : f32 to vector<16xf32>
          %mul3A_191 = arith.mulf %get3A_189, %mul3A_190 : vector<16xf32>
          %swap3A_192 = arith.index_cast %add3A_186 : i32 to index
          %swap3A_193 = arith.constant 0 : index
          %swap3A_194 = tpu.vector_load %arg10[%swap3A_192, %swap3A_193] {strides = array<i32>} : memref<128x128xf32, #tpu.memory_space<vmem>>, vector<16xf32>,
          tpu.vector_store %arg10[%swap3A_192, %swap3A_193], %mul3A_191 {strides = array<i32>} : memref<128x128xf32, #tpu.memory_space<vmem>>, vector<16xf32>,
          %get3A_195 = arith.index_cast %add3A_186 : i32 to index
          %get3A_196 = arith.constant 16 : index
          %get3A_197 = tpu.vector_load %arg10[%get3A_195, %get3A_196] {strides = array<i32>} : memref<128x128xf32, #tpu.memory_space<vmem>>, vector<16xf32>,
          %mul3A_198 = vector.broadcast %squeeze3A_182 : f32 to vector<16xf32>
          %mul3A_199 = arith.mulf %get3A_197, %mul3A_198 : vector<16xf32>
          %swap3A_200 = arith.index_cast %add3A_186 : i32 to index
          %swap3A_201 = arith.constant 16 : index
          %swap3A_202 = tpu.vector_load %arg10[%swap3A_200, %swap3A_201] {strides = array<i32>} : memref<128x128xf32, #tpu.memory_space<vmem>>, vector<16xf32>,
          tpu.vector_store %arg10[%swap3A_200, %swap3A_201], %mul3A_199 {strides = array<i32>} : memref<128x128xf32, #tpu.memory_space<vmem>>, vector<16xf32>,
          %get3A_203 = arith.index_cast %add3A_186 : i32 to index
          %get3A_204 = arith.constant 32 : index
          %get3A_205 = tpu.vector_load %arg10[%get3A_203, %get3A_204] {strides = array<i32>} : memref<128x128xf32, #tpu.memory_space<vmem>>, vector<16xf32>,
          %mul3A_206 = vector.broadcast %squeeze3A_182 : f32 to vector<16xf32>
          %mul3A_207 = arith.mulf %get3A_205, %mul3A_206 : vector<16xf32>
          %swap3A_208 = arith.index_cast %add3A_186 : i32 to index
          %swap3A_209 = arith.constant 32 : index
          %swap3A_210 = tpu.vector_load %arg10[%swap3A_208, %swap3A_209] {strides = array<i32>} : memref<128x128xf32, #tpu.memory_space<vmem>>, vector<16xf32>,
          tpu.vector_store %arg10[%swap3A_208, %swap3A_209], %mul3A_207 {strides = array<i32>} : memref<128x128xf32, #tpu.memory_space<vmem>>, vector<16xf32>,
          %get3A_211 = arith.index_cast %add3A_186 : i32 to index
          %get3A_212 = arith.constant 48 : index
          %get3A_213 = tpu.vector_load %arg10[%get3A_211, %get3A_212] {strides = array<i32>} : memref<128x128xf32, #tpu.memory_space<vmem>>, vector<16xf32>,
          %mul3A_214 = vector.broadcast %squeeze3A_182 : f32 to vector<16xf32>
          %mul3A_215 = arith.mulf %get3A_213, %mul3A_214 : vector<16xf32>
          %swap3A_216 = arith.index_cast %add3A_186 : i32 to index
          %swap3A_217 = arith.constant 48 : index
          %swap3A_218 = tpu.vector_load %arg10[%swap3A_216, %swap3A_217] {strides = array<i32>} : memref<128x128xf32, #tpu.memory_space<vmem>>, vector<16xf32>,
          tpu.vector_store %arg10[%swap3A_216, %swap3A_217], %mul3A_215 {strides = array<i32>} : memref<128x128xf32, #tpu.memory_space<vmem>>, vector<16xf32>,
          %broadcast_in_dim3A_219 = vector.broadcast %squeeze3A_182 : f32 to vector<16xf32>
          %swap3A_220 = arith.index_cast %add3A_186 : i32 to index
          %swap3A_221 = arith.constant 64 : index
          %swap3A_222 = tpu.vector_load %arg10[%swap3A_220, %swap3A_221] {strides = array<i32>} : memref<128x128xf32, #tpu.memory_space<vmem>>, vector<16xf32>,
          tpu.vector_store %arg10[%swap3A_220, %swap3A_221], %broadcast_in_dim3A_219 {strides = array<i32>} : memref<128x128xf32, #tpu.memory_space<vmem>>, vector<16xf32>,
          %slice3A_223 = vector.extract_strided_slice %exp3A {offsets = [2], sizes = [1], strides = [1]} : vector<16xf32> to vector<1xf32>
          %squeeze3A_224 = vector.extract %slice3A_223[0] : f32 from vector<1xf32>
          %mul3A_225 = arith.constant 16 : i32
          %mul3A_226 = arith.muli %add3A_125, %mul3A_225 : i32
          %add3A_227 = arith.constant 2 : i32
          %add3A_228 = arith.addi %mul3A_226, %add3A_227 : i32
          %get3A_229 = arith.index_cast %add3A_228 : i32 to index
          %get3A_230 = arith.constant 0 : index
          %get3A_231 = tpu.vector_load %arg10[%get3A_229, %get3A_230] {strides = array<i32>} : memref<128x128xf32, #tpu.memory_space<vmem>>, vector<16xf32>,
          %mul3A_232 = vector.broadcast %squeeze3A_224 : f32 to vector<16xf32>
          %mul3A_233 = arith.mulf %get3A_231, %mul3A_232 : vector<16xf32>
          %swap3A_234 = arith.index_cast %add3A_228 : i32 to index
          %swap3A_235 = arith.constant 0 : index
          %swap3A_236 = tpu.vector_load %arg10[%swap3A_234, %swap3A_235] {strides = array<i32>} : memref<128x128xf32, #tpu.memory_space<vmem>>, vector<16xf32>,
          tpu.vector_store %arg10[%swap3A_234, %swap3A_235], %mul3A_233 {strides = array<i32>} : memref<128x128xf32, #tpu.memory_space<vmem>>, vector<16xf32>,
          %get3A_237 = arith.index_cast %add3A_228 : i32 to index
          %get3A_238 = arith.constant 16 : index
          %get3A_239 = tpu.vector_load %arg10[%get3A_237, %get3A_238] {strides = array<i32>} : memref<128x128xf32, #tpu.memory_space<vmem>>, vector<16xf32>,
          %mul3A_240 = vector.broadcast %squeeze3A_224 : f32 to vector<16xf32>
          %mul3A_241 = arith.mulf %get3A_239, %mul3A_240 : vector<16xf32>
          %swap3A_242 = arith.index_cast %add3A_228 : i32 to index
          %swap3A_243 = arith.constant 16 : index
          %swap3A_244 = tpu.vector_load %arg10[%swap3A_242, %swap3A_243] {strides = array<i32>} : memref<128x128xf32, #tpu.memory_space<vmem>>, vector<16xf32>,
          tpu.vector_store %arg10[%swap3A_242, %swap3A_243], %mul3A_241 {strides = array<i32>} : memref<128x128xf32, #tpu.memory_space<vmem>>, vector<16xf32>,
          %get3A_245 = arith.index_cast %add3A_228 : i32 to index
          %get3A_246 = arith.constant 32 : index
          %get3A_247 = tpu.vector_load %arg10[%get3A_245, %get3A_246] {strides = array<i32>} : memref<128x128xf32, #tpu.memory_space<vmem>>, vector<16xf32>,
          %mul3A_248 = vector.broadcast %squeeze3A_224 : f32 to vector<16xf32>
          %mul3A_249 = arith.mulf %get3A_247, %mul3A_248 : vector<16xf32>
          %swap3A_250 = arith.index_cast %add3A_228 : i32 to index
          %swap3A_251 = arith.constant 32 : index
          %swap3A_252 = tpu.vector_load %arg10[%swap3A_250, %swap3A_251] {strides = array<i32>} : memref<128x128xf32, #tpu.memory_space<vmem>>, vector<16xf32>,
          tpu.vector_store %arg10[%swap3A_250, %swap3A_251], %mul3A_249 {strides = array<i32>} : memref<128x128xf32, #tpu.memory_space<vmem>>, vector<16xf32>,
          %get3A_253 = arith.index_cast %add3A_228 : i32 to index
          %get3A_254 = arith.constant 48 : index
          %get3A_255 = tpu.vector_load %arg10[%get3A_253, %get3A_254] {strides = array<i32>} : memref<128x128xf32, #tpu.memory_space<vmem>>, vector<16xf32>,
          %mul3A_256 = vector.broadcast %squeeze3A_224 : f32 to vector<16xf32>
          %mul3A_257 = arith.mulf %get3A_255, %mul3A_256 : vector<16xf32>
          %swap3A_258 = arith.index_cast %add3A_228 : i32 to index
          %swap3A_259 = arith.constant 48 : index
          %swap3A_260 = tpu.vector_load %arg10[%swap3A_258, %swap3A_259] {strides = array<i32>} : memref<128x128xf32, #tpu.memory_space<vmem>>, vector<16xf32>,
          tpu.vector_store %arg10[%swap3A_258, %swap3A_259], %mul3A_257 {strides = array<i32>} : memref<128x128xf32, #tpu.memory_space<vmem>>, vector<16xf32>,
          %broadcast_in_dim3A_261 = vector.broadcast %squeeze3A_224 : f32 to vector<16xf32>
          %swap3A_262 = arith.index_cast %add3A_228 : i32 to index
          %swap3A_263 = arith.constant 64 : index
          %swap3A_264 = tpu.vector_load %arg10[%swap3A_262, %swap3A_263] {strides = array<i32>} : memref<128x128xf32, #tpu.memory_space<vmem>>, vector<16xf32>,
          tpu.vector_store %arg10[%swap3A_262, %swap3A_263], %broadcast_in_dim3A_261 {strides = array<i32>} : memref<128x128xf32, #tpu.memory_space<vmem>>, vector<16xf32>,
          %slice3A_265 = vector.extract_strided_slice %exp3A {offsets = [3], sizes = [1], strides = [1]} : vector<16xf32> to vector<1xf32>
          %squeeze3A_266 = vector.extract %slice3A_265[0] : f32 from vector<1xf32>
          %mul3A_267 = arith.constant 16 : i32
          %mul3A_268 = arith.muli %add3A_125, %mul3A_267 : i32
          %add3A_269 = arith.constant 3 : i32
          %add3A_270 = arith.addi %mul3A_268, %add3A_269 : i32
          %get3A_271 = arith.index_cast %add3A_270 : i32 to index
          %get3A_272 = arith.constant 0 : index
          %get3A_273 = tpu.vector_load %arg10[%get3A_271, %get3A_272] {strides = array<i32>} : memref<128x128xf32, #tpu.memory_space<vmem>>, vector<16xf32>,
          %mul3A_274 = vector.broadcast %squeeze3A_266 : f32 to vector<16xf32>
          %mul3A_275 = arith.mulf %get3A_273, %mul3A_274 : vector<16xf32>
          %swap3A_276 = arith.index_cast %add3A_270 : i32 to index
          %swap3A_277 = arith.constant 0 : index
          %swap3A_278 = tpu.vector_load %arg10[%swap3A_276, %swap3A_277] {strides = array<i32>} : memref<128x128xf32, #tpu.memory_space<vmem>>, vector<16xf32>,
          tpu.vector_store %arg10[%swap3A_276, %swap3A_277], %mul3A_275 {strides = array<i32>} : memref<128x128xf32, #tpu.memory_space<vmem>>, vector<16xf32>,
          %get3A_279 = arith.index_cast %add3A_270 : i32 to index
          %get3A_280 = arith.constant 16 : index
          %get3A_281 = tpu.vector_load %arg10[%get3A_279, %get3A_280] {strides = array<i32>} : memref<128x128xf32, #tpu.memory_space<vmem>>, vector<16xf32>,
          %mul3A_282 = vector.broadcast %squeeze3A_266 : f32 to vector<16xf32>
          %mul3A_283 = arith.mulf %get3A_281, %mul3A_282 : vector<16xf32>
          %swap3A_284 = arith.index_cast %add3A_270 : i32 to index
          %swap3A_285 = arith.constant 16 : index
          %swap3A_286 = tpu.vector_load %arg10[%swap3A_284, %swap3A_285] {strides = array<i32>} : memref<128x128xf32, #tpu.memory_space<vmem>>, vector<16xf32>,
          tpu.vector_store %arg10[%swap3A_284, %swap3A_285], %mul3A_283 {strides = array<i32>} : memref<128x128xf32, #tpu.memory_space<vmem>>, vector<16xf32>,
          %get3A_287 = arith.index_cast %add3A_270 : i32 to index
          %get3A_288 = arith.constant 32 : index
          %get3A_289 = tpu.vector_load %arg10[%get3A_287, %get3A_288] {strides = array<i32>} : memref<128x128xf32, #tpu.memory_space<vmem>>, vector<16xf32>,
          %mul3A_290 = vector.broadcast %squeeze3A_266 : f32 to vector<16xf32>
          %mul3A_291 = arith.mulf %get3A_289, %mul3A_290 : vector<16xf32>
          %swap3A_292 = arith.index_cast %add3A_270 : i32 to index
          %swap3A_293 = arith.constant 32 : index
          %swap3A_294 = tpu.vector_load %arg10[%swap3A_292, %swap3A_293] {strides = array<i32>} : memref<128x128xf32, #tpu.memory_space<vmem>>, vector<16xf32>,
          tpu.vector_store %arg10[%swap3A_292, %swap3A_293], %mul3A_291 {strides = array<i32>} : memref<128x128xf32, #tpu.memory_space<vmem>>, vector<16xf32>,
          %get3A_295 = arith.index_cast %add3A_270 : i32 to index
          %get3A_296 = arith.constant 48 : index
          %get3A_297 = tpu.vector_load %arg10[%get3A_295, %get3A_296] {strides = array<i32>} : memref<128x128xf32, #tpu.memory_space<vmem>>, vector<16xf32>,
          %mul3A_298 = vector.broadcast %squeeze3A_266 : f32 to vector<16xf32>
          %mul3A_299 = arith.mulf %get3A_297, %mul3A_298 : vector<16xf32>
          %swap3A_300 = arith.index_cast %add3A_270 : i32 to index
          %swap3A_301 = arith.constant 48 : index
          %swap3A_302 = tpu.vector_load %arg10[%swap3A_300, %swap3A_301] {strides = array<i32>} : memref<128x128xf32, #tpu.memory_space<vmem>>, vector<16xf32>,
          tpu.vector_store %arg10[%swap3A_300, %swap3A_301], %mul3A_299 {strides = array<i32>} : memref<128x128xf32, #tpu.memory_space<vmem>>, vector<16xf32>,
          %broadcast_in_dim3A_303 = vector.broadcast %squeeze3A_266 : f32 to vector<16xf32>
          %swap3A_304 = arith.index_cast %add3A_270 : i32 to index
          %swap3A_305 = arith.constant 64 : index
          %swap3A_306 = tpu.vector_load %arg10[%swap3A_304, %swap3A_305] {strides = array<i32>} : memref<128x128xf32, #tpu.memory_space<vmem>>, vector<16xf32>,
          tpu.vector_store %arg10[%swap3A_304, %swap3A_305], %broadcast_in_dim3A_303 {strides = array<i32>} : memref<128x128xf32, #tpu.memory_space<vmem>>, vector<16xf32>,
          %slice3A_307 = vector.extract_strided_slice %exp3A {offsets = [4], sizes = [1], strides = [1]} : vector<16xf32> to vector<1xf32>
          %squeeze3A_308 = vector.extract %slice3A_307[0] : f32 from vector<1xf32>
          %mul3A_309 = arith.constant 16 : i32
          %mul3A_310 = arith.muli %add3A_125, %mul3A_309 : i32
          %add3A_311 = arith.constant 4 : i32
          %add3A_312 = arith.addi %mul3A_310, %add3A_311 : i32
          %get3A_313 = arith.index_cast %add3A_312 : i32 to index
          %get3A_314 = arith.constant 0 : index
          %get3A_315 = tpu.vector_load %arg10[%get3A_313, %get3A_314] {strides = array<i32>} : memref<128x128xf32, #tpu.memory_space<vmem>>, vector<16xf32>,
          %mul3A_316 = vector.broadcast %squeeze3A_308 : f32 to vector<16xf32>
          %mul3A_317 = arith.mulf %get3A_315, %mul3A_316 : vector<16xf32>
          %swap3A_318 = arith.index_cast %add3A_312 : i32 to index
          %swap3A_319 = arith.constant 0 : index
          %swap3A_320 = tpu.vector_load %arg10[%swap3A_318, %swap3A_319] {strides = array<i32>} : memref<128x128xf32, #tpu.memory_space<vmem>>, vector<16xf32>,
          tpu.vector_store %arg10[%swap3A_318, %swap3A_319], %mul3A_317 {strides = array<i32>} : memref<128x128xf32, #tpu.memory_space<vmem>>, vector<16xf32>,
          %get3A_321 = arith.index_cast %add3A_312 : i32 to index
          %get3A_322 = arith.constant 16 : index
          %get3A_323 = tpu.vector_load %arg10[%get3A_321, %get3A_322] {strides = array<i32>} : memref<128x128xf32, #tpu.memory_space<vmem>>, vector<16xf32>,
          %mul3A_324 = vector.broadcast %squeeze3A_308 : f32 to vector<16xf32>
          %mul3A_325 = arith.mulf %get3A_323, %mul3A_324 : vector<16xf32>
          %swap3A_326 = arith.index_cast %add3A_312 : i32 to index
          %swap3A_327 = arith.constant 16 : index
          %swap3A_328 = tpu.vector_load %arg10[%swap3A_326, %swap3A_327] {strides = array<i32>} : memref<128x128xf32, #tpu.memory_space<vmem>>, vector<16xf32>,
          tpu.vector_store %arg10[%swap3A_326, %swap3A_327], %mul3A_325 {strides = array<i32>} : memref<128x128xf32, #tpu.memory_space<vmem>>, vector<16xf32>,
          %get3A_329 = arith.index_cast %add3A_312 : i32 to index
          %get3A_330 = arith.constant 32 : index
          %get3A_331 = tpu.vector_load %arg10[%get3A_329, %get3A_330] {strides = array<i32>} : memref<128x128xf32, #tpu.memory_space<vmem>>, vector<16xf32>,
          %mul3A_332 = vector.broadcast %squeeze3A_308 : f32 to vector<16xf32>
          %mul3A_333 = arith.mulf %get3A_331, %mul3A_332 : vector<16xf32>
          %swap3A_334 = arith.index_cast %add3A_312 : i32 to index
          %swap3A_335 = arith.constant 32 : index
          %swap3A_336 = tpu.vector_load %arg10[%swap3A_334, %swap3A_335] {strides = array<i32>} : memref<128x128xf32, #tpu.memory_space<vmem>>, vector<16xf32>,
          tpu.vector_store %arg10[%swap3A_334, %swap3A_335], %mul3A_333 {strides = array<i32>} : memref<128x128xf32, #tpu.memory_space<vmem>>, vector<16xf32>,
          %get3A_337 = arith.index_cast %add3A_312 : i32 to index
          %get3A_338 = arith.constant 48 : index
          %get3A_339 = tpu.vector_load %arg10[%get3A_337, %get3A_338] {strides = array<i32>} : memref<128x128xf32, #tpu.memory_space<vmem>>, vector<16xf32>,
          %mul3A_340 = vector.broadcast %squeeze3A_308 : f32 to vector<16xf32>
          %mul3A_341 = arith.mulf %get3A_339, %mul3A_340 : vector<16xf32>
          %swap3A_342 = arith.index_cast %add3A_312 : i32 to index
          %swap3A_343 = arith.constant 48 : index
          %swap3A_344 = tpu.vector_load %arg10[%swap3A_342, %swap3A_343] {strides = array<i32>} : memref<128x128xf32, #tpu.memory_space<vmem>>, vector<16xf32>,
          tpu.vector_store %arg10[%swap3A_342, %swap3A_343], %mul3A_341 {strides = array<i32>} : memref<128x128xf32, #tpu.memory_space<vmem>>, vector<16xf32>,
          %broadcast_in_dim3A_345 = vector.broadcast %squeeze3A_308 : f32 to vector<16xf32>
          %swap3A_346 = arith.index_cast %add3A_312 : i32 to index
          %swap3A_347 = arith.constant 64 : index
          %swap3A_348 = tpu.vector_load %arg10[%swap3A_346, %swap3A_347] {strides = array<i32>} : memref<128x128xf32, #tpu.memory_space<vmem>>, vector<16xf32>,
          tpu.vector_store %arg10[%swap3A_346, %swap3A_347], %broadcast_in_dim3A_345 {strides = array<i32>} : memref<128x128xf32, #tpu.memory_space<vmem>>, vector<16xf32>,
          %slice3A_349 = vector.extract_strided_slice %exp3A {offsets = [5], sizes = [1], strides = [1]} : vector<16xf32> to vector<1xf32>
          %squeeze3A_350 = vector.extract %slice3A_349[0] : f32 from vector<1xf32>
          %mul3A_351 = arith.constant 16 : i32
          %mul3A_352 = arith.muli %add3A_125, %mul3A_351 : i32
          %add3A_353 = arith.constant 5 : i32
          %add3A_354 = arith.addi %mul3A_352, %add3A_353 : i32
          %get3A_355 = arith.index_cast %add3A_354 : i32 to index
          %get3A_356 = arith.constant 0 : index
          %get3A_357 = tpu.vector_load %arg10[%get3A_355, %get3A_356] {strides = array<i32>} : memref<128x128xf32, #tpu.memory_space<vmem>>, vector<16xf32>,
          %mul3A_358 = vector.broadcast %squeeze3A_350 : f32 to vector<16xf32>
          %mul3A_359 = arith.mulf %get3A_357, %mul3A_358 : vector<16xf32>
          %swap3A_360 = arith.index_cast %add3A_354 : i32 to index
          %swap3A_361 = arith.constant 0 : index
          %swap3A_362 = tpu.vector_load %arg10[%swap3A_360, %swap3A_361] {strides = array<i32>} : memref<128x128xf32, #tpu.memory_space<vmem>>, vector<16xf32>,
          tpu.vector_store %arg10[%swap3A_360, %swap3A_361], %mul3A_359 {strides = array<i32>} : memref<128x128xf32, #tpu.memory_space<vmem>>, vector<16xf32>,
          %get3A_363 = arith.index_cast %add3A_354 : i32 to index
          %get3A_364 = arith.constant 16 : index
          %get3A_365 = tpu.vector_load %arg10[%get3A_363, %get3A_364] {strides = array<i32>} : memref<128x128xf32, #tpu.memory_space<vmem>>, vector<16xf32>,
          %mul3A_366 = vector.broadcast %squeeze3A_350 : f32 to vector<16xf32>
          %mul3A_367 = arith.mulf %get3A_365, %mul3A_366 : vector<16xf32>
          %swap3A_368 = arith.index_cast %add3A_354 : i32 to index
          %swap3A_369 = arith.constant 16 : index
          %swap3A_370 = tpu.vector_load %arg10[%swap3A_368, %swap3A_369] {strides = array<i32>} : memref<128x128xf32, #tpu.memory_space<vmem>>, vector<16xf32>,
          tpu.vector_store %arg10[%swap3A_368, %swap3A_369], %mul3A_367 {strides = array<i32>} : memref<128x128xf32, #tpu.memory_space<vmem>>, vector<16xf32>,
          %get3A_371 = arith.index_cast %add3A_354 : i32 to index
          %get3A_372 = arith.constant 32 : index
          %get3A_373 = tpu.vector_load %arg10[%get3A_371, %get3A_372] {strides = array<i32>} : memref<128x128xf32, #tpu.memory_space<vmem>>, vector<16xf32>,
          %mul3A_374 = vector.broadcast %squeeze3A_350 : f32 to vector<16xf32>
          %mul3A_375 = arith.mulf %get3A_373, %mul3A_374 : vector<16xf32>
          %swap3A_376 = arith.index_cast %add3A_354 : i32 to index
          %swap3A_377 = arith.constant 32 : index
          %swap3A_378 = tpu.vector_load %arg10[%swap3A_376, %swap3A_377] {strides = array<i32>} : memref<128x128xf32, #tpu.memory_space<vmem>>, vector<16xf32>,
          tpu.vector_store %arg10[%swap3A_376, %swap3A_377], %mul3A_375 {strides = array<i32>} : memref<128x128xf32, #tpu.memory_space<vmem>>, vector<16xf32>,
          %get3A_379 = arith.index_cast %add3A_354 : i32 to index
          %get3A_380 = arith.constant 48 : index
          %get3A_381 = tpu.vector_load %arg10[%get3A_379, %get3A_380] {strides = array<i32>} : memref<128x128xf32, #tpu.memory_space<vmem>>, vector<16xf32>,
          %mul3A_382 = vector.broadcast %squeeze3A_350 : f32 to vector<16xf32>
          %mul3A_383 = arith.mulf %get3A_381, %mul3A_382 : vector<16xf32>
          %swap3A_384 = arith.index_cast %add3A_354 : i32 to index
          %swap3A_385 = arith.constant 48 : index
          %swap3A_386 = tpu.vector_load %arg10[%swap3A_384, %swap3A_385] {strides = array<i32>} : memref<128x128xf32, #tpu.memory_space<vmem>>, vector<16xf32>,
          tpu.vector_store %arg10[%swap3A_384, %swap3A_385], %mul3A_383 {strides = array<i32>} : memref<128x128xf32, #tpu.memory_space<vmem>>, vector<16xf32>,
          %broadcast_in_dim3A_387 = vector.broadcast %squeeze3A_350 : f32 to vector<16xf32>
          %swap3A_388 = arith.index_cast %add3A_354 : i32 to index
          %swap3A_389 = arith.constant 64 : index
          %swap3A_390 = tpu.vector_load %arg10[%swap3A_388, %swap3A_389] {strides = array<i32>} : memref<128x128xf32, #tpu.memory_space<vmem>>, vector<16xf32>,
          tpu.vector_store %arg10[%swap3A_388, %swap3A_389], %broadcast_in_dim3A_387 {strides = array<i32>} : memref<128x128xf32, #tpu.memory_space<vmem>>, vector<16xf32>,
          %slice3A_391 = vector.extract_strided_slice %exp3A {offsets = [6], sizes = [1], strides = [1]} : vector<16xf32> to vector<1xf32>
          %squeeze3A_392 = vector.extract %slice3A_391[0] : f32 from vector<1xf32>
          %mul3A_393 = arith.constant 16 : i32
          %mul3A_394 = arith.muli %add3A_125, %mul3A_393 : i32
          %add3A_395 = arith.constant 6 : i32
          %add3A_396 = arith.addi %mul3A_394, %add3A_395 : i32
          %get3A_397 = arith.index_cast %add3A_396 : i32 to index
          %get3A_398 = arith.constant 0 : index
          %get3A_399 = tpu.vector_load %arg10[%get3A_397, %get3A_398] {strides = array<i32>} : memref<128x128xf32, #tpu.memory_space<vmem>>, vector<16xf32>,
          %mul3A_400 = vector.broadcast %squeeze3A_392 : f32 to vector<16xf32>
          %mul3A_401 = arith.mulf %get3A_399, %mul3A_400 : vector<16xf32>
          %swap3A_402 = arith.index_cast %add3A_396 : i32 to index
          %swap3A_403 = arith.constant 0 : index
          %swap3A_404 = tpu.vector_load %arg10[%swap3A_402, %swap3A_403] {strides = array<i32>} : memref<128x128xf32, #tpu.memory_space<vmem>>, vector<16xf32>,
          tpu.vector_store %arg10[%swap3A_402, %swap3A_403], %mul3A_401 {strides = array<i32>} : memref<128x128xf32, #tpu.memory_space<vmem>>, vector<16xf32>,
          %get3A_405 = arith.index_cast %add3A_396 : i32 to index
          %get3A_406 = arith.constant 16 : index
          %get3A_407 = tpu.vector_load %arg10[%get3A_405, %get3A_406] {strides = array<i32>} : memref<128x128xf32, #tpu.memory_space<vmem>>, vector<16xf32>,
          %mul3A_408 = vector.broadcast %squeeze3A_392 : f32 to vector<16xf32>
          %mul3A_409 = arith.mulf %get3A_407, %mul3A_408 : vector<16xf32>
          %swap3A_410 = arith.index_cast %add3A_396 : i32 to index
          %swap3A_411 = arith.constant 16 : index
          %swap3A_412 = tpu.vector_load %arg10[%swap3A_410, %swap3A_411] {strides = array<i32>} : memref<128x128xf32, #tpu.memory_space<vmem>>, vector<16xf32>,
          tpu.vector_store %arg10[%swap3A_410, %swap3A_411], %mul3A_409 {strides = array<i32>} : memref<128x128xf32, #tpu.memory_space<vmem>>, vector<16xf32>,
          %get3A_413 = arith.index_cast %add3A_396 : i32 to index
          %get3A_414 = arith.constant 32 : index
          %get3A_415 = tpu.vector_load %arg10[%get3A_413, %get3A_414] {strides = array<i32>} : memref<128x128xf32, #tpu.memory_space<vmem>>, vector<16xf32>,
          %mul3A_416 = vector.broadcast %squeeze3A_392 : f32 to vector<16xf32>
          %mul3A_417 = arith.mulf %get3A_415, %mul3A_416 : vector<16xf32>
          %swap3A_418 = arith.index_cast %add3A_396 : i32 to index
          %swap3A_419 = arith.constant 32 : index
          %swap3A_420 = tpu.vector_load %arg10[%swap3A_418, %swap3A_419] {strides = array<i32>} : memref<128x128xf32, #tpu.memory_space<vmem>>, vector<16xf32>,
          tpu.vector_store %arg10[%swap3A_418, %swap3A_419], %mul3A_417 {strides = array<i32>} : memref<128x128xf32, #tpu.memory_space<vmem>>, vector<16xf32>,
          %get3A_421 = arith.index_cast %add3A_396 : i32 to index
          %get3A_422 = arith.constant 48 : index
          %get3A_423 = tpu.vector_load %arg10[%get3A_421, %get3A_422] {strides = array<i32>} : memref<128x128xf32, #tpu.memory_space<vmem>>, vector<16xf32>,
          %mul3A_424 = vector.broadcast %squeeze3A_392 : f32 to vector<16xf32>
          %mul3A_425 = arith.mulf %get3A_423, %mul3A_424 : vector<16xf32>
          %swap3A_426 = arith.index_cast %add3A_396 : i32 to index
          %swap3A_427 = arith.constant 48 : index
          %swap3A_428 = tpu.vector_load %arg10[%swap3A_426, %swap3A_427] {strides = array<i32>} : memref<128x128xf32, #tpu.memory_space<vmem>>, vector<16xf32>,
          tpu.vector_store %arg10[%swap3A_426, %swap3A_427], %mul3A_425 {strides = array<i32>} : memref<128x128xf32, #tpu.memory_space<vmem>>, vector<16xf32>,
          %broadcast_in_dim3A_429 = vector.broadcast %squeeze3A_392 : f32 to vector<16xf32>
          %swap3A_430 = arith.index_cast %add3A_396 : i32 to index
          %swap3A_431 = arith.constant 64 : index
          %swap3A_432 = tpu.vector_load %arg10[%swap3A_430, %swap3A_431] {strides = array<i32>} : memref<128x128xf32, #tpu.memory_space<vmem>>, vector<16xf32>,
          tpu.vector_store %arg10[%swap3A_430, %swap3A_431], %broadcast_in_dim3A_429 {strides = array<i32>} : memref<128x128xf32, #tpu.memory_space<vmem>>, vector<16xf32>,
          %slice3A_433 = vector.extract_strided_slice %exp3A {offsets = [7], sizes = [1], strides = [1]} : vector<16xf32> to vector<1xf32>
          %squeeze3A_434 = vector.extract %slice3A_433[0] : f32 from vector<1xf32>
          %mul3A_435 = arith.constant 16 : i32
          %mul3A_436 = arith.muli %add3A_125, %mul3A_435 : i32
          %add3A_437 = arith.constant 7 : i32
          %add3A_438 = arith.addi %mul3A_436, %add3A_437 : i32
          %get3A_439 = arith.index_cast %add3A_438 : i32 to index
          %get3A_440 = arith.constant 0 : index
          %get3A_441 = tpu.vector_load %arg10[%get3A_439, %get3A_440] {strides = array<i32>} : memref<128x128xf32, #tpu.memory_space<vmem>>, vector<16xf32>,
          %mul3A_442 = vector.broadcast %squeeze3A_434 : f32 to vector<16xf32>
          %mul3A_443 = arith.mulf %get3A_441, %mul3A_442 : vector<16xf32>
          %swap3A_444 = arith.index_cast %add3A_438 : i32 to index
          %swap3A_445 = arith.constant 0 : index
          %swap3A_446 = tpu.vector_load %arg10[%swap3A_444, %swap3A_445] {strides = array<i32>} : memref<128x128xf32, #tpu.memory_space<vmem>>, vector<16xf32>,
          tpu.vector_store %arg10[%swap3A_444, %swap3A_445], %mul3A_443 {strides = array<i32>} : memref<128x128xf32, #tpu.memory_space<vmem>>, vector<16xf32>,
          %get3A_447 = arith.index_cast %add3A_438 : i32 to index
          %get3A_448 = arith.constant 16 : index
          %get3A_449 = tpu.vector_load %arg10[%get3A_447, %get3A_448] {strides = array<i32>} : memref<128x128xf32, #tpu.memory_space<vmem>>, vector<16xf32>,
          %mul3A_450 = vector.broadcast %squeeze3A_434 : f32 to vector<16xf32>
          %mul3A_451 = arith.mulf %get3A_449, %mul3A_450 : vector<16xf32>
          %swap3A_452 = arith.index_cast %add3A_438 : i32 to index
          %swap3A_453 = arith.constant 16 : index
          %swap3A_454 = tpu.vector_load %arg10[%swap3A_452, %swap3A_453] {strides = array<i32>} : memref<128x128xf32, #tpu.memory_space<vmem>>, vector<16xf32>,
          tpu.vector_store %arg10[%swap3A_452, %swap3A_453], %mul3A_451 {strides = array<i32>} : memref<128x128xf32, #tpu.memory_space<vmem>>, vector<16xf32>,
          %get3A_455 = arith.index_cast %add3A_438 : i32 to index
          %get3A_456 = arith.constant 32 : index
          %get3A_457 = tpu.vector_load %arg10[%get3A_455, %get3A_456] {strides = array<i32>} : memref<128x128xf32, #tpu.memory_space<vmem>>, vector<16xf32>,
          %mul3A_458 = vector.broadcast %squeeze3A_434 : f32 to vector<16xf32>
          %mul3A_459 = arith.mulf %get3A_457, %mul3A_458 : vector<16xf32>
          %swap3A_460 = arith.index_cast %add3A_438 : i32 to index
          %swap3A_461 = arith.constant 32 : index
          %swap3A_462 = tpu.vector_load %arg10[%swap3A_460, %swap3A_461] {strides = array<i32>} : memref<128x128xf32, #tpu.memory_space<vmem>>, vector<16xf32>,
          tpu.vector_store %arg10[%swap3A_460, %swap3A_461], %mul3A_459 {strides = array<i32>} : memref<128x128xf32, #tpu.memory_space<vmem>>, vector<16xf32>,
          %get3A_463 = arith.index_cast %add3A_438 : i32 to index
          %get3A_464 = arith.constant 48 : index
          %get3A_465 = tpu.vector_load %arg10[%get3A_463, %get3A_464] {strides = array<i32>} : memref<128x128xf32, #tpu.memory_space<vmem>>, vector<16xf32>,
          %mul3A_466 = vector.broadcast %squeeze3A_434 : f32 to vector<16xf32>
          %mul3A_467 = arith.mulf %get3A_465, %mul3A_466 : vector<16xf32>
          %swap3A_468 = arith.index_cast %add3A_438 : i32 to index
          %swap3A_469 = arith.constant 48 : index
          %swap3A_470 = tpu.vector_load %arg10[%swap3A_468, %swap3A_469] {strides = array<i32>} : memref<128x128xf32, #tpu.memory_space<vmem>>, vector<16xf32>,
          tpu.vector_store %arg10[%swap3A_468, %swap3A_469], %mul3A_467 {strides = array<i32>} : memref<128x128xf32, #tpu.memory_space<vmem>>, vector<16xf32>,
          %broadcast_in_dim3A_471 = vector.broadcast %squeeze3A_434 : f32 to vector<16xf32>
          %swap3A_472 = arith.index_cast %add3A_438 : i32 to index
          %swap3A_473 = arith.constant 64 : index
          %swap3A_474 = tpu.vector_load %arg10[%swap3A_472, %swap3A_473] {strides = array<i32>} : memref<128x128xf32, #tpu.memory_space<vmem>>, vector<16xf32>,
          tpu.vector_store %arg10[%swap3A_472, %swap3A_473], %broadcast_in_dim3A_471 {strides = array<i32>} : memref<128x128xf32, #tpu.memory_space<vmem>>, vector<16xf32>,
          %slice3A_475 = vector.extract_strided_slice %exp3A {offsets = [8], sizes = [1], strides = [1]} : vector<16xf32> to vector<1xf32>
          %squeeze3A_476 = vector.extract %slice3A_475[0] : f32 from vector<1xf32>
          %mul3A_477 = arith.constant 16 : i32
          %mul3A_478 = arith.muli %add3A_125, %mul3A_477 : i32
          %add3A_479 = arith.constant 8 : i32
          %add3A_480 = arith.addi %mul3A_478, %add3A_479 : i32
          %get3A_481 = arith.index_cast %add3A_480 : i32 to index
          %get3A_482 = arith.constant 0 : index
          %get3A_483 = tpu.vector_load %arg10[%get3A_481, %get3A_482] {strides = array<i32>} : memref<128x128xf32, #tpu.memory_space<vmem>>, vector<16xf32>,
          %mul3A_484 = vector.broadcast %squeeze3A_476 : f32 to vector<16xf32>
          %mul3A_485 = arith.mulf %get3A_483, %mul3A_484 : vector<16xf32>
          %swap3A_486 = arith.index_cast %add3A_480 : i32 to index
          %swap3A_487 = arith.constant 0 : index
          %swap3A_488 = tpu.vector_load %arg10[%swap3A_486, %swap3A_487] {strides = array<i32>} : memref<128x128xf32, #tpu.memory_space<vmem>>, vector<16xf32>,
          tpu.vector_store %arg10[%swap3A_486, %swap3A_487], %mul3A_485 {strides = array<i32>} : memref<128x128xf32, #tpu.memory_space<vmem>>, vector<16xf32>,
          %get3A_489 = arith.index_cast %add3A_480 : i32 to index
          %get3A_490 = arith.constant 16 : index
          %get3A_491 = tpu.vector_load %arg10[%get3A_489, %get3A_490] {strides = array<i32>} : memref<128x128xf32, #tpu.memory_space<vmem>>, vector<16xf32>,
          %mul3A_492 = vector.broadcast %squeeze3A_476 : f32 to vector<16xf32>
          %mul3A_493 = arith.mulf %get3A_491, %mul3A_492 : vector<16xf32>
          %swap3A_494 = arith.index_cast %add3A_480 : i32 to index
          %swap3A_495 = arith.constant 16 : index
          %swap3A_496 = tpu.vector_load %arg10[%swap3A_494, %swap3A_495] {strides = array<i32>} : memref<128x128xf32, #tpu.memory_space<vmem>>, vector<16xf32>,
          tpu.vector_store %arg10[%swap3A_494, %swap3A_495], %mul3A_493 {strides = array<i32>} : memref<128x128xf32, #tpu.memory_space<vmem>>, vector<16xf32>,
          %get3A_497 = arith.index_cast %add3A_480 : i32 to index
          %get3A_498 = arith.constant 32 : index
          %get3A_499 = tpu.vector_load %arg10[%get3A_497, %get3A_498] {strides = array<i32>} : memref<128x128xf32, #tpu.memory_space<vmem>>, vector<16xf32>,
          %mul3A_500 = vector.broadcast %squeeze3A_476 : f32 to vector<16xf32>
          %mul3A_501 = arith.mulf %get3A_499, %mul3A_500 : vector<16xf32>
          %swap3A_502 = arith.index_cast %add3A_480 : i32 to index
          %swap3A_503 = arith.constant 32 : index
          %swap3A_504 = tpu.vector_load %arg10[%swap3A_502, %swap3A_503] {strides = array<i32>} : memref<128x128xf32, #tpu.memory_space<vmem>>, vector<16xf32>,
          tpu.vector_store %arg10[%swap3A_502, %swap3A_503], %mul3A_501 {strides = array<i32>} : memref<128x128xf32, #tpu.memory_space<vmem>>, vector<16xf32>,
          %get3A_505 = arith.index_cast %add3A_480 : i32 to index
          %get3A_506 = arith.constant 48 : index
          %get3A_507 = tpu.vector_load %arg10[%get3A_505, %get3A_506] {strides = array<i32>} : memref<128x128xf32, #tpu.memory_space<vmem>>, vector<16xf32>,
          %mul3A_508 = vector.broadcast %squeeze3A_476 : f32 to vector<16xf32>
          %mul3A_509 = arith.mulf %get3A_507, %mul3A_508 : vector<16xf32>
          %swap3A_510 = arith.index_cast %add3A_480 : i32 to index
          %swap3A_511 = arith.constant 48 : index
          %swap3A_512 = tpu.vector_load %arg10[%swap3A_510, %swap3A_511] {strides = array<i32>} : memref<128x128xf32, #tpu.memory_space<vmem>>, vector<16xf32>,
          tpu.vector_store %arg10[%swap3A_510, %swap3A_511], %mul3A_509 {strides = array<i32>} : memref<128x128xf32, #tpu.memory_space<vmem>>, vector<16xf32>,
          %broadcast_in_dim3A_513 = vector.broadcast %squeeze3A_476 : f32 to vector<16xf32>
          %swap3A_514 = arith.index_cast %add3A_480 : i32 to index
          %swap3A_515 = arith.constant 64 : index
          %swap3A_516 = tpu.vector_load %arg10[%swap3A_514, %swap3A_515] {strides = array<i32>} : memref<128x128xf32, #tpu.memory_space<vmem>>, vector<16xf32>,
          tpu.vector_store %arg10[%swap3A_514, %swap3A_515], %broadcast_in_dim3A_513 {strides = array<i32>} : memref<128x128xf32, #tpu.memory_space<vmem>>, vector<16xf32>,
          %slice3A_517 = vector.extract_strided_slice %exp3A {offsets = [9], sizes = [1], strides = [1]} : vector<16xf32> to vector<1xf32>
          %squeeze3A_518 = vector.extract %slice3A_517[0] : f32 from vector<1xf32>
          %mul3A_519 = arith.constant 16 : i32
          %mul3A_520 = arith.muli %add3A_125, %mul3A_519 : i32
          %add3A_521 = arith.constant 9 : i32
          %add3A_522 = arith.addi %mul3A_520, %add3A_521 : i32
          %get3A_523 = arith.index_cast %add3A_522 : i32 to index
          %get3A_524 = arith.constant 0 : index
          %get3A_525 = tpu.vector_load %arg10[%get3A_523, %get3A_524] {strides = array<i32>} : memref<128x128xf32, #tpu.memory_space<vmem>>, vector<16xf32>,
          %mul3A_526 = vector.broadcast %squeeze3A_518 : f32 to vector<16xf32>
          %mul3A_527 = arith.mulf %get3A_525, %mul3A_526 : vector<16xf32>
          %swap3A_528 = arith.index_cast %add3A_522 : i32 to index
          %swap3A_529 = arith.constant 0 : index
          %swap3A_530 = tpu.vector_load %arg10[%swap3A_528, %swap3A_529] {strides = array<i32>} : memref<128x128xf32, #tpu.memory_space<vmem>>, vector<16xf32>,
          tpu.vector_store %arg10[%swap3A_528, %swap3A_529], %mul3A_527 {strides = array<i32>} : memref<128x128xf32, #tpu.memory_space<vmem>>, vector<16xf32>,
          %get3A_531 = arith.index_cast %add3A_522 : i32 to index
          %get3A_532 = arith.constant 16 : index
          %get3A_533 = tpu.vector_load %arg10[%get3A_531, %get3A_532] {strides = array<i32>} : memref<128x128xf32, #tpu.memory_space<vmem>>, vector<16xf32>,
          %mul3A_534 = vector.broadcast %squeeze3A_518 : f32 to vector<16xf32>
          %mul3A_535 = arith.mulf %get3A_533, %mul3A_534 : vector<16xf32>
          %swap3A_536 = arith.index_cast %add3A_522 : i32 to index
          %swap3A_537 = arith.constant 16 : index
          %swap3A_538 = tpu.vector_load %arg10[%swap3A_536, %swap3A_537] {strides = array<i32>} : memref<128x128xf32, #tpu.memory_space<vmem>>, vector<16xf32>,
          tpu.vector_store %arg10[%swap3A_536, %swap3A_537], %mul3A_535 {strides = array<i32>} : memref<128x128xf32, #tpu.memory_space<vmem>>, vector<16xf32>,
          %get3A_539 = arith.index_cast %add3A_522 : i32 to index
          %get3A_540 = arith.constant 32 : index
          %get3A_541 = tpu.vector_load %arg10[%get3A_539, %get3A_540] {strides = array<i32>} : memref<128x128xf32, #tpu.memory_space<vmem>>, vector<16xf32>,
          %mul3A_542 = vector.broadcast %squeeze3A_518 : f32 to vector<16xf32>
          %mul3A_543 = arith.mulf %get3A_541, %mul3A_542 : vector<16xf32>
          %swap3A_544 = arith.index_cast %add3A_522 : i32 to index
          %swap3A_545 = arith.constant 32 : index
          %swap3A_546 = tpu.vector_load %arg10[%swap3A_544, %swap3A_545] {strides = array<i32>} : memref<128x128xf32, #tpu.memory_space<vmem>>, vector<16xf32>,
          tpu.vector_store %arg10[%swap3A_544, %swap3A_545], %mul3A_543 {strides = array<i32>} : memref<128x128xf32, #tpu.memory_space<vmem>>, vector<16xf32>,
          %get3A_547 = arith.index_cast %add3A_522 : i32 to index
          %get3A_548 = arith.constant 48 : index
          %get3A_549 = tpu.vector_load %arg10[%get3A_547, %get3A_548] {strides = array<i32>} : memref<128x128xf32, #tpu.memory_space<vmem>>, vector<16xf32>,
          %mul3A_550 = vector.broadcast %squeeze3A_518 : f32 to vector<16xf32>
          %mul3A_551 = arith.mulf %get3A_549, %mul3A_550 : vector<16xf32>
          %swap3A_552 = arith.index_cast %add3A_522 : i32 to index
          %swap3A_553 = arith.constant 48 : index
          %swap3A_554 = tpu.vector_load %arg10[%swap3A_552, %swap3A_553] {strides = array<i32>} : memref<128x128xf32, #tpu.memory_space<vmem>>, vector<16xf32>,
          tpu.vector_store %arg10[%swap3A_552, %swap3A_553], %mul3A_551 {strides = array<i32>} : memref<128x128xf32, #tpu.memory_space<vmem>>, vector<16xf32>,
          %broadcast_in_dim3A_555 = vector.broadcast %squeeze3A_518 : f32 to vector<16xf32>
          %swap3A_556 = arith.index_cast %add3A_522 : i32 to index
          %swap3A_557 = arith.constant 64 : index
          %swap3A_558 = tpu.vector_load %arg10[%swap3A_556, %swap3A_557] {strides = array<i32>} : memref<128x128xf32, #tpu.memory_space<vmem>>, vector<16xf32>,
          tpu.vector_store %arg10[%swap3A_556, %swap3A_557], %broadcast_in_dim3A_555 {strides = array<i32>} : memref<128x128xf32, #tpu.memory_space<vmem>>, vector<16xf32>,
          %slice3A_559 = vector.extract_strided_slice %exp3A {offsets = [10], sizes = [1], strides = [1]} : vector<16xf32> to vector<1xf32>
          %squeeze3A_560 = vector.extract %slice3A_559[0] : f32 from vector<1xf32>
          %mul3A_561 = arith.constant 16 : i32
          %mul3A_562 = arith.muli %add3A_125, %mul3A_561 : i32
          %add3A_563 = arith.constant 10 : i32
          %add3A_564 = arith.addi %mul3A_562, %add3A_563 : i32
          %get3A_565 = arith.index_cast %add3A_564 : i32 to index
          %get3A_566 = arith.constant 0 : index
          %get3A_567 = tpu.vector_load %arg10[%get3A_565, %get3A_566] {strides = array<i32>} : memref<128x128xf32, #tpu.memory_space<vmem>>, vector<16xf32>,
          %mul3A_568 = vector.broadcast %squeeze3A_560 : f32 to vector<16xf32>
          %mul3A_569 = arith.mulf %get3A_567, %mul3A_568 : vector<16xf32>
          %swap3A_570 = arith.index_cast %add3A_564 : i32 to index
          %swap3A_571 = arith.constant 0 : index
          %swap3A_572 = tpu.vector_load %arg10[%swap3A_570, %swap3A_571] {strides = array<i32>} : memref<128x128xf32, #tpu.memory_space<vmem>>, vector<16xf32>,
          tpu.vector_store %arg10[%swap3A_570, %swap3A_571], %mul3A_569 {strides = array<i32>} : memref<128x128xf32, #tpu.memory_space<vmem>>, vector<16xf32>,
          %get3A_573 = arith.index_cast %add3A_564 : i32 to index
          %get3A_574 = arith.constant 16 : index
          %get3A_575 = tpu.vector_load %arg10[%get3A_573, %get3A_574] {strides = array<i32>} : memref<128x128xf32, #tpu.memory_space<vmem>>, vector<16xf32>,
          %mul3A_576 = vector.broadcast %squeeze3A_560 : f32 to vector<16xf32>
          %mul3A_577 = arith.mulf %get3A_575, %mul3A_576 : vector<16xf32>
          %swap3A_578 = arith.index_cast %add3A_564 : i32 to index
          %swap3A_579 = arith.constant 16 : index
          %swap3A_580 = tpu.vector_load %arg10[%swap3A_578, %swap3A_579] {strides = array<i32>} : memref<128x128xf32, #tpu.memory_space<vmem>>, vector<16xf32>,
          tpu.vector_store %arg10[%swap3A_578, %swap3A_579], %mul3A_577 {strides = array<i32>} : memref<128x128xf32, #tpu.memory_space<vmem>>, vector<16xf32>,
          %get3A_581 = arith.index_cast %add3A_564 : i32 to index
          %get3A_582 = arith.constant 32 : index
          %get3A_583 = tpu.vector_load %arg10[%get3A_581, %get3A_582] {strides = array<i32>} : memref<128x128xf32, #tpu.memory_space<vmem>>, vector<16xf32>,
          %mul3A_584 = vector.broadcast %squeeze3A_560 : f32 to vector<16xf32>
          %mul3A_585 = arith.mulf %get3A_583, %mul3A_584 : vector<16xf32>
          %swap3A_586 = arith.index_cast %add3A_564 : i32 to index
          %swap3A_587 = arith.constant 32 : index
          %swap3A_588 = tpu.vector_load %arg10[%swap3A_586, %swap3A_587] {strides = array<i32>} : memref<128x128xf32, #tpu.memory_space<vmem>>, vector<16xf32>,
          tpu.vector_store %arg10[%swap3A_586, %swap3A_587], %mul3A_585 {strides = array<i32>} : memref<128x128xf32, #tpu.memory_space<vmem>>, vector<16xf32>,
          %get3A_589 = arith.index_cast %add3A_564 : i32 to index
          %get3A_590 = arith.constant 48 : index
          %get3A_591 = tpu.vector_load %arg10[%get3A_589, %get3A_590] {strides = array<i32>} : memref<128x128xf32, #tpu.memory_space<vmem>>, vector<16xf32>,
          %mul3A_592 = vector.broadcast %squeeze3A_560 : f32 to vector<16xf32>
          %mul3A_593 = arith.mulf %get3A_591, %mul3A_592 : vector<16xf32>
          %swap3A_594 = arith.index_cast %add3A_564 : i32 to index
          %swap3A_595 = arith.constant 48 : index
          %swap3A_596 = tpu.vector_load %arg10[%swap3A_594, %swap3A_595] {strides = array<i32>} : memref<128x128xf32, #tpu.memory_space<vmem>>, vector<16xf32>,
          tpu.vector_store %arg10[%swap3A_594, %swap3A_595], %mul3A_593 {strides = array<i32>} : memref<128x128xf32, #tpu.memory_space<vmem>>, vector<16xf32>,
          %broadcast_in_dim3A_597 = vector.broadcast %squeeze3A_560 : f32 to vector<16xf32>
          %swap3A_598 = arith.index_cast %add3A_564 : i32 to index
          %swap3A_599 = arith.constant 64 : index
          %swap3A_600 = tpu.vector_load %arg10[%swap3A_598, %swap3A_599] {strides = array<i32>} : memref<128x128xf32, #tpu.memory_space<vmem>>, vector<16xf32>,
          tpu.vector_store %arg10[%swap3A_598, %swap3A_599], %broadcast_in_dim3A_597 {strides = array<i32>} : memref<128x128xf32, #tpu.memory_space<vmem>>, vector<16xf32>,
          %slice3A_601 = vector.extract_strided_slice %exp3A {offsets = [11], sizes = [1], strides = [1]} : vector<16xf32> to vector<1xf32>
          %squeeze3A_602 = vector.extract %slice3A_601[0] : f32 from vector<1xf32>
          %mul3A_603 = arith.constant 16 : i32
          %mul3A_604 = arith.muli %add3A_125, %mul3A_603 : i32
          %add3A_605 = arith.constant 11 : i32
          %add3A_606 = arith.addi %mul3A_604, %add3A_605 : i32
          %get3A_607 = arith.index_cast %add3A_606 : i32 to index
          %get3A_608 = arith.constant 0 : index
          %get3A_609 = tpu.vector_load %arg10[%get3A_607, %get3A_608] {strides = array<i32>} : memref<128x128xf32, #tpu.memory_space<vmem>>, vector<16xf32>,
          %mul3A_610 = vector.broadcast %squeeze3A_602 : f32 to vector<16xf32>
          %mul3A_611 = arith.mulf %get3A_609, %mul3A_610 : vector<16xf32>
          %swap3A_612 = arith.index_cast %add3A_606 : i32 to index
          %swap3A_613 = arith.constant 0 : index
          %swap3A_614 = tpu.vector_load %arg10[%swap3A_612, %swap3A_613] {strides = array<i32>} : memref<128x128xf32, #tpu.memory_space<vmem>>, vector<16xf32>,
          tpu.vector_store %arg10[%swap3A_612, %swap3A_613], %mul3A_611 {strides = array<i32>} : memref<128x128xf32, #tpu.memory_space<vmem>>, vector<16xf32>,
          %get3A_615 = arith.index_cast %add3A_606 : i32 to index
          %get3A_616 = arith.constant 16 : index
          %get3A_617 = tpu.vector_load %arg10[%get3A_615, %get3A_616] {strides = array<i32>} : memref<128x128xf32, #tpu.memory_space<vmem>>, vector<16xf32>,
          %mul3A_618 = vector.broadcast %squeeze3A_602 : f32 to vector<16xf32>
          %mul3A_619 = arith.mulf %get3A_617, %mul3A_618 : vector<16xf32>
          %swap3A_620 = arith.index_cast %add3A_606 : i32 to index
          %swap3A_621 = arith.constant 16 : index
          %swap3A_622 = tpu.vector_load %arg10[%swap3A_620, %swap3A_621] {strides = array<i32>} : memref<128x128xf32, #tpu.memory_space<vmem>>, vector<16xf32>,
          tpu.vector_store %arg10[%swap3A_620, %swap3A_621], %mul3A_619 {strides = array<i32>} : memref<128x128xf32, #tpu.memory_space<vmem>>, vector<16xf32>,
          %get3A_623 = arith.index_cast %add3A_606 : i32 to index
          %get3A_624 = arith.constant 32 : index
          %get3A_625 = tpu.vector_load %arg10[%get3A_623, %get3A_624] {strides = array<i32>} : memref<128x128xf32, #tpu.memory_space<vmem>>, vector<16xf32>,
          %mul3A_626 = vector.broadcast %squeeze3A_602 : f32 to vector<16xf32>
          %mul3A_627 = arith.mulf %get3A_625, %mul3A_626 : vector<16xf32>
          %swap3A_628 = arith.index_cast %add3A_606 : i32 to index
          %swap3A_629 = arith.constant 32 : index
          %swap3A_630 = tpu.vector_load %arg10[%swap3A_628, %swap3A_629] {strides = array<i32>} : memref<128x128xf32, #tpu.memory_space<vmem>>, vector<16xf32>,
          tpu.vector_store %arg10[%swap3A_628, %swap3A_629], %mul3A_627 {strides = array<i32>} : memref<128x128xf32, #tpu.memory_space<vmem>>, vector<16xf32>,
          %get3A_631 = arith.index_cast %add3A_606 : i32 to index
          %get3A_632 = arith.constant 48 : index
          %get3A_633 = tpu.vector_load %arg10[%get3A_631, %get3A_632] {strides = array<i32>} : memref<128x128xf32, #tpu.memory_space<vmem>>, vector<16xf32>,
          %mul3A_634 = vector.broadcast %squeeze3A_602 : f32 to vector<16xf32>
          %mul3A_635 = arith.mulf %get3A_633, %mul3A_634 : vector<16xf32>
          %swap3A_636 = arith.index_cast %add3A_606 : i32 to index
          %swap3A_637 = arith.constant 48 : index
          %swap3A_638 = tpu.vector_load %arg10[%swap3A_636, %swap3A_637] {strides = array<i32>} : memref<128x128xf32, #tpu.memory_space<vmem>>, vector<16xf32>,
          tpu.vector_store %arg10[%swap3A_636, %swap3A_637], %mul3A_635 {strides = array<i32>} : memref<128x128xf32, #tpu.memory_space<vmem>>, vector<16xf32>,
          %broadcast_in_dim3A_639 = vector.broadcast %squeeze3A_602 : f32 to vector<16xf32>
          %swap3A_640 = arith.index_cast %add3A_606 : i32 to index
          %swap3A_641 = arith.constant 64 : index
          %swap3A_642 = tpu.vector_load %arg10[%swap3A_640, %swap3A_641] {strides = array<i32>} : memref<128x128xf32, #tpu.memory_space<vmem>>, vector<16xf32>,
          tpu.vector_store %arg10[%swap3A_640, %swap3A_641], %broadcast_in_dim3A_639 {strides = array<i32>} : memref<128x128xf32, #tpu.memory_space<vmem>>, vector<16xf32>,
          %slice3A_643 = vector.extract_strided_slice %exp3A {offsets = [12], sizes = [1], strides = [1]} : vector<16xf32> to vector<1xf32>
          %squeeze3A_644 = vector.extract %slice3A_643[0] : f32 from vector<1xf32>
          %mul3A_645 = arith.constant 16 : i32
          %mul3A_646 = arith.muli %add3A_125, %mul3A_645 : i32
          %add3A_647 = arith.constant 12 : i32
          %add3A_648 = arith.addi %mul3A_646, %add3A_647 : i32
          %get3A_649 = arith.index_cast %add3A_648 : i32 to index
          %get3A_650 = arith.constant 0 : index
          %get3A_651 = tpu.vector_load %arg10[%get3A_649, %get3A_650] {strides = array<i32>} : memref<128x128xf32, #tpu.memory_space<vmem>>, vector<16xf32>,
          %mul3A_652 = vector.broadcast %squeeze3A_644 : f32 to vector<16xf32>
          %mul3A_653 = arith.mulf %get3A_651, %mul3A_652 : vector<16xf32>
          %swap3A_654 = arith.index_cast %add3A_648 : i32 to index
          %swap3A_655 = arith.constant 0 : index
          %swap3A_656 = tpu.vector_load %arg10[%swap3A_654, %swap3A_655] {strides = array<i32>} : memref<128x128xf32, #tpu.memory_space<vmem>>, vector<16xf32>,
          tpu.vector_store %arg10[%swap3A_654, %swap3A_655], %mul3A_653 {strides = array<i32>} : memref<128x128xf32, #tpu.memory_space<vmem>>, vector<16xf32>,
          %get3A_657 = arith.index_cast %add3A_648 : i32 to index
          %get3A_658 = arith.constant 16 : index
          %get3A_659 = tpu.vector_load %arg10[%get3A_657, %get3A_658] {strides = array<i32>} : memref<128x128xf32, #tpu.memory_space<vmem>>, vector<16xf32>,
          %mul3A_660 = vector.broadcast %squeeze3A_644 : f32 to vector<16xf32>
          %mul3A_661 = arith.mulf %get3A_659, %mul3A_660 : vector<16xf32>
          %swap3A_662 = arith.index_cast %add3A_648 : i32 to index
          %swap3A_663 = arith.constant 16 : index
          %swap3A_664 = tpu.vector_load %arg10[%swap3A_662, %swap3A_663] {strides = array<i32>} : memref<128x128xf32, #tpu.memory_space<vmem>>, vector<16xf32>,
          tpu.vector_store %arg10[%swap3A_662, %swap3A_663], %mul3A_661 {strides = array<i32>} : memref<128x128xf32, #tpu.memory_space<vmem>>, vector<16xf32>,
          %get3A_665 = arith.index_cast %add3A_648 : i32 to index
          %get3A_666 = arith.constant 32 : index
          %get3A_667 = tpu.vector_load %arg10[%get3A_665, %get3A_666] {strides = array<i32>} : memref<128x128xf32, #tpu.memory_space<vmem>>, vector<16xf32>,
          %mul3A_668 = vector.broadcast %squeeze3A_644 : f32 to vector<16xf32>
          %mul3A_669 = arith.mulf %get3A_667, %mul3A_668 : vector<16xf32>
          %swap3A_670 = arith.index_cast %add3A_648 : i32 to index
          %swap3A_671 = arith.constant 32 : index
          %swap3A_672 = tpu.vector_load %arg10[%swap3A_670, %swap3A_671] {strides = array<i32>} : memref<128x128xf32, #tpu.memory_space<vmem>>, vector<16xf32>,
          tpu.vector_store %arg10[%swap3A_670, %swap3A_671], %mul3A_669 {strides = array<i32>} : memref<128x128xf32, #tpu.memory_space<vmem>>, vector<16xf32>,
          %get3A_673 = arith.index_cast %add3A_648 : i32 to index
          %get3A_674 = arith.constant 48 : index
          %get3A_675 = tpu.vector_load %arg10[%get3A_673, %get3A_674] {strides = array<i32>} : memref<128x128xf32, #tpu.memory_space<vmem>>, vector<16xf32>,
          %mul3A_676 = vector.broadcast %squeeze3A_644 : f32 to vector<16xf32>
          %mul3A_677 = arith.mulf %get3A_675, %mul3A_676 : vector<16xf32>
          %swap3A_678 = arith.index_cast %add3A_648 : i32 to index
          %swap3A_679 = arith.constant 48 : index
          %swap3A_680 = tpu.vector_load %arg10[%swap3A_678, %swap3A_679] {strides = array<i32>} : memref<128x128xf32, #tpu.memory_space<vmem>>, vector<16xf32>,
          tpu.vector_store %arg10[%swap3A_678, %swap3A_679], %mul3A_677 {strides = array<i32>} : memref<128x128xf32, #tpu.memory_space<vmem>>, vector<16xf32>,
          %broadcast_in_dim3A_681 = vector.broadcast %squeeze3A_644 : f32 to vector<16xf32>
          %swap3A_682 = arith.index_cast %add3A_648 : i32 to index
          %swap3A_683 = arith.constant 64 : index
          %swap3A_684 = tpu.vector_load %arg10[%swap3A_682, %swap3A_683] {strides = array<i32>} : memref<128x128xf32, #tpu.memory_space<vmem>>, vector<16xf32>,
          tpu.vector_store %arg10[%swap3A_682, %swap3A_683], %broadcast_in_dim3A_681 {strides = array<i32>} : memref<128x128xf32, #tpu.memory_space<vmem>>, vector<16xf32>,
          %slice3A_685 = vector.extract_strided_slice %exp3A {offsets = [13], sizes = [1], strides = [1]} : vector<16xf32> to vector<1xf32>
          %squeeze3A_686 = vector.extract %slice3A_685[0] : f32 from vector<1xf32>
          %mul3A_687 = arith.constant 16 : i32
          %mul3A_688 = arith.muli %add3A_125, %mul3A_687 : i32
          %add3A_689 = arith.constant 13 : i32
          %add3A_690 = arith.addi %mul3A_688, %add3A_689 : i32
          %get3A_691 = arith.index_cast %add3A_690 : i32 to index
          %get3A_692 = arith.constant 0 : index
          %get3A_693 = tpu.vector_load %arg10[%get3A_691, %get3A_692] {strides = array<i32>} : memref<128x128xf32, #tpu.memory_space<vmem>>, vector<16xf32>,
          %mul3A_694 = vector.broadcast %squeeze3A_686 : f32 to vector<16xf32>
          %mul3A_695 = arith.mulf %get3A_693, %mul3A_694 : vector<16xf32>
          %swap3A_696 = arith.index_cast %add3A_690 : i32 to index
          %swap3A_697 = arith.constant 0 : index
          %swap3A_698 = tpu.vector_load %arg10[%swap3A_696, %swap3A_697] {strides = array<i32>} : memref<128x128xf32, #tpu.memory_space<vmem>>, vector<16xf32>,
          tpu.vector_store %arg10[%swap3A_696, %swap3A_697], %mul3A_695 {strides = array<i32>} : memref<128x128xf32, #tpu.memory_space<vmem>>, vector<16xf32>,
          %get3A_699 = arith.index_cast %add3A_690 : i32 to index
          %get3A_700 = arith.constant 16 : index
          %get3A_701 = tpu.vector_load %arg10[%get3A_699, %get3A_700] {strides = array<i32>} : memref<128x128xf32, #tpu.memory_space<vmem>>, vector<16xf32>,
          %mul3A_702 = vector.broadcast %squeeze3A_686 : f32 to vector<16xf32>
          %mul3A_703 = arith.mulf %get3A_701, %mul3A_702 : vector<16xf32>
          %swap3A_704 = arith.index_cast %add3A_690 : i32 to index
          %swap3A_705 = arith.constant 16 : index
          %swap3A_706 = tpu.vector_load %arg10[%swap3A_704, %swap3A_705] {strides = array<i32>} : memref<128x128xf32, #tpu.memory_space<vmem>>, vector<16xf32>,
          tpu.vector_store %arg10[%swap3A_704, %swap3A_705], %mul3A_703 {strides = array<i32>} : memref<128x128xf32, #tpu.memory_space<vmem>>, vector<16xf32>,
          %get3A_707 = arith.index_cast %add3A_690 : i32 to index
          %get3A_708 = arith.constant 32 : index
          %get3A_709 = tpu.vector_load %arg10[%get3A_707, %get3A_708] {strides = array<i32>} : memref<128x128xf32, #tpu.memory_space<vmem>>, vector<16xf32>,
          %mul3A_710 = vector.broadcast %squeeze3A_686 : f32 to vector<16xf32>
          %mul3A_711 = arith.mulf %get3A_709, %mul3A_710 : vector<16xf32>
          %swap3A_712 = arith.index_cast %add3A_690 : i32 to index
          %swap3A_713 = arith.constant 32 : index
          %swap3A_714 = tpu.vector_load %arg10[%swap3A_712, %swap3A_713] {strides = array<i32>} : memref<128x128xf32, #tpu.memory_space<vmem>>, vector<16xf32>,
          tpu.vector_store %arg10[%swap3A_712, %swap3A_713], %mul3A_711 {strides = array<i32>} : memref<128x128xf32, #tpu.memory_space<vmem>>, vector<16xf32>,
          %get3A_715 = arith.index_cast %add3A_690 : i32 to index
          %get3A_716 = arith.constant 48 : index
          %get3A_717 = tpu.vector_load %arg10[%get3A_715, %get3A_716] {strides = array<i32>} : memref<128x128xf32, #tpu.memory_space<vmem>>, vector<16xf32>,
          %mul3A_718 = vector.broadcast %squeeze3A_686 : f32 to vector<16xf32>
          %mul3A_719 = arith.mulf %get3A_717, %mul3A_718 : vector<16xf32>
          %swap3A_720 = arith.index_cast %add3A_690 : i32 to index
          %swap3A_721 = arith.constant 48 : index
          %swap3A_722 = tpu.vector_load %arg10[%swap3A_720, %swap3A_721] {strides = array<i32>} : memref<128x128xf32, #tpu.memory_space<vmem>>, vector<16xf32>,
          tpu.vector_store %arg10[%swap3A_720, %swap3A_721], %mul3A_719 {strides = array<i32>} : memref<128x128xf32, #tpu.memory_space<vmem>>, vector<16xf32>,
          %broadcast_in_dim3A_723 = vector.broadcast %squeeze3A_686 : f32 to vector<16xf32>
          %swap3A_724 = arith.index_cast %add3A_690 : i32 to index
          %swap3A_725 = arith.constant 64 : index
          %swap3A_726 = tpu.vector_load %arg10[%swap3A_724, %swap3A_725] {strides = array<i32>} : memref<128x128xf32, #tpu.memory_space<vmem>>, vector<16xf32>,
          tpu.vector_store %arg10[%swap3A_724, %swap3A_725], %broadcast_in_dim3A_723 {strides = array<i32>} : memref<128x128xf32, #tpu.memory_space<vmem>>, vector<16xf32>,
          %slice3A_727 = vector.extract_strided_slice %exp3A {offsets = [14], sizes = [1], strides = [1]} : vector<16xf32> to vector<1xf32>
          %squeeze3A_728 = vector.extract %slice3A_727[0] : f32 from vector<1xf32>
          %mul3A_729 = arith.constant 16 : i32
          %mul3A_730 = arith.muli %add3A_125, %mul3A_729 : i32
          %add3A_731 = arith.constant 14 : i32
          %add3A_732 = arith.addi %mul3A_730, %add3A_731 : i32
          %get3A_733 = arith.index_cast %add3A_732 : i32 to index
          %get3A_734 = arith.constant 0 : index
          %get3A_735 = tpu.vector_load %arg10[%get3A_733, %get3A_734] {strides = array<i32>} : memref<128x128xf32, #tpu.memory_space<vmem>>, vector<16xf32>,
          %mul3A_736 = vector.broadcast %squeeze3A_728 : f32 to vector<16xf32>
          %mul3A_737 = arith.mulf %get3A_735, %mul3A_736 : vector<16xf32>
          %swap3A_738 = arith.index_cast %add3A_732 : i32 to index
          %swap3A_739 = arith.constant 0 : index
          %swap3A_740 = tpu.vector_load %arg10[%swap3A_738, %swap3A_739] {strides = array<i32>} : memref<128x128xf32, #tpu.memory_space<vmem>>, vector<16xf32>,
          tpu.vector_store %arg10[%swap3A_738, %swap3A_739], %mul3A_737 {strides = array<i32>} : memref<128x128xf32, #tpu.memory_space<vmem>>, vector<16xf32>,
          %get3A_741 = arith.index_cast %add3A_732 : i32 to index
          %get3A_742 = arith.constant 16 : index
          %get3A_743 = tpu.vector_load %arg10[%get3A_741, %get3A_742] {strides = array<i32>} : memref<128x128xf32, #tpu.memory_space<vmem>>, vector<16xf32>,
          %mul3A_744 = vector.broadcast %squeeze3A_728 : f32 to vector<16xf32>
          %mul3A_745 = arith.mulf %get3A_743, %mul3A_744 : vector<16xf32>
          %swap3A_746 = arith.index_cast %add3A_732 : i32 to index
          %swap3A_747 = arith.constant 16 : index
          %swap3A_748 = tpu.vector_load %arg10[%swap3A_746, %swap3A_747] {strides = array<i32>} : memref<128x128xf32, #tpu.memory_space<vmem>>, vector<16xf32>,
          tpu.vector_store %arg10[%swap3A_746, %swap3A_747], %mul3A_745 {strides = array<i32>} : memref<128x128xf32, #tpu.memory_space<vmem>>, vector<16xf32>,
          %get3A_749 = arith.index_cast %add3A_732 : i32 to index
          %get3A_750 = arith.constant 32 : index
          %get3A_751 = tpu.vector_load %arg10[%get3A_749, %get3A_750] {strides = array<i32>} : memref<128x128xf32, #tpu.memory_space<vmem>>, vector<16xf32>,
          %mul3A_752 = vector.broadcast %squeeze3A_728 : f32 to vector<16xf32>
          %mul3A_753 = arith.mulf %get3A_751, %mul3A_752 : vector<16xf32>
          %swap3A_754 = arith.index_cast %add3A_732 : i32 to index
          %swap3A_755 = arith.constant 32 : index
          %swap3A_756 = tpu.vector_load %arg10[%swap3A_754, %swap3A_755] {strides = array<i32>} : memref<128x128xf32, #tpu.memory_space<vmem>>, vector<16xf32>,
          tpu.vector_store %arg10[%swap3A_754, %swap3A_755], %mul3A_753 {strides = array<i32>} : memref<128x128xf32, #tpu.memory_space<vmem>>, vector<16xf32>,
          %get3A_757 = arith.index_cast %add3A_732 : i32 to index
          %get3A_758 = arith.constant 48 : index
          %get3A_759 = tpu.vector_load %arg10[%get3A_757, %get3A_758] {strides = array<i32>} : memref<128x128xf32, #tpu.memory_space<vmem>>, vector<16xf32>,
          %mul3A_760 = vector.broadcast %squeeze3A_728 : f32 to vector<16xf32>
          %mul3A_761 = arith.mulf %get3A_759, %mul3A_760 : vector<16xf32>
          %swap3A_762 = arith.index_cast %add3A_732 : i32 to index
          %swap3A_763 = arith.constant 48 : index
          %swap3A_764 = tpu.vector_load %arg10[%swap3A_762, %swap3A_763] {strides = array<i32>} : memref<128x128xf32, #tpu.memory_space<vmem>>, vector<16xf32>,
          tpu.vector_store %arg10[%swap3A_762, %swap3A_763], %mul3A_761 {strides = array<i32>} : memref<128x128xf32, #tpu.memory_space<vmem>>, vector<16xf32>,
          %broadcast_in_dim3A_765 = vector.broadcast %squeeze3A_728 : f32 to vector<16xf32>
          %swap3A_766 = arith.index_cast %add3A_732 : i32 to index
          %swap3A_767 = arith.constant 64 : index
          %swap3A_768 = tpu.vector_load %arg10[%swap3A_766, %swap3A_767] {strides = array<i32>} : memref<128x128xf32, #tpu.memory_space<vmem>>, vector<16xf32>,
          tpu.vector_store %arg10[%swap3A_766, %swap3A_767], %broadcast_in_dim3A_765 {strides = array<i32>} : memref<128x128xf32, #tpu.memory_space<vmem>>, vector<16xf32>,
          %slice3A_769 = vector.extract_strided_slice %exp3A {offsets = [15], sizes = [1], strides = [1]} : vector<16xf32> to vector<1xf32>
          %squeeze3A_770 = vector.extract %slice3A_769[0] : f32 from vector<1xf32>
          %mul3A_771 = arith.constant 16 : i32
          %mul3A_772 = arith.muli %add3A_125, %mul3A_771 : i32
          %add3A_773 = arith.constant 15 : i32
          %add3A_774 = arith.addi %mul3A_772, %add3A_773 : i32
          %get3A_775 = arith.index_cast %add3A_774 : i32 to index
          %get3A_776 = arith.constant 0 : index
          %get3A_777 = tpu.vector_load %arg10[%get3A_775, %get3A_776] {strides = array<i32>} : memref<128x128xf32, #tpu.memory_space<vmem>>, vector<16xf32>,
          %mul3A_778 = vector.broadcast %squeeze3A_770 : f32 to vector<16xf32>
          %mul3A_779 = arith.mulf %get3A_777, %mul3A_778 : vector<16xf32>
          %swap3A_780 = arith.index_cast %add3A_774 : i32 to index
          %swap3A_781 = arith.constant 0 : index
          %swap3A_782 = tpu.vector_load %arg10[%swap3A_780, %swap3A_781] {strides = array<i32>} : memref<128x128xf32, #tpu.memory_space<vmem>>, vector<16xf32>,
          tpu.vector_store %arg10[%swap3A_780, %swap3A_781], %mul3A_779 {strides = array<i32>} : memref<128x128xf32, #tpu.memory_space<vmem>>, vector<16xf32>,
          %get3A_783 = arith.index_cast %add3A_774 : i32 to index
          %get3A_784 = arith.constant 16 : index
          %get3A_785 = tpu.vector_load %arg10[%get3A_783, %get3A_784] {strides = array<i32>} : memref<128x128xf32, #tpu.memory_space<vmem>>, vector<16xf32>,
          %mul3A_786 = vector.broadcast %squeeze3A_770 : f32 to vector<16xf32>
          %mul3A_787 = arith.mulf %get3A_785, %mul3A_786 : vector<16xf32>
          %swap3A_788 = arith.index_cast %add3A_774 : i32 to index
          %swap3A_789 = arith.constant 16 : index
          %swap3A_790 = tpu.vector_load %arg10[%swap3A_788, %swap3A_789] {strides = array<i32>} : memref<128x128xf32, #tpu.memory_space<vmem>>, vector<16xf32>,
          tpu.vector_store %arg10[%swap3A_788, %swap3A_789], %mul3A_787 {strides = array<i32>} : memref<128x128xf32, #tpu.memory_space<vmem>>, vector<16xf32>,
          %get3A_791 = arith.index_cast %add3A_774 : i32 to index
          %get3A_792 = arith.constant 32 : index
          %get3A_793 = tpu.vector_load %arg10[%get3A_791, %get3A_792] {strides = array<i32>} : memref<128x128xf32, #tpu.memory_space<vmem>>, vector<16xf32>,
          %mul3A_794 = vector.broadcast %squeeze3A_770 : f32 to vector<16xf32>
          %mul3A_795 = arith.mulf %get3A_793, %mul3A_794 : vector<16xf32>
          %swap3A_796 = arith.index_cast %add3A_774 : i32 to index
          %swap3A_797 = arith.constant 32 : index
          %swap3A_798 = tpu.vector_load %arg10[%swap3A_796, %swap3A_797] {strides = array<i32>} : memref<128x128xf32, #tpu.memory_space<vmem>>, vector<16xf32>,
          tpu.vector_store %arg10[%swap3A_796, %swap3A_797], %mul3A_795 {strides = array<i32>} : memref<128x128xf32, #tpu.memory_space<vmem>>, vector<16xf32>,
          %get3A_799 = arith.index_cast %add3A_774 : i32 to index
          %get3A_800 = arith.constant 48 : index
          %get3A_801 = tpu.vector_load %arg10[%get3A_799, %get3A_800] {strides = array<i32>} : memref<128x128xf32, #tpu.memory_space<vmem>>, vector<16xf32>,
          %mul3A_802 = vector.broadcast %squeeze3A_770 : f32 to vector<16xf32>
          %mul3A_803 = arith.mulf %get3A_801, %mul3A_802 : vector<16xf32>
          %swap3A_804 = arith.index_cast %add3A_774 : i32 to index
          %swap3A_805 = arith.constant 48 : index
          %swap3A_806 = tpu.vector_load %arg10[%swap3A_804, %swap3A_805] {strides = array<i32>} : memref<128x128xf32, #tpu.memory_space<vmem>>, vector<16xf32>,
          tpu.vector_store %arg10[%swap3A_804, %swap3A_805], %mul3A_803 {strides = array<i32>} : memref<128x128xf32, #tpu.memory_space<vmem>>, vector<16xf32>,
          %broadcast_in_dim3A_807 = vector.broadcast %squeeze3A_770 : f32 to vector<16xf32>
          %swap3A_808 = arith.index_cast %add3A_774 : i32 to index
          %swap3A_809 = arith.constant 64 : index
          %swap3A_810 = tpu.vector_load %arg10[%swap3A_808, %swap3A_809] {strides = array<i32>} : memref<128x128xf32, #tpu.memory_space<vmem>>, vector<16xf32>,
          tpu.vector_store %arg10[%swap3A_808, %swap3A_809], %broadcast_in_dim3A_807 {strides = array<i32>} : memref<128x128xf32, #tpu.memory_space<vmem>>, vector<16xf32>,
        }
        %scan3A_89 = arith.constant 8 : i32
        "tpu.region"() ({
          %run_scoped3A_121 = tpu.sem_alloc : memref<!tpu.dma_semaphore, #tpu.memory_space<semaphore_mem>>
          %dma_start3A_122 = arith.constant 0 : i32
          %dma_start3A_123 = tpu.memref_slice %arg8[%mul3A_78, %dma_start3A_122] : memref<16x128xi32, #tpu.memory_space<vmem>> -> memref<1x128xi32, #tpu.memory_space<vmem>>
          %dma_start3A_124 = tpu.memref_squeeze %dma_start3A_123 : memref<1x128xi32, #tpu.memory_space<vmem>> -> memref<128xi32, #tpu.memory_space<vmem>>
          %dma_start3A_125 = arith.constant 0 : i32
          %dma_start3A_126 = arith.constant 0 : i32
          %dma_start3A_127 = tpu.memref_slice %arg12[%dma_start3A_125, %dma_start3A_126] : memref<10240x128xf32, #tpu.memory_space<vmem_shared>> -> memref<10240x128xf32, #tpu.memory_space<vmem_shared>>
          tpu.enqueue_indirect_dma source(%arg10 : memref<128x128xf32, #tpu.memory_space<vmem>>) target(%dma_start3A_127 : memref<10240x128xf32, #tpu.memory_space<vmem_shared>>) offsets(%dma_start3A_124 : memref<128xi32, #tpu.memory_space<vmem>>) semaphore(%run_scoped3A_121 : memref<!tpu.dma_semaphore, #tpu.memory_space<semaphore_mem>>) {add = true}
          %dma_wait3A_128 = arith.constant 0 : i32
          %dma_wait3A_129 = tpu.memref_slice %arg8[%mul3A_78, %dma_wait3A_128] : memref<16x128xi32, #tpu.memory_space<vmem>> -> memref<1x128xi32, #tpu.memory_space<vmem>>
          %dma_wait3A_130 = tpu.memref_squeeze %dma_wait3A_129 : memref<1x128xi32, #tpu.memory_space<vmem>> -> memref<128xi32, #tpu.memory_space<vmem>>
          %dma_wait3A_131 = arith.constant 0 : i32
          %dma_wait3A_132 = arith.constant 0 : i32
          %dma_wait3A_133 = tpu.memref_slice %arg12[%dma_wait3A_131, %dma_wait3A_132] : memref<10240x128xf32, #tpu.memory_space<vmem_shared>> -> memref<10240x128xf32, #tpu.memory_space<vmem_shared>>
          tpu.wait_indirect_dma semaphore(%run_scoped3A_121 : memref<!tpu.dma_semaphore, #tpu.memory_space<semaphore_mem>>) src(%arg10 : memref<128x128xf32, #tpu.memory_space<vmem>>) dst(%dma_wait3A_133 : memref<10240x128xf32, #tpu.memory_space<vmem_shared>>)
          tpu.yield
        }) : () -> ()
        %add3A_90 = arith.constant 2 : i32
        %add3A_91 = arith.addi %mul3A_78, %add3A_90 : i32
        %dma_start3A_92 = arith.constant 0 : i32
        %dma_start3A_93 = tpu.memref_slice %arg7[%add3A_91, %dma_start3A_92] : memref<16x128xi32, #tpu.memory_space<vmem>> -> memref<1x128xi32, #tpu.memory_space<vmem>>
        %dma_start3A_94 = tpu.memref_squeeze %dma_start3A_93 : memref<1x128xi32, #tpu.memory_space<vmem>> -> memref<128xi32, #tpu.memory_space<vmem>>
        %dma_start3A_95 = arith.constant 0 : i32
        %dma_start3A_96 = arith.constant 0 : i32
        %dma_start3A_97 = tpu.memref_slice %arg2[%dma_start3A_95, %dma_start3A_96] : memref<10240x128xf32, #tpu.memory_space<hbm>> -> memref<10240x128xf32, #tpu.memory_space<hbm>>
        tpu.enqueue_indirect_dma source(%dma_start3A_97 : memref<10240x128xf32, #tpu.memory_space<hbm>>) target(%arg10 : memref<128x128xf32, #tpu.memory_space<vmem>>) offsets(%dma_start3A_94 : memref<128xi32, #tpu.memory_space<vmem>>) semaphore(%arg13 : memref<!tpu.dma_semaphore, #tpu.memory_space<semaphore_mem>>)
        %mul3A_98 = arith.constant 2 : i32
        %mul3A_99 = arith.muli %add3A_76, %mul3A_98 : i32
        %add3A_100 = arith.constant 1 : i32
        %add3A_101 = arith.addi %mul3A_99, %add3A_100 : i32
        %dma_wait3A_102 = arith.constant 0 : i32
        %dma_wait3A_103 = tpu.memref_slice %arg7[%add3A_101, %dma_wait3A_102] : memref<16x128xi32, #tpu.memory_space<vmem>> -> memref<1x128xi32, #tpu.memory_space<vmem>>
        %dma_wait3A_104 = tpu.memref_squeeze %dma_wait3A_103 : memref<1x128xi32, #tpu.memory_space<vmem>> -> memref<128xi32, #tpu.memory_space<vmem>>
        %dma_wait3A_105 = arith.constant 0 : i32
        %dma_wait3A_106 = arith.constant 0 : i32
        %dma_wait3A_107 = tpu.memref_slice %arg2[%dma_wait3A_105, %dma_wait3A_106] : memref<10240x128xf32, #tpu.memory_space<hbm>> -> memref<10240x128xf32, #tpu.memory_space<hbm>>
        tpu.wait_indirect_dma semaphore(%arg14 : memref<!tpu.dma_semaphore, #tpu.memory_space<semaphore_mem>>) src(%dma_wait3A_107 : memref<10240x128xf32, #tpu.memory_space<hbm>>) dst(%arg11 : memref<128x128xf32, #tpu.memory_space<vmem>>)
        %scan3A_108 = arith.constant 0 : i32
        %scan3A_109 = arith.constant 8 : i32
        %scan3A_110 = arith.addi %scan3A_108, %scan3A_109 : i32
        %scan3A_111 = arith.constant 1 : i32
        scf.for %scan3A_121 = %scan3A_108 to %scan3A_110 step %scan3A_111  : i32 {
          %mul3A_122 = arith.constant 1 : i32
          %mul3A_123 = arith.muli %scan3A_121, %mul3A_122 : i32
          %add3A_124 = arith.constant 0 : i32
          %add3A_125 = arith.addi %add3A_124, %mul3A_123 : i32
          %mul3A_126 = arith.constant 16 : i32
          %mul3A_127 = arith.muli %add3A_125, %mul3A_126 : i32
          %get3A = arith.index_cast %add3A_101 : i32 to index
          %get3A_128 = arith.index_cast %mul3A_127 : i32 to index
          %get3A_129 = tpu.vector_load %arg8[%get3A, %get3A_128] {strides = array<i32>} : memref<16x128xi32, #tpu.memory_space<vmem>>, vector<16xi32>,
          %iota3A = tpu.iota {dimensions = array<i32: 0>} : vector<16xi32>
          %mul3A_130 = arith.constant 16 : i32
          %mul3A_131 = arith.muli %add3A_125, %mul3A_130 : i32
          %add3A_132 = vector.broadcast %mul3A_131 : i32 to vector<16xi32>
          %add3A_133 = arith.addi %iota3A, %add3A_132 : vector<16xi32>
          %broadcast_in_dim3A = arith.constant 65 : i32
          %broadcast_in_dim3A_134 = vector.broadcast %broadcast_in_dim3A : i32 to vector<16xi32>
          %gather3A = tpu.vector_load_idx %arg11[%add3A_133, %broadcast_in_dim3A_134] : memref<128x128xf32, #tpu.memory_space<vmem>>[vector<16xi32>, vector<16xi32>], vector<16xf32>,
          %gather3A_135 = tpu.vector_load_idx %arg9[%get3A_129] : memref<10240xf32, #tpu.memory_space<vmem>>[vector<16xi32>], vector<16xf32>,
          %add3A_136 = arith.addf %gather3A, %gather3A_135 : vector<16xf32>
          %ge3A = arith.constant 0.000000e+00 : f32
          %ge3A_137 = vector.broadcast %ge3A : f32 to vector<16xf32>
          %ge3A_138 = arith.cmpf oge, %add3A_136, %ge3A_137 : vector<16xf32>
          %mul3A_139 = arith.constant 2.000000e-01 : f32
          %mul3A_140 = vector.broadcast %mul3A_139 : f32 to vector<16xf32>
          %mul3A_141 = arith.mulf %mul3A_140, %add3A_136 : vector<16xf32>
          %select_n3A = arith.select %ge3A_138, %add3A_136, %mul3A_141 : vector<16xi1>, vector<16xf32>
          %exp3A = math.exp %select_n3A : vector<16xf32>
          %slice3A = vector.extract_strided_slice %exp3A {offsets = [0], sizes = [1], strides = [1]} : vector<16xf32> to vector<1xf32>
          %squeeze3A = vector.extract %slice3A[0] : f32 from vector<1xf32>
          %mul3A_142 = arith.constant 16 : i32
          %mul3A_143 = arith.muli %add3A_125, %mul3A_142 : i32
          %add3A_144 = arith.constant 0 : i32
          %add3A_145 = arith.addi %mul3A_143, %add3A_144 : i32
          %get3A_146 = arith.index_cast %add3A_145 : i32 to index
          %get3A_147 = arith.constant 0 : index
          %get3A_148 = tpu.vector_load %arg11[%get3A_146, %get3A_147] {strides = array<i32>} : memref<128x128xf32, #tpu.memory_space<vmem>>, vector<16xf32>,
          %mul3A_149 = vector.broadcast %squeeze3A : f32 to vector<16xf32>
          %mul3A_150 = arith.mulf %get3A_148, %mul3A_149 : vector<16xf32>
          %swap3A = arith.index_cast %add3A_145 : i32 to index
          %swap3A_151 = arith.constant 0 : index
          %swap3A_152 = tpu.vector_load %arg11[%swap3A, %swap3A_151] {strides = array<i32>} : memref<128x128xf32, #tpu.memory_space<vmem>>, vector<16xf32>,
          tpu.vector_store %arg11[%swap3A, %swap3A_151], %mul3A_150 {strides = array<i32>} : memref<128x128xf32, #tpu.memory_space<vmem>>, vector<16xf32>,
          %get3A_153 = arith.index_cast %add3A_145 : i32 to index
          %get3A_154 = arith.constant 16 : index
          %get3A_155 = tpu.vector_load %arg11[%get3A_153, %get3A_154] {strides = array<i32>} : memref<128x128xf32, #tpu.memory_space<vmem>>, vector<16xf32>,
          %mul3A_156 = vector.broadcast %squeeze3A : f32 to vector<16xf32>
          %mul3A_157 = arith.mulf %get3A_155, %mul3A_156 : vector<16xf32>
          %swap3A_158 = arith.index_cast %add3A_145 : i32 to index
          %swap3A_159 = arith.constant 16 : index
          %swap3A_160 = tpu.vector_load %arg11[%swap3A_158, %swap3A_159] {strides = array<i32>} : memref<128x128xf32, #tpu.memory_space<vmem>>, vector<16xf32>,
          tpu.vector_store %arg11[%swap3A_158, %swap3A_159], %mul3A_157 {strides = array<i32>} : memref<128x128xf32, #tpu.memory_space<vmem>>, vector<16xf32>,
          %get3A_161 = arith.index_cast %add3A_145 : i32 to index
          %get3A_162 = arith.constant 32 : index
          %get3A_163 = tpu.vector_load %arg11[%get3A_161, %get3A_162] {strides = array<i32>} : memref<128x128xf32, #tpu.memory_space<vmem>>, vector<16xf32>,
          %mul3A_164 = vector.broadcast %squeeze3A : f32 to vector<16xf32>
          %mul3A_165 = arith.mulf %get3A_163, %mul3A_164 : vector<16xf32>
          %swap3A_166 = arith.index_cast %add3A_145 : i32 to index
          %swap3A_167 = arith.constant 32 : index
          %swap3A_168 = tpu.vector_load %arg11[%swap3A_166, %swap3A_167] {strides = array<i32>} : memref<128x128xf32, #tpu.memory_space<vmem>>, vector<16xf32>,
          tpu.vector_store %arg11[%swap3A_166, %swap3A_167], %mul3A_165 {strides = array<i32>} : memref<128x128xf32, #tpu.memory_space<vmem>>, vector<16xf32>,
          %get3A_169 = arith.index_cast %add3A_145 : i32 to index
          %get3A_170 = arith.constant 48 : index
          %get3A_171 = tpu.vector_load %arg11[%get3A_169, %get3A_170] {strides = array<i32>} : memref<128x128xf32, #tpu.memory_space<vmem>>, vector<16xf32>,
          %mul3A_172 = vector.broadcast %squeeze3A : f32 to vector<16xf32>
          %mul3A_173 = arith.mulf %get3A_171, %mul3A_172 : vector<16xf32>
          %swap3A_174 = arith.index_cast %add3A_145 : i32 to index
          %swap3A_175 = arith.constant 48 : index
          %swap3A_176 = tpu.vector_load %arg11[%swap3A_174, %swap3A_175] {strides = array<i32>} : memref<128x128xf32, #tpu.memory_space<vmem>>, vector<16xf32>,
          tpu.vector_store %arg11[%swap3A_174, %swap3A_175], %mul3A_173 {strides = array<i32>} : memref<128x128xf32, #tpu.memory_space<vmem>>, vector<16xf32>,
          %broadcast_in_dim3A_177 = vector.broadcast %squeeze3A : f32 to vector<16xf32>
          %swap3A_178 = arith.index_cast %add3A_145 : i32 to index
          %swap3A_179 = arith.constant 64 : index
          %swap3A_180 = tpu.vector_load %arg11[%swap3A_178, %swap3A_179] {strides = array<i32>} : memref<128x128xf32, #tpu.memory_space<vmem>>, vector<16xf32>,
          tpu.vector_store %arg11[%swap3A_178, %swap3A_179], %broadcast_in_dim3A_177 {strides = array<i32>} : memref<128x128xf32, #tpu.memory_space<vmem>>, vector<16xf32>,
          %slice3A_181 = vector.extract_strided_slice %exp3A {offsets = [1], sizes = [1], strides = [1]} : vector<16xf32> to vector<1xf32>
          %squeeze3A_182 = vector.extract %slice3A_181[0] : f32 from vector<1xf32>
          %mul3A_183 = arith.constant 16 : i32
          %mul3A_184 = arith.muli %add3A_125, %mul3A_183 : i32
          %add3A_185 = arith.constant 1 : i32
          %add3A_186 = arith.addi %mul3A_184, %add3A_185 : i32
          %get3A_187 = arith.index_cast %add3A_186 : i32 to index
          %get3A_188 = arith.constant 0 : index
          %get3A_189 = tpu.vector_load %arg11[%get3A_187, %get3A_188] {strides = array<i32>} : memref<128x128xf32, #tpu.memory_space<vmem>>, vector<16xf32>,
          %mul3A_190 = vector.broadcast %squeeze3A_182 : f32 to vector<16xf32>
          %mul3A_191 = arith.mulf %get3A_189, %mul3A_190 : vector<16xf32>
          %swap3A_192 = arith.index_cast %add3A_186 : i32 to index
          %swap3A_193 = arith.constant 0 : index
          %swap3A_194 = tpu.vector_load %arg11[%swap3A_192, %swap3A_193] {strides = array<i32>} : memref<128x128xf32, #tpu.memory_space<vmem>>, vector<16xf32>,
          tpu.vector_store %arg11[%swap3A_192, %swap3A_193], %mul3A_191 {strides = array<i32>} : memref<128x128xf32, #tpu.memory_space<vmem>>, vector<16xf32>,
          %get3A_195 = arith.index_cast %add3A_186 : i32 to index
          %get3A_196 = arith.constant 16 : index
          %get3A_197 = tpu.vector_load %arg11[%get3A_195, %get3A_196] {strides = array<i32>} : memref<128x128xf32, #tpu.memory_space<vmem>>, vector<16xf32>,
          %mul3A_198 = vector.broadcast %squeeze3A_182 : f32 to vector<16xf32>
          %mul3A_199 = arith.mulf %get3A_197, %mul3A_198 : vector<16xf32>
          %swap3A_200 = arith.index_cast %add3A_186 : i32 to index
          %swap3A_201 = arith.constant 16 : index
          %swap3A_202 = tpu.vector_load %arg11[%swap3A_200, %swap3A_201] {strides = array<i32>} : memref<128x128xf32, #tpu.memory_space<vmem>>, vector<16xf32>,
          tpu.vector_store %arg11[%swap3A_200, %swap3A_201], %mul3A_199 {strides = array<i32>} : memref<128x128xf32, #tpu.memory_space<vmem>>, vector<16xf32>,
          %get3A_203 = arith.index_cast %add3A_186 : i32 to index
          %get3A_204 = arith.constant 32 : index
          %get3A_205 = tpu.vector_load %arg11[%get3A_203, %get3A_204] {strides = array<i32>} : memref<128x128xf32, #tpu.memory_space<vmem>>, vector<16xf32>,
          %mul3A_206 = vector.broadcast %squeeze3A_182 : f32 to vector<16xf32>
          %mul3A_207 = arith.mulf %get3A_205, %mul3A_206 : vector<16xf32>
          %swap3A_208 = arith.index_cast %add3A_186 : i32 to index
          %swap3A_209 = arith.constant 32 : index
          %swap3A_210 = tpu.vector_load %arg11[%swap3A_208, %swap3A_209] {strides = array<i32>} : memref<128x128xf32, #tpu.memory_space<vmem>>, vector<16xf32>,
          tpu.vector_store %arg11[%swap3A_208, %swap3A_209], %mul3A_207 {strides = array<i32>} : memref<128x128xf32, #tpu.memory_space<vmem>>, vector<16xf32>,
          %get3A_211 = arith.index_cast %add3A_186 : i32 to index
          %get3A_212 = arith.constant 48 : index
          %get3A_213 = tpu.vector_load %arg11[%get3A_211, %get3A_212] {strides = array<i32>} : memref<128x128xf32, #tpu.memory_space<vmem>>, vector<16xf32>,
          %mul3A_214 = vector.broadcast %squeeze3A_182 : f32 to vector<16xf32>
          %mul3A_215 = arith.mulf %get3A_213, %mul3A_214 : vector<16xf32>
          %swap3A_216 = arith.index_cast %add3A_186 : i32 to index
          %swap3A_217 = arith.constant 48 : index
          %swap3A_218 = tpu.vector_load %arg11[%swap3A_216, %swap3A_217] {strides = array<i32>} : memref<128x128xf32, #tpu.memory_space<vmem>>, vector<16xf32>,
          tpu.vector_store %arg11[%swap3A_216, %swap3A_217], %mul3A_215 {strides = array<i32>} : memref<128x128xf32, #tpu.memory_space<vmem>>, vector<16xf32>,
          %broadcast_in_dim3A_219 = vector.broadcast %squeeze3A_182 : f32 to vector<16xf32>
          %swap3A_220 = arith.index_cast %add3A_186 : i32 to index
          %swap3A_221 = arith.constant 64 : index
          %swap3A_222 = tpu.vector_load %arg11[%swap3A_220, %swap3A_221] {strides = array<i32>} : memref<128x128xf32, #tpu.memory_space<vmem>>, vector<16xf32>,
          tpu.vector_store %arg11[%swap3A_220, %swap3A_221], %broadcast_in_dim3A_219 {strides = array<i32>} : memref<128x128xf32, #tpu.memory_space<vmem>>, vector<16xf32>,
          %slice3A_223 = vector.extract_strided_slice %exp3A {offsets = [2], sizes = [1], strides = [1]} : vector<16xf32> to vector<1xf32>
          %squeeze3A_224 = vector.extract %slice3A_223[0] : f32 from vector<1xf32>
          %mul3A_225 = arith.constant 16 : i32
          %mul3A_226 = arith.muli %add3A_125, %mul3A_225 : i32
          %add3A_227 = arith.constant 2 : i32
          %add3A_228 = arith.addi %mul3A_226, %add3A_227 : i32
          %get3A_229 = arith.index_cast %add3A_228 : i32 to index
          %get3A_230 = arith.constant 0 : index
          %get3A_231 = tpu.vector_load %arg11[%get3A_229, %get3A_230] {strides = array<i32>} : memref<128x128xf32, #tpu.memory_space<vmem>>, vector<16xf32>,
          %mul3A_232 = vector.broadcast %squeeze3A_224 : f32 to vector<16xf32>
          %mul3A_233 = arith.mulf %get3A_231, %mul3A_232 : vector<16xf32>
          %swap3A_234 = arith.index_cast %add3A_228 : i32 to index
          %swap3A_235 = arith.constant 0 : index
          %swap3A_236 = tpu.vector_load %arg11[%swap3A_234, %swap3A_235] {strides = array<i32>} : memref<128x128xf32, #tpu.memory_space<vmem>>, vector<16xf32>,
          tpu.vector_store %arg11[%swap3A_234, %swap3A_235], %mul3A_233 {strides = array<i32>} : memref<128x128xf32, #tpu.memory_space<vmem>>, vector<16xf32>,
          %get3A_237 = arith.index_cast %add3A_228 : i32 to index
          %get3A_238 = arith.constant 16 : index
          %get3A_239 = tpu.vector_load %arg11[%get3A_237, %get3A_238] {strides = array<i32>} : memref<128x128xf32, #tpu.memory_space<vmem>>, vector<16xf32>,
          %mul3A_240 = vector.broadcast %squeeze3A_224 : f32 to vector<16xf32>
          %mul3A_241 = arith.mulf %get3A_239, %mul3A_240 : vector<16xf32>
          %swap3A_242 = arith.index_cast %add3A_228 : i32 to index
          %swap3A_243 = arith.constant 16 : index
          %swap3A_244 = tpu.vector_load %arg11[%swap3A_242, %swap3A_243] {strides = array<i32>} : memref<128x128xf32, #tpu.memory_space<vmem>>, vector<16xf32>,
          tpu.vector_store %arg11[%swap3A_242, %swap3A_243], %mul3A_241 {strides = array<i32>} : memref<128x128xf32, #tpu.memory_space<vmem>>, vector<16xf32>,
          %get3A_245 = arith.index_cast %add3A_228 : i32 to index
          %get3A_246 = arith.constant 32 : index
          %get3A_247 = tpu.vector_load %arg11[%get3A_245, %get3A_246] {strides = array<i32>} : memref<128x128xf32, #tpu.memory_space<vmem>>, vector<16xf32>,
          %mul3A_248 = vector.broadcast %squeeze3A_224 : f32 to vector<16xf32>
          %mul3A_249 = arith.mulf %get3A_247, %mul3A_248 : vector<16xf32>
          %swap3A_250 = arith.index_cast %add3A_228 : i32 to index
          %swap3A_251 = arith.constant 32 : index
          %swap3A_252 = tpu.vector_load %arg11[%swap3A_250, %swap3A_251] {strides = array<i32>} : memref<128x128xf32, #tpu.memory_space<vmem>>, vector<16xf32>,
          tpu.vector_store %arg11[%swap3A_250, %swap3A_251], %mul3A_249 {strides = array<i32>} : memref<128x128xf32, #tpu.memory_space<vmem>>, vector<16xf32>,
          %get3A_253 = arith.index_cast %add3A_228 : i32 to index
          %get3A_254 = arith.constant 48 : index
          %get3A_255 = tpu.vector_load %arg11[%get3A_253, %get3A_254] {strides = array<i32>} : memref<128x128xf32, #tpu.memory_space<vmem>>, vector<16xf32>,
          %mul3A_256 = vector.broadcast %squeeze3A_224 : f32 to vector<16xf32>
          %mul3A_257 = arith.mulf %get3A_255, %mul3A_256 : vector<16xf32>
          %swap3A_258 = arith.index_cast %add3A_228 : i32 to index
          %swap3A_259 = arith.constant 48 : index
          %swap3A_260 = tpu.vector_load %arg11[%swap3A_258, %swap3A_259] {strides = array<i32>} : memref<128x128xf32, #tpu.memory_space<vmem>>, vector<16xf32>,
          tpu.vector_store %arg11[%swap3A_258, %swap3A_259], %mul3A_257 {strides = array<i32>} : memref<128x128xf32, #tpu.memory_space<vmem>>, vector<16xf32>,
          %broadcast_in_dim3A_261 = vector.broadcast %squeeze3A_224 : f32 to vector<16xf32>
          %swap3A_262 = arith.index_cast %add3A_228 : i32 to index
          %swap3A_263 = arith.constant 64 : index
          %swap3A_264 = tpu.vector_load %arg11[%swap3A_262, %swap3A_263] {strides = array<i32>} : memref<128x128xf32, #tpu.memory_space<vmem>>, vector<16xf32>,
          tpu.vector_store %arg11[%swap3A_262, %swap3A_263], %broadcast_in_dim3A_261 {strides = array<i32>} : memref<128x128xf32, #tpu.memory_space<vmem>>, vector<16xf32>,
          %slice3A_265 = vector.extract_strided_slice %exp3A {offsets = [3], sizes = [1], strides = [1]} : vector<16xf32> to vector<1xf32>
          %squeeze3A_266 = vector.extract %slice3A_265[0] : f32 from vector<1xf32>
          %mul3A_267 = arith.constant 16 : i32
          %mul3A_268 = arith.muli %add3A_125, %mul3A_267 : i32
          %add3A_269 = arith.constant 3 : i32
          %add3A_270 = arith.addi %mul3A_268, %add3A_269 : i32
          %get3A_271 = arith.index_cast %add3A_270 : i32 to index
          %get3A_272 = arith.constant 0 : index
          %get3A_273 = tpu.vector_load %arg11[%get3A_271, %get3A_272] {strides = array<i32>} : memref<128x128xf32, #tpu.memory_space<vmem>>, vector<16xf32>,
          %mul3A_274 = vector.broadcast %squeeze3A_266 : f32 to vector<16xf32>
          %mul3A_275 = arith.mulf %get3A_273, %mul3A_274 : vector<16xf32>
          %swap3A_276 = arith.index_cast %add3A_270 : i32 to index
          %swap3A_277 = arith.constant 0 : index
          %swap3A_278 = tpu.vector_load %arg11[%swap3A_276, %swap3A_277] {strides = array<i32>} : memref<128x128xf32, #tpu.memory_space<vmem>>, vector<16xf32>,
          tpu.vector_store %arg11[%swap3A_276, %swap3A_277], %mul3A_275 {strides = array<i32>} : memref<128x128xf32, #tpu.memory_space<vmem>>, vector<16xf32>,
          %get3A_279 = arith.index_cast %add3A_270 : i32 to index
          %get3A_280 = arith.constant 16 : index
          %get3A_281 = tpu.vector_load %arg11[%get3A_279, %get3A_280] {strides = array<i32>} : memref<128x128xf32, #tpu.memory_space<vmem>>, vector<16xf32>,
          %mul3A_282 = vector.broadcast %squeeze3A_266 : f32 to vector<16xf32>
          %mul3A_283 = arith.mulf %get3A_281, %mul3A_282 : vector<16xf32>
          %swap3A_284 = arith.index_cast %add3A_270 : i32 to index
          %swap3A_285 = arith.constant 16 : index
          %swap3A_286 = tpu.vector_load %arg11[%swap3A_284, %swap3A_285] {strides = array<i32>} : memref<128x128xf32, #tpu.memory_space<vmem>>, vector<16xf32>,
          tpu.vector_store %arg11[%swap3A_284, %swap3A_285], %mul3A_283 {strides = array<i32>} : memref<128x128xf32, #tpu.memory_space<vmem>>, vector<16xf32>,
          %get3A_287 = arith.index_cast %add3A_270 : i32 to index
          %get3A_288 = arith.constant 32 : index
          %get3A_289 = tpu.vector_load %arg11[%get3A_287, %get3A_288] {strides = array<i32>} : memref<128x128xf32, #tpu.memory_space<vmem>>, vector<16xf32>,
          %mul3A_290 = vector.broadcast %squeeze3A_266 : f32 to vector<16xf32>
          %mul3A_291 = arith.mulf %get3A_289, %mul3A_290 : vector<16xf32>
          %swap3A_292 = arith.index_cast %add3A_270 : i32 to index
          %swap3A_293 = arith.constant 32 : index
          %swap3A_294 = tpu.vector_load %arg11[%swap3A_292, %swap3A_293] {strides = array<i32>} : memref<128x128xf32, #tpu.memory_space<vmem>>, vector<16xf32>,
          tpu.vector_store %arg11[%swap3A_292, %swap3A_293], %mul3A_291 {strides = array<i32>} : memref<128x128xf32, #tpu.memory_space<vmem>>, vector<16xf32>,
          %get3A_295 = arith.index_cast %add3A_270 : i32 to index
          %get3A_296 = arith.constant 48 : index
          %get3A_297 = tpu.vector_load %arg11[%get3A_295, %get3A_296] {strides = array<i32>} : memref<128x128xf32, #tpu.memory_space<vmem>>, vector<16xf32>,
          %mul3A_298 = vector.broadcast %squeeze3A_266 : f32 to vector<16xf32>
          %mul3A_299 = arith.mulf %get3A_297, %mul3A_298 : vector<16xf32>
          %swap3A_300 = arith.index_cast %add3A_270 : i32 to index
          %swap3A_301 = arith.constant 48 : index
          %swap3A_302 = tpu.vector_load %arg11[%swap3A_300, %swap3A_301] {strides = array<i32>} : memref<128x128xf32, #tpu.memory_space<vmem>>, vector<16xf32>,
          tpu.vector_store %arg11[%swap3A_300, %swap3A_301], %mul3A_299 {strides = array<i32>} : memref<128x128xf32, #tpu.memory_space<vmem>>, vector<16xf32>,
          %broadcast_in_dim3A_303 = vector.broadcast %squeeze3A_266 : f32 to vector<16xf32>
          %swap3A_304 = arith.index_cast %add3A_270 : i32 to index
          %swap3A_305 = arith.constant 64 : index
          %swap3A_306 = tpu.vector_load %arg11[%swap3A_304, %swap3A_305] {strides = array<i32>} : memref<128x128xf32, #tpu.memory_space<vmem>>, vector<16xf32>,
          tpu.vector_store %arg11[%swap3A_304, %swap3A_305], %broadcast_in_dim3A_303 {strides = array<i32>} : memref<128x128xf32, #tpu.memory_space<vmem>>, vector<16xf32>,
          %slice3A_307 = vector.extract_strided_slice %exp3A {offsets = [4], sizes = [1], strides = [1]} : vector<16xf32> to vector<1xf32>
          %squeeze3A_308 = vector.extract %slice3A_307[0] : f32 from vector<1xf32>
          %mul3A_309 = arith.constant 16 : i32
          %mul3A_310 = arith.muli %add3A_125, %mul3A_309 : i32
          %add3A_311 = arith.constant 4 : i32
          %add3A_312 = arith.addi %mul3A_310, %add3A_311 : i32
          %get3A_313 = arith.index_cast %add3A_312 : i32 to index
          %get3A_314 = arith.constant 0 : index
          %get3A_315 = tpu.vector_load %arg11[%get3A_313, %get3A_314] {strides = array<i32>} : memref<128x128xf32, #tpu.memory_space<vmem>>, vector<16xf32>,
          %mul3A_316 = vector.broadcast %squeeze3A_308 : f32 to vector<16xf32>
          %mul3A_317 = arith.mulf %get3A_315, %mul3A_316 : vector<16xf32>
          %swap3A_318 = arith.index_cast %add3A_312 : i32 to index
          %swap3A_319 = arith.constant 0 : index
          %swap3A_320 = tpu.vector_load %arg11[%swap3A_318, %swap3A_319] {strides = array<i32>} : memref<128x128xf32, #tpu.memory_space<vmem>>, vector<16xf32>,
          tpu.vector_store %arg11[%swap3A_318, %swap3A_319], %mul3A_317 {strides = array<i32>} : memref<128x128xf32, #tpu.memory_space<vmem>>, vector<16xf32>,
          %get3A_321 = arith.index_cast %add3A_312 : i32 to index
          %get3A_322 = arith.constant 16 : index
          %get3A_323 = tpu.vector_load %arg11[%get3A_321, %get3A_322] {strides = array<i32>} : memref<128x128xf32, #tpu.memory_space<vmem>>, vector<16xf32>,
          %mul3A_324 = vector.broadcast %squeeze3A_308 : f32 to vector<16xf32>
          %mul3A_325 = arith.mulf %get3A_323, %mul3A_324 : vector<16xf32>
          %swap3A_326 = arith.index_cast %add3A_312 : i32 to index
          %swap3A_327 = arith.constant 16 : index
          %swap3A_328 = tpu.vector_load %arg11[%swap3A_326, %swap3A_327] {strides = array<i32>} : memref<128x128xf32, #tpu.memory_space<vmem>>, vector<16xf32>,
          tpu.vector_store %arg11[%swap3A_326, %swap3A_327], %mul3A_325 {strides = array<i32>} : memref<128x128xf32, #tpu.memory_space<vmem>>, vector<16xf32>,
          %get3A_329 = arith.index_cast %add3A_312 : i32 to index
          %get3A_330 = arith.constant 32 : index
          %get3A_331 = tpu.vector_load %arg11[%get3A_329, %get3A_330] {strides = array<i32>} : memref<128x128xf32, #tpu.memory_space<vmem>>, vector<16xf32>,
          %mul3A_332 = vector.broadcast %squeeze3A_308 : f32 to vector<16xf32>
          %mul3A_333 = arith.mulf %get3A_331, %mul3A_332 : vector<16xf32>
          %swap3A_334 = arith.index_cast %add3A_312 : i32 to index
          %swap3A_335 = arith.constant 32 : index
          %swap3A_336 = tpu.vector_load %arg11[%swap3A_334, %swap3A_335] {strides = array<i32>} : memref<128x128xf32, #tpu.memory_space<vmem>>, vector<16xf32>,
          tpu.vector_store %arg11[%swap3A_334, %swap3A_335], %mul3A_333 {strides = array<i32>} : memref<128x128xf32, #tpu.memory_space<vmem>>, vector<16xf32>,
          %get3A_337 = arith.index_cast %add3A_312 : i32 to index
          %get3A_338 = arith.constant 48 : index
          %get3A_339 = tpu.vector_load %arg11[%get3A_337, %get3A_338] {strides = array<i32>} : memref<128x128xf32, #tpu.memory_space<vmem>>, vector<16xf32>,
          %mul3A_340 = vector.broadcast %squeeze3A_308 : f32 to vector<16xf32>
          %mul3A_341 = arith.mulf %get3A_339, %mul3A_340 : vector<16xf32>
          %swap3A_342 = arith.index_cast %add3A_312 : i32 to index
          %swap3A_343 = arith.constant 48 : index
          %swap3A_344 = tpu.vector_load %arg11[%swap3A_342, %swap3A_343] {strides = array<i32>} : memref<128x128xf32, #tpu.memory_space<vmem>>, vector<16xf32>,
          tpu.vector_store %arg11[%swap3A_342, %swap3A_343], %mul3A_341 {strides = array<i32>} : memref<128x128xf32, #tpu.memory_space<vmem>>, vector<16xf32>,
          %broadcast_in_dim3A_345 = vector.broadcast %squeeze3A_308 : f32 to vector<16xf32>
          %swap3A_346 = arith.index_cast %add3A_312 : i32 to index
          %swap3A_347 = arith.constant 64 : index
          %swap3A_348 = tpu.vector_load %arg11[%swap3A_346, %swap3A_347] {strides = array<i32>} : memref<128x128xf32, #tpu.memory_space<vmem>>, vector<16xf32>,
          tpu.vector_store %arg11[%swap3A_346, %swap3A_347], %broadcast_in_dim3A_345 {strides = array<i32>} : memref<128x128xf32, #tpu.memory_space<vmem>>, vector<16xf32>,
          %slice3A_349 = vector.extract_strided_slice %exp3A {offsets = [5], sizes = [1], strides = [1]} : vector<16xf32> to vector<1xf32>
          %squeeze3A_350 = vector.extract %slice3A_349[0] : f32 from vector<1xf32>
          %mul3A_351 = arith.constant 16 : i32
          %mul3A_352 = arith.muli %add3A_125, %mul3A_351 : i32
          %add3A_353 = arith.constant 5 : i32
          %add3A_354 = arith.addi %mul3A_352, %add3A_353 : i32
          %get3A_355 = arith.index_cast %add3A_354 : i32 to index
          %get3A_356 = arith.constant 0 : index
          %get3A_357 = tpu.vector_load %arg11[%get3A_355, %get3A_356] {strides = array<i32>} : memref<128x128xf32, #tpu.memory_space<vmem>>, vector<16xf32>,
          %mul3A_358 = vector.broadcast %squeeze3A_350 : f32 to vector<16xf32>
          %mul3A_359 = arith.mulf %get3A_357, %mul3A_358 : vector<16xf32>
          %swap3A_360 = arith.index_cast %add3A_354 : i32 to index
          %swap3A_361 = arith.constant 0 : index
          %swap3A_362 = tpu.vector_load %arg11[%swap3A_360, %swap3A_361] {strides = array<i32>} : memref<128x128xf32, #tpu.memory_space<vmem>>, vector<16xf32>,
          tpu.vector_store %arg11[%swap3A_360, %swap3A_361], %mul3A_359 {strides = array<i32>} : memref<128x128xf32, #tpu.memory_space<vmem>>, vector<16xf32>,
          %get3A_363 = arith.index_cast %add3A_354 : i32 to index
          %get3A_364 = arith.constant 16 : index
          %get3A_365 = tpu.vector_load %arg11[%get3A_363, %get3A_364] {strides = array<i32>} : memref<128x128xf32, #tpu.memory_space<vmem>>, vector<16xf32>,
          %mul3A_366 = vector.broadcast %squeeze3A_350 : f32 to vector<16xf32>
          %mul3A_367 = arith.mulf %get3A_365, %mul3A_366 : vector<16xf32>
          %swap3A_368 = arith.index_cast %add3A_354 : i32 to index
          %swap3A_369 = arith.constant 16 : index
          %swap3A_370 = tpu.vector_load %arg11[%swap3A_368, %swap3A_369] {strides = array<i32>} : memref<128x128xf32, #tpu.memory_space<vmem>>, vector<16xf32>,
          tpu.vector_store %arg11[%swap3A_368, %swap3A_369], %mul3A_367 {strides = array<i32>} : memref<128x128xf32, #tpu.memory_space<vmem>>, vector<16xf32>,
          %get3A_371 = arith.index_cast %add3A_354 : i32 to index
          %get3A_372 = arith.constant 32 : index
          %get3A_373 = tpu.vector_load %arg11[%get3A_371, %get3A_372] {strides = array<i32>} : memref<128x128xf32, #tpu.memory_space<vmem>>, vector<16xf32>,
          %mul3A_374 = vector.broadcast %squeeze3A_350 : f32 to vector<16xf32>
          %mul3A_375 = arith.mulf %get3A_373, %mul3A_374 : vector<16xf32>
          %swap3A_376 = arith.index_cast %add3A_354 : i32 to index
          %swap3A_377 = arith.constant 32 : index
          %swap3A_378 = tpu.vector_load %arg11[%swap3A_376, %swap3A_377] {strides = array<i32>} : memref<128x128xf32, #tpu.memory_space<vmem>>, vector<16xf32>,
          tpu.vector_store %arg11[%swap3A_376, %swap3A_377], %mul3A_375 {strides = array<i32>} : memref<128x128xf32, #tpu.memory_space<vmem>>, vector<16xf32>,
          %get3A_379 = arith.index_cast %add3A_354 : i32 to index
          %get3A_380 = arith.constant 48 : index
          %get3A_381 = tpu.vector_load %arg11[%get3A_379, %get3A_380] {strides = array<i32>} : memref<128x128xf32, #tpu.memory_space<vmem>>, vector<16xf32>,
          %mul3A_382 = vector.broadcast %squeeze3A_350 : f32 to vector<16xf32>
          %mul3A_383 = arith.mulf %get3A_381, %mul3A_382 : vector<16xf32>
          %swap3A_384 = arith.index_cast %add3A_354 : i32 to index
          %swap3A_385 = arith.constant 48 : index
          %swap3A_386 = tpu.vector_load %arg11[%swap3A_384, %swap3A_385] {strides = array<i32>} : memref<128x128xf32, #tpu.memory_space<vmem>>, vector<16xf32>,
          tpu.vector_store %arg11[%swap3A_384, %swap3A_385], %mul3A_383 {strides = array<i32>} : memref<128x128xf32, #tpu.memory_space<vmem>>, vector<16xf32>,
          %broadcast_in_dim3A_387 = vector.broadcast %squeeze3A_350 : f32 to vector<16xf32>
          %swap3A_388 = arith.index_cast %add3A_354 : i32 to index
          %swap3A_389 = arith.constant 64 : index
          %swap3A_390 = tpu.vector_load %arg11[%swap3A_388, %swap3A_389] {strides = array<i32>} : memref<128x128xf32, #tpu.memory_space<vmem>>, vector<16xf32>,
          tpu.vector_store %arg11[%swap3A_388, %swap3A_389], %broadcast_in_dim3A_387 {strides = array<i32>} : memref<128x128xf32, #tpu.memory_space<vmem>>, vector<16xf32>,
          %slice3A_391 = vector.extract_strided_slice %exp3A {offsets = [6], sizes = [1], strides = [1]} : vector<16xf32> to vector<1xf32>
          %squeeze3A_392 = vector.extract %slice3A_391[0] : f32 from vector<1xf32>
          %mul3A_393 = arith.constant 16 : i32
          %mul3A_394 = arith.muli %add3A_125, %mul3A_393 : i32
          %add3A_395 = arith.constant 6 : i32
          %add3A_396 = arith.addi %mul3A_394, %add3A_395 : i32
          %get3A_397 = arith.index_cast %add3A_396 : i32 to index
          %get3A_398 = arith.constant 0 : index
          %get3A_399 = tpu.vector_load %arg11[%get3A_397, %get3A_398] {strides = array<i32>} : memref<128x128xf32, #tpu.memory_space<vmem>>, vector<16xf32>,
          %mul3A_400 = vector.broadcast %squeeze3A_392 : f32 to vector<16xf32>
          %mul3A_401 = arith.mulf %get3A_399, %mul3A_400 : vector<16xf32>
          %swap3A_402 = arith.index_cast %add3A_396 : i32 to index
          %swap3A_403 = arith.constant 0 : index
          %swap3A_404 = tpu.vector_load %arg11[%swap3A_402, %swap3A_403] {strides = array<i32>} : memref<128x128xf32, #tpu.memory_space<vmem>>, vector<16xf32>,
          tpu.vector_store %arg11[%swap3A_402, %swap3A_403], %mul3A_401 {strides = array<i32>} : memref<128x128xf32, #tpu.memory_space<vmem>>, vector<16xf32>,
          %get3A_405 = arith.index_cast %add3A_396 : i32 to index
          %get3A_406 = arith.constant 16 : index
          %get3A_407 = tpu.vector_load %arg11[%get3A_405, %get3A_406] {strides = array<i32>} : memref<128x128xf32, #tpu.memory_space<vmem>>, vector<16xf32>,
          %mul3A_408 = vector.broadcast %squeeze3A_392 : f32 to vector<16xf32>
          %mul3A_409 = arith.mulf %get3A_407, %mul3A_408 : vector<16xf32>
          %swap3A_410 = arith.index_cast %add3A_396 : i32 to index
          %swap3A_411 = arith.constant 16 : index
          %swap3A_412 = tpu.vector_load %arg11[%swap3A_410, %swap3A_411] {strides = array<i32>} : memref<128x128xf32, #tpu.memory_space<vmem>>, vector<16xf32>,
          tpu.vector_store %arg11[%swap3A_410, %swap3A_411], %mul3A_409 {strides = array<i32>} : memref<128x128xf32, #tpu.memory_space<vmem>>, vector<16xf32>,
          %get3A_413 = arith.index_cast %add3A_396 : i32 to index
          %get3A_414 = arith.constant 32 : index
          %get3A_415 = tpu.vector_load %arg11[%get3A_413, %get3A_414] {strides = array<i32>} : memref<128x128xf32, #tpu.memory_space<vmem>>, vector<16xf32>,
          %mul3A_416 = vector.broadcast %squeeze3A_392 : f32 to vector<16xf32>
          %mul3A_417 = arith.mulf %get3A_415, %mul3A_416 : vector<16xf32>
          %swap3A_418 = arith.index_cast %add3A_396 : i32 to index
          %swap3A_419 = arith.constant 32 : index
          %swap3A_420 = tpu.vector_load %arg11[%swap3A_418, %swap3A_419] {strides = array<i32>} : memref<128x128xf32, #tpu.memory_space<vmem>>, vector<16xf32>,
          tpu.vector_store %arg11[%swap3A_418, %swap3A_419], %mul3A_417 {strides = array<i32>} : memref<128x128xf32, #tpu.memory_space<vmem>>, vector<16xf32>,
          %get3A_421 = arith.index_cast %add3A_396 : i32 to index
          %get3A_422 = arith.constant 48 : index
          %get3A_423 = tpu.vector_load %arg11[%get3A_421, %get3A_422] {strides = array<i32>} : memref<128x128xf32, #tpu.memory_space<vmem>>, vector<16xf32>,
          %mul3A_424 = vector.broadcast %squeeze3A_392 : f32 to vector<16xf32>
          %mul3A_425 = arith.mulf %get3A_423, %mul3A_424 : vector<16xf32>
          %swap3A_426 = arith.index_cast %add3A_396 : i32 to index
          %swap3A_427 = arith.constant 48 : index
          %swap3A_428 = tpu.vector_load %arg11[%swap3A_426, %swap3A_427] {strides = array<i32>} : memref<128x128xf32, #tpu.memory_space<vmem>>, vector<16xf32>,
          tpu.vector_store %arg11[%swap3A_426, %swap3A_427], %mul3A_425 {strides = array<i32>} : memref<128x128xf32, #tpu.memory_space<vmem>>, vector<16xf32>,
          %broadcast_in_dim3A_429 = vector.broadcast %squeeze3A_392 : f32 to vector<16xf32>
          %swap3A_430 = arith.index_cast %add3A_396 : i32 to index
          %swap3A_431 = arith.constant 64 : index
          %swap3A_432 = tpu.vector_load %arg11[%swap3A_430, %swap3A_431] {strides = array<i32>} : memref<128x128xf32, #tpu.memory_space<vmem>>, vector<16xf32>,
          tpu.vector_store %arg11[%swap3A_430, %swap3A_431], %broadcast_in_dim3A_429 {strides = array<i32>} : memref<128x128xf32, #tpu.memory_space<vmem>>, vector<16xf32>,
          %slice3A_433 = vector.extract_strided_slice %exp3A {offsets = [7], sizes = [1], strides = [1]} : vector<16xf32> to vector<1xf32>
          %squeeze3A_434 = vector.extract %slice3A_433[0] : f32 from vector<1xf32>
          %mul3A_435 = arith.constant 16 : i32
          %mul3A_436 = arith.muli %add3A_125, %mul3A_435 : i32
          %add3A_437 = arith.constant 7 : i32
          %add3A_438 = arith.addi %mul3A_436, %add3A_437 : i32
          %get3A_439 = arith.index_cast %add3A_438 : i32 to index
          %get3A_440 = arith.constant 0 : index
          %get3A_441 = tpu.vector_load %arg11[%get3A_439, %get3A_440] {strides = array<i32>} : memref<128x128xf32, #tpu.memory_space<vmem>>, vector<16xf32>,
          %mul3A_442 = vector.broadcast %squeeze3A_434 : f32 to vector<16xf32>
          %mul3A_443 = arith.mulf %get3A_441, %mul3A_442 : vector<16xf32>
          %swap3A_444 = arith.index_cast %add3A_438 : i32 to index
          %swap3A_445 = arith.constant 0 : index
          %swap3A_446 = tpu.vector_load %arg11[%swap3A_444, %swap3A_445] {strides = array<i32>} : memref<128x128xf32, #tpu.memory_space<vmem>>, vector<16xf32>,
          tpu.vector_store %arg11[%swap3A_444, %swap3A_445], %mul3A_443 {strides = array<i32>} : memref<128x128xf32, #tpu.memory_space<vmem>>, vector<16xf32>,
          %get3A_447 = arith.index_cast %add3A_438 : i32 to index
          %get3A_448 = arith.constant 16 : index
          %get3A_449 = tpu.vector_load %arg11[%get3A_447, %get3A_448] {strides = array<i32>} : memref<128x128xf32, #tpu.memory_space<vmem>>, vector<16xf32>,
          %mul3A_450 = vector.broadcast %squeeze3A_434 : f32 to vector<16xf32>
          %mul3A_451 = arith.mulf %get3A_449, %mul3A_450 : vector<16xf32>
          %swap3A_452 = arith.index_cast %add3A_438 : i32 to index
          %swap3A_453 = arith.constant 16 : index
          %swap3A_454 = tpu.vector_load %arg11[%swap3A_452, %swap3A_453] {strides = array<i32>} : memref<128x128xf32, #tpu.memory_space<vmem>>, vector<16xf32>,
          tpu.vector_store %arg11[%swap3A_452, %swap3A_453], %mul3A_451 {strides = array<i32>} : memref<128x128xf32, #tpu.memory_space<vmem>>, vector<16xf32>,
          %get3A_455 = arith.index_cast %add3A_438 : i32 to index
          %get3A_456 = arith.constant 32 : index
          %get3A_457 = tpu.vector_load %arg11[%get3A_455, %get3A_456] {strides = array<i32>} : memref<128x128xf32, #tpu.memory_space<vmem>>, vector<16xf32>,
          %mul3A_458 = vector.broadcast %squeeze3A_434 : f32 to vector<16xf32>
          %mul3A_459 = arith.mulf %get3A_457, %mul3A_458 : vector<16xf32>
          %swap3A_460 = arith.index_cast %add3A_438 : i32 to index
          %swap3A_461 = arith.constant 32 : index
          %swap3A_462 = tpu.vector_load %arg11[%swap3A_460, %swap3A_461] {strides = array<i32>} : memref<128x128xf32, #tpu.memory_space<vmem>>, vector<16xf32>,
          tpu.vector_store %arg11[%swap3A_460, %swap3A_461], %mul3A_459 {strides = array<i32>} : memref<128x128xf32, #tpu.memory_space<vmem>>, vector<16xf32>,
          %get3A_463 = arith.index_cast %add3A_438 : i32 to index
          %get3A_464 = arith.constant 48 : index
          %get3A_465 = tpu.vector_load %arg11[%get3A_463, %get3A_464] {strides = array<i32>} : memref<128x128xf32, #tpu.memory_space<vmem>>, vector<16xf32>,
          %mul3A_466 = vector.broadcast %squeeze3A_434 : f32 to vector<16xf32>
          %mul3A_467 = arith.mulf %get3A_465, %mul3A_466 : vector<16xf32>
          %swap3A_468 = arith.index_cast %add3A_438 : i32 to index
          %swap3A_469 = arith.constant 48 : index
          %swap3A_470 = tpu.vector_load %arg11[%swap3A_468, %swap3A_469] {strides = array<i32>} : memref<128x128xf32, #tpu.memory_space<vmem>>, vector<16xf32>,
          tpu.vector_store %arg11[%swap3A_468, %swap3A_469], %mul3A_467 {strides = array<i32>} : memref<128x128xf32, #tpu.memory_space<vmem>>, vector<16xf32>,
          %broadcast_in_dim3A_471 = vector.broadcast %squeeze3A_434 : f32 to vector<16xf32>
          %swap3A_472 = arith.index_cast %add3A_438 : i32 to index
          %swap3A_473 = arith.constant 64 : index
          %swap3A_474 = tpu.vector_load %arg11[%swap3A_472, %swap3A_473] {strides = array<i32>} : memref<128x128xf32, #tpu.memory_space<vmem>>, vector<16xf32>,
          tpu.vector_store %arg11[%swap3A_472, %swap3A_473], %broadcast_in_dim3A_471 {strides = array<i32>} : memref<128x128xf32, #tpu.memory_space<vmem>>, vector<16xf32>,
          %slice3A_475 = vector.extract_strided_slice %exp3A {offsets = [8], sizes = [1], strides = [1]} : vector<16xf32> to vector<1xf32>
          %squeeze3A_476 = vector.extract %slice3A_475[0] : f32 from vector<1xf32>
          %mul3A_477 = arith.constant 16 : i32
          %mul3A_478 = arith.muli %add3A_125, %mul3A_477 : i32
          %add3A_479 = arith.constant 8 : i32
          %add3A_480 = arith.addi %mul3A_478, %add3A_479 : i32
          %get3A_481 = arith.index_cast %add3A_480 : i32 to index
          %get3A_482 = arith.constant 0 : index
          %get3A_483 = tpu.vector_load %arg11[%get3A_481, %get3A_482] {strides = array<i32>} : memref<128x128xf32, #tpu.memory_space<vmem>>, vector<16xf32>,
          %mul3A_484 = vector.broadcast %squeeze3A_476 : f32 to vector<16xf32>
          %mul3A_485 = arith.mulf %get3A_483, %mul3A_484 : vector<16xf32>
          %swap3A_486 = arith.index_cast %add3A_480 : i32 to index
          %swap3A_487 = arith.constant 0 : index
          %swap3A_488 = tpu.vector_load %arg11[%swap3A_486, %swap3A_487] {strides = array<i32>} : memref<128x128xf32, #tpu.memory_space<vmem>>, vector<16xf32>,
          tpu.vector_store %arg11[%swap3A_486, %swap3A_487], %mul3A_485 {strides = array<i32>} : memref<128x128xf32, #tpu.memory_space<vmem>>, vector<16xf32>,
          %get3A_489 = arith.index_cast %add3A_480 : i32 to index
          %get3A_490 = arith.constant 16 : index
          %get3A_491 = tpu.vector_load %arg11[%get3A_489, %get3A_490] {strides = array<i32>} : memref<128x128xf32, #tpu.memory_space<vmem>>, vector<16xf32>,
          %mul3A_492 = vector.broadcast %squeeze3A_476 : f32 to vector<16xf32>
          %mul3A_493 = arith.mulf %get3A_491, %mul3A_492 : vector<16xf32>
          %swap3A_494 = arith.index_cast %add3A_480 : i32 to index
          %swap3A_495 = arith.constant 16 : index
          %swap3A_496 = tpu.vector_load %arg11[%swap3A_494, %swap3A_495] {strides = array<i32>} : memref<128x128xf32, #tpu.memory_space<vmem>>, vector<16xf32>,
          tpu.vector_store %arg11[%swap3A_494, %swap3A_495], %mul3A_493 {strides = array<i32>} : memref<128x128xf32, #tpu.memory_space<vmem>>, vector<16xf32>,
          %get3A_497 = arith.index_cast %add3A_480 : i32 to index
          %get3A_498 = arith.constant 32 : index
          %get3A_499 = tpu.vector_load %arg11[%get3A_497, %get3A_498] {strides = array<i32>} : memref<128x128xf32, #tpu.memory_space<vmem>>, vector<16xf32>,
          %mul3A_500 = vector.broadcast %squeeze3A_476 : f32 to vector<16xf32>
          %mul3A_501 = arith.mulf %get3A_499, %mul3A_500 : vector<16xf32>
          %swap3A_502 = arith.index_cast %add3A_480 : i32 to index
          %swap3A_503 = arith.constant 32 : index
          %swap3A_504 = tpu.vector_load %arg11[%swap3A_502, %swap3A_503] {strides = array<i32>} : memref<128x128xf32, #tpu.memory_space<vmem>>, vector<16xf32>,
          tpu.vector_store %arg11[%swap3A_502, %swap3A_503], %mul3A_501 {strides = array<i32>} : memref<128x128xf32, #tpu.memory_space<vmem>>, vector<16xf32>,
          %get3A_505 = arith.index_cast %add3A_480 : i32 to index
          %get3A_506 = arith.constant 48 : index
          %get3A_507 = tpu.vector_load %arg11[%get3A_505, %get3A_506] {strides = array<i32>} : memref<128x128xf32, #tpu.memory_space<vmem>>, vector<16xf32>,
          %mul3A_508 = vector.broadcast %squeeze3A_476 : f32 to vector<16xf32>
          %mul3A_509 = arith.mulf %get3A_507, %mul3A_508 : vector<16xf32>
          %swap3A_510 = arith.index_cast %add3A_480 : i32 to index
          %swap3A_511 = arith.constant 48 : index
          %swap3A_512 = tpu.vector_load %arg11[%swap3A_510, %swap3A_511] {strides = array<i32>} : memref<128x128xf32, #tpu.memory_space<vmem>>, vector<16xf32>,
          tpu.vector_store %arg11[%swap3A_510, %swap3A_511], %mul3A_509 {strides = array<i32>} : memref<128x128xf32, #tpu.memory_space<vmem>>, vector<16xf32>,
          %broadcast_in_dim3A_513 = vector.broadcast %squeeze3A_476 : f32 to vector<16xf32>
          %swap3A_514 = arith.index_cast %add3A_480 : i32 to index
          %swap3A_515 = arith.constant 64 : index
          %swap3A_516 = tpu.vector_load %arg11[%swap3A_514, %swap3A_515] {strides = array<i32>} : memref<128x128xf32, #tpu.memory_space<vmem>>, vector<16xf32>,
          tpu.vector_store %arg11[%swap3A_514, %swap3A_515], %broadcast_in_dim3A_513 {strides = array<i32>} : memref<128x128xf32, #tpu.memory_space<vmem>>, vector<16xf32>,
          %slice3A_517 = vector.extract_strided_slice %exp3A {offsets = [9], sizes = [1], strides = [1]} : vector<16xf32> to vector<1xf32>
          %squeeze3A_518 = vector.extract %slice3A_517[0] : f32 from vector<1xf32>
          %mul3A_519 = arith.constant 16 : i32
          %mul3A_520 = arith.muli %add3A_125, %mul3A_519 : i32
          %add3A_521 = arith.constant 9 : i32
          %add3A_522 = arith.addi %mul3A_520, %add3A_521 : i32
          %get3A_523 = arith.index_cast %add3A_522 : i32 to index
          %get3A_524 = arith.constant 0 : index
          %get3A_525 = tpu.vector_load %arg11[%get3A_523, %get3A_524] {strides = array<i32>} : memref<128x128xf32, #tpu.memory_space<vmem>>, vector<16xf32>,
          %mul3A_526 = vector.broadcast %squeeze3A_518 : f32 to vector<16xf32>
          %mul3A_527 = arith.mulf %get3A_525, %mul3A_526 : vector<16xf32>
          %swap3A_528 = arith.index_cast %add3A_522 : i32 to index
          %swap3A_529 = arith.constant 0 : index
          %swap3A_530 = tpu.vector_load %arg11[%swap3A_528, %swap3A_529] {strides = array<i32>} : memref<128x128xf32, #tpu.memory_space<vmem>>, vector<16xf32>,
          tpu.vector_store %arg11[%swap3A_528, %swap3A_529], %mul3A_527 {strides = array<i32>} : memref<128x128xf32, #tpu.memory_space<vmem>>, vector<16xf32>,
          %get3A_531 = arith.index_cast %add3A_522 : i32 to index
          %get3A_532 = arith.constant 16 : index
          %get3A_533 = tpu.vector_load %arg11[%get3A_531, %get3A_532] {strides = array<i32>} : memref<128x128xf32, #tpu.memory_space<vmem>>, vector<16xf32>,
          %mul3A_534 = vector.broadcast %squeeze3A_518 : f32 to vector<16xf32>
          %mul3A_535 = arith.mulf %get3A_533, %mul3A_534 : vector<16xf32>
          %swap3A_536 = arith.index_cast %add3A_522 : i32 to index
          %swap3A_537 = arith.constant 16 : index
          %swap3A_538 = tpu.vector_load %arg11[%swap3A_536, %swap3A_537] {strides = array<i32>} : memref<128x128xf32, #tpu.memory_space<vmem>>, vector<16xf32>,
          tpu.vector_store %arg11[%swap3A_536, %swap3A_537], %mul3A_535 {strides = array<i32>} : memref<128x128xf32, #tpu.memory_space<vmem>>, vector<16xf32>,
          %get3A_539 = arith.index_cast %add3A_522 : i32 to index
          %get3A_540 = arith.constant 32 : index
          %get3A_541 = tpu.vector_load %arg11[%get3A_539, %get3A_540] {strides = array<i32>} : memref<128x128xf32, #tpu.memory_space<vmem>>, vector<16xf32>,
          %mul3A_542 = vector.broadcast %squeeze3A_518 : f32 to vector<16xf32>
          %mul3A_543 = arith.mulf %get3A_541, %mul3A_542 : vector<16xf32>
          %swap3A_544 = arith.index_cast %add3A_522 : i32 to index
          %swap3A_545 = arith.constant 32 : index
          %swap3A_546 = tpu.vector_load %arg11[%swap3A_544, %swap3A_545] {strides = array<i32>} : memref<128x128xf32, #tpu.memory_space<vmem>>, vector<16xf32>,
          tpu.vector_store %arg11[%swap3A_544, %swap3A_545], %mul3A_543 {strides = array<i32>} : memref<128x128xf32, #tpu.memory_space<vmem>>, vector<16xf32>,
          %get3A_547 = arith.index_cast %add3A_522 : i32 to index
          %get3A_548 = arith.constant 48 : index
          %get3A_549 = tpu.vector_load %arg11[%get3A_547, %get3A_548] {strides = array<i32>} : memref<128x128xf32, #tpu.memory_space<vmem>>, vector<16xf32>,
          %mul3A_550 = vector.broadcast %squeeze3A_518 : f32 to vector<16xf32>
          %mul3A_551 = arith.mulf %get3A_549, %mul3A_550 : vector<16xf32>
          %swap3A_552 = arith.index_cast %add3A_522 : i32 to index
          %swap3A_553 = arith.constant 48 : index
          %swap3A_554 = tpu.vector_load %arg11[%swap3A_552, %swap3A_553] {strides = array<i32>} : memref<128x128xf32, #tpu.memory_space<vmem>>, vector<16xf32>,
          tpu.vector_store %arg11[%swap3A_552, %swap3A_553], %mul3A_551 {strides = array<i32>} : memref<128x128xf32, #tpu.memory_space<vmem>>, vector<16xf32>,
          %broadcast_in_dim3A_555 = vector.broadcast %squeeze3A_518 : f32 to vector<16xf32>
          %swap3A_556 = arith.index_cast %add3A_522 : i32 to index
          %swap3A_557 = arith.constant 64 : index
          %swap3A_558 = tpu.vector_load %arg11[%swap3A_556, %swap3A_557] {strides = array<i32>} : memref<128x128xf32, #tpu.memory_space<vmem>>, vector<16xf32>,
          tpu.vector_store %arg11[%swap3A_556, %swap3A_557], %broadcast_in_dim3A_555 {strides = array<i32>} : memref<128x128xf32, #tpu.memory_space<vmem>>, vector<16xf32>,
          %slice3A_559 = vector.extract_strided_slice %exp3A {offsets = [10], sizes = [1], strides = [1]} : vector<16xf32> to vector<1xf32>
          %squeeze3A_560 = vector.extract %slice3A_559[0] : f32 from vector<1xf32>
          %mul3A_561 = arith.constant 16 : i32
          %mul3A_562 = arith.muli %add3A_125, %mul3A_561 : i32
          %add3A_563 = arith.constant 10 : i32
          %add3A_564 = arith.addi %mul3A_562, %add3A_563 : i32
          %get3A_565 = arith.index_cast %add3A_564 : i32 to index
          %get3A_566 = arith.constant 0 : index
          %get3A_567 = tpu.vector_load %arg11[%get3A_565, %get3A_566] {strides = array<i32>} : memref<128x128xf32, #tpu.memory_space<vmem>>, vector<16xf32>,
          %mul3A_568 = vector.broadcast %squeeze3A_560 : f32 to vector<16xf32>
          %mul3A_569 = arith.mulf %get3A_567, %mul3A_568 : vector<16xf32>
          %swap3A_570 = arith.index_cast %add3A_564 : i32 to index
          %swap3A_571 = arith.constant 0 : index
          %swap3A_572 = tpu.vector_load %arg11[%swap3A_570, %swap3A_571] {strides = array<i32>} : memref<128x128xf32, #tpu.memory_space<vmem>>, vector<16xf32>,
          tpu.vector_store %arg11[%swap3A_570, %swap3A_571], %mul3A_569 {strides = array<i32>} : memref<128x128xf32, #tpu.memory_space<vmem>>, vector<16xf32>,
          %get3A_573 = arith.index_cast %add3A_564 : i32 to index
          %get3A_574 = arith.constant 16 : index
          %get3A_575 = tpu.vector_load %arg11[%get3A_573, %get3A_574] {strides = array<i32>} : memref<128x128xf32, #tpu.memory_space<vmem>>, vector<16xf32>,
          %mul3A_576 = vector.broadcast %squeeze3A_560 : f32 to vector<16xf32>
          %mul3A_577 = arith.mulf %get3A_575, %mul3A_576 : vector<16xf32>
          %swap3A_578 = arith.index_cast %add3A_564 : i32 to index
          %swap3A_579 = arith.constant 16 : index
          %swap3A_580 = tpu.vector_load %arg11[%swap3A_578, %swap3A_579] {strides = array<i32>} : memref<128x128xf32, #tpu.memory_space<vmem>>, vector<16xf32>,
          tpu.vector_store %arg11[%swap3A_578, %swap3A_579], %mul3A_577 {strides = array<i32>} : memref<128x128xf32, #tpu.memory_space<vmem>>, vector<16xf32>,
          %get3A_581 = arith.index_cast %add3A_564 : i32 to index
          %get3A_582 = arith.constant 32 : index
          %get3A_583 = tpu.vector_load %arg11[%get3A_581, %get3A_582] {strides = array<i32>} : memref<128x128xf32, #tpu.memory_space<vmem>>, vector<16xf32>,
          %mul3A_584 = vector.broadcast %squeeze3A_560 : f32 to vector<16xf32>
          %mul3A_585 = arith.mulf %get3A_583, %mul3A_584 : vector<16xf32>
          %swap3A_586 = arith.index_cast %add3A_564 : i32 to index
          %swap3A_587 = arith.constant 32 : index
          %swap3A_588 = tpu.vector_load %arg11[%swap3A_586, %swap3A_587] {strides = array<i32>} : memref<128x128xf32, #tpu.memory_space<vmem>>, vector<16xf32>,
          tpu.vector_store %arg11[%swap3A_586, %swap3A_587], %mul3A_585 {strides = array<i32>} : memref<128x128xf32, #tpu.memory_space<vmem>>, vector<16xf32>,
          %get3A_589 = arith.index_cast %add3A_564 : i32 to index
          %get3A_590 = arith.constant 48 : index
          %get3A_591 = tpu.vector_load %arg11[%get3A_589, %get3A_590] {strides = array<i32>} : memref<128x128xf32, #tpu.memory_space<vmem>>, vector<16xf32>,
          %mul3A_592 = vector.broadcast %squeeze3A_560 : f32 to vector<16xf32>
          %mul3A_593 = arith.mulf %get3A_591, %mul3A_592 : vector<16xf32>
          %swap3A_594 = arith.index_cast %add3A_564 : i32 to index
          %swap3A_595 = arith.constant 48 : index
          %swap3A_596 = tpu.vector_load %arg11[%swap3A_594, %swap3A_595] {strides = array<i32>} : memref<128x128xf32, #tpu.memory_space<vmem>>, vector<16xf32>,
          tpu.vector_store %arg11[%swap3A_594, %swap3A_595], %mul3A_593 {strides = array<i32>} : memref<128x128xf32, #tpu.memory_space<vmem>>, vector<16xf32>,
          %broadcast_in_dim3A_597 = vector.broadcast %squeeze3A_560 : f32 to vector<16xf32>
          %swap3A_598 = arith.index_cast %add3A_564 : i32 to index
          %swap3A_599 = arith.constant 64 : index
          %swap3A_600 = tpu.vector_load %arg11[%swap3A_598, %swap3A_599] {strides = array<i32>} : memref<128x128xf32, #tpu.memory_space<vmem>>, vector<16xf32>,
          tpu.vector_store %arg11[%swap3A_598, %swap3A_599], %broadcast_in_dim3A_597 {strides = array<i32>} : memref<128x128xf32, #tpu.memory_space<vmem>>, vector<16xf32>,
          %slice3A_601 = vector.extract_strided_slice %exp3A {offsets = [11], sizes = [1], strides = [1]} : vector<16xf32> to vector<1xf32>
          %squeeze3A_602 = vector.extract %slice3A_601[0] : f32 from vector<1xf32>
          %mul3A_603 = arith.constant 16 : i32
          %mul3A_604 = arith.muli %add3A_125, %mul3A_603 : i32
          %add3A_605 = arith.constant 11 : i32
          %add3A_606 = arith.addi %mul3A_604, %add3A_605 : i32
          %get3A_607 = arith.index_cast %add3A_606 : i32 to index
          %get3A_608 = arith.constant 0 : index
          %get3A_609 = tpu.vector_load %arg11[%get3A_607, %get3A_608] {strides = array<i32>} : memref<128x128xf32, #tpu.memory_space<vmem>>, vector<16xf32>,
          %mul3A_610 = vector.broadcast %squeeze3A_602 : f32 to vector<16xf32>
          %mul3A_611 = arith.mulf %get3A_609, %mul3A_610 : vector<16xf32>
          %swap3A_612 = arith.index_cast %add3A_606 : i32 to index
          %swap3A_613 = arith.constant 0 : index
          %swap3A_614 = tpu.vector_load %arg11[%swap3A_612, %swap3A_613] {strides = array<i32>} : memref<128x128xf32, #tpu.memory_space<vmem>>, vector<16xf32>,
          tpu.vector_store %arg11[%swap3A_612, %swap3A_613], %mul3A_611 {strides = array<i32>} : memref<128x128xf32, #tpu.memory_space<vmem>>, vector<16xf32>,
          %get3A_615 = arith.index_cast %add3A_606 : i32 to index
          %get3A_616 = arith.constant 16 : index
          %get3A_617 = tpu.vector_load %arg11[%get3A_615, %get3A_616] {strides = array<i32>} : memref<128x128xf32, #tpu.memory_space<vmem>>, vector<16xf32>,
          %mul3A_618 = vector.broadcast %squeeze3A_602 : f32 to vector<16xf32>
          %mul3A_619 = arith.mulf %get3A_617, %mul3A_618 : vector<16xf32>
          %swap3A_620 = arith.index_cast %add3A_606 : i32 to index
          %swap3A_621 = arith.constant 16 : index
          %swap3A_622 = tpu.vector_load %arg11[%swap3A_620, %swap3A_621] {strides = array<i32>} : memref<128x128xf32, #tpu.memory_space<vmem>>, vector<16xf32>,
          tpu.vector_store %arg11[%swap3A_620, %swap3A_621], %mul3A_619 {strides = array<i32>} : memref<128x128xf32, #tpu.memory_space<vmem>>, vector<16xf32>,
          %get3A_623 = arith.index_cast %add3A_606 : i32 to index
          %get3A_624 = arith.constant 32 : index
          %get3A_625 = tpu.vector_load %arg11[%get3A_623, %get3A_624] {strides = array<i32>} : memref<128x128xf32, #tpu.memory_space<vmem>>, vector<16xf32>,
          %mul3A_626 = vector.broadcast %squeeze3A_602 : f32 to vector<16xf32>
          %mul3A_627 = arith.mulf %get3A_625, %mul3A_626 : vector<16xf32>
          %swap3A_628 = arith.index_cast %add3A_606 : i32 to index
          %swap3A_629 = arith.constant 32 : index
          %swap3A_630 = tpu.vector_load %arg11[%swap3A_628, %swap3A_629] {strides = array<i32>} : memref<128x128xf32, #tpu.memory_space<vmem>>, vector<16xf32>,
          tpu.vector_store %arg11[%swap3A_628, %swap3A_629], %mul3A_627 {strides = array<i32>} : memref<128x128xf32, #tpu.memory_space<vmem>>, vector<16xf32>,
          %get3A_631 = arith.index_cast %add3A_606 : i32 to index
          %get3A_632 = arith.constant 48 : index
          %get3A_633 = tpu.vector_load %arg11[%get3A_631, %get3A_632] {strides = array<i32>} : memref<128x128xf32, #tpu.memory_space<vmem>>, vector<16xf32>,
          %mul3A_634 = vector.broadcast %squeeze3A_602 : f32 to vector<16xf32>
          %mul3A_635 = arith.mulf %get3A_633, %mul3A_634 : vector<16xf32>
          %swap3A_636 = arith.index_cast %add3A_606 : i32 to index
          %swap3A_637 = arith.constant 48 : index
          %swap3A_638 = tpu.vector_load %arg11[%swap3A_636, %swap3A_637] {strides = array<i32>} : memref<128x128xf32, #tpu.memory_space<vmem>>, vector<16xf32>,
          tpu.vector_store %arg11[%swap3A_636, %swap3A_637], %mul3A_635 {strides = array<i32>} : memref<128x128xf32, #tpu.memory_space<vmem>>, vector<16xf32>,
          %broadcast_in_dim3A_639 = vector.broadcast %squeeze3A_602 : f32 to vector<16xf32>
          %swap3A_640 = arith.index_cast %add3A_606 : i32 to index
          %swap3A_641 = arith.constant 64 : index
          %swap3A_642 = tpu.vector_load %arg11[%swap3A_640, %swap3A_641] {strides = array<i32>} : memref<128x128xf32, #tpu.memory_space<vmem>>, vector<16xf32>,
          tpu.vector_store %arg11[%swap3A_640, %swap3A_641], %broadcast_in_dim3A_639 {strides = array<i32>} : memref<128x128xf32, #tpu.memory_space<vmem>>, vector<16xf32>,
          %slice3A_643 = vector.extract_strided_slice %exp3A {offsets = [12], sizes = [1], strides = [1]} : vector<16xf32> to vector<1xf32>
          %squeeze3A_644 = vector.extract %slice3A_643[0] : f32 from vector<1xf32>
          %mul3A_645 = arith.constant 16 : i32
          %mul3A_646 = arith.muli %add3A_125, %mul3A_645 : i32
          %add3A_647 = arith.constant 12 : i32
          %add3A_648 = arith.addi %mul3A_646, %add3A_647 : i32
          %get3A_649 = arith.index_cast %add3A_648 : i32 to index
          %get3A_650 = arith.constant 0 : index
          %get3A_651 = tpu.vector_load %arg11[%get3A_649, %get3A_650] {strides = array<i32>} : memref<128x128xf32, #tpu.memory_space<vmem>>, vector<16xf32>,
          %mul3A_652 = vector.broadcast %squeeze3A_644 : f32 to vector<16xf32>
          %mul3A_653 = arith.mulf %get3A_651, %mul3A_652 : vector<16xf32>
          %swap3A_654 = arith.index_cast %add3A_648 : i32 to index
          %swap3A_655 = arith.constant 0 : index
          %swap3A_656 = tpu.vector_load %arg11[%swap3A_654, %swap3A_655] {strides = array<i32>} : memref<128x128xf32, #tpu.memory_space<vmem>>, vector<16xf32>,
          tpu.vector_store %arg11[%swap3A_654, %swap3A_655], %mul3A_653 {strides = array<i32>} : memref<128x128xf32, #tpu.memory_space<vmem>>, vector<16xf32>,
          %get3A_657 = arith.index_cast %add3A_648 : i32 to index
          %get3A_658 = arith.constant 16 : index
          %get3A_659 = tpu.vector_load %arg11[%get3A_657, %get3A_658] {strides = array<i32>} : memref<128x128xf32, #tpu.memory_space<vmem>>, vector<16xf32>,
          %mul3A_660 = vector.broadcast %squeeze3A_644 : f32 to vector<16xf32>
          %mul3A_661 = arith.mulf %get3A_659, %mul3A_660 : vector<16xf32>
          %swap3A_662 = arith.index_cast %add3A_648 : i32 to index
          %swap3A_663 = arith.constant 16 : index
          %swap3A_664 = tpu.vector_load %arg11[%swap3A_662, %swap3A_663] {strides = array<i32>} : memref<128x128xf32, #tpu.memory_space<vmem>>, vector<16xf32>,
          tpu.vector_store %arg11[%swap3A_662, %swap3A_663], %mul3A_661 {strides = array<i32>} : memref<128x128xf32, #tpu.memory_space<vmem>>, vector<16xf32>,
          %get3A_665 = arith.index_cast %add3A_648 : i32 to index
          %get3A_666 = arith.constant 32 : index
          %get3A_667 = tpu.vector_load %arg11[%get3A_665, %get3A_666] {strides = array<i32>} : memref<128x128xf32, #tpu.memory_space<vmem>>, vector<16xf32>,
          %mul3A_668 = vector.broadcast %squeeze3A_644 : f32 to vector<16xf32>
          %mul3A_669 = arith.mulf %get3A_667, %mul3A_668 : vector<16xf32>
          %swap3A_670 = arith.index_cast %add3A_648 : i32 to index
          %swap3A_671 = arith.constant 32 : index
          %swap3A_672 = tpu.vector_load %arg11[%swap3A_670, %swap3A_671] {strides = array<i32>} : memref<128x128xf32, #tpu.memory_space<vmem>>, vector<16xf32>,
          tpu.vector_store %arg11[%swap3A_670, %swap3A_671], %mul3A_669 {strides = array<i32>} : memref<128x128xf32, #tpu.memory_space<vmem>>, vector<16xf32>,
          %get3A_673 = arith.index_cast %add3A_648 : i32 to index
          %get3A_674 = arith.constant 48 : index
          %get3A_675 = tpu.vector_load %arg11[%get3A_673, %get3A_674] {strides = array<i32>} : memref<128x128xf32, #tpu.memory_space<vmem>>, vector<16xf32>,
          %mul3A_676 = vector.broadcast %squeeze3A_644 : f32 to vector<16xf32>
          %mul3A_677 = arith.mulf %get3A_675, %mul3A_676 : vector<16xf32>
          %swap3A_678 = arith.index_cast %add3A_648 : i32 to index
          %swap3A_679 = arith.constant 48 : index
          %swap3A_680 = tpu.vector_load %arg11[%swap3A_678, %swap3A_679] {strides = array<i32>} : memref<128x128xf32, #tpu.memory_space<vmem>>, vector<16xf32>,
          tpu.vector_store %arg11[%swap3A_678, %swap3A_679], %mul3A_677 {strides = array<i32>} : memref<128x128xf32, #tpu.memory_space<vmem>>, vector<16xf32>,
          %broadcast_in_dim3A_681 = vector.broadcast %squeeze3A_644 : f32 to vector<16xf32>
          %swap3A_682 = arith.index_cast %add3A_648 : i32 to index
          %swap3A_683 = arith.constant 64 : index
          %swap3A_684 = tpu.vector_load %arg11[%swap3A_682, %swap3A_683] {strides = array<i32>} : memref<128x128xf32, #tpu.memory_space<vmem>>, vector<16xf32>,
          tpu.vector_store %arg11[%swap3A_682, %swap3A_683], %broadcast_in_dim3A_681 {strides = array<i32>} : memref<128x128xf32, #tpu.memory_space<vmem>>, vector<16xf32>,
          %slice3A_685 = vector.extract_strided_slice %exp3A {offsets = [13], sizes = [1], strides = [1]} : vector<16xf32> to vector<1xf32>
          %squeeze3A_686 = vector.extract %slice3A_685[0] : f32 from vector<1xf32>
          %mul3A_687 = arith.constant 16 : i32
          %mul3A_688 = arith.muli %add3A_125, %mul3A_687 : i32
          %add3A_689 = arith.constant 13 : i32
          %add3A_690 = arith.addi %mul3A_688, %add3A_689 : i32
          %get3A_691 = arith.index_cast %add3A_690 : i32 to index
          %get3A_692 = arith.constant 0 : index
          %get3A_693 = tpu.vector_load %arg11[%get3A_691, %get3A_692] {strides = array<i32>} : memref<128x128xf32, #tpu.memory_space<vmem>>, vector<16xf32>,
          %mul3A_694 = vector.broadcast %squeeze3A_686 : f32 to vector<16xf32>
          %mul3A_695 = arith.mulf %get3A_693, %mul3A_694 : vector<16xf32>
          %swap3A_696 = arith.index_cast %add3A_690 : i32 to index
          %swap3A_697 = arith.constant 0 : index
          %swap3A_698 = tpu.vector_load %arg11[%swap3A_696, %swap3A_697] {strides = array<i32>} : memref<128x128xf32, #tpu.memory_space<vmem>>, vector<16xf32>,
          tpu.vector_store %arg11[%swap3A_696, %swap3A_697], %mul3A_695 {strides = array<i32>} : memref<128x128xf32, #tpu.memory_space<vmem>>, vector<16xf32>,
          %get3A_699 = arith.index_cast %add3A_690 : i32 to index
          %get3A_700 = arith.constant 16 : index
          %get3A_701 = tpu.vector_load %arg11[%get3A_699, %get3A_700] {strides = array<i32>} : memref<128x128xf32, #tpu.memory_space<vmem>>, vector<16xf32>,
          %mul3A_702 = vector.broadcast %squeeze3A_686 : f32 to vector<16xf32>
          %mul3A_703 = arith.mulf %get3A_701, %mul3A_702 : vector<16xf32>
          %swap3A_704 = arith.index_cast %add3A_690 : i32 to index
          %swap3A_705 = arith.constant 16 : index
          %swap3A_706 = tpu.vector_load %arg11[%swap3A_704, %swap3A_705] {strides = array<i32>} : memref<128x128xf32, #tpu.memory_space<vmem>>, vector<16xf32>,
          tpu.vector_store %arg11[%swap3A_704, %swap3A_705], %mul3A_703 {strides = array<i32>} : memref<128x128xf32, #tpu.memory_space<vmem>>, vector<16xf32>,
          %get3A_707 = arith.index_cast %add3A_690 : i32 to index
          %get3A_708 = arith.constant 32 : index
          %get3A_709 = tpu.vector_load %arg11[%get3A_707, %get3A_708] {strides = array<i32>} : memref<128x128xf32, #tpu.memory_space<vmem>>, vector<16xf32>,
          %mul3A_710 = vector.broadcast %squeeze3A_686 : f32 to vector<16xf32>
          %mul3A_711 = arith.mulf %get3A_709, %mul3A_710 : vector<16xf32>
          %swap3A_712 = arith.index_cast %add3A_690 : i32 to index
          %swap3A_713 = arith.constant 32 : index
          %swap3A_714 = tpu.vector_load %arg11[%swap3A_712, %swap3A_713] {strides = array<i32>} : memref<128x128xf32, #tpu.memory_space<vmem>>, vector<16xf32>,
          tpu.vector_store %arg11[%swap3A_712, %swap3A_713], %mul3A_711 {strides = array<i32>} : memref<128x128xf32, #tpu.memory_space<vmem>>, vector<16xf32>,
          %get3A_715 = arith.index_cast %add3A_690 : i32 to index
          %get3A_716 = arith.constant 48 : index
          %get3A_717 = tpu.vector_load %arg11[%get3A_715, %get3A_716] {strides = array<i32>} : memref<128x128xf32, #tpu.memory_space<vmem>>, vector<16xf32>,
          %mul3A_718 = vector.broadcast %squeeze3A_686 : f32 to vector<16xf32>
          %mul3A_719 = arith.mulf %get3A_717, %mul3A_718 : vector<16xf32>
          %swap3A_720 = arith.index_cast %add3A_690 : i32 to index
          %swap3A_721 = arith.constant 48 : index
          %swap3A_722 = tpu.vector_load %arg11[%swap3A_720, %swap3A_721] {strides = array<i32>} : memref<128x128xf32, #tpu.memory_space<vmem>>, vector<16xf32>,
          tpu.vector_store %arg11[%swap3A_720, %swap3A_721], %mul3A_719 {strides = array<i32>} : memref<128x128xf32, #tpu.memory_space<vmem>>, vector<16xf32>,
          %broadcast_in_dim3A_723 = vector.broadcast %squeeze3A_686 : f32 to vector<16xf32>
          %swap3A_724 = arith.index_cast %add3A_690 : i32 to index
          %swap3A_725 = arith.constant 64 : index
          %swap3A_726 = tpu.vector_load %arg11[%swap3A_724, %swap3A_725] {strides = array<i32>} : memref<128x128xf32, #tpu.memory_space<vmem>>, vector<16xf32>,
          tpu.vector_store %arg11[%swap3A_724, %swap3A_725], %broadcast_in_dim3A_723 {strides = array<i32>} : memref<128x128xf32, #tpu.memory_space<vmem>>, vector<16xf32>,
          %slice3A_727 = vector.extract_strided_slice %exp3A {offsets = [14], sizes = [1], strides = [1]} : vector<16xf32> to vector<1xf32>
          %squeeze3A_728 = vector.extract %slice3A_727[0] : f32 from vector<1xf32>
          %mul3A_729 = arith.constant 16 : i32
          %mul3A_730 = arith.muli %add3A_125, %mul3A_729 : i32
          %add3A_731 = arith.constant 14 : i32
          %add3A_732 = arith.addi %mul3A_730, %add3A_731 : i32
          %get3A_733 = arith.index_cast %add3A_732 : i32 to index
          %get3A_734 = arith.constant 0 : index
          %get3A_735 = tpu.vector_load %arg11[%get3A_733, %get3A_734] {strides = array<i32>} : memref<128x128xf32, #tpu.memory_space<vmem>>, vector<16xf32>,
          %mul3A_736 = vector.broadcast %squeeze3A_728 : f32 to vector<16xf32>
          %mul3A_737 = arith.mulf %get3A_735, %mul3A_736 : vector<16xf32>
          %swap3A_738 = arith.index_cast %add3A_732 : i32 to index
          %swap3A_739 = arith.constant 0 : index
          %swap3A_740 = tpu.vector_load %arg11[%swap3A_738, %swap3A_739] {strides = array<i32>} : memref<128x128xf32, #tpu.memory_space<vmem>>, vector<16xf32>,
          tpu.vector_store %arg11[%swap3A_738, %swap3A_739], %mul3A_737 {strides = array<i32>} : memref<128x128xf32, #tpu.memory_space<vmem>>, vector<16xf32>,
          %get3A_741 = arith.index_cast %add3A_732 : i32 to index
          %get3A_742 = arith.constant 16 : index
          %get3A_743 = tpu.vector_load %arg11[%get3A_741, %get3A_742] {strides = array<i32>} : memref<128x128xf32, #tpu.memory_space<vmem>>, vector<16xf32>,
          %mul3A_744 = vector.broadcast %squeeze3A_728 : f32 to vector<16xf32>
          %mul3A_745 = arith.mulf %get3A_743, %mul3A_744 : vector<16xf32>
          %swap3A_746 = arith.index_cast %add3A_732 : i32 to index
          %swap3A_747 = arith.constant 16 : index
          %swap3A_748 = tpu.vector_load %arg11[%swap3A_746, %swap3A_747] {strides = array<i32>} : memref<128x128xf32, #tpu.memory_space<vmem>>, vector<16xf32>,
          tpu.vector_store %arg11[%swap3A_746, %swap3A_747], %mul3A_745 {strides = array<i32>} : memref<128x128xf32, #tpu.memory_space<vmem>>, vector<16xf32>,
          %get3A_749 = arith.index_cast %add3A_732 : i32 to index
          %get3A_750 = arith.constant 32 : index
          %get3A_751 = tpu.vector_load %arg11[%get3A_749, %get3A_750] {strides = array<i32>} : memref<128x128xf32, #tpu.memory_space<vmem>>, vector<16xf32>,
          %mul3A_752 = vector.broadcast %squeeze3A_728 : f32 to vector<16xf32>
          %mul3A_753 = arith.mulf %get3A_751, %mul3A_752 : vector<16xf32>
          %swap3A_754 = arith.index_cast %add3A_732 : i32 to index
          %swap3A_755 = arith.constant 32 : index
          %swap3A_756 = tpu.vector_load %arg11[%swap3A_754, %swap3A_755] {strides = array<i32>} : memref<128x128xf32, #tpu.memory_space<vmem>>, vector<16xf32>,
          tpu.vector_store %arg11[%swap3A_754, %swap3A_755], %mul3A_753 {strides = array<i32>} : memref<128x128xf32, #tpu.memory_space<vmem>>, vector<16xf32>,
          %get3A_757 = arith.index_cast %add3A_732 : i32 to index
          %get3A_758 = arith.constant 48 : index
          %get3A_759 = tpu.vector_load %arg11[%get3A_757, %get3A_758] {strides = array<i32>} : memref<128x128xf32, #tpu.memory_space<vmem>>, vector<16xf32>,
          %mul3A_760 = vector.broadcast %squeeze3A_728 : f32 to vector<16xf32>
          %mul3A_761 = arith.mulf %get3A_759, %mul3A_760 : vector<16xf32>
          %swap3A_762 = arith.index_cast %add3A_732 : i32 to index
          %swap3A_763 = arith.constant 48 : index
          %swap3A_764 = tpu.vector_load %arg11[%swap3A_762, %swap3A_763] {strides = array<i32>} : memref<128x128xf32, #tpu.memory_space<vmem>>, vector<16xf32>,
          tpu.vector_store %arg11[%swap3A_762, %swap3A_763], %mul3A_761 {strides = array<i32>} : memref<128x128xf32, #tpu.memory_space<vmem>>, vector<16xf32>,
          %broadcast_in_dim3A_765 = vector.broadcast %squeeze3A_728 : f32 to vector<16xf32>
          %swap3A_766 = arith.index_cast %add3A_732 : i32 to index
          %swap3A_767 = arith.constant 64 : index
          %swap3A_768 = tpu.vector_load %arg11[%swap3A_766, %swap3A_767] {strides = array<i32>} : memref<128x128xf32, #tpu.memory_space<vmem>>, vector<16xf32>,
          tpu.vector_store %arg11[%swap3A_766, %swap3A_767], %broadcast_in_dim3A_765 {strides = array<i32>} : memref<128x128xf32, #tpu.memory_space<vmem>>, vector<16xf32>,
          %slice3A_769 = vector.extract_strided_slice %exp3A {offsets = [15], sizes = [1], strides = [1]} : vector<16xf32> to vector<1xf32>
          %squeeze3A_770 = vector.extract %slice3A_769[0] : f32 from vector<1xf32>
          %mul3A_771 = arith.constant 16 : i32
          %mul3A_772 = arith.muli %add3A_125, %mul3A_771 : i32
          %add3A_773 = arith.constant 15 : i32
          %add3A_774 = arith.addi %mul3A_772, %add3A_773 : i32
          %get3A_775 = arith.index_cast %add3A_774 : i32 to index
          %get3A_776 = arith.constant 0 : index
          %get3A_777 = tpu.vector_load %arg11[%get3A_775, %get3A_776] {strides = array<i32>} : memref<128x128xf32, #tpu.memory_space<vmem>>, vector<16xf32>,
          %mul3A_778 = vector.broadcast %squeeze3A_770 : f32 to vector<16xf32>
          %mul3A_779 = arith.mulf %get3A_777, %mul3A_778 : vector<16xf32>
          %swap3A_780 = arith.index_cast %add3A_774 : i32 to index
          %swap3A_781 = arith.constant 0 : index
          %swap3A_782 = tpu.vector_load %arg11[%swap3A_780, %swap3A_781] {strides = array<i32>} : memref<128x128xf32, #tpu.memory_space<vmem>>, vector<16xf32>,
          tpu.vector_store %arg11[%swap3A_780, %swap3A_781], %mul3A_779 {strides = array<i32>} : memref<128x128xf32, #tpu.memory_space<vmem>>, vector<16xf32>,
          %get3A_783 = arith.index_cast %add3A_774 : i32 to index
          %get3A_784 = arith.constant 16 : index
          %get3A_785 = tpu.vector_load %arg11[%get3A_783, %get3A_784] {strides = array<i32>} : memref<128x128xf32, #tpu.memory_space<vmem>>, vector<16xf32>,
          %mul3A_786 = vector.broadcast %squeeze3A_770 : f32 to vector<16xf32>
          %mul3A_787 = arith.mulf %get3A_785, %mul3A_786 : vector<16xf32>
          %swap3A_788 = arith.index_cast %add3A_774 : i32 to index
          %swap3A_789 = arith.constant 16 : index
          %swap3A_790 = tpu.vector_load %arg11[%swap3A_788, %swap3A_789] {strides = array<i32>} : memref<128x128xf32, #tpu.memory_space<vmem>>, vector<16xf32>,
          tpu.vector_store %arg11[%swap3A_788, %swap3A_789], %mul3A_787 {strides = array<i32>} : memref<128x128xf32, #tpu.memory_space<vmem>>, vector<16xf32>,
          %get3A_791 = arith.index_cast %add3A_774 : i32 to index
          %get3A_792 = arith.constant 32 : index
          %get3A_793 = tpu.vector_load %arg11[%get3A_791, %get3A_792] {strides = array<i32>} : memref<128x128xf32, #tpu.memory_space<vmem>>, vector<16xf32>,
          %mul3A_794 = vector.broadcast %squeeze3A_770 : f32 to vector<16xf32>
          %mul3A_795 = arith.mulf %get3A_793, %mul3A_794 : vector<16xf32>
          %swap3A_796 = arith.index_cast %add3A_774 : i32 to index
          %swap3A_797 = arith.constant 32 : index
          %swap3A_798 = tpu.vector_load %arg11[%swap3A_796, %swap3A_797] {strides = array<i32>} : memref<128x128xf32, #tpu.memory_space<vmem>>, vector<16xf32>,
          tpu.vector_store %arg11[%swap3A_796, %swap3A_797], %mul3A_795 {strides = array<i32>} : memref<128x128xf32, #tpu.memory_space<vmem>>, vector<16xf32>,
          %get3A_799 = arith.index_cast %add3A_774 : i32 to index
          %get3A_800 = arith.constant 48 : index
          %get3A_801 = tpu.vector_load %arg11[%get3A_799, %get3A_800] {strides = array<i32>} : memref<128x128xf32, #tpu.memory_space<vmem>>, vector<16xf32>,
          %mul3A_802 = vector.broadcast %squeeze3A_770 : f32 to vector<16xf32>
          %mul3A_803 = arith.mulf %get3A_801, %mul3A_802 : vector<16xf32>
          %swap3A_804 = arith.index_cast %add3A_774 : i32 to index
          %swap3A_805 = arith.constant 48 : index
          %swap3A_806 = tpu.vector_load %arg11[%swap3A_804, %swap3A_805] {strides = array<i32>} : memref<128x128xf32, #tpu.memory_space<vmem>>, vector<16xf32>,
          tpu.vector_store %arg11[%swap3A_804, %swap3A_805], %mul3A_803 {strides = array<i32>} : memref<128x128xf32, #tpu.memory_space<vmem>>, vector<16xf32>,
          %broadcast_in_dim3A_807 = vector.broadcast %squeeze3A_770 : f32 to vector<16xf32>
          %swap3A_808 = arith.index_cast %add3A_774 : i32 to index
          %swap3A_809 = arith.constant 64 : index
          %swap3A_810 = tpu.vector_load %arg11[%swap3A_808, %swap3A_809] {strides = array<i32>} : memref<128x128xf32, #tpu.memory_space<vmem>>, vector<16xf32>,
          tpu.vector_store %arg11[%swap3A_808, %swap3A_809], %broadcast_in_dim3A_807 {strides = array<i32>} : memref<128x128xf32, #tpu.memory_space<vmem>>, vector<16xf32>,
        }
        %scan3A_112 = arith.constant 8 : i32
        "tpu.region"() ({
          %run_scoped3A_121 = tpu.sem_alloc : memref<!tpu.dma_semaphore, #tpu.memory_space<semaphore_mem>>
          %dma_start3A_122 = arith.constant 0 : i32
          %dma_start3A_123 = tpu.memref_slice %arg8[%add3A_101, %dma_start3A_122] : memref<16x128xi32, #tpu.memory_space<vmem>> -> memref<1x128xi32, #tpu.memory_space<vmem>>
          %dma_start3A_124 = tpu.memref_squeeze %dma_start3A_123 : memref<1x128xi32, #tpu.memory_space<vmem>> -> memref<128xi32, #tpu.memory_space<vmem>>
          %dma_start3A_125 = arith.constant 0 : i32
          %dma_start3A_126 = arith.constant 0 : i32
          %dma_start3A_127 = tpu.memref_slice %arg12[%dma_start3A_125, %dma_start3A_126] : memref<10240x128xf32, #tpu.memory_space<vmem_shared>> -> memref<10240x128xf32, #tpu.memory_space<vmem_shared>>
          tpu.enqueue_indirect_dma source(%arg11 : memref<128x128xf32, #tpu.memory_space<vmem>>) target(%dma_start3A_127 : memref<10240x128xf32, #tpu.memory_space<vmem_shared>>) offsets(%dma_start3A_124 : memref<128xi32, #tpu.memory_space<vmem>>) semaphore(%run_scoped3A_121 : memref<!tpu.dma_semaphore, #tpu.memory_space<semaphore_mem>>) {add = true}
          %dma_wait3A_128 = arith.constant 0 : i32
          %dma_wait3A_129 = tpu.memref_slice %arg8[%add3A_101, %dma_wait3A_128] : memref<16x128xi32, #tpu.memory_space<vmem>> -> memref<1x128xi32, #tpu.memory_space<vmem>>
          %dma_wait3A_130 = tpu.memref_squeeze %dma_wait3A_129 : memref<1x128xi32, #tpu.memory_space<vmem>> -> memref<128xi32, #tpu.memory_space<vmem>>
          %dma_wait3A_131 = arith.constant 0 : i32
          %dma_wait3A_132 = arith.constant 0 : i32
          %dma_wait3A_133 = tpu.memref_slice %arg12[%dma_wait3A_131, %dma_wait3A_132] : memref<10240x128xf32, #tpu.memory_space<vmem_shared>> -> memref<10240x128xf32, #tpu.memory_space<vmem_shared>>
          tpu.wait_indirect_dma semaphore(%run_scoped3A_121 : memref<!tpu.dma_semaphore, #tpu.memory_space<semaphore_mem>>) src(%arg11 : memref<128x128xf32, #tpu.memory_space<vmem>>) dst(%dma_wait3A_133 : memref<10240x128xf32, #tpu.memory_space<vmem_shared>>)
          tpu.yield
        }) : () -> ()
        %add3A_113 = arith.constant 2 : i32
        %add3A_114 = arith.addi %add3A_101, %add3A_113 : i32
        %dma_start3A_115 = arith.constant 0 : i32
        %dma_start3A_116 = tpu.memref_slice %arg7[%add3A_114, %dma_start3A_115] : memref<16x128xi32, #tpu.memory_space<vmem>> -> memref<1x128xi32, #tpu.memory_space<vmem>>
        %dma_start3A_117 = tpu.memref_squeeze %dma_start3A_116 : memref<1x128xi32, #tpu.memory_space<vmem>> -> memref<128xi32, #tpu.memory_space<vmem>>
        %dma_start3A_118 = arith.constant 0 : i32
        %dma_start3A_119 = arith.constant 0 : i32
        %dma_start3A_120 = tpu.memref_slice %arg2[%dma_start3A_118, %dma_start3A_119] : memref<10240x128xf32, #tpu.memory_space<hbm>> -> memref<10240x128xf32, #tpu.memory_space<hbm>>
        tpu.enqueue_indirect_dma source(%dma_start3A_120 : memref<10240x128xf32, #tpu.memory_space<hbm>>) target(%arg11 : memref<128x128xf32, #tpu.memory_space<vmem>>) offsets(%dma_start3A_117 : memref<128xi32, #tpu.memory_space<vmem>>) semaphore(%arg14 : memref<!tpu.dma_semaphore, #tpu.memory_space<semaphore_mem>>)
      }
      %scan3A_46 = arith.constant 7 : i32
      %dma_wait3A = arith.constant 14 : i32
      %dma_wait3A_47 = arith.constant 0 : i32
      %dma_wait3A_48 = tpu.memref_slice %arg7[%dma_wait3A, %dma_wait3A_47] : memref<16x128xi32, #tpu.memory_space<vmem>> -> memref<1x128xi32, #tpu.memory_space<vmem>>
      %dma_wait3A_49 = tpu.memref_squeeze %dma_wait3A_48 : memref<1x128xi32, #tpu.memory_space<vmem>> -> memref<128xi32, #tpu.memory_space<vmem>>
      %dma_wait3A_50 = arith.constant 0 : i32
      %dma_wait3A_51 = arith.constant 0 : i32
      %dma_wait3A_52 = tpu.memref_slice %arg2[%dma_wait3A_50, %dma_wait3A_51] : memref<10240x128xf32, #tpu.memory_space<hbm>> -> memref<10240x128xf32, #tpu.memory_space<hbm>>
      tpu.wait_indirect_dma semaphore(%arg13 : memref<!tpu.dma_semaphore, #tpu.memory_space<semaphore_mem>>) src(%dma_wait3A_52 : memref<10240x128xf32, #tpu.memory_space<hbm>>) dst(%arg10 : memref<128x128xf32, #tpu.memory_space<vmem>>)
      %scan3A_53 = arith.constant 0 : i32
      %scan3A_54 = arith.constant 8 : i32
      %scan3A_55 = arith.addi %scan3A_53, %scan3A_54 : i32
      %scan3A_56 = arith.constant 1 : i32
      scf.for %scan3A_72 = %scan3A_53 to %scan3A_55 step %scan3A_56  : i32 {
        %mul3A_73 = arith.constant 1 : i32
        %mul3A_74 = arith.muli %scan3A_72, %mul3A_73 : i32
        %add3A_75 = arith.constant 0 : i32
        %add3A_76 = arith.addi %add3A_75, %mul3A_74 : i32
        %mul3A_77 = arith.constant 16 : i32
        %mul3A_78 = arith.muli %add3A_76, %mul3A_77 : i32
        %get3A = arith.constant 14 : i32
        %get3A_79 = arith.index_cast %get3A : i32 to index
        %get3A_80 = arith.index_cast %mul3A_78 : i32 to index
        %get3A_81 = tpu.vector_load %arg8[%get3A_79, %get3A_80] {strides = array<i32>} : memref<16x128xi32, #tpu.memory_space<vmem>>, vector<16xi32>,
        %iota3A = tpu.iota {dimensions = array<i32: 0>} : vector<16xi32>
        %mul3A_82 = arith.constant 16 : i32
        %mul3A_83 = arith.muli %add3A_76, %mul3A_82 : i32
        %add3A_84 = vector.broadcast %mul3A_83 : i32 to vector<16xi32>
        %add3A_85 = arith.addi %iota3A, %add3A_84 : vector<16xi32>
        %broadcast_in_dim3A = arith.constant 65 : i32
        %broadcast_in_dim3A_86 = vector.broadcast %broadcast_in_dim3A : i32 to vector<16xi32>
        %gather3A = tpu.vector_load_idx %arg10[%add3A_85, %broadcast_in_dim3A_86] : memref<128x128xf32, #tpu.memory_space<vmem>>[vector<16xi32>, vector<16xi32>], vector<16xf32>,
        %gather3A_87 = tpu.vector_load_idx %arg9[%get3A_81] : memref<10240xf32, #tpu.memory_space<vmem>>[vector<16xi32>], vector<16xf32>,
        %add3A_88 = arith.addf %gather3A, %gather3A_87 : vector<16xf32>
        %ge3A = arith.constant 0.000000e+00 : f32
        %ge3A_89 = vector.broadcast %ge3A : f32 to vector<16xf32>
        %ge3A_90 = arith.cmpf oge, %add3A_88, %ge3A_89 : vector<16xf32>
        %mul3A_91 = arith.constant 2.000000e-01 : f32
        %mul3A_92 = vector.broadcast %mul3A_91 : f32 to vector<16xf32>
        %mul3A_93 = arith.mulf %mul3A_92, %add3A_88 : vector<16xf32>
        %select_n3A = arith.select %ge3A_90, %add3A_88, %mul3A_93 : vector<16xi1>, vector<16xf32>
        %exp3A = math.exp %select_n3A : vector<16xf32>
        %slice3A = vector.extract_strided_slice %exp3A {offsets = [0], sizes = [1], strides = [1]} : vector<16xf32> to vector<1xf32>
        %squeeze3A = vector.extract %slice3A[0] : f32 from vector<1xf32>
        %mul3A_94 = arith.constant 16 : i32
        %mul3A_95 = arith.muli %add3A_76, %mul3A_94 : i32
        %add3A_96 = arith.constant 0 : i32
        %add3A_97 = arith.addi %mul3A_95, %add3A_96 : i32
        %get3A_98 = arith.index_cast %add3A_97 : i32 to index
        %get3A_99 = arith.constant 0 : index
        %get3A_100 = tpu.vector_load %arg10[%get3A_98, %get3A_99] {strides = array<i32>} : memref<128x128xf32, #tpu.memory_space<vmem>>, vector<16xf32>,
        %mul3A_101 = vector.broadcast %squeeze3A : f32 to vector<16xf32>
        %mul3A_102 = arith.mulf %get3A_100, %mul3A_101 : vector<16xf32>
        %swap3A = arith.index_cast %add3A_97 : i32 to index
        %swap3A_103 = arith.constant 0 : index
        %swap3A_104 = tpu.vector_load %arg10[%swap3A, %swap3A_103] {strides = array<i32>} : memref<128x128xf32, #tpu.memory_space<vmem>>, vector<16xf32>,
        tpu.vector_store %arg10[%swap3A, %swap3A_103], %mul3A_102 {strides = array<i32>} : memref<128x128xf32, #tpu.memory_space<vmem>>, vector<16xf32>,
        %get3A_105 = arith.index_cast %add3A_97 : i32 to index
        %get3A_106 = arith.constant 16 : index
        %get3A_107 = tpu.vector_load %arg10[%get3A_105, %get3A_106] {strides = array<i32>} : memref<128x128xf32, #tpu.memory_space<vmem>>, vector<16xf32>,
        %mul3A_108 = vector.broadcast %squeeze3A : f32 to vector<16xf32>
        %mul3A_109 = arith.mulf %get3A_107, %mul3A_108 : vector<16xf32>
        %swap3A_110 = arith.index_cast %add3A_97 : i32 to index
        %swap3A_111 = arith.constant 16 : index
        %swap3A_112 = tpu.vector_load %arg10[%swap3A_110, %swap3A_111] {strides = array<i32>} : memref<128x128xf32, #tpu.memory_space<vmem>>, vector<16xf32>,
        tpu.vector_store %arg10[%swap3A_110, %swap3A_111], %mul3A_109 {strides = array<i32>} : memref<128x128xf32, #tpu.memory_space<vmem>>, vector<16xf32>,
        %get3A_113 = arith.index_cast %add3A_97 : i32 to index
        %get3A_114 = arith.constant 32 : index
        %get3A_115 = tpu.vector_load %arg10[%get3A_113, %get3A_114] {strides = array<i32>} : memref<128x128xf32, #tpu.memory_space<vmem>>, vector<16xf32>,
        %mul3A_116 = vector.broadcast %squeeze3A : f32 to vector<16xf32>
        %mul3A_117 = arith.mulf %get3A_115, %mul3A_116 : vector<16xf32>
        %swap3A_118 = arith.index_cast %add3A_97 : i32 to index
        %swap3A_119 = arith.constant 32 : index
        %swap3A_120 = tpu.vector_load %arg10[%swap3A_118, %swap3A_119] {strides = array<i32>} : memref<128x128xf32, #tpu.memory_space<vmem>>, vector<16xf32>,
        tpu.vector_store %arg10[%swap3A_118, %swap3A_119], %mul3A_117 {strides = array<i32>} : memref<128x128xf32, #tpu.memory_space<vmem>>, vector<16xf32>,
        %get3A_121 = arith.index_cast %add3A_97 : i32 to index
        %get3A_122 = arith.constant 48 : index
        %get3A_123 = tpu.vector_load %arg10[%get3A_121, %get3A_122] {strides = array<i32>} : memref<128x128xf32, #tpu.memory_space<vmem>>, vector<16xf32>,
        %mul3A_124 = vector.broadcast %squeeze3A : f32 to vector<16xf32>
        %mul3A_125 = arith.mulf %get3A_123, %mul3A_124 : vector<16xf32>
        %swap3A_126 = arith.index_cast %add3A_97 : i32 to index
        %swap3A_127 = arith.constant 48 : index
        %swap3A_128 = tpu.vector_load %arg10[%swap3A_126, %swap3A_127] {strides = array<i32>} : memref<128x128xf32, #tpu.memory_space<vmem>>, vector<16xf32>,
        tpu.vector_store %arg10[%swap3A_126, %swap3A_127], %mul3A_125 {strides = array<i32>} : memref<128x128xf32, #tpu.memory_space<vmem>>, vector<16xf32>,
        %broadcast_in_dim3A_129 = vector.broadcast %squeeze3A : f32 to vector<16xf32>
        %swap3A_130 = arith.index_cast %add3A_97 : i32 to index
        %swap3A_131 = arith.constant 64 : index
        %swap3A_132 = tpu.vector_load %arg10[%swap3A_130, %swap3A_131] {strides = array<i32>} : memref<128x128xf32, #tpu.memory_space<vmem>>, vector<16xf32>,
        tpu.vector_store %arg10[%swap3A_130, %swap3A_131], %broadcast_in_dim3A_129 {strides = array<i32>} : memref<128x128xf32, #tpu.memory_space<vmem>>, vector<16xf32>,
        %slice3A_133 = vector.extract_strided_slice %exp3A {offsets = [1], sizes = [1], strides = [1]} : vector<16xf32> to vector<1xf32>
        %squeeze3A_134 = vector.extract %slice3A_133[0] : f32 from vector<1xf32>
        %mul3A_135 = arith.constant 16 : i32
        %mul3A_136 = arith.muli %add3A_76, %mul3A_135 : i32
        %add3A_137 = arith.constant 1 : i32
        %add3A_138 = arith.addi %mul3A_136, %add3A_137 : i32
        %get3A_139 = arith.index_cast %add3A_138 : i32 to index
        %get3A_140 = arith.constant 0 : index
        %get3A_141 = tpu.vector_load %arg10[%get3A_139, %get3A_140] {strides = array<i32>} : memref<128x128xf32, #tpu.memory_space<vmem>>, vector<16xf32>,
        %mul3A_142 = vector.broadcast %squeeze3A_134 : f32 to vector<16xf32>
        %mul3A_143 = arith.mulf %get3A_141, %mul3A_142 : vector<16xf32>
        %swap3A_144 = arith.index_cast %add3A_138 : i32 to index
        %swap3A_145 = arith.constant 0 : index
        %swap3A_146 = tpu.vector_load %arg10[%swap3A_144, %swap3A_145] {strides = array<i32>} : memref<128x128xf32, #tpu.memory_space<vmem>>, vector<16xf32>,
        tpu.vector_store %arg10[%swap3A_144, %swap3A_145], %mul3A_143 {strides = array<i32>} : memref<128x128xf32, #tpu.memory_space<vmem>>, vector<16xf32>,
        %get3A_147 = arith.index_cast %add3A_138 : i32 to index
        %get3A_148 = arith.constant 16 : index
        %get3A_149 = tpu.vector_load %arg10[%get3A_147, %get3A_148] {strides = array<i32>} : memref<128x128xf32, #tpu.memory_space<vmem>>, vector<16xf32>,
        %mul3A_150 = vector.broadcast %squeeze3A_134 : f32 to vector<16xf32>
        %mul3A_151 = arith.mulf %get3A_149, %mul3A_150 : vector<16xf32>
        %swap3A_152 = arith.index_cast %add3A_138 : i32 to index
        %swap3A_153 = arith.constant 16 : index
        %swap3A_154 = tpu.vector_load %arg10[%swap3A_152, %swap3A_153] {strides = array<i32>} : memref<128x128xf32, #tpu.memory_space<vmem>>, vector<16xf32>,
        tpu.vector_store %arg10[%swap3A_152, %swap3A_153], %mul3A_151 {strides = array<i32>} : memref<128x128xf32, #tpu.memory_space<vmem>>, vector<16xf32>,
        %get3A_155 = arith.index_cast %add3A_138 : i32 to index
        %get3A_156 = arith.constant 32 : index
        %get3A_157 = tpu.vector_load %arg10[%get3A_155, %get3A_156] {strides = array<i32>} : memref<128x128xf32, #tpu.memory_space<vmem>>, vector<16xf32>,
        %mul3A_158 = vector.broadcast %squeeze3A_134 : f32 to vector<16xf32>
        %mul3A_159 = arith.mulf %get3A_157, %mul3A_158 : vector<16xf32>
        %swap3A_160 = arith.index_cast %add3A_138 : i32 to index
        %swap3A_161 = arith.constant 32 : index
        %swap3A_162 = tpu.vector_load %arg10[%swap3A_160, %swap3A_161] {strides = array<i32>} : memref<128x128xf32, #tpu.memory_space<vmem>>, vector<16xf32>,
        tpu.vector_store %arg10[%swap3A_160, %swap3A_161], %mul3A_159 {strides = array<i32>} : memref<128x128xf32, #tpu.memory_space<vmem>>, vector<16xf32>,
        %get3A_163 = arith.index_cast %add3A_138 : i32 to index
        %get3A_164 = arith.constant 48 : index
        %get3A_165 = tpu.vector_load %arg10[%get3A_163, %get3A_164] {strides = array<i32>} : memref<128x128xf32, #tpu.memory_space<vmem>>, vector<16xf32>,
        %mul3A_166 = vector.broadcast %squeeze3A_134 : f32 to vector<16xf32>
        %mul3A_167 = arith.mulf %get3A_165, %mul3A_166 : vector<16xf32>
        %swap3A_168 = arith.index_cast %add3A_138 : i32 to index
        %swap3A_169 = arith.constant 48 : index
        %swap3A_170 = tpu.vector_load %arg10[%swap3A_168, %swap3A_169] {strides = array<i32>} : memref<128x128xf32, #tpu.memory_space<vmem>>, vector<16xf32>,
        tpu.vector_store %arg10[%swap3A_168, %swap3A_169], %mul3A_167 {strides = array<i32>} : memref<128x128xf32, #tpu.memory_space<vmem>>, vector<16xf32>,
        %broadcast_in_dim3A_171 = vector.broadcast %squeeze3A_134 : f32 to vector<16xf32>
        %swap3A_172 = arith.index_cast %add3A_138 : i32 to index
        %swap3A_173 = arith.constant 64 : index
        %swap3A_174 = tpu.vector_load %arg10[%swap3A_172, %swap3A_173] {strides = array<i32>} : memref<128x128xf32, #tpu.memory_space<vmem>>, vector<16xf32>,
        tpu.vector_store %arg10[%swap3A_172, %swap3A_173], %broadcast_in_dim3A_171 {strides = array<i32>} : memref<128x128xf32, #tpu.memory_space<vmem>>, vector<16xf32>,
        %slice3A_175 = vector.extract_strided_slice %exp3A {offsets = [2], sizes = [1], strides = [1]} : vector<16xf32> to vector<1xf32>
        %squeeze3A_176 = vector.extract %slice3A_175[0] : f32 from vector<1xf32>
        %mul3A_177 = arith.constant 16 : i32
        %mul3A_178 = arith.muli %add3A_76, %mul3A_177 : i32
        %add3A_179 = arith.constant 2 : i32
        %add3A_180 = arith.addi %mul3A_178, %add3A_179 : i32
        %get3A_181 = arith.index_cast %add3A_180 : i32 to index
        %get3A_182 = arith.constant 0 : index
        %get3A_183 = tpu.vector_load %arg10[%get3A_181, %get3A_182] {strides = array<i32>} : memref<128x128xf32, #tpu.memory_space<vmem>>, vector<16xf32>,
        %mul3A_184 = vector.broadcast %squeeze3A_176 : f32 to vector<16xf32>
        %mul3A_185 = arith.mulf %get3A_183, %mul3A_184 : vector<16xf32>
        %swap3A_186 = arith.index_cast %add3A_180 : i32 to index
        %swap3A_187 = arith.constant 0 : index
        %swap3A_188 = tpu.vector_load %arg10[%swap3A_186, %swap3A_187] {strides = array<i32>} : memref<128x128xf32, #tpu.memory_space<vmem>>, vector<16xf32>,
        tpu.vector_store %arg10[%swap3A_186, %swap3A_187], %mul3A_185 {strides = array<i32>} : memref<128x128xf32, #tpu.memory_space<vmem>>, vector<16xf32>,
        %get3A_189 = arith.index_cast %add3A_180 : i32 to index
        %get3A_190 = arith.constant 16 : index
        %get3A_191 = tpu.vector_load %arg10[%get3A_189, %get3A_190] {strides = array<i32>} : memref<128x128xf32, #tpu.memory_space<vmem>>, vector<16xf32>,
        %mul3A_192 = vector.broadcast %squeeze3A_176 : f32 to vector<16xf32>
        %mul3A_193 = arith.mulf %get3A_191, %mul3A_192 : vector<16xf32>
        %swap3A_194 = arith.index_cast %add3A_180 : i32 to index
        %swap3A_195 = arith.constant 16 : index
        %swap3A_196 = tpu.vector_load %arg10[%swap3A_194, %swap3A_195] {strides = array<i32>} : memref<128x128xf32, #tpu.memory_space<vmem>>, vector<16xf32>,
        tpu.vector_store %arg10[%swap3A_194, %swap3A_195], %mul3A_193 {strides = array<i32>} : memref<128x128xf32, #tpu.memory_space<vmem>>, vector<16xf32>,
        %get3A_197 = arith.index_cast %add3A_180 : i32 to index
        %get3A_198 = arith.constant 32 : index
        %get3A_199 = tpu.vector_load %arg10[%get3A_197, %get3A_198] {strides = array<i32>} : memref<128x128xf32, #tpu.memory_space<vmem>>, vector<16xf32>,
        %mul3A_200 = vector.broadcast %squeeze3A_176 : f32 to vector<16xf32>
        %mul3A_201 = arith.mulf %get3A_199, %mul3A_200 : vector<16xf32>
        %swap3A_202 = arith.index_cast %add3A_180 : i32 to index
        %swap3A_203 = arith.constant 32 : index
        %swap3A_204 = tpu.vector_load %arg10[%swap3A_202, %swap3A_203] {strides = array<i32>} : memref<128x128xf32, #tpu.memory_space<vmem>>, vector<16xf32>,
        tpu.vector_store %arg10[%swap3A_202, %swap3A_203], %mul3A_201 {strides = array<i32>} : memref<128x128xf32, #tpu.memory_space<vmem>>, vector<16xf32>,
        %get3A_205 = arith.index_cast %add3A_180 : i32 to index
        %get3A_206 = arith.constant 48 : index
        %get3A_207 = tpu.vector_load %arg10[%get3A_205, %get3A_206] {strides = array<i32>} : memref<128x128xf32, #tpu.memory_space<vmem>>, vector<16xf32>,
        %mul3A_208 = vector.broadcast %squeeze3A_176 : f32 to vector<16xf32>
        %mul3A_209 = arith.mulf %get3A_207, %mul3A_208 : vector<16xf32>
        %swap3A_210 = arith.index_cast %add3A_180 : i32 to index
        %swap3A_211 = arith.constant 48 : index
        %swap3A_212 = tpu.vector_load %arg10[%swap3A_210, %swap3A_211] {strides = array<i32>} : memref<128x128xf32, #tpu.memory_space<vmem>>, vector<16xf32>,
        tpu.vector_store %arg10[%swap3A_210, %swap3A_211], %mul3A_209 {strides = array<i32>} : memref<128x128xf32, #tpu.memory_space<vmem>>, vector<16xf32>,
        %broadcast_in_dim3A_213 = vector.broadcast %squeeze3A_176 : f32 to vector<16xf32>
        %swap3A_214 = arith.index_cast %add3A_180 : i32 to index
        %swap3A_215 = arith.constant 64 : index
        %swap3A_216 = tpu.vector_load %arg10[%swap3A_214, %swap3A_215] {strides = array<i32>} : memref<128x128xf32, #tpu.memory_space<vmem>>, vector<16xf32>,
        tpu.vector_store %arg10[%swap3A_214, %swap3A_215], %broadcast_in_dim3A_213 {strides = array<i32>} : memref<128x128xf32, #tpu.memory_space<vmem>>, vector<16xf32>,
        %slice3A_217 = vector.extract_strided_slice %exp3A {offsets = [3], sizes = [1], strides = [1]} : vector<16xf32> to vector<1xf32>
        %squeeze3A_218 = vector.extract %slice3A_217[0] : f32 from vector<1xf32>
        %mul3A_219 = arith.constant 16 : i32
        %mul3A_220 = arith.muli %add3A_76, %mul3A_219 : i32
        %add3A_221 = arith.constant 3 : i32
        %add3A_222 = arith.addi %mul3A_220, %add3A_221 : i32
        %get3A_223 = arith.index_cast %add3A_222 : i32 to index
        %get3A_224 = arith.constant 0 : index
        %get3A_225 = tpu.vector_load %arg10[%get3A_223, %get3A_224] {strides = array<i32>} : memref<128x128xf32, #tpu.memory_space<vmem>>, vector<16xf32>,
        %mul3A_226 = vector.broadcast %squeeze3A_218 : f32 to vector<16xf32>
        %mul3A_227 = arith.mulf %get3A_225, %mul3A_226 : vector<16xf32>
        %swap3A_228 = arith.index_cast %add3A_222 : i32 to index
        %swap3A_229 = arith.constant 0 : index
        %swap3A_230 = tpu.vector_load %arg10[%swap3A_228, %swap3A_229] {strides = array<i32>} : memref<128x128xf32, #tpu.memory_space<vmem>>, vector<16xf32>,
        tpu.vector_store %arg10[%swap3A_228, %swap3A_229], %mul3A_227 {strides = array<i32>} : memref<128x128xf32, #tpu.memory_space<vmem>>, vector<16xf32>,
        %get3A_231 = arith.index_cast %add3A_222 : i32 to index
        %get3A_232 = arith.constant 16 : index
        %get3A_233 = tpu.vector_load %arg10[%get3A_231, %get3A_232] {strides = array<i32>} : memref<128x128xf32, #tpu.memory_space<vmem>>, vector<16xf32>,
        %mul3A_234 = vector.broadcast %squeeze3A_218 : f32 to vector<16xf32>
        %mul3A_235 = arith.mulf %get3A_233, %mul3A_234 : vector<16xf32>
        %swap3A_236 = arith.index_cast %add3A_222 : i32 to index
        %swap3A_237 = arith.constant 16 : index
        %swap3A_238 = tpu.vector_load %arg10[%swap3A_236, %swap3A_237] {strides = array<i32>} : memref<128x128xf32, #tpu.memory_space<vmem>>, vector<16xf32>,
        tpu.vector_store %arg10[%swap3A_236, %swap3A_237], %mul3A_235 {strides = array<i32>} : memref<128x128xf32, #tpu.memory_space<vmem>>, vector<16xf32>,
        %get3A_239 = arith.index_cast %add3A_222 : i32 to index
        %get3A_240 = arith.constant 32 : index
        %get3A_241 = tpu.vector_load %arg10[%get3A_239, %get3A_240] {strides = array<i32>} : memref<128x128xf32, #tpu.memory_space<vmem>>, vector<16xf32>,
        %mul3A_242 = vector.broadcast %squeeze3A_218 : f32 to vector<16xf32>
        %mul3A_243 = arith.mulf %get3A_241, %mul3A_242 : vector<16xf32>
        %swap3A_244 = arith.index_cast %add3A_222 : i32 to index
        %swap3A_245 = arith.constant 32 : index
        %swap3A_246 = tpu.vector_load %arg10[%swap3A_244, %swap3A_245] {strides = array<i32>} : memref<128x128xf32, #tpu.memory_space<vmem>>, vector<16xf32>,
        tpu.vector_store %arg10[%swap3A_244, %swap3A_245], %mul3A_243 {strides = array<i32>} : memref<128x128xf32, #tpu.memory_space<vmem>>, vector<16xf32>,
        %get3A_247 = arith.index_cast %add3A_222 : i32 to index
        %get3A_248 = arith.constant 48 : index
        %get3A_249 = tpu.vector_load %arg10[%get3A_247, %get3A_248] {strides = array<i32>} : memref<128x128xf32, #tpu.memory_space<vmem>>, vector<16xf32>,
        %mul3A_250 = vector.broadcast %squeeze3A_218 : f32 to vector<16xf32>
        %mul3A_251 = arith.mulf %get3A_249, %mul3A_250 : vector<16xf32>
        %swap3A_252 = arith.index_cast %add3A_222 : i32 to index
        %swap3A_253 = arith.constant 48 : index
        %swap3A_254 = tpu.vector_load %arg10[%swap3A_252, %swap3A_253] {strides = array<i32>} : memref<128x128xf32, #tpu.memory_space<vmem>>, vector<16xf32>,
        tpu.vector_store %arg10[%swap3A_252, %swap3A_253], %mul3A_251 {strides = array<i32>} : memref<128x128xf32, #tpu.memory_space<vmem>>, vector<16xf32>,
        %broadcast_in_dim3A_255 = vector.broadcast %squeeze3A_218 : f32 to vector<16xf32>
        %swap3A_256 = arith.index_cast %add3A_222 : i32 to index
        %swap3A_257 = arith.constant 64 : index
        %swap3A_258 = tpu.vector_load %arg10[%swap3A_256, %swap3A_257] {strides = array<i32>} : memref<128x128xf32, #tpu.memory_space<vmem>>, vector<16xf32>,
        tpu.vector_store %arg10[%swap3A_256, %swap3A_257], %broadcast_in_dim3A_255 {strides = array<i32>} : memref<128x128xf32, #tpu.memory_space<vmem>>, vector<16xf32>,
        %slice3A_259 = vector.extract_strided_slice %exp3A {offsets = [4], sizes = [1], strides = [1]} : vector<16xf32> to vector<1xf32>
        %squeeze3A_260 = vector.extract %slice3A_259[0] : f32 from vector<1xf32>
        %mul3A_261 = arith.constant 16 : i32
        %mul3A_262 = arith.muli %add3A_76, %mul3A_261 : i32
        %add3A_263 = arith.constant 4 : i32
        %add3A_264 = arith.addi %mul3A_262, %add3A_263 : i32
        %get3A_265 = arith.index_cast %add3A_264 : i32 to index
        %get3A_266 = arith.constant 0 : index
        %get3A_267 = tpu.vector_load %arg10[%get3A_265, %get3A_266] {strides = array<i32>} : memref<128x128xf32, #tpu.memory_space<vmem>>, vector<16xf32>,
        %mul3A_268 = vector.broadcast %squeeze3A_260 : f32 to vector<16xf32>
        %mul3A_269 = arith.mulf %get3A_267, %mul3A_268 : vector<16xf32>
        %swap3A_270 = arith.index_cast %add3A_264 : i32 to index
        %swap3A_271 = arith.constant 0 : index
        %swap3A_272 = tpu.vector_load %arg10[%swap3A_270, %swap3A_271] {strides = array<i32>} : memref<128x128xf32, #tpu.memory_space<vmem>>, vector<16xf32>,
        tpu.vector_store %arg10[%swap3A_270, %swap3A_271], %mul3A_269 {strides = array<i32>} : memref<128x128xf32, #tpu.memory_space<vmem>>, vector<16xf32>,
        %get3A_273 = arith.index_cast %add3A_264 : i32 to index
        %get3A_274 = arith.constant 16 : index
        %get3A_275 = tpu.vector_load %arg10[%get3A_273, %get3A_274] {strides = array<i32>} : memref<128x128xf32, #tpu.memory_space<vmem>>, vector<16xf32>,
        %mul3A_276 = vector.broadcast %squeeze3A_260 : f32 to vector<16xf32>
        %mul3A_277 = arith.mulf %get3A_275, %mul3A_276 : vector<16xf32>
        %swap3A_278 = arith.index_cast %add3A_264 : i32 to index
        %swap3A_279 = arith.constant 16 : index
        %swap3A_280 = tpu.vector_load %arg10[%swap3A_278, %swap3A_279] {strides = array<i32>} : memref<128x128xf32, #tpu.memory_space<vmem>>, vector<16xf32>,
        tpu.vector_store %arg10[%swap3A_278, %swap3A_279], %mul3A_277 {strides = array<i32>} : memref<128x128xf32, #tpu.memory_space<vmem>>, vector<16xf32>,
        %get3A_281 = arith.index_cast %add3A_264 : i32 to index
        %get3A_282 = arith.constant 32 : index
        %get3A_283 = tpu.vector_load %arg10[%get3A_281, %get3A_282] {strides = array<i32>} : memref<128x128xf32, #tpu.memory_space<vmem>>, vector<16xf32>,
        %mul3A_284 = vector.broadcast %squeeze3A_260 : f32 to vector<16xf32>
        %mul3A_285 = arith.mulf %get3A_283, %mul3A_284 : vector<16xf32>
        %swap3A_286 = arith.index_cast %add3A_264 : i32 to index
        %swap3A_287 = arith.constant 32 : index
        %swap3A_288 = tpu.vector_load %arg10[%swap3A_286, %swap3A_287] {strides = array<i32>} : memref<128x128xf32, #tpu.memory_space<vmem>>, vector<16xf32>,
        tpu.vector_store %arg10[%swap3A_286, %swap3A_287], %mul3A_285 {strides = array<i32>} : memref<128x128xf32, #tpu.memory_space<vmem>>, vector<16xf32>,
        %get3A_289 = arith.index_cast %add3A_264 : i32 to index
        %get3A_290 = arith.constant 48 : index
        %get3A_291 = tpu.vector_load %arg10[%get3A_289, %get3A_290] {strides = array<i32>} : memref<128x128xf32, #tpu.memory_space<vmem>>, vector<16xf32>,
        %mul3A_292 = vector.broadcast %squeeze3A_260 : f32 to vector<16xf32>
        %mul3A_293 = arith.mulf %get3A_291, %mul3A_292 : vector<16xf32>
        %swap3A_294 = arith.index_cast %add3A_264 : i32 to index
        %swap3A_295 = arith.constant 48 : index
        %swap3A_296 = tpu.vector_load %arg10[%swap3A_294, %swap3A_295] {strides = array<i32>} : memref<128x128xf32, #tpu.memory_space<vmem>>, vector<16xf32>,
        tpu.vector_store %arg10[%swap3A_294, %swap3A_295], %mul3A_293 {strides = array<i32>} : memref<128x128xf32, #tpu.memory_space<vmem>>, vector<16xf32>,
        %broadcast_in_dim3A_297 = vector.broadcast %squeeze3A_260 : f32 to vector<16xf32>
        %swap3A_298 = arith.index_cast %add3A_264 : i32 to index
        %swap3A_299 = arith.constant 64 : index
        %swap3A_300 = tpu.vector_load %arg10[%swap3A_298, %swap3A_299] {strides = array<i32>} : memref<128x128xf32, #tpu.memory_space<vmem>>, vector<16xf32>,
        tpu.vector_store %arg10[%swap3A_298, %swap3A_299], %broadcast_in_dim3A_297 {strides = array<i32>} : memref<128x128xf32, #tpu.memory_space<vmem>>, vector<16xf32>,
        %slice3A_301 = vector.extract_strided_slice %exp3A {offsets = [5], sizes = [1], strides = [1]} : vector<16xf32> to vector<1xf32>
        %squeeze3A_302 = vector.extract %slice3A_301[0] : f32 from vector<1xf32>
        %mul3A_303 = arith.constant 16 : i32
        %mul3A_304 = arith.muli %add3A_76, %mul3A_303 : i32
        %add3A_305 = arith.constant 5 : i32
        %add3A_306 = arith.addi %mul3A_304, %add3A_305 : i32
        %get3A_307 = arith.index_cast %add3A_306 : i32 to index
        %get3A_308 = arith.constant 0 : index
        %get3A_309 = tpu.vector_load %arg10[%get3A_307, %get3A_308] {strides = array<i32>} : memref<128x128xf32, #tpu.memory_space<vmem>>, vector<16xf32>,
        %mul3A_310 = vector.broadcast %squeeze3A_302 : f32 to vector<16xf32>
        %mul3A_311 = arith.mulf %get3A_309, %mul3A_310 : vector<16xf32>
        %swap3A_312 = arith.index_cast %add3A_306 : i32 to index
        %swap3A_313 = arith.constant 0 : index
        %swap3A_314 = tpu.vector_load %arg10[%swap3A_312, %swap3A_313] {strides = array<i32>} : memref<128x128xf32, #tpu.memory_space<vmem>>, vector<16xf32>,
        tpu.vector_store %arg10[%swap3A_312, %swap3A_313], %mul3A_311 {strides = array<i32>} : memref<128x128xf32, #tpu.memory_space<vmem>>, vector<16xf32>,
        %get3A_315 = arith.index_cast %add3A_306 : i32 to index
        %get3A_316 = arith.constant 16 : index
        %get3A_317 = tpu.vector_load %arg10[%get3A_315, %get3A_316] {strides = array<i32>} : memref<128x128xf32, #tpu.memory_space<vmem>>, vector<16xf32>,
        %mul3A_318 = vector.broadcast %squeeze3A_302 : f32 to vector<16xf32>
        %mul3A_319 = arith.mulf %get3A_317, %mul3A_318 : vector<16xf32>
        %swap3A_320 = arith.index_cast %add3A_306 : i32 to index
        %swap3A_321 = arith.constant 16 : index
        %swap3A_322 = tpu.vector_load %arg10[%swap3A_320, %swap3A_321] {strides = array<i32>} : memref<128x128xf32, #tpu.memory_space<vmem>>, vector<16xf32>,
        tpu.vector_store %arg10[%swap3A_320, %swap3A_321], %mul3A_319 {strides = array<i32>} : memref<128x128xf32, #tpu.memory_space<vmem>>, vector<16xf32>,
        %get3A_323 = arith.index_cast %add3A_306 : i32 to index
        %get3A_324 = arith.constant 32 : index
        %get3A_325 = tpu.vector_load %arg10[%get3A_323, %get3A_324] {strides = array<i32>} : memref<128x128xf32, #tpu.memory_space<vmem>>, vector<16xf32>,
        %mul3A_326 = vector.broadcast %squeeze3A_302 : f32 to vector<16xf32>
        %mul3A_327 = arith.mulf %get3A_325, %mul3A_326 : vector<16xf32>
        %swap3A_328 = arith.index_cast %add3A_306 : i32 to index
        %swap3A_329 = arith.constant 32 : index
        %swap3A_330 = tpu.vector_load %arg10[%swap3A_328, %swap3A_329] {strides = array<i32>} : memref<128x128xf32, #tpu.memory_space<vmem>>, vector<16xf32>,
        tpu.vector_store %arg10[%swap3A_328, %swap3A_329], %mul3A_327 {strides = array<i32>} : memref<128x128xf32, #tpu.memory_space<vmem>>, vector<16xf32>,
        %get3A_331 = arith.index_cast %add3A_306 : i32 to index
        %get3A_332 = arith.constant 48 : index
        %get3A_333 = tpu.vector_load %arg10[%get3A_331, %get3A_332] {strides = array<i32>} : memref<128x128xf32, #tpu.memory_space<vmem>>, vector<16xf32>,
        %mul3A_334 = vector.broadcast %squeeze3A_302 : f32 to vector<16xf32>
        %mul3A_335 = arith.mulf %get3A_333, %mul3A_334 : vector<16xf32>
        %swap3A_336 = arith.index_cast %add3A_306 : i32 to index
        %swap3A_337 = arith.constant 48 : index
        %swap3A_338 = tpu.vector_load %arg10[%swap3A_336, %swap3A_337] {strides = array<i32>} : memref<128x128xf32, #tpu.memory_space<vmem>>, vector<16xf32>,
        tpu.vector_store %arg10[%swap3A_336, %swap3A_337], %mul3A_335 {strides = array<i32>} : memref<128x128xf32, #tpu.memory_space<vmem>>, vector<16xf32>,
        %broadcast_in_dim3A_339 = vector.broadcast %squeeze3A_302 : f32 to vector<16xf32>
        %swap3A_340 = arith.index_cast %add3A_306 : i32 to index
        %swap3A_341 = arith.constant 64 : index
        %swap3A_342 = tpu.vector_load %arg10[%swap3A_340, %swap3A_341] {strides = array<i32>} : memref<128x128xf32, #tpu.memory_space<vmem>>, vector<16xf32>,
        tpu.vector_store %arg10[%swap3A_340, %swap3A_341], %broadcast_in_dim3A_339 {strides = array<i32>} : memref<128x128xf32, #tpu.memory_space<vmem>>, vector<16xf32>,
        %slice3A_343 = vector.extract_strided_slice %exp3A {offsets = [6], sizes = [1], strides = [1]} : vector<16xf32> to vector<1xf32>
        %squeeze3A_344 = vector.extract %slice3A_343[0] : f32 from vector<1xf32>
        %mul3A_345 = arith.constant 16 : i32
        %mul3A_346 = arith.muli %add3A_76, %mul3A_345 : i32
        %add3A_347 = arith.constant 6 : i32
        %add3A_348 = arith.addi %mul3A_346, %add3A_347 : i32
        %get3A_349 = arith.index_cast %add3A_348 : i32 to index
        %get3A_350 = arith.constant 0 : index
        %get3A_351 = tpu.vector_load %arg10[%get3A_349, %get3A_350] {strides = array<i32>} : memref<128x128xf32, #tpu.memory_space<vmem>>, vector<16xf32>,
        %mul3A_352 = vector.broadcast %squeeze3A_344 : f32 to vector<16xf32>
        %mul3A_353 = arith.mulf %get3A_351, %mul3A_352 : vector<16xf32>
        %swap3A_354 = arith.index_cast %add3A_348 : i32 to index
        %swap3A_355 = arith.constant 0 : index
        %swap3A_356 = tpu.vector_load %arg10[%swap3A_354, %swap3A_355] {strides = array<i32>} : memref<128x128xf32, #tpu.memory_space<vmem>>, vector<16xf32>,
        tpu.vector_store %arg10[%swap3A_354, %swap3A_355], %mul3A_353 {strides = array<i32>} : memref<128x128xf32, #tpu.memory_space<vmem>>, vector<16xf32>,
        %get3A_357 = arith.index_cast %add3A_348 : i32 to index
        %get3A_358 = arith.constant 16 : index
        %get3A_359 = tpu.vector_load %arg10[%get3A_357, %get3A_358] {strides = array<i32>} : memref<128x128xf32, #tpu.memory_space<vmem>>, vector<16xf32>,
        %mul3A_360 = vector.broadcast %squeeze3A_344 : f32 to vector<16xf32>
        %mul3A_361 = arith.mulf %get3A_359, %mul3A_360 : vector<16xf32>
        %swap3A_362 = arith.index_cast %add3A_348 : i32 to index
        %swap3A_363 = arith.constant 16 : index
        %swap3A_364 = tpu.vector_load %arg10[%swap3A_362, %swap3A_363] {strides = array<i32>} : memref<128x128xf32, #tpu.memory_space<vmem>>, vector<16xf32>,
        tpu.vector_store %arg10[%swap3A_362, %swap3A_363], %mul3A_361 {strides = array<i32>} : memref<128x128xf32, #tpu.memory_space<vmem>>, vector<16xf32>,
        %get3A_365 = arith.index_cast %add3A_348 : i32 to index
        %get3A_366 = arith.constant 32 : index
        %get3A_367 = tpu.vector_load %arg10[%get3A_365, %get3A_366] {strides = array<i32>} : memref<128x128xf32, #tpu.memory_space<vmem>>, vector<16xf32>,
        %mul3A_368 = vector.broadcast %squeeze3A_344 : f32 to vector<16xf32>
        %mul3A_369 = arith.mulf %get3A_367, %mul3A_368 : vector<16xf32>
        %swap3A_370 = arith.index_cast %add3A_348 : i32 to index
        %swap3A_371 = arith.constant 32 : index
        %swap3A_372 = tpu.vector_load %arg10[%swap3A_370, %swap3A_371] {strides = array<i32>} : memref<128x128xf32, #tpu.memory_space<vmem>>, vector<16xf32>,
        tpu.vector_store %arg10[%swap3A_370, %swap3A_371], %mul3A_369 {strides = array<i32>} : memref<128x128xf32, #tpu.memory_space<vmem>>, vector<16xf32>,
        %get3A_373 = arith.index_cast %add3A_348 : i32 to index
        %get3A_374 = arith.constant 48 : index
        %get3A_375 = tpu.vector_load %arg10[%get3A_373, %get3A_374] {strides = array<i32>} : memref<128x128xf32, #tpu.memory_space<vmem>>, vector<16xf32>,
        %mul3A_376 = vector.broadcast %squeeze3A_344 : f32 to vector<16xf32>
        %mul3A_377 = arith.mulf %get3A_375, %mul3A_376 : vector<16xf32>
        %swap3A_378 = arith.index_cast %add3A_348 : i32 to index
        %swap3A_379 = arith.constant 48 : index
        %swap3A_380 = tpu.vector_load %arg10[%swap3A_378, %swap3A_379] {strides = array<i32>} : memref<128x128xf32, #tpu.memory_space<vmem>>, vector<16xf32>,
        tpu.vector_store %arg10[%swap3A_378, %swap3A_379], %mul3A_377 {strides = array<i32>} : memref<128x128xf32, #tpu.memory_space<vmem>>, vector<16xf32>,
        %broadcast_in_dim3A_381 = vector.broadcast %squeeze3A_344 : f32 to vector<16xf32>
        %swap3A_382 = arith.index_cast %add3A_348 : i32 to index
        %swap3A_383 = arith.constant 64 : index
        %swap3A_384 = tpu.vector_load %arg10[%swap3A_382, %swap3A_383] {strides = array<i32>} : memref<128x128xf32, #tpu.memory_space<vmem>>, vector<16xf32>,
        tpu.vector_store %arg10[%swap3A_382, %swap3A_383], %broadcast_in_dim3A_381 {strides = array<i32>} : memref<128x128xf32, #tpu.memory_space<vmem>>, vector<16xf32>,
        %slice3A_385 = vector.extract_strided_slice %exp3A {offsets = [7], sizes = [1], strides = [1]} : vector<16xf32> to vector<1xf32>
        %squeeze3A_386 = vector.extract %slice3A_385[0] : f32 from vector<1xf32>
        %mul3A_387 = arith.constant 16 : i32
        %mul3A_388 = arith.muli %add3A_76, %mul3A_387 : i32
        %add3A_389 = arith.constant 7 : i32
        %add3A_390 = arith.addi %mul3A_388, %add3A_389 : i32
        %get3A_391 = arith.index_cast %add3A_390 : i32 to index
        %get3A_392 = arith.constant 0 : index
        %get3A_393 = tpu.vector_load %arg10[%get3A_391, %get3A_392] {strides = array<i32>} : memref<128x128xf32, #tpu.memory_space<vmem>>, vector<16xf32>,
        %mul3A_394 = vector.broadcast %squeeze3A_386 : f32 to vector<16xf32>
        %mul3A_395 = arith.mulf %get3A_393, %mul3A_394 : vector<16xf32>
        %swap3A_396 = arith.index_cast %add3A_390 : i32 to index
        %swap3A_397 = arith.constant 0 : index
        %swap3A_398 = tpu.vector_load %arg10[%swap3A_396, %swap3A_397] {strides = array<i32>} : memref<128x128xf32, #tpu.memory_space<vmem>>, vector<16xf32>,
        tpu.vector_store %arg10[%swap3A_396, %swap3A_397], %mul3A_395 {strides = array<i32>} : memref<128x128xf32, #tpu.memory_space<vmem>>, vector<16xf32>,
        %get3A_399 = arith.index_cast %add3A_390 : i32 to index
        %get3A_400 = arith.constant 16 : index
        %get3A_401 = tpu.vector_load %arg10[%get3A_399, %get3A_400] {strides = array<i32>} : memref<128x128xf32, #tpu.memory_space<vmem>>, vector<16xf32>,
        %mul3A_402 = vector.broadcast %squeeze3A_386 : f32 to vector<16xf32>
        %mul3A_403 = arith.mulf %get3A_401, %mul3A_402 : vector<16xf32>
        %swap3A_404 = arith.index_cast %add3A_390 : i32 to index
        %swap3A_405 = arith.constant 16 : index
        %swap3A_406 = tpu.vector_load %arg10[%swap3A_404, %swap3A_405] {strides = array<i32>} : memref<128x128xf32, #tpu.memory_space<vmem>>, vector<16xf32>,
        tpu.vector_store %arg10[%swap3A_404, %swap3A_405], %mul3A_403 {strides = array<i32>} : memref<128x128xf32, #tpu.memory_space<vmem>>, vector<16xf32>,
        %get3A_407 = arith.index_cast %add3A_390 : i32 to index
        %get3A_408 = arith.constant 32 : index
        %get3A_409 = tpu.vector_load %arg10[%get3A_407, %get3A_408] {strides = array<i32>} : memref<128x128xf32, #tpu.memory_space<vmem>>, vector<16xf32>,
        %mul3A_410 = vector.broadcast %squeeze3A_386 : f32 to vector<16xf32>
        %mul3A_411 = arith.mulf %get3A_409, %mul3A_410 : vector<16xf32>
        %swap3A_412 = arith.index_cast %add3A_390 : i32 to index
        %swap3A_413 = arith.constant 32 : index
        %swap3A_414 = tpu.vector_load %arg10[%swap3A_412, %swap3A_413] {strides = array<i32>} : memref<128x128xf32, #tpu.memory_space<vmem>>, vector<16xf32>,
        tpu.vector_store %arg10[%swap3A_412, %swap3A_413], %mul3A_411 {strides = array<i32>} : memref<128x128xf32, #tpu.memory_space<vmem>>, vector<16xf32>,
        %get3A_415 = arith.index_cast %add3A_390 : i32 to index
        %get3A_416 = arith.constant 48 : index
        %get3A_417 = tpu.vector_load %arg10[%get3A_415, %get3A_416] {strides = array<i32>} : memref<128x128xf32, #tpu.memory_space<vmem>>, vector<16xf32>,
        %mul3A_418 = vector.broadcast %squeeze3A_386 : f32 to vector<16xf32>
        %mul3A_419 = arith.mulf %get3A_417, %mul3A_418 : vector<16xf32>
        %swap3A_420 = arith.index_cast %add3A_390 : i32 to index
        %swap3A_421 = arith.constant 48 : index
        %swap3A_422 = tpu.vector_load %arg10[%swap3A_420, %swap3A_421] {strides = array<i32>} : memref<128x128xf32, #tpu.memory_space<vmem>>, vector<16xf32>,
        tpu.vector_store %arg10[%swap3A_420, %swap3A_421], %mul3A_419 {strides = array<i32>} : memref<128x128xf32, #tpu.memory_space<vmem>>, vector<16xf32>,
        %broadcast_in_dim3A_423 = vector.broadcast %squeeze3A_386 : f32 to vector<16xf32>
        %swap3A_424 = arith.index_cast %add3A_390 : i32 to index
        %swap3A_425 = arith.constant 64 : index
        %swap3A_426 = tpu.vector_load %arg10[%swap3A_424, %swap3A_425] {strides = array<i32>} : memref<128x128xf32, #tpu.memory_space<vmem>>, vector<16xf32>,
        tpu.vector_store %arg10[%swap3A_424, %swap3A_425], %broadcast_in_dim3A_423 {strides = array<i32>} : memref<128x128xf32, #tpu.memory_space<vmem>>, vector<16xf32>,
        %slice3A_427 = vector.extract_strided_slice %exp3A {offsets = [8], sizes = [1], strides = [1]} : vector<16xf32> to vector<1xf32>
        %squeeze3A_428 = vector.extract %slice3A_427[0] : f32 from vector<1xf32>
        %mul3A_429 = arith.constant 16 : i32
        %mul3A_430 = arith.muli %add3A_76, %mul3A_429 : i32
        %add3A_431 = arith.constant 8 : i32
        %add3A_432 = arith.addi %mul3A_430, %add3A_431 : i32
        %get3A_433 = arith.index_cast %add3A_432 : i32 to index
        %get3A_434 = arith.constant 0 : index
        %get3A_435 = tpu.vector_load %arg10[%get3A_433, %get3A_434] {strides = array<i32>} : memref<128x128xf32, #tpu.memory_space<vmem>>, vector<16xf32>,
        %mul3A_436 = vector.broadcast %squeeze3A_428 : f32 to vector<16xf32>
        %mul3A_437 = arith.mulf %get3A_435, %mul3A_436 : vector<16xf32>
        %swap3A_438 = arith.index_cast %add3A_432 : i32 to index
        %swap3A_439 = arith.constant 0 : index
        %swap3A_440 = tpu.vector_load %arg10[%swap3A_438, %swap3A_439] {strides = array<i32>} : memref<128x128xf32, #tpu.memory_space<vmem>>, vector<16xf32>,
        tpu.vector_store %arg10[%swap3A_438, %swap3A_439], %mul3A_437 {strides = array<i32>} : memref<128x128xf32, #tpu.memory_space<vmem>>, vector<16xf32>,
        %get3A_441 = arith.index_cast %add3A_432 : i32 to index
        %get3A_442 = arith.constant 16 : index
        %get3A_443 = tpu.vector_load %arg10[%get3A_441, %get3A_442] {strides = array<i32>} : memref<128x128xf32, #tpu.memory_space<vmem>>, vector<16xf32>,
        %mul3A_444 = vector.broadcast %squeeze3A_428 : f32 to vector<16xf32>
        %mul3A_445 = arith.mulf %get3A_443, %mul3A_444 : vector<16xf32>
        %swap3A_446 = arith.index_cast %add3A_432 : i32 to index
        %swap3A_447 = arith.constant 16 : index
        %swap3A_448 = tpu.vector_load %arg10[%swap3A_446, %swap3A_447] {strides = array<i32>} : memref<128x128xf32, #tpu.memory_space<vmem>>, vector<16xf32>,
        tpu.vector_store %arg10[%swap3A_446, %swap3A_447], %mul3A_445 {strides = array<i32>} : memref<128x128xf32, #tpu.memory_space<vmem>>, vector<16xf32>,
        %get3A_449 = arith.index_cast %add3A_432 : i32 to index
        %get3A_450 = arith.constant 32 : index
        %get3A_451 = tpu.vector_load %arg10[%get3A_449, %get3A_450] {strides = array<i32>} : memref<128x128xf32, #tpu.memory_space<vmem>>, vector<16xf32>,
        %mul3A_452 = vector.broadcast %squeeze3A_428 : f32 to vector<16xf32>
        %mul3A_453 = arith.mulf %get3A_451, %mul3A_452 : vector<16xf32>
        %swap3A_454 = arith.index_cast %add3A_432 : i32 to index
        %swap3A_455 = arith.constant 32 : index
        %swap3A_456 = tpu.vector_load %arg10[%swap3A_454, %swap3A_455] {strides = array<i32>} : memref<128x128xf32, #tpu.memory_space<vmem>>, vector<16xf32>,
        tpu.vector_store %arg10[%swap3A_454, %swap3A_455], %mul3A_453 {strides = array<i32>} : memref<128x128xf32, #tpu.memory_space<vmem>>, vector<16xf32>,
        %get3A_457 = arith.index_cast %add3A_432 : i32 to index
        %get3A_458 = arith.constant 48 : index
        %get3A_459 = tpu.vector_load %arg10[%get3A_457, %get3A_458] {strides = array<i32>} : memref<128x128xf32, #tpu.memory_space<vmem>>, vector<16xf32>,
        %mul3A_460 = vector.broadcast %squeeze3A_428 : f32 to vector<16xf32>
        %mul3A_461 = arith.mulf %get3A_459, %mul3A_460 : vector<16xf32>
        %swap3A_462 = arith.index_cast %add3A_432 : i32 to index
        %swap3A_463 = arith.constant 48 : index
        %swap3A_464 = tpu.vector_load %arg10[%swap3A_462, %swap3A_463] {strides = array<i32>} : memref<128x128xf32, #tpu.memory_space<vmem>>, vector<16xf32>,
        tpu.vector_store %arg10[%swap3A_462, %swap3A_463], %mul3A_461 {strides = array<i32>} : memref<128x128xf32, #tpu.memory_space<vmem>>, vector<16xf32>,
        %broadcast_in_dim3A_465 = vector.broadcast %squeeze3A_428 : f32 to vector<16xf32>
        %swap3A_466 = arith.index_cast %add3A_432 : i32 to index
        %swap3A_467 = arith.constant 64 : index
        %swap3A_468 = tpu.vector_load %arg10[%swap3A_466, %swap3A_467] {strides = array<i32>} : memref<128x128xf32, #tpu.memory_space<vmem>>, vector<16xf32>,
        tpu.vector_store %arg10[%swap3A_466, %swap3A_467], %broadcast_in_dim3A_465 {strides = array<i32>} : memref<128x128xf32, #tpu.memory_space<vmem>>, vector<16xf32>,
        %slice3A_469 = vector.extract_strided_slice %exp3A {offsets = [9], sizes = [1], strides = [1]} : vector<16xf32> to vector<1xf32>
        %squeeze3A_470 = vector.extract %slice3A_469[0] : f32 from vector<1xf32>
        %mul3A_471 = arith.constant 16 : i32
        %mul3A_472 = arith.muli %add3A_76, %mul3A_471 : i32
        %add3A_473 = arith.constant 9 : i32
        %add3A_474 = arith.addi %mul3A_472, %add3A_473 : i32
        %get3A_475 = arith.index_cast %add3A_474 : i32 to index
        %get3A_476 = arith.constant 0 : index
        %get3A_477 = tpu.vector_load %arg10[%get3A_475, %get3A_476] {strides = array<i32>} : memref<128x128xf32, #tpu.memory_space<vmem>>, vector<16xf32>,
        %mul3A_478 = vector.broadcast %squeeze3A_470 : f32 to vector<16xf32>
        %mul3A_479 = arith.mulf %get3A_477, %mul3A_478 : vector<16xf32>
        %swap3A_480 = arith.index_cast %add3A_474 : i32 to index
        %swap3A_481 = arith.constant 0 : index
        %swap3A_482 = tpu.vector_load %arg10[%swap3A_480, %swap3A_481] {strides = array<i32>} : memref<128x128xf32, #tpu.memory_space<vmem>>, vector<16xf32>,
        tpu.vector_store %arg10[%swap3A_480, %swap3A_481], %mul3A_479 {strides = array<i32>} : memref<128x128xf32, #tpu.memory_space<vmem>>, vector<16xf32>,
        %get3A_483 = arith.index_cast %add3A_474 : i32 to index
        %get3A_484 = arith.constant 16 : index
        %get3A_485 = tpu.vector_load %arg10[%get3A_483, %get3A_484] {strides = array<i32>} : memref<128x128xf32, #tpu.memory_space<vmem>>, vector<16xf32>,
        %mul3A_486 = vector.broadcast %squeeze3A_470 : f32 to vector<16xf32>
        %mul3A_487 = arith.mulf %get3A_485, %mul3A_486 : vector<16xf32>
        %swap3A_488 = arith.index_cast %add3A_474 : i32 to index
        %swap3A_489 = arith.constant 16 : index
        %swap3A_490 = tpu.vector_load %arg10[%swap3A_488, %swap3A_489] {strides = array<i32>} : memref<128x128xf32, #tpu.memory_space<vmem>>, vector<16xf32>,
        tpu.vector_store %arg10[%swap3A_488, %swap3A_489], %mul3A_487 {strides = array<i32>} : memref<128x128xf32, #tpu.memory_space<vmem>>, vector<16xf32>,
        %get3A_491 = arith.index_cast %add3A_474 : i32 to index
        %get3A_492 = arith.constant 32 : index
        %get3A_493 = tpu.vector_load %arg10[%get3A_491, %get3A_492] {strides = array<i32>} : memref<128x128xf32, #tpu.memory_space<vmem>>, vector<16xf32>,
        %mul3A_494 = vector.broadcast %squeeze3A_470 : f32 to vector<16xf32>
        %mul3A_495 = arith.mulf %get3A_493, %mul3A_494 : vector<16xf32>
        %swap3A_496 = arith.index_cast %add3A_474 : i32 to index
        %swap3A_497 = arith.constant 32 : index
        %swap3A_498 = tpu.vector_load %arg10[%swap3A_496, %swap3A_497] {strides = array<i32>} : memref<128x128xf32, #tpu.memory_space<vmem>>, vector<16xf32>,
        tpu.vector_store %arg10[%swap3A_496, %swap3A_497], %mul3A_495 {strides = array<i32>} : memref<128x128xf32, #tpu.memory_space<vmem>>, vector<16xf32>,
        %get3A_499 = arith.index_cast %add3A_474 : i32 to index
        %get3A_500 = arith.constant 48 : index
        %get3A_501 = tpu.vector_load %arg10[%get3A_499, %get3A_500] {strides = array<i32>} : memref<128x128xf32, #tpu.memory_space<vmem>>, vector<16xf32>,
        %mul3A_502 = vector.broadcast %squeeze3A_470 : f32 to vector<16xf32>
        %mul3A_503 = arith.mulf %get3A_501, %mul3A_502 : vector<16xf32>
        %swap3A_504 = arith.index_cast %add3A_474 : i32 to index
        %swap3A_505 = arith.constant 48 : index
        %swap3A_506 = tpu.vector_load %arg10[%swap3A_504, %swap3A_505] {strides = array<i32>} : memref<128x128xf32, #tpu.memory_space<vmem>>, vector<16xf32>,
        tpu.vector_store %arg10[%swap3A_504, %swap3A_505], %mul3A_503 {strides = array<i32>} : memref<128x128xf32, #tpu.memory_space<vmem>>, vector<16xf32>,
        %broadcast_in_dim3A_507 = vector.broadcast %squeeze3A_470 : f32 to vector<16xf32>
        %swap3A_508 = arith.index_cast %add3A_474 : i32 to index
        %swap3A_509 = arith.constant 64 : index
        %swap3A_510 = tpu.vector_load %arg10[%swap3A_508, %swap3A_509] {strides = array<i32>} : memref<128x128xf32, #tpu.memory_space<vmem>>, vector<16xf32>,
        tpu.vector_store %arg10[%swap3A_508, %swap3A_509], %broadcast_in_dim3A_507 {strides = array<i32>} : memref<128x128xf32, #tpu.memory_space<vmem>>, vector<16xf32>,
        %slice3A_511 = vector.extract_strided_slice %exp3A {offsets = [10], sizes = [1], strides = [1]} : vector<16xf32> to vector<1xf32>
        %squeeze3A_512 = vector.extract %slice3A_511[0] : f32 from vector<1xf32>
        %mul3A_513 = arith.constant 16 : i32
        %mul3A_514 = arith.muli %add3A_76, %mul3A_513 : i32
        %add3A_515 = arith.constant 10 : i32
        %add3A_516 = arith.addi %mul3A_514, %add3A_515 : i32
        %get3A_517 = arith.index_cast %add3A_516 : i32 to index
        %get3A_518 = arith.constant 0 : index
        %get3A_519 = tpu.vector_load %arg10[%get3A_517, %get3A_518] {strides = array<i32>} : memref<128x128xf32, #tpu.memory_space<vmem>>, vector<16xf32>,
        %mul3A_520 = vector.broadcast %squeeze3A_512 : f32 to vector<16xf32>
        %mul3A_521 = arith.mulf %get3A_519, %mul3A_520 : vector<16xf32>
        %swap3A_522 = arith.index_cast %add3A_516 : i32 to index
        %swap3A_523 = arith.constant 0 : index
        %swap3A_524 = tpu.vector_load %arg10[%swap3A_522, %swap3A_523] {strides = array<i32>} : memref<128x128xf32, #tpu.memory_space<vmem>>, vector<16xf32>,
        tpu.vector_store %arg10[%swap3A_522, %swap3A_523], %mul3A_521 {strides = array<i32>} : memref<128x128xf32, #tpu.memory_space<vmem>>, vector<16xf32>,
        %get3A_525 = arith.index_cast %add3A_516 : i32 to index
        %get3A_526 = arith.constant 16 : index
        %get3A_527 = tpu.vector_load %arg10[%get3A_525, %get3A_526] {strides = array<i32>} : memref<128x128xf32, #tpu.memory_space<vmem>>, vector<16xf32>,
        %mul3A_528 = vector.broadcast %squeeze3A_512 : f32 to vector<16xf32>
        %mul3A_529 = arith.mulf %get3A_527, %mul3A_528 : vector<16xf32>
        %swap3A_530 = arith.index_cast %add3A_516 : i32 to index
        %swap3A_531 = arith.constant 16 : index
        %swap3A_532 = tpu.vector_load %arg10[%swap3A_530, %swap3A_531] {strides = array<i32>} : memref<128x128xf32, #tpu.memory_space<vmem>>, vector<16xf32>,
        tpu.vector_store %arg10[%swap3A_530, %swap3A_531], %mul3A_529 {strides = array<i32>} : memref<128x128xf32, #tpu.memory_space<vmem>>, vector<16xf32>,
        %get3A_533 = arith.index_cast %add3A_516 : i32 to index
        %get3A_534 = arith.constant 32 : index
        %get3A_535 = tpu.vector_load %arg10[%get3A_533, %get3A_534] {strides = array<i32>} : memref<128x128xf32, #tpu.memory_space<vmem>>, vector<16xf32>,
        %mul3A_536 = vector.broadcast %squeeze3A_512 : f32 to vector<16xf32>
        %mul3A_537 = arith.mulf %get3A_535, %mul3A_536 : vector<16xf32>
        %swap3A_538 = arith.index_cast %add3A_516 : i32 to index
        %swap3A_539 = arith.constant 32 : index
        %swap3A_540 = tpu.vector_load %arg10[%swap3A_538, %swap3A_539] {strides = array<i32>} : memref<128x128xf32, #tpu.memory_space<vmem>>, vector<16xf32>,
        tpu.vector_store %arg10[%swap3A_538, %swap3A_539], %mul3A_537 {strides = array<i32>} : memref<128x128xf32, #tpu.memory_space<vmem>>, vector<16xf32>,
        %get3A_541 = arith.index_cast %add3A_516 : i32 to index
        %get3A_542 = arith.constant 48 : index
        %get3A_543 = tpu.vector_load %arg10[%get3A_541, %get3A_542] {strides = array<i32>} : memref<128x128xf32, #tpu.memory_space<vmem>>, vector<16xf32>,
        %mul3A_544 = vector.broadcast %squeeze3A_512 : f32 to vector<16xf32>
        %mul3A_545 = arith.mulf %get3A_543, %mul3A_544 : vector<16xf32>
        %swap3A_546 = arith.index_cast %add3A_516 : i32 to index
        %swap3A_547 = arith.constant 48 : index
        %swap3A_548 = tpu.vector_load %arg10[%swap3A_546, %swap3A_547] {strides = array<i32>} : memref<128x128xf32, #tpu.memory_space<vmem>>, vector<16xf32>,
        tpu.vector_store %arg10[%swap3A_546, %swap3A_547], %mul3A_545 {strides = array<i32>} : memref<128x128xf32, #tpu.memory_space<vmem>>, vector<16xf32>,
        %broadcast_in_dim3A_549 = vector.broadcast %squeeze3A_512 : f32 to vector<16xf32>
        %swap3A_550 = arith.index_cast %add3A_516 : i32 to index
        %swap3A_551 = arith.constant 64 : index
        %swap3A_552 = tpu.vector_load %arg10[%swap3A_550, %swap3A_551] {strides = array<i32>} : memref<128x128xf32, #tpu.memory_space<vmem>>, vector<16xf32>,
        tpu.vector_store %arg10[%swap3A_550, %swap3A_551], %broadcast_in_dim3A_549 {strides = array<i32>} : memref<128x128xf32, #tpu.memory_space<vmem>>, vector<16xf32>,
        %slice3A_553 = vector.extract_strided_slice %exp3A {offsets = [11], sizes = [1], strides = [1]} : vector<16xf32> to vector<1xf32>
        %squeeze3A_554 = vector.extract %slice3A_553[0] : f32 from vector<1xf32>
        %mul3A_555 = arith.constant 16 : i32
        %mul3A_556 = arith.muli %add3A_76, %mul3A_555 : i32
        %add3A_557 = arith.constant 11 : i32
        %add3A_558 = arith.addi %mul3A_556, %add3A_557 : i32
        %get3A_559 = arith.index_cast %add3A_558 : i32 to index
        %get3A_560 = arith.constant 0 : index
        %get3A_561 = tpu.vector_load %arg10[%get3A_559, %get3A_560] {strides = array<i32>} : memref<128x128xf32, #tpu.memory_space<vmem>>, vector<16xf32>,
        %mul3A_562 = vector.broadcast %squeeze3A_554 : f32 to vector<16xf32>
        %mul3A_563 = arith.mulf %get3A_561, %mul3A_562 : vector<16xf32>
        %swap3A_564 = arith.index_cast %add3A_558 : i32 to index
        %swap3A_565 = arith.constant 0 : index
        %swap3A_566 = tpu.vector_load %arg10[%swap3A_564, %swap3A_565] {strides = array<i32>} : memref<128x128xf32, #tpu.memory_space<vmem>>, vector<16xf32>,
        tpu.vector_store %arg10[%swap3A_564, %swap3A_565], %mul3A_563 {strides = array<i32>} : memref<128x128xf32, #tpu.memory_space<vmem>>, vector<16xf32>,
        %get3A_567 = arith.index_cast %add3A_558 : i32 to index
        %get3A_568 = arith.constant 16 : index
        %get3A_569 = tpu.vector_load %arg10[%get3A_567, %get3A_568] {strides = array<i32>} : memref<128x128xf32, #tpu.memory_space<vmem>>, vector<16xf32>,
        %mul3A_570 = vector.broadcast %squeeze3A_554 : f32 to vector<16xf32>
        %mul3A_571 = arith.mulf %get3A_569, %mul3A_570 : vector<16xf32>
        %swap3A_572 = arith.index_cast %add3A_558 : i32 to index
        %swap3A_573 = arith.constant 16 : index
        %swap3A_574 = tpu.vector_load %arg10[%swap3A_572, %swap3A_573] {strides = array<i32>} : memref<128x128xf32, #tpu.memory_space<vmem>>, vector<16xf32>,
        tpu.vector_store %arg10[%swap3A_572, %swap3A_573], %mul3A_571 {strides = array<i32>} : memref<128x128xf32, #tpu.memory_space<vmem>>, vector<16xf32>,
        %get3A_575 = arith.index_cast %add3A_558 : i32 to index
        %get3A_576 = arith.constant 32 : index
        %get3A_577 = tpu.vector_load %arg10[%get3A_575, %get3A_576] {strides = array<i32>} : memref<128x128xf32, #tpu.memory_space<vmem>>, vector<16xf32>,
        %mul3A_578 = vector.broadcast %squeeze3A_554 : f32 to vector<16xf32>
        %mul3A_579 = arith.mulf %get3A_577, %mul3A_578 : vector<16xf32>
        %swap3A_580 = arith.index_cast %add3A_558 : i32 to index
        %swap3A_581 = arith.constant 32 : index
        %swap3A_582 = tpu.vector_load %arg10[%swap3A_580, %swap3A_581] {strides = array<i32>} : memref<128x128xf32, #tpu.memory_space<vmem>>, vector<16xf32>,
        tpu.vector_store %arg10[%swap3A_580, %swap3A_581], %mul3A_579 {strides = array<i32>} : memref<128x128xf32, #tpu.memory_space<vmem>>, vector<16xf32>,
        %get3A_583 = arith.index_cast %add3A_558 : i32 to index
        %get3A_584 = arith.constant 48 : index
        %get3A_585 = tpu.vector_load %arg10[%get3A_583, %get3A_584] {strides = array<i32>} : memref<128x128xf32, #tpu.memory_space<vmem>>, vector<16xf32>,
        %mul3A_586 = vector.broadcast %squeeze3A_554 : f32 to vector<16xf32>
        %mul3A_587 = arith.mulf %get3A_585, %mul3A_586 : vector<16xf32>
        %swap3A_588 = arith.index_cast %add3A_558 : i32 to index
        %swap3A_589 = arith.constant 48 : index
        %swap3A_590 = tpu.vector_load %arg10[%swap3A_588, %swap3A_589] {strides = array<i32>} : memref<128x128xf32, #tpu.memory_space<vmem>>, vector<16xf32>,
        tpu.vector_store %arg10[%swap3A_588, %swap3A_589], %mul3A_587 {strides = array<i32>} : memref<128x128xf32, #tpu.memory_space<vmem>>, vector<16xf32>,
        %broadcast_in_dim3A_591 = vector.broadcast %squeeze3A_554 : f32 to vector<16xf32>
        %swap3A_592 = arith.index_cast %add3A_558 : i32 to index
        %swap3A_593 = arith.constant 64 : index
        %swap3A_594 = tpu.vector_load %arg10[%swap3A_592, %swap3A_593] {strides = array<i32>} : memref<128x128xf32, #tpu.memory_space<vmem>>, vector<16xf32>,
        tpu.vector_store %arg10[%swap3A_592, %swap3A_593], %broadcast_in_dim3A_591 {strides = array<i32>} : memref<128x128xf32, #tpu.memory_space<vmem>>, vector<16xf32>,
        %slice3A_595 = vector.extract_strided_slice %exp3A {offsets = [12], sizes = [1], strides = [1]} : vector<16xf32> to vector<1xf32>
        %squeeze3A_596 = vector.extract %slice3A_595[0] : f32 from vector<1xf32>
        %mul3A_597 = arith.constant 16 : i32
        %mul3A_598 = arith.muli %add3A_76, %mul3A_597 : i32
        %add3A_599 = arith.constant 12 : i32
        %add3A_600 = arith.addi %mul3A_598, %add3A_599 : i32
        %get3A_601 = arith.index_cast %add3A_600 : i32 to index
        %get3A_602 = arith.constant 0 : index
        %get3A_603 = tpu.vector_load %arg10[%get3A_601, %get3A_602] {strides = array<i32>} : memref<128x128xf32, #tpu.memory_space<vmem>>, vector<16xf32>,
        %mul3A_604 = vector.broadcast %squeeze3A_596 : f32 to vector<16xf32>
        %mul3A_605 = arith.mulf %get3A_603, %mul3A_604 : vector<16xf32>
        %swap3A_606 = arith.index_cast %add3A_600 : i32 to index
        %swap3A_607 = arith.constant 0 : index
        %swap3A_608 = tpu.vector_load %arg10[%swap3A_606, %swap3A_607] {strides = array<i32>} : memref<128x128xf32, #tpu.memory_space<vmem>>, vector<16xf32>,
        tpu.vector_store %arg10[%swap3A_606, %swap3A_607], %mul3A_605 {strides = array<i32>} : memref<128x128xf32, #tpu.memory_space<vmem>>, vector<16xf32>,
        %get3A_609 = arith.index_cast %add3A_600 : i32 to index
        %get3A_610 = arith.constant 16 : index
        %get3A_611 = tpu.vector_load %arg10[%get3A_609, %get3A_610] {strides = array<i32>} : memref<128x128xf32, #tpu.memory_space<vmem>>, vector<16xf32>,
        %mul3A_612 = vector.broadcast %squeeze3A_596 : f32 to vector<16xf32>
        %mul3A_613 = arith.mulf %get3A_611, %mul3A_612 : vector<16xf32>
        %swap3A_614 = arith.index_cast %add3A_600 : i32 to index
        %swap3A_615 = arith.constant 16 : index
        %swap3A_616 = tpu.vector_load %arg10[%swap3A_614, %swap3A_615] {strides = array<i32>} : memref<128x128xf32, #tpu.memory_space<vmem>>, vector<16xf32>,
        tpu.vector_store %arg10[%swap3A_614, %swap3A_615], %mul3A_613 {strides = array<i32>} : memref<128x128xf32, #tpu.memory_space<vmem>>, vector<16xf32>,
        %get3A_617 = arith.index_cast %add3A_600 : i32 to index
        %get3A_618 = arith.constant 32 : index
        %get3A_619 = tpu.vector_load %arg10[%get3A_617, %get3A_618] {strides = array<i32>} : memref<128x128xf32, #tpu.memory_space<vmem>>, vector<16xf32>,
        %mul3A_620 = vector.broadcast %squeeze3A_596 : f32 to vector<16xf32>
        %mul3A_621 = arith.mulf %get3A_619, %mul3A_620 : vector<16xf32>
        %swap3A_622 = arith.index_cast %add3A_600 : i32 to index
        %swap3A_623 = arith.constant 32 : index
        %swap3A_624 = tpu.vector_load %arg10[%swap3A_622, %swap3A_623] {strides = array<i32>} : memref<128x128xf32, #tpu.memory_space<vmem>>, vector<16xf32>,
        tpu.vector_store %arg10[%swap3A_622, %swap3A_623], %mul3A_621 {strides = array<i32>} : memref<128x128xf32, #tpu.memory_space<vmem>>, vector<16xf32>,
        %get3A_625 = arith.index_cast %add3A_600 : i32 to index
        %get3A_626 = arith.constant 48 : index
        %get3A_627 = tpu.vector_load %arg10[%get3A_625, %get3A_626] {strides = array<i32>} : memref<128x128xf32, #tpu.memory_space<vmem>>, vector<16xf32>,
        %mul3A_628 = vector.broadcast %squeeze3A_596 : f32 to vector<16xf32>
        %mul3A_629 = arith.mulf %get3A_627, %mul3A_628 : vector<16xf32>
        %swap3A_630 = arith.index_cast %add3A_600 : i32 to index
        %swap3A_631 = arith.constant 48 : index
        %swap3A_632 = tpu.vector_load %arg10[%swap3A_630, %swap3A_631] {strides = array<i32>} : memref<128x128xf32, #tpu.memory_space<vmem>>, vector<16xf32>,
        tpu.vector_store %arg10[%swap3A_630, %swap3A_631], %mul3A_629 {strides = array<i32>} : memref<128x128xf32, #tpu.memory_space<vmem>>, vector<16xf32>,
        %broadcast_in_dim3A_633 = vector.broadcast %squeeze3A_596 : f32 to vector<16xf32>
        %swap3A_634 = arith.index_cast %add3A_600 : i32 to index
        %swap3A_635 = arith.constant 64 : index
        %swap3A_636 = tpu.vector_load %arg10[%swap3A_634, %swap3A_635] {strides = array<i32>} : memref<128x128xf32, #tpu.memory_space<vmem>>, vector<16xf32>,
        tpu.vector_store %arg10[%swap3A_634, %swap3A_635], %broadcast_in_dim3A_633 {strides = array<i32>} : memref<128x128xf32, #tpu.memory_space<vmem>>, vector<16xf32>,
        %slice3A_637 = vector.extract_strided_slice %exp3A {offsets = [13], sizes = [1], strides = [1]} : vector<16xf32> to vector<1xf32>
        %squeeze3A_638 = vector.extract %slice3A_637[0] : f32 from vector<1xf32>
        %mul3A_639 = arith.constant 16 : i32
        %mul3A_640 = arith.muli %add3A_76, %mul3A_639 : i32
        %add3A_641 = arith.constant 13 : i32
        %add3A_642 = arith.addi %mul3A_640, %add3A_641 : i32
        %get3A_643 = arith.index_cast %add3A_642 : i32 to index
        %get3A_644 = arith.constant 0 : index
        %get3A_645 = tpu.vector_load %arg10[%get3A_643, %get3A_644] {strides = array<i32>} : memref<128x128xf32, #tpu.memory_space<vmem>>, vector<16xf32>,
        %mul3A_646 = vector.broadcast %squeeze3A_638 : f32 to vector<16xf32>
        %mul3A_647 = arith.mulf %get3A_645, %mul3A_646 : vector<16xf32>
        %swap3A_648 = arith.index_cast %add3A_642 : i32 to index
        %swap3A_649 = arith.constant 0 : index
        %swap3A_650 = tpu.vector_load %arg10[%swap3A_648, %swap3A_649] {strides = array<i32>} : memref<128x128xf32, #tpu.memory_space<vmem>>, vector<16xf32>,
        tpu.vector_store %arg10[%swap3A_648, %swap3A_649], %mul3A_647 {strides = array<i32>} : memref<128x128xf32, #tpu.memory_space<vmem>>, vector<16xf32>,
        %get3A_651 = arith.index_cast %add3A_642 : i32 to index
        %get3A_652 = arith.constant 16 : index
        %get3A_653 = tpu.vector_load %arg10[%get3A_651, %get3A_652] {strides = array<i32>} : memref<128x128xf32, #tpu.memory_space<vmem>>, vector<16xf32>,
        %mul3A_654 = vector.broadcast %squeeze3A_638 : f32 to vector<16xf32>
        %mul3A_655 = arith.mulf %get3A_653, %mul3A_654 : vector<16xf32>
        %swap3A_656 = arith.index_cast %add3A_642 : i32 to index
        %swap3A_657 = arith.constant 16 : index
        %swap3A_658 = tpu.vector_load %arg10[%swap3A_656, %swap3A_657] {strides = array<i32>} : memref<128x128xf32, #tpu.memory_space<vmem>>, vector<16xf32>,
        tpu.vector_store %arg10[%swap3A_656, %swap3A_657], %mul3A_655 {strides = array<i32>} : memref<128x128xf32, #tpu.memory_space<vmem>>, vector<16xf32>,
        %get3A_659 = arith.index_cast %add3A_642 : i32 to index
        %get3A_660 = arith.constant 32 : index
        %get3A_661 = tpu.vector_load %arg10[%get3A_659, %get3A_660] {strides = array<i32>} : memref<128x128xf32, #tpu.memory_space<vmem>>, vector<16xf32>,
        %mul3A_662 = vector.broadcast %squeeze3A_638 : f32 to vector<16xf32>
        %mul3A_663 = arith.mulf %get3A_661, %mul3A_662 : vector<16xf32>
        %swap3A_664 = arith.index_cast %add3A_642 : i32 to index
        %swap3A_665 = arith.constant 32 : index
        %swap3A_666 = tpu.vector_load %arg10[%swap3A_664, %swap3A_665] {strides = array<i32>} : memref<128x128xf32, #tpu.memory_space<vmem>>, vector<16xf32>,
        tpu.vector_store %arg10[%swap3A_664, %swap3A_665], %mul3A_663 {strides = array<i32>} : memref<128x128xf32, #tpu.memory_space<vmem>>, vector<16xf32>,
        %get3A_667 = arith.index_cast %add3A_642 : i32 to index
        %get3A_668 = arith.constant 48 : index
        %get3A_669 = tpu.vector_load %arg10[%get3A_667, %get3A_668] {strides = array<i32>} : memref<128x128xf32, #tpu.memory_space<vmem>>, vector<16xf32>,
        %mul3A_670 = vector.broadcast %squeeze3A_638 : f32 to vector<16xf32>
        %mul3A_671 = arith.mulf %get3A_669, %mul3A_670 : vector<16xf32>
        %swap3A_672 = arith.index_cast %add3A_642 : i32 to index
        %swap3A_673 = arith.constant 48 : index
        %swap3A_674 = tpu.vector_load %arg10[%swap3A_672, %swap3A_673] {strides = array<i32>} : memref<128x128xf32, #tpu.memory_space<vmem>>, vector<16xf32>,
        tpu.vector_store %arg10[%swap3A_672, %swap3A_673], %mul3A_671 {strides = array<i32>} : memref<128x128xf32, #tpu.memory_space<vmem>>, vector<16xf32>,
        %broadcast_in_dim3A_675 = vector.broadcast %squeeze3A_638 : f32 to vector<16xf32>
        %swap3A_676 = arith.index_cast %add3A_642 : i32 to index
        %swap3A_677 = arith.constant 64 : index
        %swap3A_678 = tpu.vector_load %arg10[%swap3A_676, %swap3A_677] {strides = array<i32>} : memref<128x128xf32, #tpu.memory_space<vmem>>, vector<16xf32>,
        tpu.vector_store %arg10[%swap3A_676, %swap3A_677], %broadcast_in_dim3A_675 {strides = array<i32>} : memref<128x128xf32, #tpu.memory_space<vmem>>, vector<16xf32>,
        %slice3A_679 = vector.extract_strided_slice %exp3A {offsets = [14], sizes = [1], strides = [1]} : vector<16xf32> to vector<1xf32>
        %squeeze3A_680 = vector.extract %slice3A_679[0] : f32 from vector<1xf32>
        %mul3A_681 = arith.constant 16 : i32
        %mul3A_682 = arith.muli %add3A_76, %mul3A_681 : i32
        %add3A_683 = arith.constant 14 : i32
        %add3A_684 = arith.addi %mul3A_682, %add3A_683 : i32
        %get3A_685 = arith.index_cast %add3A_684 : i32 to index
        %get3A_686 = arith.constant 0 : index
        %get3A_687 = tpu.vector_load %arg10[%get3A_685, %get3A_686] {strides = array<i32>} : memref<128x128xf32, #tpu.memory_space<vmem>>, vector<16xf32>,
        %mul3A_688 = vector.broadcast %squeeze3A_680 : f32 to vector<16xf32>
        %mul3A_689 = arith.mulf %get3A_687, %mul3A_688 : vector<16xf32>
        %swap3A_690 = arith.index_cast %add3A_684 : i32 to index
        %swap3A_691 = arith.constant 0 : index
        %swap3A_692 = tpu.vector_load %arg10[%swap3A_690, %swap3A_691] {strides = array<i32>} : memref<128x128xf32, #tpu.memory_space<vmem>>, vector<16xf32>,
        tpu.vector_store %arg10[%swap3A_690, %swap3A_691], %mul3A_689 {strides = array<i32>} : memref<128x128xf32, #tpu.memory_space<vmem>>, vector<16xf32>,
        %get3A_693 = arith.index_cast %add3A_684 : i32 to index
        %get3A_694 = arith.constant 16 : index
        %get3A_695 = tpu.vector_load %arg10[%get3A_693, %get3A_694] {strides = array<i32>} : memref<128x128xf32, #tpu.memory_space<vmem>>, vector<16xf32>,
        %mul3A_696 = vector.broadcast %squeeze3A_680 : f32 to vector<16xf32>
        %mul3A_697 = arith.mulf %get3A_695, %mul3A_696 : vector<16xf32>
        %swap3A_698 = arith.index_cast %add3A_684 : i32 to index
        %swap3A_699 = arith.constant 16 : index
        %swap3A_700 = tpu.vector_load %arg10[%swap3A_698, %swap3A_699] {strides = array<i32>} : memref<128x128xf32, #tpu.memory_space<vmem>>, vector<16xf32>,
        tpu.vector_store %arg10[%swap3A_698, %swap3A_699], %mul3A_697 {strides = array<i32>} : memref<128x128xf32, #tpu.memory_space<vmem>>, vector<16xf32>,
        %get3A_701 = arith.index_cast %add3A_684 : i32 to index
        %get3A_702 = arith.constant 32 : index
        %get3A_703 = tpu.vector_load %arg10[%get3A_701, %get3A_702] {strides = array<i32>} : memref<128x128xf32, #tpu.memory_space<vmem>>, vector<16xf32>,
        %mul3A_704 = vector.broadcast %squeeze3A_680 : f32 to vector<16xf32>
        %mul3A_705 = arith.mulf %get3A_703, %mul3A_704 : vector<16xf32>
        %swap3A_706 = arith.index_cast %add3A_684 : i32 to index
        %swap3A_707 = arith.constant 32 : index
        %swap3A_708 = tpu.vector_load %arg10[%swap3A_706, %swap3A_707] {strides = array<i32>} : memref<128x128xf32, #tpu.memory_space<vmem>>, vector<16xf32>,
        tpu.vector_store %arg10[%swap3A_706, %swap3A_707], %mul3A_705 {strides = array<i32>} : memref<128x128xf32, #tpu.memory_space<vmem>>, vector<16xf32>,
        %get3A_709 = arith.index_cast %add3A_684 : i32 to index
        %get3A_710 = arith.constant 48 : index
        %get3A_711 = tpu.vector_load %arg10[%get3A_709, %get3A_710] {strides = array<i32>} : memref<128x128xf32, #tpu.memory_space<vmem>>, vector<16xf32>,
        %mul3A_712 = vector.broadcast %squeeze3A_680 : f32 to vector<16xf32>
        %mul3A_713 = arith.mulf %get3A_711, %mul3A_712 : vector<16xf32>
        %swap3A_714 = arith.index_cast %add3A_684 : i32 to index
        %swap3A_715 = arith.constant 48 : index
        %swap3A_716 = tpu.vector_load %arg10[%swap3A_714, %swap3A_715] {strides = array<i32>} : memref<128x128xf32, #tpu.memory_space<vmem>>, vector<16xf32>,
        tpu.vector_store %arg10[%swap3A_714, %swap3A_715], %mul3A_713 {strides = array<i32>} : memref<128x128xf32, #tpu.memory_space<vmem>>, vector<16xf32>,
        %broadcast_in_dim3A_717 = vector.broadcast %squeeze3A_680 : f32 to vector<16xf32>
        %swap3A_718 = arith.index_cast %add3A_684 : i32 to index
        %swap3A_719 = arith.constant 64 : index
        %swap3A_720 = tpu.vector_load %arg10[%swap3A_718, %swap3A_719] {strides = array<i32>} : memref<128x128xf32, #tpu.memory_space<vmem>>, vector<16xf32>,
        tpu.vector_store %arg10[%swap3A_718, %swap3A_719], %broadcast_in_dim3A_717 {strides = array<i32>} : memref<128x128xf32, #tpu.memory_space<vmem>>, vector<16xf32>,
        %slice3A_721 = vector.extract_strided_slice %exp3A {offsets = [15], sizes = [1], strides = [1]} : vector<16xf32> to vector<1xf32>
        %squeeze3A_722 = vector.extract %slice3A_721[0] : f32 from vector<1xf32>
        %mul3A_723 = arith.constant 16 : i32
        %mul3A_724 = arith.muli %add3A_76, %mul3A_723 : i32
        %add3A_725 = arith.constant 15 : i32
        %add3A_726 = arith.addi %mul3A_724, %add3A_725 : i32
        %get3A_727 = arith.index_cast %add3A_726 : i32 to index
        %get3A_728 = arith.constant 0 : index
        %get3A_729 = tpu.vector_load %arg10[%get3A_727, %get3A_728] {strides = array<i32>} : memref<128x128xf32, #tpu.memory_space<vmem>>, vector<16xf32>,
        %mul3A_730 = vector.broadcast %squeeze3A_722 : f32 to vector<16xf32>
        %mul3A_731 = arith.mulf %get3A_729, %mul3A_730 : vector<16xf32>
        %swap3A_732 = arith.index_cast %add3A_726 : i32 to index
        %swap3A_733 = arith.constant 0 : index
        %swap3A_734 = tpu.vector_load %arg10[%swap3A_732, %swap3A_733] {strides = array<i32>} : memref<128x128xf32, #tpu.memory_space<vmem>>, vector<16xf32>,
        tpu.vector_store %arg10[%swap3A_732, %swap3A_733], %mul3A_731 {strides = array<i32>} : memref<128x128xf32, #tpu.memory_space<vmem>>, vector<16xf32>,
        %get3A_735 = arith.index_cast %add3A_726 : i32 to index
        %get3A_736 = arith.constant 16 : index
        %get3A_737 = tpu.vector_load %arg10[%get3A_735, %get3A_736] {strides = array<i32>} : memref<128x128xf32, #tpu.memory_space<vmem>>, vector<16xf32>,
        %mul3A_738 = vector.broadcast %squeeze3A_722 : f32 to vector<16xf32>
        %mul3A_739 = arith.mulf %get3A_737, %mul3A_738 : vector<16xf32>
        %swap3A_740 = arith.index_cast %add3A_726 : i32 to index
        %swap3A_741 = arith.constant 16 : index
        %swap3A_742 = tpu.vector_load %arg10[%swap3A_740, %swap3A_741] {strides = array<i32>} : memref<128x128xf32, #tpu.memory_space<vmem>>, vector<16xf32>,
        tpu.vector_store %arg10[%swap3A_740, %swap3A_741], %mul3A_739 {strides = array<i32>} : memref<128x128xf32, #tpu.memory_space<vmem>>, vector<16xf32>,
        %get3A_743 = arith.index_cast %add3A_726 : i32 to index
        %get3A_744 = arith.constant 32 : index
        %get3A_745 = tpu.vector_load %arg10[%get3A_743, %get3A_744] {strides = array<i32>} : memref<128x128xf32, #tpu.memory_space<vmem>>, vector<16xf32>,
        %mul3A_746 = vector.broadcast %squeeze3A_722 : f32 to vector<16xf32>
        %mul3A_747 = arith.mulf %get3A_745, %mul3A_746 : vector<16xf32>
        %swap3A_748 = arith.index_cast %add3A_726 : i32 to index
        %swap3A_749 = arith.constant 32 : index
        %swap3A_750 = tpu.vector_load %arg10[%swap3A_748, %swap3A_749] {strides = array<i32>} : memref<128x128xf32, #tpu.memory_space<vmem>>, vector<16xf32>,
        tpu.vector_store %arg10[%swap3A_748, %swap3A_749], %mul3A_747 {strides = array<i32>} : memref<128x128xf32, #tpu.memory_space<vmem>>, vector<16xf32>,
        %get3A_751 = arith.index_cast %add3A_726 : i32 to index
        %get3A_752 = arith.constant 48 : index
        %get3A_753 = tpu.vector_load %arg10[%get3A_751, %get3A_752] {strides = array<i32>} : memref<128x128xf32, #tpu.memory_space<vmem>>, vector<16xf32>,
        %mul3A_754 = vector.broadcast %squeeze3A_722 : f32 to vector<16xf32>
        %mul3A_755 = arith.mulf %get3A_753, %mul3A_754 : vector<16xf32>
        %swap3A_756 = arith.index_cast %add3A_726 : i32 to index
        %swap3A_757 = arith.constant 48 : index
        %swap3A_758 = tpu.vector_load %arg10[%swap3A_756, %swap3A_757] {strides = array<i32>} : memref<128x128xf32, #tpu.memory_space<vmem>>, vector<16xf32>,
        tpu.vector_store %arg10[%swap3A_756, %swap3A_757], %mul3A_755 {strides = array<i32>} : memref<128x128xf32, #tpu.memory_space<vmem>>, vector<16xf32>,
        %broadcast_in_dim3A_759 = vector.broadcast %squeeze3A_722 : f32 to vector<16xf32>
        %swap3A_760 = arith.index_cast %add3A_726 : i32 to index
        %swap3A_761 = arith.constant 64 : index
        %swap3A_762 = tpu.vector_load %arg10[%swap3A_760, %swap3A_761] {strides = array<i32>} : memref<128x128xf32, #tpu.memory_space<vmem>>, vector<16xf32>,
        tpu.vector_store %arg10[%swap3A_760, %swap3A_761], %broadcast_in_dim3A_759 {strides = array<i32>} : memref<128x128xf32, #tpu.memory_space<vmem>>, vector<16xf32>,
      }
      %scan3A_57 = arith.constant 8 : i32
      %run_scoped3A_58 = arith.constant 14 : i32
      "tpu.region"() ({
        %run_scoped3A_72 = tpu.sem_alloc : memref<!tpu.dma_semaphore, #tpu.memory_space<semaphore_mem>>
        %dma_start3A_73 = arith.constant 0 : i32
        %dma_start3A_74 = tpu.memref_slice %arg8[%run_scoped3A_58, %dma_start3A_73] : memref<16x128xi32, #tpu.memory_space<vmem>> -> memref<1x128xi32, #tpu.memory_space<vmem>>
        %dma_start3A_75 = tpu.memref_squeeze %dma_start3A_74 : memref<1x128xi32, #tpu.memory_space<vmem>> -> memref<128xi32, #tpu.memory_space<vmem>>
        %dma_start3A_76 = arith.constant 0 : i32
        %dma_start3A_77 = arith.constant 0 : i32
        %dma_start3A_78 = tpu.memref_slice %arg12[%dma_start3A_76, %dma_start3A_77] : memref<10240x128xf32, #tpu.memory_space<vmem_shared>> -> memref<10240x128xf32, #tpu.memory_space<vmem_shared>>
        tpu.enqueue_indirect_dma source(%arg10 : memref<128x128xf32, #tpu.memory_space<vmem>>) target(%dma_start3A_78 : memref<10240x128xf32, #tpu.memory_space<vmem_shared>>) offsets(%dma_start3A_75 : memref<128xi32, #tpu.memory_space<vmem>>) semaphore(%run_scoped3A_72 : memref<!tpu.dma_semaphore, #tpu.memory_space<semaphore_mem>>) {add = true}
        %dma_wait3A_79 = arith.constant 0 : i32
        %dma_wait3A_80 = tpu.memref_slice %arg8[%run_scoped3A_58, %dma_wait3A_79] : memref<16x128xi32, #tpu.memory_space<vmem>> -> memref<1x128xi32, #tpu.memory_space<vmem>>
        %dma_wait3A_81 = tpu.memref_squeeze %dma_wait3A_80 : memref<1x128xi32, #tpu.memory_space<vmem>> -> memref<128xi32, #tpu.memory_space<vmem>>
        %dma_wait3A_82 = arith.constant 0 : i32
        %dma_wait3A_83 = arith.constant 0 : i32
        %dma_wait3A_84 = tpu.memref_slice %arg12[%dma_wait3A_82, %dma_wait3A_83] : memref<10240x128xf32, #tpu.memory_space<vmem_shared>> -> memref<10240x128xf32, #tpu.memory_space<vmem_shared>>
        tpu.wait_indirect_dma semaphore(%run_scoped3A_72 : memref<!tpu.dma_semaphore, #tpu.memory_space<semaphore_mem>>) src(%arg10 : memref<128x128xf32, #tpu.memory_space<vmem>>) dst(%dma_wait3A_84 : memref<10240x128xf32, #tpu.memory_space<vmem_shared>>)
        tpu.yield
      }) : () -> ()
      %dma_wait3A_59 = arith.constant 15 : i32
      %dma_wait3A_60 = arith.constant 0 : i32
      %dma_wait3A_61 = tpu.memref_slice %arg7[%dma_wait3A_59, %dma_wait3A_60] : memref<16x128xi32, #tpu.memory_space<vmem>> -> memref<1x128xi32, #tpu.memory_space<vmem>>
      %dma_wait3A_62 = tpu.memref_squeeze %dma_wait3A_61 : memref<1x128xi32, #tpu.memory_space<vmem>> -> memref<128xi32, #tpu.memory_space<vmem>>
      %dma_wait3A_63 = arith.constant 0 : i32
      %dma_wait3A_64 = arith.constant 0 : i32
      %dma_wait3A_65 = tpu.memref_slice %arg2[%dma_wait3A_63, %dma_wait3A_64] : memref<10240x128xf32, #tpu.memory_space<hbm>> -> memref<10240x128xf32, #tpu.memory_space<hbm>>
      tpu.wait_indirect_dma semaphore(%arg14 : memref<!tpu.dma_semaphore, #tpu.memory_space<semaphore_mem>>) src(%dma_wait3A_65 : memref<10240x128xf32, #tpu.memory_space<hbm>>) dst(%arg11 : memref<128x128xf32, #tpu.memory_space<vmem>>)
      %scan3A_66 = arith.constant 0 : i32
      %scan3A_67 = arith.constant 8 : i32
      %scan3A_68 = arith.addi %scan3A_66, %scan3A_67 : i32
      %scan3A_69 = arith.constant 1 : i32
      scf.for %scan3A_72 = %scan3A_66 to %scan3A_68 step %scan3A_69  : i32 {
        %mul3A_73 = arith.constant 1 : i32
        %mul3A_74 = arith.muli %scan3A_72, %mul3A_73 : i32
        %add3A_75 = arith.constant 0 : i32
        %add3A_76 = arith.addi %add3A_75, %mul3A_74 : i32
        %mul3A_77 = arith.constant 16 : i32
        %mul3A_78 = arith.muli %add3A_76, %mul3A_77 : i32
        %get3A = arith.constant 15 : i32
        %get3A_79 = arith.index_cast %get3A : i32 to index
        %get3A_80 = arith.index_cast %mul3A_78 : i32 to index
        %get3A_81 = tpu.vector_load %arg8[%get3A_79, %get3A_80] {strides = array<i32>} : memref<16x128xi32, #tpu.memory_space<vmem>>, vector<16xi32>,
        %iota3A = tpu.iota {dimensions = array<i32: 0>} : vector<16xi32>
        %mul3A_82 = arith.constant 16 : i32
        %mul3A_83 = arith.muli %add3A_76, %mul3A_82 : i32
        %add3A_84 = vector.broadcast %mul3A_83 : i32 to vector<16xi32>
        %add3A_85 = arith.addi %iota3A, %add3A_84 : vector<16xi32>
        %broadcast_in_dim3A = arith.constant 65 : i32
        %broadcast_in_dim3A_86 = vector.broadcast %broadcast_in_dim3A : i32 to vector<16xi32>
        %gather3A = tpu.vector_load_idx %arg11[%add3A_85, %broadcast_in_dim3A_86] : memref<128x128xf32, #tpu.memory_space<vmem>>[vector<16xi32>, vector<16xi32>], vector<16xf32>,
        %gather3A_87 = tpu.vector_load_idx %arg9[%get3A_81] : memref<10240xf32, #tpu.memory_space<vmem>>[vector<16xi32>], vector<16xf32>,
        %add3A_88 = arith.addf %gather3A, %gather3A_87 : vector<16xf32>
        %ge3A = arith.constant 0.000000e+00 : f32
        %ge3A_89 = vector.broadcast %ge3A : f32 to vector<16xf32>
        %ge3A_90 = arith.cmpf oge, %add3A_88, %ge3A_89 : vector<16xf32>
        %mul3A_91 = arith.constant 2.000000e-01 : f32
        %mul3A_92 = vector.broadcast %mul3A_91 : f32 to vector<16xf32>
        %mul3A_93 = arith.mulf %mul3A_92, %add3A_88 : vector<16xf32>
        %select_n3A = arith.select %ge3A_90, %add3A_88, %mul3A_93 : vector<16xi1>, vector<16xf32>
        %exp3A = math.exp %select_n3A : vector<16xf32>
        %slice3A = vector.extract_strided_slice %exp3A {offsets = [0], sizes = [1], strides = [1]} : vector<16xf32> to vector<1xf32>
        %squeeze3A = vector.extract %slice3A[0] : f32 from vector<1xf32>
        %mul3A_94 = arith.constant 16 : i32
        %mul3A_95 = arith.muli %add3A_76, %mul3A_94 : i32
        %add3A_96 = arith.constant 0 : i32
        %add3A_97 = arith.addi %mul3A_95, %add3A_96 : i32
        %get3A_98 = arith.index_cast %add3A_97 : i32 to index
        %get3A_99 = arith.constant 0 : index
        %get3A_100 = tpu.vector_load %arg11[%get3A_98, %get3A_99] {strides = array<i32>} : memref<128x128xf32, #tpu.memory_space<vmem>>, vector<16xf32>,
        %mul3A_101 = vector.broadcast %squeeze3A : f32 to vector<16xf32>
        %mul3A_102 = arith.mulf %get3A_100, %mul3A_101 : vector<16xf32>
        %swap3A = arith.index_cast %add3A_97 : i32 to index
        %swap3A_103 = arith.constant 0 : index
        %swap3A_104 = tpu.vector_load %arg11[%swap3A, %swap3A_103] {strides = array<i32>} : memref<128x128xf32, #tpu.memory_space<vmem>>, vector<16xf32>,
        tpu.vector_store %arg11[%swap3A, %swap3A_103], %mul3A_102 {strides = array<i32>} : memref<128x128xf32, #tpu.memory_space<vmem>>, vector<16xf32>,
        %get3A_105 = arith.index_cast %add3A_97 : i32 to index
        %get3A_106 = arith.constant 16 : index
        %get3A_107 = tpu.vector_load %arg11[%get3A_105, %get3A_106] {strides = array<i32>} : memref<128x128xf32, #tpu.memory_space<vmem>>, vector<16xf32>,
        %mul3A_108 = vector.broadcast %squeeze3A : f32 to vector<16xf32>
        %mul3A_109 = arith.mulf %get3A_107, %mul3A_108 : vector<16xf32>
        %swap3A_110 = arith.index_cast %add3A_97 : i32 to index
        %swap3A_111 = arith.constant 16 : index
        %swap3A_112 = tpu.vector_load %arg11[%swap3A_110, %swap3A_111] {strides = array<i32>} : memref<128x128xf32, #tpu.memory_space<vmem>>, vector<16xf32>,
        tpu.vector_store %arg11[%swap3A_110, %swap3A_111], %mul3A_109 {strides = array<i32>} : memref<128x128xf32, #tpu.memory_space<vmem>>, vector<16xf32>,
        %get3A_113 = arith.index_cast %add3A_97 : i32 to index
        %get3A_114 = arith.constant 32 : index
        %get3A_115 = tpu.vector_load %arg11[%get3A_113, %get3A_114] {strides = array<i32>} : memref<128x128xf32, #tpu.memory_space<vmem>>, vector<16xf32>,
        %mul3A_116 = vector.broadcast %squeeze3A : f32 to vector<16xf32>
        %mul3A_117 = arith.mulf %get3A_115, %mul3A_116 : vector<16xf32>
        %swap3A_118 = arith.index_cast %add3A_97 : i32 to index
        %swap3A_119 = arith.constant 32 : index
        %swap3A_120 = tpu.vector_load %arg11[%swap3A_118, %swap3A_119] {strides = array<i32>} : memref<128x128xf32, #tpu.memory_space<vmem>>, vector<16xf32>,
        tpu.vector_store %arg11[%swap3A_118, %swap3A_119], %mul3A_117 {strides = array<i32>} : memref<128x128xf32, #tpu.memory_space<vmem>>, vector<16xf32>,
        %get3A_121 = arith.index_cast %add3A_97 : i32 to index
        %get3A_122 = arith.constant 48 : index
        %get3A_123 = tpu.vector_load %arg11[%get3A_121, %get3A_122] {strides = array<i32>} : memref<128x128xf32, #tpu.memory_space<vmem>>, vector<16xf32>,
        %mul3A_124 = vector.broadcast %squeeze3A : f32 to vector<16xf32>
        %mul3A_125 = arith.mulf %get3A_123, %mul3A_124 : vector<16xf32>
        %swap3A_126 = arith.index_cast %add3A_97 : i32 to index
        %swap3A_127 = arith.constant 48 : index
        %swap3A_128 = tpu.vector_load %arg11[%swap3A_126, %swap3A_127] {strides = array<i32>} : memref<128x128xf32, #tpu.memory_space<vmem>>, vector<16xf32>,
        tpu.vector_store %arg11[%swap3A_126, %swap3A_127], %mul3A_125 {strides = array<i32>} : memref<128x128xf32, #tpu.memory_space<vmem>>, vector<16xf32>,
        %broadcast_in_dim3A_129 = vector.broadcast %squeeze3A : f32 to vector<16xf32>
        %swap3A_130 = arith.index_cast %add3A_97 : i32 to index
        %swap3A_131 = arith.constant 64 : index
        %swap3A_132 = tpu.vector_load %arg11[%swap3A_130, %swap3A_131] {strides = array<i32>} : memref<128x128xf32, #tpu.memory_space<vmem>>, vector<16xf32>,
        tpu.vector_store %arg11[%swap3A_130, %swap3A_131], %broadcast_in_dim3A_129 {strides = array<i32>} : memref<128x128xf32, #tpu.memory_space<vmem>>, vector<16xf32>,
        %slice3A_133 = vector.extract_strided_slice %exp3A {offsets = [1], sizes = [1], strides = [1]} : vector<16xf32> to vector<1xf32>
        %squeeze3A_134 = vector.extract %slice3A_133[0] : f32 from vector<1xf32>
        %mul3A_135 = arith.constant 16 : i32
        %mul3A_136 = arith.muli %add3A_76, %mul3A_135 : i32
        %add3A_137 = arith.constant 1 : i32
        %add3A_138 = arith.addi %mul3A_136, %add3A_137 : i32
        %get3A_139 = arith.index_cast %add3A_138 : i32 to index
        %get3A_140 = arith.constant 0 : index
        %get3A_141 = tpu.vector_load %arg11[%get3A_139, %get3A_140] {strides = array<i32>} : memref<128x128xf32, #tpu.memory_space<vmem>>, vector<16xf32>,
        %mul3A_142 = vector.broadcast %squeeze3A_134 : f32 to vector<16xf32>
        %mul3A_143 = arith.mulf %get3A_141, %mul3A_142 : vector<16xf32>
        %swap3A_144 = arith.index_cast %add3A_138 : i32 to index
        %swap3A_145 = arith.constant 0 : index
        %swap3A_146 = tpu.vector_load %arg11[%swap3A_144, %swap3A_145] {strides = array<i32>} : memref<128x128xf32, #tpu.memory_space<vmem>>, vector<16xf32>,
        tpu.vector_store %arg11[%swap3A_144, %swap3A_145], %mul3A_143 {strides = array<i32>} : memref<128x128xf32, #tpu.memory_space<vmem>>, vector<16xf32>,
        %get3A_147 = arith.index_cast %add3A_138 : i32 to index
        %get3A_148 = arith.constant 16 : index
        %get3A_149 = tpu.vector_load %arg11[%get3A_147, %get3A_148] {strides = array<i32>} : memref<128x128xf32, #tpu.memory_space<vmem>>, vector<16xf32>,
        %mul3A_150 = vector.broadcast %squeeze3A_134 : f32 to vector<16xf32>
        %mul3A_151 = arith.mulf %get3A_149, %mul3A_150 : vector<16xf32>
        %swap3A_152 = arith.index_cast %add3A_138 : i32 to index
        %swap3A_153 = arith.constant 16 : index
        %swap3A_154 = tpu.vector_load %arg11[%swap3A_152, %swap3A_153] {strides = array<i32>} : memref<128x128xf32, #tpu.memory_space<vmem>>, vector<16xf32>,
        tpu.vector_store %arg11[%swap3A_152, %swap3A_153], %mul3A_151 {strides = array<i32>} : memref<128x128xf32, #tpu.memory_space<vmem>>, vector<16xf32>,
        %get3A_155 = arith.index_cast %add3A_138 : i32 to index
        %get3A_156 = arith.constant 32 : index
        %get3A_157 = tpu.vector_load %arg11[%get3A_155, %get3A_156] {strides = array<i32>} : memref<128x128xf32, #tpu.memory_space<vmem>>, vector<16xf32>,
        %mul3A_158 = vector.broadcast %squeeze3A_134 : f32 to vector<16xf32>
        %mul3A_159 = arith.mulf %get3A_157, %mul3A_158 : vector<16xf32>
        %swap3A_160 = arith.index_cast %add3A_138 : i32 to index
        %swap3A_161 = arith.constant 32 : index
        %swap3A_162 = tpu.vector_load %arg11[%swap3A_160, %swap3A_161] {strides = array<i32>} : memref<128x128xf32, #tpu.memory_space<vmem>>, vector<16xf32>,
        tpu.vector_store %arg11[%swap3A_160, %swap3A_161], %mul3A_159 {strides = array<i32>} : memref<128x128xf32, #tpu.memory_space<vmem>>, vector<16xf32>,
        %get3A_163 = arith.index_cast %add3A_138 : i32 to index
        %get3A_164 = arith.constant 48 : index
        %get3A_165 = tpu.vector_load %arg11[%get3A_163, %get3A_164] {strides = array<i32>} : memref<128x128xf32, #tpu.memory_space<vmem>>, vector<16xf32>,
        %mul3A_166 = vector.broadcast %squeeze3A_134 : f32 to vector<16xf32>
        %mul3A_167 = arith.mulf %get3A_165, %mul3A_166 : vector<16xf32>
        %swap3A_168 = arith.index_cast %add3A_138 : i32 to index
        %swap3A_169 = arith.constant 48 : index
        %swap3A_170 = tpu.vector_load %arg11[%swap3A_168, %swap3A_169] {strides = array<i32>} : memref<128x128xf32, #tpu.memory_space<vmem>>, vector<16xf32>,
        tpu.vector_store %arg11[%swap3A_168, %swap3A_169], %mul3A_167 {strides = array<i32>} : memref<128x128xf32, #tpu.memory_space<vmem>>, vector<16xf32>,
        %broadcast_in_dim3A_171 = vector.broadcast %squeeze3A_134 : f32 to vector<16xf32>
        %swap3A_172 = arith.index_cast %add3A_138 : i32 to index
        %swap3A_173 = arith.constant 64 : index
        %swap3A_174 = tpu.vector_load %arg11[%swap3A_172, %swap3A_173] {strides = array<i32>} : memref<128x128xf32, #tpu.memory_space<vmem>>, vector<16xf32>,
        tpu.vector_store %arg11[%swap3A_172, %swap3A_173], %broadcast_in_dim3A_171 {strides = array<i32>} : memref<128x128xf32, #tpu.memory_space<vmem>>, vector<16xf32>,
        %slice3A_175 = vector.extract_strided_slice %exp3A {offsets = [2], sizes = [1], strides = [1]} : vector<16xf32> to vector<1xf32>
        %squeeze3A_176 = vector.extract %slice3A_175[0] : f32 from vector<1xf32>
        %mul3A_177 = arith.constant 16 : i32
        %mul3A_178 = arith.muli %add3A_76, %mul3A_177 : i32
        %add3A_179 = arith.constant 2 : i32
        %add3A_180 = arith.addi %mul3A_178, %add3A_179 : i32
        %get3A_181 = arith.index_cast %add3A_180 : i32 to index
        %get3A_182 = arith.constant 0 : index
        %get3A_183 = tpu.vector_load %arg11[%get3A_181, %get3A_182] {strides = array<i32>} : memref<128x128xf32, #tpu.memory_space<vmem>>, vector<16xf32>,
        %mul3A_184 = vector.broadcast %squeeze3A_176 : f32 to vector<16xf32>
        %mul3A_185 = arith.mulf %get3A_183, %mul3A_184 : vector<16xf32>
        %swap3A_186 = arith.index_cast %add3A_180 : i32 to index
        %swap3A_187 = arith.constant 0 : index
        %swap3A_188 = tpu.vector_load %arg11[%swap3A_186, %swap3A_187] {strides = array<i32>} : memref<128x128xf32, #tpu.memory_space<vmem>>, vector<16xf32>,
        tpu.vector_store %arg11[%swap3A_186, %swap3A_187], %mul3A_185 {strides = array<i32>} : memref<128x128xf32, #tpu.memory_space<vmem>>, vector<16xf32>,
        %get3A_189 = arith.index_cast %add3A_180 : i32 to index
        %get3A_190 = arith.constant 16 : index
        %get3A_191 = tpu.vector_load %arg11[%get3A_189, %get3A_190] {strides = array<i32>} : memref<128x128xf32, #tpu.memory_space<vmem>>, vector<16xf32>,
        %mul3A_192 = vector.broadcast %squeeze3A_176 : f32 to vector<16xf32>
        %mul3A_193 = arith.mulf %get3A_191, %mul3A_192 : vector<16xf32>
        %swap3A_194 = arith.index_cast %add3A_180 : i32 to index
        %swap3A_195 = arith.constant 16 : index
        %swap3A_196 = tpu.vector_load %arg11[%swap3A_194, %swap3A_195] {strides = array<i32>} : memref<128x128xf32, #tpu.memory_space<vmem>>, vector<16xf32>,
        tpu.vector_store %arg11[%swap3A_194, %swap3A_195], %mul3A_193 {strides = array<i32>} : memref<128x128xf32, #tpu.memory_space<vmem>>, vector<16xf32>,
        %get3A_197 = arith.index_cast %add3A_180 : i32 to index
        %get3A_198 = arith.constant 32 : index
        %get3A_199 = tpu.vector_load %arg11[%get3A_197, %get3A_198] {strides = array<i32>} : memref<128x128xf32, #tpu.memory_space<vmem>>, vector<16xf32>,
        %mul3A_200 = vector.broadcast %squeeze3A_176 : f32 to vector<16xf32>
        %mul3A_201 = arith.mulf %get3A_199, %mul3A_200 : vector<16xf32>
        %swap3A_202 = arith.index_cast %add3A_180 : i32 to index
        %swap3A_203 = arith.constant 32 : index
        %swap3A_204 = tpu.vector_load %arg11[%swap3A_202, %swap3A_203] {strides = array<i32>} : memref<128x128xf32, #tpu.memory_space<vmem>>, vector<16xf32>,
        tpu.vector_store %arg11[%swap3A_202, %swap3A_203], %mul3A_201 {strides = array<i32>} : memref<128x128xf32, #tpu.memory_space<vmem>>, vector<16xf32>,
        %get3A_205 = arith.index_cast %add3A_180 : i32 to index
        %get3A_206 = arith.constant 48 : index
        %get3A_207 = tpu.vector_load %arg11[%get3A_205, %get3A_206] {strides = array<i32>} : memref<128x128xf32, #tpu.memory_space<vmem>>, vector<16xf32>,
        %mul3A_208 = vector.broadcast %squeeze3A_176 : f32 to vector<16xf32>
        %mul3A_209 = arith.mulf %get3A_207, %mul3A_208 : vector<16xf32>
        %swap3A_210 = arith.index_cast %add3A_180 : i32 to index
        %swap3A_211 = arith.constant 48 : index
        %swap3A_212 = tpu.vector_load %arg11[%swap3A_210, %swap3A_211] {strides = array<i32>} : memref<128x128xf32, #tpu.memory_space<vmem>>, vector<16xf32>,
        tpu.vector_store %arg11[%swap3A_210, %swap3A_211], %mul3A_209 {strides = array<i32>} : memref<128x128xf32, #tpu.memory_space<vmem>>, vector<16xf32>,
        %broadcast_in_dim3A_213 = vector.broadcast %squeeze3A_176 : f32 to vector<16xf32>
        %swap3A_214 = arith.index_cast %add3A_180 : i32 to index
        %swap3A_215 = arith.constant 64 : index
        %swap3A_216 = tpu.vector_load %arg11[%swap3A_214, %swap3A_215] {strides = array<i32>} : memref<128x128xf32, #tpu.memory_space<vmem>>, vector<16xf32>,
        tpu.vector_store %arg11[%swap3A_214, %swap3A_215], %broadcast_in_dim3A_213 {strides = array<i32>} : memref<128x128xf32, #tpu.memory_space<vmem>>, vector<16xf32>,
        %slice3A_217 = vector.extract_strided_slice %exp3A {offsets = [3], sizes = [1], strides = [1]} : vector<16xf32> to vector<1xf32>
        %squeeze3A_218 = vector.extract %slice3A_217[0] : f32 from vector<1xf32>
        %mul3A_219 = arith.constant 16 : i32
        %mul3A_220 = arith.muli %add3A_76, %mul3A_219 : i32
        %add3A_221 = arith.constant 3 : i32
        %add3A_222 = arith.addi %mul3A_220, %add3A_221 : i32
        %get3A_223 = arith.index_cast %add3A_222 : i32 to index
        %get3A_224 = arith.constant 0 : index
        %get3A_225 = tpu.vector_load %arg11[%get3A_223, %get3A_224] {strides = array<i32>} : memref<128x128xf32, #tpu.memory_space<vmem>>, vector<16xf32>,
        %mul3A_226 = vector.broadcast %squeeze3A_218 : f32 to vector<16xf32>
        %mul3A_227 = arith.mulf %get3A_225, %mul3A_226 : vector<16xf32>
        %swap3A_228 = arith.index_cast %add3A_222 : i32 to index
        %swap3A_229 = arith.constant 0 : index
        %swap3A_230 = tpu.vector_load %arg11[%swap3A_228, %swap3A_229] {strides = array<i32>} : memref<128x128xf32, #tpu.memory_space<vmem>>, vector<16xf32>,
        tpu.vector_store %arg11[%swap3A_228, %swap3A_229], %mul3A_227 {strides = array<i32>} : memref<128x128xf32, #tpu.memory_space<vmem>>, vector<16xf32>,
        %get3A_231 = arith.index_cast %add3A_222 : i32 to index
        %get3A_232 = arith.constant 16 : index
        %get3A_233 = tpu.vector_load %arg11[%get3A_231, %get3A_232] {strides = array<i32>} : memref<128x128xf32, #tpu.memory_space<vmem>>, vector<16xf32>,
        %mul3A_234 = vector.broadcast %squeeze3A_218 : f32 to vector<16xf32>
        %mul3A_235 = arith.mulf %get3A_233, %mul3A_234 : vector<16xf32>
        %swap3A_236 = arith.index_cast %add3A_222 : i32 to index
        %swap3A_237 = arith.constant 16 : index
        %swap3A_238 = tpu.vector_load %arg11[%swap3A_236, %swap3A_237] {strides = array<i32>} : memref<128x128xf32, #tpu.memory_space<vmem>>, vector<16xf32>,
        tpu.vector_store %arg11[%swap3A_236, %swap3A_237], %mul3A_235 {strides = array<i32>} : memref<128x128xf32, #tpu.memory_space<vmem>>, vector<16xf32>,
        %get3A_239 = arith.index_cast %add3A_222 : i32 to index
        %get3A_240 = arith.constant 32 : index
        %get3A_241 = tpu.vector_load %arg11[%get3A_239, %get3A_240] {strides = array<i32>} : memref<128x128xf32, #tpu.memory_space<vmem>>, vector<16xf32>,
        %mul3A_242 = vector.broadcast %squeeze3A_218 : f32 to vector<16xf32>
        %mul3A_243 = arith.mulf %get3A_241, %mul3A_242 : vector<16xf32>
        %swap3A_244 = arith.index_cast %add3A_222 : i32 to index
        %swap3A_245 = arith.constant 32 : index
        %swap3A_246 = tpu.vector_load %arg11[%swap3A_244, %swap3A_245] {strides = array<i32>} : memref<128x128xf32, #tpu.memory_space<vmem>>, vector<16xf32>,
        tpu.vector_store %arg11[%swap3A_244, %swap3A_245], %mul3A_243 {strides = array<i32>} : memref<128x128xf32, #tpu.memory_space<vmem>>, vector<16xf32>,
        %get3A_247 = arith.index_cast %add3A_222 : i32 to index
        %get3A_248 = arith.constant 48 : index
        %get3A_249 = tpu.vector_load %arg11[%get3A_247, %get3A_248] {strides = array<i32>} : memref<128x128xf32, #tpu.memory_space<vmem>>, vector<16xf32>,
        %mul3A_250 = vector.broadcast %squeeze3A_218 : f32 to vector<16xf32>
        %mul3A_251 = arith.mulf %get3A_249, %mul3A_250 : vector<16xf32>
        %swap3A_252 = arith.index_cast %add3A_222 : i32 to index
        %swap3A_253 = arith.constant 48 : index
        %swap3A_254 = tpu.vector_load %arg11[%swap3A_252, %swap3A_253] {strides = array<i32>} : memref<128x128xf32, #tpu.memory_space<vmem>>, vector<16xf32>,
        tpu.vector_store %arg11[%swap3A_252, %swap3A_253], %mul3A_251 {strides = array<i32>} : memref<128x128xf32, #tpu.memory_space<vmem>>, vector<16xf32>,
        %broadcast_in_dim3A_255 = vector.broadcast %squeeze3A_218 : f32 to vector<16xf32>
        %swap3A_256 = arith.index_cast %add3A_222 : i32 to index
        %swap3A_257 = arith.constant 64 : index
        %swap3A_258 = tpu.vector_load %arg11[%swap3A_256, %swap3A_257] {strides = array<i32>} : memref<128x128xf32, #tpu.memory_space<vmem>>, vector<16xf32>,
        tpu.vector_store %arg11[%swap3A_256, %swap3A_257], %broadcast_in_dim3A_255 {strides = array<i32>} : memref<128x128xf32, #tpu.memory_space<vmem>>, vector<16xf32>,
        %slice3A_259 = vector.extract_strided_slice %exp3A {offsets = [4], sizes = [1], strides = [1]} : vector<16xf32> to vector<1xf32>
        %squeeze3A_260 = vector.extract %slice3A_259[0] : f32 from vector<1xf32>
        %mul3A_261 = arith.constant 16 : i32
        %mul3A_262 = arith.muli %add3A_76, %mul3A_261 : i32
        %add3A_263 = arith.constant 4 : i32
        %add3A_264 = arith.addi %mul3A_262, %add3A_263 : i32
        %get3A_265 = arith.index_cast %add3A_264 : i32 to index
        %get3A_266 = arith.constant 0 : index
        %get3A_267 = tpu.vector_load %arg11[%get3A_265, %get3A_266] {strides = array<i32>} : memref<128x128xf32, #tpu.memory_space<vmem>>, vector<16xf32>,
        %mul3A_268 = vector.broadcast %squeeze3A_260 : f32 to vector<16xf32>
        %mul3A_269 = arith.mulf %get3A_267, %mul3A_268 : vector<16xf32>
        %swap3A_270 = arith.index_cast %add3A_264 : i32 to index
        %swap3A_271 = arith.constant 0 : index
        %swap3A_272 = tpu.vector_load %arg11[%swap3A_270, %swap3A_271] {strides = array<i32>} : memref<128x128xf32, #tpu.memory_space<vmem>>, vector<16xf32>,
        tpu.vector_store %arg11[%swap3A_270, %swap3A_271], %mul3A_269 {strides = array<i32>} : memref<128x128xf32, #tpu.memory_space<vmem>>, vector<16xf32>,
        %get3A_273 = arith.index_cast %add3A_264 : i32 to index
        %get3A_274 = arith.constant 16 : index
        %get3A_275 = tpu.vector_load %arg11[%get3A_273, %get3A_274] {strides = array<i32>} : memref<128x128xf32, #tpu.memory_space<vmem>>, vector<16xf32>,
        %mul3A_276 = vector.broadcast %squeeze3A_260 : f32 to vector<16xf32>
        %mul3A_277 = arith.mulf %get3A_275, %mul3A_276 : vector<16xf32>
        %swap3A_278 = arith.index_cast %add3A_264 : i32 to index
        %swap3A_279 = arith.constant 16 : index
        %swap3A_280 = tpu.vector_load %arg11[%swap3A_278, %swap3A_279] {strides = array<i32>} : memref<128x128xf32, #tpu.memory_space<vmem>>, vector<16xf32>,
        tpu.vector_store %arg11[%swap3A_278, %swap3A_279], %mul3A_277 {strides = array<i32>} : memref<128x128xf32, #tpu.memory_space<vmem>>, vector<16xf32>,
        %get3A_281 = arith.index_cast %add3A_264 : i32 to index
        %get3A_282 = arith.constant 32 : index
        %get3A_283 = tpu.vector_load %arg11[%get3A_281, %get3A_282] {strides = array<i32>} : memref<128x128xf32, #tpu.memory_space<vmem>>, vector<16xf32>,
        %mul3A_284 = vector.broadcast %squeeze3A_260 : f32 to vector<16xf32>
        %mul3A_285 = arith.mulf %get3A_283, %mul3A_284 : vector<16xf32>
        %swap3A_286 = arith.index_cast %add3A_264 : i32 to index
        %swap3A_287 = arith.constant 32 : index
        %swap3A_288 = tpu.vector_load %arg11[%swap3A_286, %swap3A_287] {strides = array<i32>} : memref<128x128xf32, #tpu.memory_space<vmem>>, vector<16xf32>,
        tpu.vector_store %arg11[%swap3A_286, %swap3A_287], %mul3A_285 {strides = array<i32>} : memref<128x128xf32, #tpu.memory_space<vmem>>, vector<16xf32>,
        %get3A_289 = arith.index_cast %add3A_264 : i32 to index
        %get3A_290 = arith.constant 48 : index
        %get3A_291 = tpu.vector_load %arg11[%get3A_289, %get3A_290] {strides = array<i32>} : memref<128x128xf32, #tpu.memory_space<vmem>>, vector<16xf32>,
        %mul3A_292 = vector.broadcast %squeeze3A_260 : f32 to vector<16xf32>
        %mul3A_293 = arith.mulf %get3A_291, %mul3A_292 : vector<16xf32>
        %swap3A_294 = arith.index_cast %add3A_264 : i32 to index
        %swap3A_295 = arith.constant 48 : index
        %swap3A_296 = tpu.vector_load %arg11[%swap3A_294, %swap3A_295] {strides = array<i32>} : memref<128x128xf32, #tpu.memory_space<vmem>>, vector<16xf32>,
        tpu.vector_store %arg11[%swap3A_294, %swap3A_295], %mul3A_293 {strides = array<i32>} : memref<128x128xf32, #tpu.memory_space<vmem>>, vector<16xf32>,
        %broadcast_in_dim3A_297 = vector.broadcast %squeeze3A_260 : f32 to vector<16xf32>
        %swap3A_298 = arith.index_cast %add3A_264 : i32 to index
        %swap3A_299 = arith.constant 64 : index
        %swap3A_300 = tpu.vector_load %arg11[%swap3A_298, %swap3A_299] {strides = array<i32>} : memref<128x128xf32, #tpu.memory_space<vmem>>, vector<16xf32>,
        tpu.vector_store %arg11[%swap3A_298, %swap3A_299], %broadcast_in_dim3A_297 {strides = array<i32>} : memref<128x128xf32, #tpu.memory_space<vmem>>, vector<16xf32>,
        %slice3A_301 = vector.extract_strided_slice %exp3A {offsets = [5], sizes = [1], strides = [1]} : vector<16xf32> to vector<1xf32>
        %squeeze3A_302 = vector.extract %slice3A_301[0] : f32 from vector<1xf32>
        %mul3A_303 = arith.constant 16 : i32
        %mul3A_304 = arith.muli %add3A_76, %mul3A_303 : i32
        %add3A_305 = arith.constant 5 : i32
        %add3A_306 = arith.addi %mul3A_304, %add3A_305 : i32
        %get3A_307 = arith.index_cast %add3A_306 : i32 to index
        %get3A_308 = arith.constant 0 : index
        %get3A_309 = tpu.vector_load %arg11[%get3A_307, %get3A_308] {strides = array<i32>} : memref<128x128xf32, #tpu.memory_space<vmem>>, vector<16xf32>,
        %mul3A_310 = vector.broadcast %squeeze3A_302 : f32 to vector<16xf32>
        %mul3A_311 = arith.mulf %get3A_309, %mul3A_310 : vector<16xf32>
        %swap3A_312 = arith.index_cast %add3A_306 : i32 to index
        %swap3A_313 = arith.constant 0 : index
        %swap3A_314 = tpu.vector_load %arg11[%swap3A_312, %swap3A_313] {strides = array<i32>} : memref<128x128xf32, #tpu.memory_space<vmem>>, vector<16xf32>,
        tpu.vector_store %arg11[%swap3A_312, %swap3A_313], %mul3A_311 {strides = array<i32>} : memref<128x128xf32, #tpu.memory_space<vmem>>, vector<16xf32>,
        %get3A_315 = arith.index_cast %add3A_306 : i32 to index
        %get3A_316 = arith.constant 16 : index
        %get3A_317 = tpu.vector_load %arg11[%get3A_315, %get3A_316] {strides = array<i32>} : memref<128x128xf32, #tpu.memory_space<vmem>>, vector<16xf32>,
        %mul3A_318 = vector.broadcast %squeeze3A_302 : f32 to vector<16xf32>
        %mul3A_319 = arith.mulf %get3A_317, %mul3A_318 : vector<16xf32>
        %swap3A_320 = arith.index_cast %add3A_306 : i32 to index
        %swap3A_321 = arith.constant 16 : index
        %swap3A_322 = tpu.vector_load %arg11[%swap3A_320, %swap3A_321] {strides = array<i32>} : memref<128x128xf32, #tpu.memory_space<vmem>>, vector<16xf32>,
        tpu.vector_store %arg11[%swap3A_320, %swap3A_321], %mul3A_319 {strides = array<i32>} : memref<128x128xf32, #tpu.memory_space<vmem>>, vector<16xf32>,
        %get3A_323 = arith.index_cast %add3A_306 : i32 to index
        %get3A_324 = arith.constant 32 : index
        %get3A_325 = tpu.vector_load %arg11[%get3A_323, %get3A_324] {strides = array<i32>} : memref<128x128xf32, #tpu.memory_space<vmem>>, vector<16xf32>,
        %mul3A_326 = vector.broadcast %squeeze3A_302 : f32 to vector<16xf32>
        %mul3A_327 = arith.mulf %get3A_325, %mul3A_326 : vector<16xf32>
        %swap3A_328 = arith.index_cast %add3A_306 : i32 to index
        %swap3A_329 = arith.constant 32 : index
        %swap3A_330 = tpu.vector_load %arg11[%swap3A_328, %swap3A_329] {strides = array<i32>} : memref<128x128xf32, #tpu.memory_space<vmem>>, vector<16xf32>,
        tpu.vector_store %arg11[%swap3A_328, %swap3A_329], %mul3A_327 {strides = array<i32>} : memref<128x128xf32, #tpu.memory_space<vmem>>, vector<16xf32>,
        %get3A_331 = arith.index_cast %add3A_306 : i32 to index
        %get3A_332 = arith.constant 48 : index
        %get3A_333 = tpu.vector_load %arg11[%get3A_331, %get3A_332] {strides = array<i32>} : memref<128x128xf32, #tpu.memory_space<vmem>>, vector<16xf32>,
        %mul3A_334 = vector.broadcast %squeeze3A_302 : f32 to vector<16xf32>
        %mul3A_335 = arith.mulf %get3A_333, %mul3A_334 : vector<16xf32>
        %swap3A_336 = arith.index_cast %add3A_306 : i32 to index
        %swap3A_337 = arith.constant 48 : index
        %swap3A_338 = tpu.vector_load %arg11[%swap3A_336, %swap3A_337] {strides = array<i32>} : memref<128x128xf32, #tpu.memory_space<vmem>>, vector<16xf32>,
        tpu.vector_store %arg11[%swap3A_336, %swap3A_337], %mul3A_335 {strides = array<i32>} : memref<128x128xf32, #tpu.memory_space<vmem>>, vector<16xf32>,
        %broadcast_in_dim3A_339 = vector.broadcast %squeeze3A_302 : f32 to vector<16xf32>
        %swap3A_340 = arith.index_cast %add3A_306 : i32 to index
        %swap3A_341 = arith.constant 64 : index
        %swap3A_342 = tpu.vector_load %arg11[%swap3A_340, %swap3A_341] {strides = array<i32>} : memref<128x128xf32, #tpu.memory_space<vmem>>, vector<16xf32>,
        tpu.vector_store %arg11[%swap3A_340, %swap3A_341], %broadcast_in_dim3A_339 {strides = array<i32>} : memref<128x128xf32, #tpu.memory_space<vmem>>, vector<16xf32>,
        %slice3A_343 = vector.extract_strided_slice %exp3A {offsets = [6], sizes = [1], strides = [1]} : vector<16xf32> to vector<1xf32>
        %squeeze3A_344 = vector.extract %slice3A_343[0] : f32 from vector<1xf32>
        %mul3A_345 = arith.constant 16 : i32
        %mul3A_346 = arith.muli %add3A_76, %mul3A_345 : i32
        %add3A_347 = arith.constant 6 : i32
        %add3A_348 = arith.addi %mul3A_346, %add3A_347 : i32
        %get3A_349 = arith.index_cast %add3A_348 : i32 to index
        %get3A_350 = arith.constant 0 : index
        %get3A_351 = tpu.vector_load %arg11[%get3A_349, %get3A_350] {strides = array<i32>} : memref<128x128xf32, #tpu.memory_space<vmem>>, vector<16xf32>,
        %mul3A_352 = vector.broadcast %squeeze3A_344 : f32 to vector<16xf32>
        %mul3A_353 = arith.mulf %get3A_351, %mul3A_352 : vector<16xf32>
        %swap3A_354 = arith.index_cast %add3A_348 : i32 to index
        %swap3A_355 = arith.constant 0 : index
        %swap3A_356 = tpu.vector_load %arg11[%swap3A_354, %swap3A_355] {strides = array<i32>} : memref<128x128xf32, #tpu.memory_space<vmem>>, vector<16xf32>,
        tpu.vector_store %arg11[%swap3A_354, %swap3A_355], %mul3A_353 {strides = array<i32>} : memref<128x128xf32, #tpu.memory_space<vmem>>, vector<16xf32>,
        %get3A_357 = arith.index_cast %add3A_348 : i32 to index
        %get3A_358 = arith.constant 16 : index
        %get3A_359 = tpu.vector_load %arg11[%get3A_357, %get3A_358] {strides = array<i32>} : memref<128x128xf32, #tpu.memory_space<vmem>>, vector<16xf32>,
        %mul3A_360 = vector.broadcast %squeeze3A_344 : f32 to vector<16xf32>
        %mul3A_361 = arith.mulf %get3A_359, %mul3A_360 : vector<16xf32>
        %swap3A_362 = arith.index_cast %add3A_348 : i32 to index
        %swap3A_363 = arith.constant 16 : index
        %swap3A_364 = tpu.vector_load %arg11[%swap3A_362, %swap3A_363] {strides = array<i32>} : memref<128x128xf32, #tpu.memory_space<vmem>>, vector<16xf32>,
        tpu.vector_store %arg11[%swap3A_362, %swap3A_363], %mul3A_361 {strides = array<i32>} : memref<128x128xf32, #tpu.memory_space<vmem>>, vector<16xf32>,
        %get3A_365 = arith.index_cast %add3A_348 : i32 to index
        %get3A_366 = arith.constant 32 : index
        %get3A_367 = tpu.vector_load %arg11[%get3A_365, %get3A_366] {strides = array<i32>} : memref<128x128xf32, #tpu.memory_space<vmem>>, vector<16xf32>,
        %mul3A_368 = vector.broadcast %squeeze3A_344 : f32 to vector<16xf32>
        %mul3A_369 = arith.mulf %get3A_367, %mul3A_368 : vector<16xf32>
        %swap3A_370 = arith.index_cast %add3A_348 : i32 to index
        %swap3A_371 = arith.constant 32 : index
        %swap3A_372 = tpu.vector_load %arg11[%swap3A_370, %swap3A_371] {strides = array<i32>} : memref<128x128xf32, #tpu.memory_space<vmem>>, vector<16xf32>,
        tpu.vector_store %arg11[%swap3A_370, %swap3A_371], %mul3A_369 {strides = array<i32>} : memref<128x128xf32, #tpu.memory_space<vmem>>, vector<16xf32>,
        %get3A_373 = arith.index_cast %add3A_348 : i32 to index
        %get3A_374 = arith.constant 48 : index
        %get3A_375 = tpu.vector_load %arg11[%get3A_373, %get3A_374] {strides = array<i32>} : memref<128x128xf32, #tpu.memory_space<vmem>>, vector<16xf32>,
        %mul3A_376 = vector.broadcast %squeeze3A_344 : f32 to vector<16xf32>
        %mul3A_377 = arith.mulf %get3A_375, %mul3A_376 : vector<16xf32>
        %swap3A_378 = arith.index_cast %add3A_348 : i32 to index
        %swap3A_379 = arith.constant 48 : index
        %swap3A_380 = tpu.vector_load %arg11[%swap3A_378, %swap3A_379] {strides = array<i32>} : memref<128x128xf32, #tpu.memory_space<vmem>>, vector<16xf32>,
        tpu.vector_store %arg11[%swap3A_378, %swap3A_379], %mul3A_377 {strides = array<i32>} : memref<128x128xf32, #tpu.memory_space<vmem>>, vector<16xf32>,
        %broadcast_in_dim3A_381 = vector.broadcast %squeeze3A_344 : f32 to vector<16xf32>
        %swap3A_382 = arith.index_cast %add3A_348 : i32 to index
        %swap3A_383 = arith.constant 64 : index
        %swap3A_384 = tpu.vector_load %arg11[%swap3A_382, %swap3A_383] {strides = array<i32>} : memref<128x128xf32, #tpu.memory_space<vmem>>, vector<16xf32>,
        tpu.vector_store %arg11[%swap3A_382, %swap3A_383], %broadcast_in_dim3A_381 {strides = array<i32>} : memref<128x128xf32, #tpu.memory_space<vmem>>, vector<16xf32>,
        %slice3A_385 = vector.extract_strided_slice %exp3A {offsets = [7], sizes = [1], strides = [1]} : vector<16xf32> to vector<1xf32>
        %squeeze3A_386 = vector.extract %slice3A_385[0] : f32 from vector<1xf32>
        %mul3A_387 = arith.constant 16 : i32
        %mul3A_388 = arith.muli %add3A_76, %mul3A_387 : i32
        %add3A_389 = arith.constant 7 : i32
        %add3A_390 = arith.addi %mul3A_388, %add3A_389 : i32
        %get3A_391 = arith.index_cast %add3A_390 : i32 to index
        %get3A_392 = arith.constant 0 : index
        %get3A_393 = tpu.vector_load %arg11[%get3A_391, %get3A_392] {strides = array<i32>} : memref<128x128xf32, #tpu.memory_space<vmem>>, vector<16xf32>,
        %mul3A_394 = vector.broadcast %squeeze3A_386 : f32 to vector<16xf32>
        %mul3A_395 = arith.mulf %get3A_393, %mul3A_394 : vector<16xf32>
        %swap3A_396 = arith.index_cast %add3A_390 : i32 to index
        %swap3A_397 = arith.constant 0 : index
        %swap3A_398 = tpu.vector_load %arg11[%swap3A_396, %swap3A_397] {strides = array<i32>} : memref<128x128xf32, #tpu.memory_space<vmem>>, vector<16xf32>,
        tpu.vector_store %arg11[%swap3A_396, %swap3A_397], %mul3A_395 {strides = array<i32>} : memref<128x128xf32, #tpu.memory_space<vmem>>, vector<16xf32>,
        %get3A_399 = arith.index_cast %add3A_390 : i32 to index
        %get3A_400 = arith.constant 16 : index
        %get3A_401 = tpu.vector_load %arg11[%get3A_399, %get3A_400] {strides = array<i32>} : memref<128x128xf32, #tpu.memory_space<vmem>>, vector<16xf32>,
        %mul3A_402 = vector.broadcast %squeeze3A_386 : f32 to vector<16xf32>
        %mul3A_403 = arith.mulf %get3A_401, %mul3A_402 : vector<16xf32>
        %swap3A_404 = arith.index_cast %add3A_390 : i32 to index
        %swap3A_405 = arith.constant 16 : index
        %swap3A_406 = tpu.vector_load %arg11[%swap3A_404, %swap3A_405] {strides = array<i32>} : memref<128x128xf32, #tpu.memory_space<vmem>>, vector<16xf32>,
        tpu.vector_store %arg11[%swap3A_404, %swap3A_405], %mul3A_403 {strides = array<i32>} : memref<128x128xf32, #tpu.memory_space<vmem>>, vector<16xf32>,
        %get3A_407 = arith.index_cast %add3A_390 : i32 to index
        %get3A_408 = arith.constant 32 : index
        %get3A_409 = tpu.vector_load %arg11[%get3A_407, %get3A_408] {strides = array<i32>} : memref<128x128xf32, #tpu.memory_space<vmem>>, vector<16xf32>,
        %mul3A_410 = vector.broadcast %squeeze3A_386 : f32 to vector<16xf32>
        %mul3A_411 = arith.mulf %get3A_409, %mul3A_410 : vector<16xf32>
        %swap3A_412 = arith.index_cast %add3A_390 : i32 to index
        %swap3A_413 = arith.constant 32 : index
        %swap3A_414 = tpu.vector_load %arg11[%swap3A_412, %swap3A_413] {strides = array<i32>} : memref<128x128xf32, #tpu.memory_space<vmem>>, vector<16xf32>,
        tpu.vector_store %arg11[%swap3A_412, %swap3A_413], %mul3A_411 {strides = array<i32>} : memref<128x128xf32, #tpu.memory_space<vmem>>, vector<16xf32>,
        %get3A_415 = arith.index_cast %add3A_390 : i32 to index
        %get3A_416 = arith.constant 48 : index
        %get3A_417 = tpu.vector_load %arg11[%get3A_415, %get3A_416] {strides = array<i32>} : memref<128x128xf32, #tpu.memory_space<vmem>>, vector<16xf32>,
        %mul3A_418 = vector.broadcast %squeeze3A_386 : f32 to vector<16xf32>
        %mul3A_419 = arith.mulf %get3A_417, %mul3A_418 : vector<16xf32>
        %swap3A_420 = arith.index_cast %add3A_390 : i32 to index
        %swap3A_421 = arith.constant 48 : index
        %swap3A_422 = tpu.vector_load %arg11[%swap3A_420, %swap3A_421] {strides = array<i32>} : memref<128x128xf32, #tpu.memory_space<vmem>>, vector<16xf32>,
        tpu.vector_store %arg11[%swap3A_420, %swap3A_421], %mul3A_419 {strides = array<i32>} : memref<128x128xf32, #tpu.memory_space<vmem>>, vector<16xf32>,
        %broadcast_in_dim3A_423 = vector.broadcast %squeeze3A_386 : f32 to vector<16xf32>
        %swap3A_424 = arith.index_cast %add3A_390 : i32 to index
        %swap3A_425 = arith.constant 64 : index
        %swap3A_426 = tpu.vector_load %arg11[%swap3A_424, %swap3A_425] {strides = array<i32>} : memref<128x128xf32, #tpu.memory_space<vmem>>, vector<16xf32>,
        tpu.vector_store %arg11[%swap3A_424, %swap3A_425], %broadcast_in_dim3A_423 {strides = array<i32>} : memref<128x128xf32, #tpu.memory_space<vmem>>, vector<16xf32>,
        %slice3A_427 = vector.extract_strided_slice %exp3A {offsets = [8], sizes = [1], strides = [1]} : vector<16xf32> to vector<1xf32>
        %squeeze3A_428 = vector.extract %slice3A_427[0] : f32 from vector<1xf32>
        %mul3A_429 = arith.constant 16 : i32
        %mul3A_430 = arith.muli %add3A_76, %mul3A_429 : i32
        %add3A_431 = arith.constant 8 : i32
        %add3A_432 = arith.addi %mul3A_430, %add3A_431 : i32
        %get3A_433 = arith.index_cast %add3A_432 : i32 to index
        %get3A_434 = arith.constant 0 : index
        %get3A_435 = tpu.vector_load %arg11[%get3A_433, %get3A_434] {strides = array<i32>} : memref<128x128xf32, #tpu.memory_space<vmem>>, vector<16xf32>,
        %mul3A_436 = vector.broadcast %squeeze3A_428 : f32 to vector<16xf32>
        %mul3A_437 = arith.mulf %get3A_435, %mul3A_436 : vector<16xf32>
        %swap3A_438 = arith.index_cast %add3A_432 : i32 to index
        %swap3A_439 = arith.constant 0 : index
        %swap3A_440 = tpu.vector_load %arg11[%swap3A_438, %swap3A_439] {strides = array<i32>} : memref<128x128xf32, #tpu.memory_space<vmem>>, vector<16xf32>,
        tpu.vector_store %arg11[%swap3A_438, %swap3A_439], %mul3A_437 {strides = array<i32>} : memref<128x128xf32, #tpu.memory_space<vmem>>, vector<16xf32>,
        %get3A_441 = arith.index_cast %add3A_432 : i32 to index
        %get3A_442 = arith.constant 16 : index
        %get3A_443 = tpu.vector_load %arg11[%get3A_441, %get3A_442] {strides = array<i32>} : memref<128x128xf32, #tpu.memory_space<vmem>>, vector<16xf32>,
        %mul3A_444 = vector.broadcast %squeeze3A_428 : f32 to vector<16xf32>
        %mul3A_445 = arith.mulf %get3A_443, %mul3A_444 : vector<16xf32>
        %swap3A_446 = arith.index_cast %add3A_432 : i32 to index
        %swap3A_447 = arith.constant 16 : index
        %swap3A_448 = tpu.vector_load %arg11[%swap3A_446, %swap3A_447] {strides = array<i32>} : memref<128x128xf32, #tpu.memory_space<vmem>>, vector<16xf32>,
        tpu.vector_store %arg11[%swap3A_446, %swap3A_447], %mul3A_445 {strides = array<i32>} : memref<128x128xf32, #tpu.memory_space<vmem>>, vector<16xf32>,
        %get3A_449 = arith.index_cast %add3A_432 : i32 to index
        %get3A_450 = arith.constant 32 : index
        %get3A_451 = tpu.vector_load %arg11[%get3A_449, %get3A_450] {strides = array<i32>} : memref<128x128xf32, #tpu.memory_space<vmem>>, vector<16xf32>,
        %mul3A_452 = vector.broadcast %squeeze3A_428 : f32 to vector<16xf32>
        %mul3A_453 = arith.mulf %get3A_451, %mul3A_452 : vector<16xf32>
        %swap3A_454 = arith.index_cast %add3A_432 : i32 to index
        %swap3A_455 = arith.constant 32 : index
        %swap3A_456 = tpu.vector_load %arg11[%swap3A_454, %swap3A_455] {strides = array<i32>} : memref<128x128xf32, #tpu.memory_space<vmem>>, vector<16xf32>,
        tpu.vector_store %arg11[%swap3A_454, %swap3A_455], %mul3A_453 {strides = array<i32>} : memref<128x128xf32, #tpu.memory_space<vmem>>, vector<16xf32>,
        %get3A_457 = arith.index_cast %add3A_432 : i32 to index
        %get3A_458 = arith.constant 48 : index
        %get3A_459 = tpu.vector_load %arg11[%get3A_457, %get3A_458] {strides = array<i32>} : memref<128x128xf32, #tpu.memory_space<vmem>>, vector<16xf32>,
        %mul3A_460 = vector.broadcast %squeeze3A_428 : f32 to vector<16xf32>
        %mul3A_461 = arith.mulf %get3A_459, %mul3A_460 : vector<16xf32>
        %swap3A_462 = arith.index_cast %add3A_432 : i32 to index
        %swap3A_463 = arith.constant 48 : index
        %swap3A_464 = tpu.vector_load %arg11[%swap3A_462, %swap3A_463] {strides = array<i32>} : memref<128x128xf32, #tpu.memory_space<vmem>>, vector<16xf32>,
        tpu.vector_store %arg11[%swap3A_462, %swap3A_463], %mul3A_461 {strides = array<i32>} : memref<128x128xf32, #tpu.memory_space<vmem>>, vector<16xf32>,
        %broadcast_in_dim3A_465 = vector.broadcast %squeeze3A_428 : f32 to vector<16xf32>
        %swap3A_466 = arith.index_cast %add3A_432 : i32 to index
        %swap3A_467 = arith.constant 64 : index
        %swap3A_468 = tpu.vector_load %arg11[%swap3A_466, %swap3A_467] {strides = array<i32>} : memref<128x128xf32, #tpu.memory_space<vmem>>, vector<16xf32>,
        tpu.vector_store %arg11[%swap3A_466, %swap3A_467], %broadcast_in_dim3A_465 {strides = array<i32>} : memref<128x128xf32, #tpu.memory_space<vmem>>, vector<16xf32>,
        %slice3A_469 = vector.extract_strided_slice %exp3A {offsets = [9], sizes = [1], strides = [1]} : vector<16xf32> to vector<1xf32>
        %squeeze3A_470 = vector.extract %slice3A_469[0] : f32 from vector<1xf32>
        %mul3A_471 = arith.constant 16 : i32
        %mul3A_472 = arith.muli %add3A_76, %mul3A_471 : i32
        %add3A_473 = arith.constant 9 : i32
        %add3A_474 = arith.addi %mul3A_472, %add3A_473 : i32
        %get3A_475 = arith.index_cast %add3A_474 : i32 to index
        %get3A_476 = arith.constant 0 : index
        %get3A_477 = tpu.vector_load %arg11[%get3A_475, %get3A_476] {strides = array<i32>} : memref<128x128xf32, #tpu.memory_space<vmem>>, vector<16xf32>,
        %mul3A_478 = vector.broadcast %squeeze3A_470 : f32 to vector<16xf32>
        %mul3A_479 = arith.mulf %get3A_477, %mul3A_478 : vector<16xf32>
        %swap3A_480 = arith.index_cast %add3A_474 : i32 to index
        %swap3A_481 = arith.constant 0 : index
        %swap3A_482 = tpu.vector_load %arg11[%swap3A_480, %swap3A_481] {strides = array<i32>} : memref<128x128xf32, #tpu.memory_space<vmem>>, vector<16xf32>,
        tpu.vector_store %arg11[%swap3A_480, %swap3A_481], %mul3A_479 {strides = array<i32>} : memref<128x128xf32, #tpu.memory_space<vmem>>, vector<16xf32>,
        %get3A_483 = arith.index_cast %add3A_474 : i32 to index
        %get3A_484 = arith.constant 16 : index
        %get3A_485 = tpu.vector_load %arg11[%get3A_483, %get3A_484] {strides = array<i32>} : memref<128x128xf32, #tpu.memory_space<vmem>>, vector<16xf32>,
        %mul3A_486 = vector.broadcast %squeeze3A_470 : f32 to vector<16xf32>
        %mul3A_487 = arith.mulf %get3A_485, %mul3A_486 : vector<16xf32>
        %swap3A_488 = arith.index_cast %add3A_474 : i32 to index
        %swap3A_489 = arith.constant 16 : index
        %swap3A_490 = tpu.vector_load %arg11[%swap3A_488, %swap3A_489] {strides = array<i32>} : memref<128x128xf32, #tpu.memory_space<vmem>>, vector<16xf32>,
        tpu.vector_store %arg11[%swap3A_488, %swap3A_489], %mul3A_487 {strides = array<i32>} : memref<128x128xf32, #tpu.memory_space<vmem>>, vector<16xf32>,
        %get3A_491 = arith.index_cast %add3A_474 : i32 to index
        %get3A_492 = arith.constant 32 : index
        %get3A_493 = tpu.vector_load %arg11[%get3A_491, %get3A_492] {strides = array<i32>} : memref<128x128xf32, #tpu.memory_space<vmem>>, vector<16xf32>,
        %mul3A_494 = vector.broadcast %squeeze3A_470 : f32 to vector<16xf32>
        %mul3A_495 = arith.mulf %get3A_493, %mul3A_494 : vector<16xf32>
        %swap3A_496 = arith.index_cast %add3A_474 : i32 to index
        %swap3A_497 = arith.constant 32 : index
        %swap3A_498 = tpu.vector_load %arg11[%swap3A_496, %swap3A_497] {strides = array<i32>} : memref<128x128xf32, #tpu.memory_space<vmem>>, vector<16xf32>,
        tpu.vector_store %arg11[%swap3A_496, %swap3A_497], %mul3A_495 {strides = array<i32>} : memref<128x128xf32, #tpu.memory_space<vmem>>, vector<16xf32>,
        %get3A_499 = arith.index_cast %add3A_474 : i32 to index
        %get3A_500 = arith.constant 48 : index
        %get3A_501 = tpu.vector_load %arg11[%get3A_499, %get3A_500] {strides = array<i32>} : memref<128x128xf32, #tpu.memory_space<vmem>>, vector<16xf32>,
        %mul3A_502 = vector.broadcast %squeeze3A_470 : f32 to vector<16xf32>
        %mul3A_503 = arith.mulf %get3A_501, %mul3A_502 : vector<16xf32>
        %swap3A_504 = arith.index_cast %add3A_474 : i32 to index
        %swap3A_505 = arith.constant 48 : index
        %swap3A_506 = tpu.vector_load %arg11[%swap3A_504, %swap3A_505] {strides = array<i32>} : memref<128x128xf32, #tpu.memory_space<vmem>>, vector<16xf32>,
        tpu.vector_store %arg11[%swap3A_504, %swap3A_505], %mul3A_503 {strides = array<i32>} : memref<128x128xf32, #tpu.memory_space<vmem>>, vector<16xf32>,
        %broadcast_in_dim3A_507 = vector.broadcast %squeeze3A_470 : f32 to vector<16xf32>
        %swap3A_508 = arith.index_cast %add3A_474 : i32 to index
        %swap3A_509 = arith.constant 64 : index
        %swap3A_510 = tpu.vector_load %arg11[%swap3A_508, %swap3A_509] {strides = array<i32>} : memref<128x128xf32, #tpu.memory_space<vmem>>, vector<16xf32>,
        tpu.vector_store %arg11[%swap3A_508, %swap3A_509], %broadcast_in_dim3A_507 {strides = array<i32>} : memref<128x128xf32, #tpu.memory_space<vmem>>, vector<16xf32>,
        %slice3A_511 = vector.extract_strided_slice %exp3A {offsets = [10], sizes = [1], strides = [1]} : vector<16xf32> to vector<1xf32>
        %squeeze3A_512 = vector.extract %slice3A_511[0] : f32 from vector<1xf32>
        %mul3A_513 = arith.constant 16 : i32
        %mul3A_514 = arith.muli %add3A_76, %mul3A_513 : i32
        %add3A_515 = arith.constant 10 : i32
        %add3A_516 = arith.addi %mul3A_514, %add3A_515 : i32
        %get3A_517 = arith.index_cast %add3A_516 : i32 to index
        %get3A_518 = arith.constant 0 : index
        %get3A_519 = tpu.vector_load %arg11[%get3A_517, %get3A_518] {strides = array<i32>} : memref<128x128xf32, #tpu.memory_space<vmem>>, vector<16xf32>,
        %mul3A_520 = vector.broadcast %squeeze3A_512 : f32 to vector<16xf32>
        %mul3A_521 = arith.mulf %get3A_519, %mul3A_520 : vector<16xf32>
        %swap3A_522 = arith.index_cast %add3A_516 : i32 to index
        %swap3A_523 = arith.constant 0 : index
        %swap3A_524 = tpu.vector_load %arg11[%swap3A_522, %swap3A_523] {strides = array<i32>} : memref<128x128xf32, #tpu.memory_space<vmem>>, vector<16xf32>,
        tpu.vector_store %arg11[%swap3A_522, %swap3A_523], %mul3A_521 {strides = array<i32>} : memref<128x128xf32, #tpu.memory_space<vmem>>, vector<16xf32>,
        %get3A_525 = arith.index_cast %add3A_516 : i32 to index
        %get3A_526 = arith.constant 16 : index
        %get3A_527 = tpu.vector_load %arg11[%get3A_525, %get3A_526] {strides = array<i32>} : memref<128x128xf32, #tpu.memory_space<vmem>>, vector<16xf32>,
        %mul3A_528 = vector.broadcast %squeeze3A_512 : f32 to vector<16xf32>
        %mul3A_529 = arith.mulf %get3A_527, %mul3A_528 : vector<16xf32>
        %swap3A_530 = arith.index_cast %add3A_516 : i32 to index
        %swap3A_531 = arith.constant 16 : index
        %swap3A_532 = tpu.vector_load %arg11[%swap3A_530, %swap3A_531] {strides = array<i32>} : memref<128x128xf32, #tpu.memory_space<vmem>>, vector<16xf32>,
        tpu.vector_store %arg11[%swap3A_530, %swap3A_531], %mul3A_529 {strides = array<i32>} : memref<128x128xf32, #tpu.memory_space<vmem>>, vector<16xf32>,
        %get3A_533 = arith.index_cast %add3A_516 : i32 to index
        %get3A_534 = arith.constant 32 : index
        %get3A_535 = tpu.vector_load %arg11[%get3A_533, %get3A_534] {strides = array<i32>} : memref<128x128xf32, #tpu.memory_space<vmem>>, vector<16xf32>,
        %mul3A_536 = vector.broadcast %squeeze3A_512 : f32 to vector<16xf32>
        %mul3A_537 = arith.mulf %get3A_535, %mul3A_536 : vector<16xf32>
        %swap3A_538 = arith.index_cast %add3A_516 : i32 to index
        %swap3A_539 = arith.constant 32 : index
        %swap3A_540 = tpu.vector_load %arg11[%swap3A_538, %swap3A_539] {strides = array<i32>} : memref<128x128xf32, #tpu.memory_space<vmem>>, vector<16xf32>,
        tpu.vector_store %arg11[%swap3A_538, %swap3A_539], %mul3A_537 {strides = array<i32>} : memref<128x128xf32, #tpu.memory_space<vmem>>, vector<16xf32>,
        %get3A_541 = arith.index_cast %add3A_516 : i32 to index
        %get3A_542 = arith.constant 48 : index
        %get3A_543 = tpu.vector_load %arg11[%get3A_541, %get3A_542] {strides = array<i32>} : memref<128x128xf32, #tpu.memory_space<vmem>>, vector<16xf32>,
        %mul3A_544 = vector.broadcast %squeeze3A_512 : f32 to vector<16xf32>
        %mul3A_545 = arith.mulf %get3A_543, %mul3A_544 : vector<16xf32>
        %swap3A_546 = arith.index_cast %add3A_516 : i32 to index
        %swap3A_547 = arith.constant 48 : index
        %swap3A_548 = tpu.vector_load %arg11[%swap3A_546, %swap3A_547] {strides = array<i32>} : memref<128x128xf32, #tpu.memory_space<vmem>>, vector<16xf32>,
        tpu.vector_store %arg11[%swap3A_546, %swap3A_547], %mul3A_545 {strides = array<i32>} : memref<128x128xf32, #tpu.memory_space<vmem>>, vector<16xf32>,
        %broadcast_in_dim3A_549 = vector.broadcast %squeeze3A_512 : f32 to vector<16xf32>
        %swap3A_550 = arith.index_cast %add3A_516 : i32 to index
        %swap3A_551 = arith.constant 64 : index
        %swap3A_552 = tpu.vector_load %arg11[%swap3A_550, %swap3A_551] {strides = array<i32>} : memref<128x128xf32, #tpu.memory_space<vmem>>, vector<16xf32>,
        tpu.vector_store %arg11[%swap3A_550, %swap3A_551], %broadcast_in_dim3A_549 {strides = array<i32>} : memref<128x128xf32, #tpu.memory_space<vmem>>, vector<16xf32>,
        %slice3A_553 = vector.extract_strided_slice %exp3A {offsets = [11], sizes = [1], strides = [1]} : vector<16xf32> to vector<1xf32>
        %squeeze3A_554 = vector.extract %slice3A_553[0] : f32 from vector<1xf32>
        %mul3A_555 = arith.constant 16 : i32
        %mul3A_556 = arith.muli %add3A_76, %mul3A_555 : i32
        %add3A_557 = arith.constant 11 : i32
        %add3A_558 = arith.addi %mul3A_556, %add3A_557 : i32
        %get3A_559 = arith.index_cast %add3A_558 : i32 to index
        %get3A_560 = arith.constant 0 : index
        %get3A_561 = tpu.vector_load %arg11[%get3A_559, %get3A_560] {strides = array<i32>} : memref<128x128xf32, #tpu.memory_space<vmem>>, vector<16xf32>,
        %mul3A_562 = vector.broadcast %squeeze3A_554 : f32 to vector<16xf32>
        %mul3A_563 = arith.mulf %get3A_561, %mul3A_562 : vector<16xf32>
        %swap3A_564 = arith.index_cast %add3A_558 : i32 to index
        %swap3A_565 = arith.constant 0 : index
        %swap3A_566 = tpu.vector_load %arg11[%swap3A_564, %swap3A_565] {strides = array<i32>} : memref<128x128xf32, #tpu.memory_space<vmem>>, vector<16xf32>,
        tpu.vector_store %arg11[%swap3A_564, %swap3A_565], %mul3A_563 {strides = array<i32>} : memref<128x128xf32, #tpu.memory_space<vmem>>, vector<16xf32>,
        %get3A_567 = arith.index_cast %add3A_558 : i32 to index
        %get3A_568 = arith.constant 16 : index
        %get3A_569 = tpu.vector_load %arg11[%get3A_567, %get3A_568] {strides = array<i32>} : memref<128x128xf32, #tpu.memory_space<vmem>>, vector<16xf32>,
        %mul3A_570 = vector.broadcast %squeeze3A_554 : f32 to vector<16xf32>
        %mul3A_571 = arith.mulf %get3A_569, %mul3A_570 : vector<16xf32>
        %swap3A_572 = arith.index_cast %add3A_558 : i32 to index
        %swap3A_573 = arith.constant 16 : index
        %swap3A_574 = tpu.vector_load %arg11[%swap3A_572, %swap3A_573] {strides = array<i32>} : memref<128x128xf32, #tpu.memory_space<vmem>>, vector<16xf32>,
        tpu.vector_store %arg11[%swap3A_572, %swap3A_573], %mul3A_571 {strides = array<i32>} : memref<128x128xf32, #tpu.memory_space<vmem>>, vector<16xf32>,
        %get3A_575 = arith.index_cast %add3A_558 : i32 to index
        %get3A_576 = arith.constant 32 : index
        %get3A_577 = tpu.vector_load %arg11[%get3A_575, %get3A_576] {strides = array<i32>} : memref<128x128xf32, #tpu.memory_space<vmem>>, vector<16xf32>,
        %mul3A_578 = vector.broadcast %squeeze3A_554 : f32 to vector<16xf32>
        %mul3A_579 = arith.mulf %get3A_577, %mul3A_578 : vector<16xf32>
        %swap3A_580 = arith.index_cast %add3A_558 : i32 to index
        %swap3A_581 = arith.constant 32 : index
        %swap3A_582 = tpu.vector_load %arg11[%swap3A_580, %swap3A_581] {strides = array<i32>} : memref<128x128xf32, #tpu.memory_space<vmem>>, vector<16xf32>,
        tpu.vector_store %arg11[%swap3A_580, %swap3A_581], %mul3A_579 {strides = array<i32>} : memref<128x128xf32, #tpu.memory_space<vmem>>, vector<16xf32>,
        %get3A_583 = arith.index_cast %add3A_558 : i32 to index
        %get3A_584 = arith.constant 48 : index
        %get3A_585 = tpu.vector_load %arg11[%get3A_583, %get3A_584] {strides = array<i32>} : memref<128x128xf32, #tpu.memory_space<vmem>>, vector<16xf32>,
        %mul3A_586 = vector.broadcast %squeeze3A_554 : f32 to vector<16xf32>
        %mul3A_587 = arith.mulf %get3A_585, %mul3A_586 : vector<16xf32>
        %swap3A_588 = arith.index_cast %add3A_558 : i32 to index
        %swap3A_589 = arith.constant 48 : index
        %swap3A_590 = tpu.vector_load %arg11[%swap3A_588, %swap3A_589] {strides = array<i32>} : memref<128x128xf32, #tpu.memory_space<vmem>>, vector<16xf32>,
        tpu.vector_store %arg11[%swap3A_588, %swap3A_589], %mul3A_587 {strides = array<i32>} : memref<128x128xf32, #tpu.memory_space<vmem>>, vector<16xf32>,
        %broadcast_in_dim3A_591 = vector.broadcast %squeeze3A_554 : f32 to vector<16xf32>
        %swap3A_592 = arith.index_cast %add3A_558 : i32 to index
        %swap3A_593 = arith.constant 64 : index
        %swap3A_594 = tpu.vector_load %arg11[%swap3A_592, %swap3A_593] {strides = array<i32>} : memref<128x128xf32, #tpu.memory_space<vmem>>, vector<16xf32>,
        tpu.vector_store %arg11[%swap3A_592, %swap3A_593], %broadcast_in_dim3A_591 {strides = array<i32>} : memref<128x128xf32, #tpu.memory_space<vmem>>, vector<16xf32>,
        %slice3A_595 = vector.extract_strided_slice %exp3A {offsets = [12], sizes = [1], strides = [1]} : vector<16xf32> to vector<1xf32>
        %squeeze3A_596 = vector.extract %slice3A_595[0] : f32 from vector<1xf32>
        %mul3A_597 = arith.constant 16 : i32
        %mul3A_598 = arith.muli %add3A_76, %mul3A_597 : i32
        %add3A_599 = arith.constant 12 : i32
        %add3A_600 = arith.addi %mul3A_598, %add3A_599 : i32
        %get3A_601 = arith.index_cast %add3A_600 : i32 to index
        %get3A_602 = arith.constant 0 : index
        %get3A_603 = tpu.vector_load %arg11[%get3A_601, %get3A_602] {strides = array<i32>} : memref<128x128xf32, #tpu.memory_space<vmem>>, vector<16xf32>,
        %mul3A_604 = vector.broadcast %squeeze3A_596 : f32 to vector<16xf32>
        %mul3A_605 = arith.mulf %get3A_603, %mul3A_604 : vector<16xf32>
        %swap3A_606 = arith.index_cast %add3A_600 : i32 to index
        %swap3A_607 = arith.constant 0 : index
        %swap3A_608 = tpu.vector_load %arg11[%swap3A_606, %swap3A_607] {strides = array<i32>} : memref<128x128xf32, #tpu.memory_space<vmem>>, vector<16xf32>,
        tpu.vector_store %arg11[%swap3A_606, %swap3A_607], %mul3A_605 {strides = array<i32>} : memref<128x128xf32, #tpu.memory_space<vmem>>, vector<16xf32>,
        %get3A_609 = arith.index_cast %add3A_600 : i32 to index
        %get3A_610 = arith.constant 16 : index
        %get3A_611 = tpu.vector_load %arg11[%get3A_609, %get3A_610] {strides = array<i32>} : memref<128x128xf32, #tpu.memory_space<vmem>>, vector<16xf32>,
        %mul3A_612 = vector.broadcast %squeeze3A_596 : f32 to vector<16xf32>
        %mul3A_613 = arith.mulf %get3A_611, %mul3A_612 : vector<16xf32>
        %swap3A_614 = arith.index_cast %add3A_600 : i32 to index
        %swap3A_615 = arith.constant 16 : index
        %swap3A_616 = tpu.vector_load %arg11[%swap3A_614, %swap3A_615] {strides = array<i32>} : memref<128x128xf32, #tpu.memory_space<vmem>>, vector<16xf32>,
        tpu.vector_store %arg11[%swap3A_614, %swap3A_615], %mul3A_613 {strides = array<i32>} : memref<128x128xf32, #tpu.memory_space<vmem>>, vector<16xf32>,
        %get3A_617 = arith.index_cast %add3A_600 : i32 to index
        %get3A_618 = arith.constant 32 : index
        %get3A_619 = tpu.vector_load %arg11[%get3A_617, %get3A_618] {strides = array<i32>} : memref<128x128xf32, #tpu.memory_space<vmem>>, vector<16xf32>,
        %mul3A_620 = vector.broadcast %squeeze3A_596 : f32 to vector<16xf32>
        %mul3A_621 = arith.mulf %get3A_619, %mul3A_620 : vector<16xf32>
        %swap3A_622 = arith.index_cast %add3A_600 : i32 to index
        %swap3A_623 = arith.constant 32 : index
        %swap3A_624 = tpu.vector_load %arg11[%swap3A_622, %swap3A_623] {strides = array<i32>} : memref<128x128xf32, #tpu.memory_space<vmem>>, vector<16xf32>,
        tpu.vector_store %arg11[%swap3A_622, %swap3A_623], %mul3A_621 {strides = array<i32>} : memref<128x128xf32, #tpu.memory_space<vmem>>, vector<16xf32>,
        %get3A_625 = arith.index_cast %add3A_600 : i32 to index
        %get3A_626 = arith.constant 48 : index
        %get3A_627 = tpu.vector_load %arg11[%get3A_625, %get3A_626] {strides = array<i32>} : memref<128x128xf32, #tpu.memory_space<vmem>>, vector<16xf32>,
        %mul3A_628 = vector.broadcast %squeeze3A_596 : f32 to vector<16xf32>
        %mul3A_629 = arith.mulf %get3A_627, %mul3A_628 : vector<16xf32>
        %swap3A_630 = arith.index_cast %add3A_600 : i32 to index
        %swap3A_631 = arith.constant 48 : index
        %swap3A_632 = tpu.vector_load %arg11[%swap3A_630, %swap3A_631] {strides = array<i32>} : memref<128x128xf32, #tpu.memory_space<vmem>>, vector<16xf32>,
        tpu.vector_store %arg11[%swap3A_630, %swap3A_631], %mul3A_629 {strides = array<i32>} : memref<128x128xf32, #tpu.memory_space<vmem>>, vector<16xf32>,
        %broadcast_in_dim3A_633 = vector.broadcast %squeeze3A_596 : f32 to vector<16xf32>
        %swap3A_634 = arith.index_cast %add3A_600 : i32 to index
        %swap3A_635 = arith.constant 64 : index
        %swap3A_636 = tpu.vector_load %arg11[%swap3A_634, %swap3A_635] {strides = array<i32>} : memref<128x128xf32, #tpu.memory_space<vmem>>, vector<16xf32>,
        tpu.vector_store %arg11[%swap3A_634, %swap3A_635], %broadcast_in_dim3A_633 {strides = array<i32>} : memref<128x128xf32, #tpu.memory_space<vmem>>, vector<16xf32>,
        %slice3A_637 = vector.extract_strided_slice %exp3A {offsets = [13], sizes = [1], strides = [1]} : vector<16xf32> to vector<1xf32>
        %squeeze3A_638 = vector.extract %slice3A_637[0] : f32 from vector<1xf32>
        %mul3A_639 = arith.constant 16 : i32
        %mul3A_640 = arith.muli %add3A_76, %mul3A_639 : i32
        %add3A_641 = arith.constant 13 : i32
        %add3A_642 = arith.addi %mul3A_640, %add3A_641 : i32
        %get3A_643 = arith.index_cast %add3A_642 : i32 to index
        %get3A_644 = arith.constant 0 : index
        %get3A_645 = tpu.vector_load %arg11[%get3A_643, %get3A_644] {strides = array<i32>} : memref<128x128xf32, #tpu.memory_space<vmem>>, vector<16xf32>,
        %mul3A_646 = vector.broadcast %squeeze3A_638 : f32 to vector<16xf32>
        %mul3A_647 = arith.mulf %get3A_645, %mul3A_646 : vector<16xf32>
        %swap3A_648 = arith.index_cast %add3A_642 : i32 to index
        %swap3A_649 = arith.constant 0 : index
        %swap3A_650 = tpu.vector_load %arg11[%swap3A_648, %swap3A_649] {strides = array<i32>} : memref<128x128xf32, #tpu.memory_space<vmem>>, vector<16xf32>,
        tpu.vector_store %arg11[%swap3A_648, %swap3A_649], %mul3A_647 {strides = array<i32>} : memref<128x128xf32, #tpu.memory_space<vmem>>, vector<16xf32>,
        %get3A_651 = arith.index_cast %add3A_642 : i32 to index
        %get3A_652 = arith.constant 16 : index
        %get3A_653 = tpu.vector_load %arg11[%get3A_651, %get3A_652] {strides = array<i32>} : memref<128x128xf32, #tpu.memory_space<vmem>>, vector<16xf32>,
        %mul3A_654 = vector.broadcast %squeeze3A_638 : f32 to vector<16xf32>
        %mul3A_655 = arith.mulf %get3A_653, %mul3A_654 : vector<16xf32>
        %swap3A_656 = arith.index_cast %add3A_642 : i32 to index
        %swap3A_657 = arith.constant 16 : index
        %swap3A_658 = tpu.vector_load %arg11[%swap3A_656, %swap3A_657] {strides = array<i32>} : memref<128x128xf32, #tpu.memory_space<vmem>>, vector<16xf32>,
        tpu.vector_store %arg11[%swap3A_656, %swap3A_657], %mul3A_655 {strides = array<i32>} : memref<128x128xf32, #tpu.memory_space<vmem>>, vector<16xf32>,
        %get3A_659 = arith.index_cast %add3A_642 : i32 to index
        %get3A_660 = arith.constant 32 : index
        %get3A_661 = tpu.vector_load %arg11[%get3A_659, %get3A_660] {strides = array<i32>} : memref<128x128xf32, #tpu.memory_space<vmem>>, vector<16xf32>,
        %mul3A_662 = vector.broadcast %squeeze3A_638 : f32 to vector<16xf32>
        %mul3A_663 = arith.mulf %get3A_661, %mul3A_662 : vector<16xf32>
        %swap3A_664 = arith.index_cast %add3A_642 : i32 to index
        %swap3A_665 = arith.constant 32 : index
        %swap3A_666 = tpu.vector_load %arg11[%swap3A_664, %swap3A_665] {strides = array<i32>} : memref<128x128xf32, #tpu.memory_space<vmem>>, vector<16xf32>,
        tpu.vector_store %arg11[%swap3A_664, %swap3A_665], %mul3A_663 {strides = array<i32>} : memref<128x128xf32, #tpu.memory_space<vmem>>, vector<16xf32>,
        %get3A_667 = arith.index_cast %add3A_642 : i32 to index
        %get3A_668 = arith.constant 48 : index
        %get3A_669 = tpu.vector_load %arg11[%get3A_667, %get3A_668] {strides = array<i32>} : memref<128x128xf32, #tpu.memory_space<vmem>>, vector<16xf32>,
        %mul3A_670 = vector.broadcast %squeeze3A_638 : f32 to vector<16xf32>
        %mul3A_671 = arith.mulf %get3A_669, %mul3A_670 : vector<16xf32>
        %swap3A_672 = arith.index_cast %add3A_642 : i32 to index
        %swap3A_673 = arith.constant 48 : index
        %swap3A_674 = tpu.vector_load %arg11[%swap3A_672, %swap3A_673] {strides = array<i32>} : memref<128x128xf32, #tpu.memory_space<vmem>>, vector<16xf32>,
        tpu.vector_store %arg11[%swap3A_672, %swap3A_673], %mul3A_671 {strides = array<i32>} : memref<128x128xf32, #tpu.memory_space<vmem>>, vector<16xf32>,
        %broadcast_in_dim3A_675 = vector.broadcast %squeeze3A_638 : f32 to vector<16xf32>
        %swap3A_676 = arith.index_cast %add3A_642 : i32 to index
        %swap3A_677 = arith.constant 64 : index
        %swap3A_678 = tpu.vector_load %arg11[%swap3A_676, %swap3A_677] {strides = array<i32>} : memref<128x128xf32, #tpu.memory_space<vmem>>, vector<16xf32>,
        tpu.vector_store %arg11[%swap3A_676, %swap3A_677], %broadcast_in_dim3A_675 {strides = array<i32>} : memref<128x128xf32, #tpu.memory_space<vmem>>, vector<16xf32>,
        %slice3A_679 = vector.extract_strided_slice %exp3A {offsets = [14], sizes = [1], strides = [1]} : vector<16xf32> to vector<1xf32>
        %squeeze3A_680 = vector.extract %slice3A_679[0] : f32 from vector<1xf32>
        %mul3A_681 = arith.constant 16 : i32
        %mul3A_682 = arith.muli %add3A_76, %mul3A_681 : i32
        %add3A_683 = arith.constant 14 : i32
        %add3A_684 = arith.addi %mul3A_682, %add3A_683 : i32
        %get3A_685 = arith.index_cast %add3A_684 : i32 to index
        %get3A_686 = arith.constant 0 : index
        %get3A_687 = tpu.vector_load %arg11[%get3A_685, %get3A_686] {strides = array<i32>} : memref<128x128xf32, #tpu.memory_space<vmem>>, vector<16xf32>,
        %mul3A_688 = vector.broadcast %squeeze3A_680 : f32 to vector<16xf32>
        %mul3A_689 = arith.mulf %get3A_687, %mul3A_688 : vector<16xf32>
        %swap3A_690 = arith.index_cast %add3A_684 : i32 to index
        %swap3A_691 = arith.constant 0 : index
        %swap3A_692 = tpu.vector_load %arg11[%swap3A_690, %swap3A_691] {strides = array<i32>} : memref<128x128xf32, #tpu.memory_space<vmem>>, vector<16xf32>,
        tpu.vector_store %arg11[%swap3A_690, %swap3A_691], %mul3A_689 {strides = array<i32>} : memref<128x128xf32, #tpu.memory_space<vmem>>, vector<16xf32>,
        %get3A_693 = arith.index_cast %add3A_684 : i32 to index
        %get3A_694 = arith.constant 16 : index
        %get3A_695 = tpu.vector_load %arg11[%get3A_693, %get3A_694] {strides = array<i32>} : memref<128x128xf32, #tpu.memory_space<vmem>>, vector<16xf32>,
        %mul3A_696 = vector.broadcast %squeeze3A_680 : f32 to vector<16xf32>
        %mul3A_697 = arith.mulf %get3A_695, %mul3A_696 : vector<16xf32>
        %swap3A_698 = arith.index_cast %add3A_684 : i32 to index
        %swap3A_699 = arith.constant 16 : index
        %swap3A_700 = tpu.vector_load %arg11[%swap3A_698, %swap3A_699] {strides = array<i32>} : memref<128x128xf32, #tpu.memory_space<vmem>>, vector<16xf32>,
        tpu.vector_store %arg11[%swap3A_698, %swap3A_699], %mul3A_697 {strides = array<i32>} : memref<128x128xf32, #tpu.memory_space<vmem>>, vector<16xf32>,
        %get3A_701 = arith.index_cast %add3A_684 : i32 to index
        %get3A_702 = arith.constant 32 : index
        %get3A_703 = tpu.vector_load %arg11[%get3A_701, %get3A_702] {strides = array<i32>} : memref<128x128xf32, #tpu.memory_space<vmem>>, vector<16xf32>,
        %mul3A_704 = vector.broadcast %squeeze3A_680 : f32 to vector<16xf32>
        %mul3A_705 = arith.mulf %get3A_703, %mul3A_704 : vector<16xf32>
        %swap3A_706 = arith.index_cast %add3A_684 : i32 to index
        %swap3A_707 = arith.constant 32 : index
        %swap3A_708 = tpu.vector_load %arg11[%swap3A_706, %swap3A_707] {strides = array<i32>} : memref<128x128xf32, #tpu.memory_space<vmem>>, vector<16xf32>,
        tpu.vector_store %arg11[%swap3A_706, %swap3A_707], %mul3A_705 {strides = array<i32>} : memref<128x128xf32, #tpu.memory_space<vmem>>, vector<16xf32>,
        %get3A_709 = arith.index_cast %add3A_684 : i32 to index
        %get3A_710 = arith.constant 48 : index
        %get3A_711 = tpu.vector_load %arg11[%get3A_709, %get3A_710] {strides = array<i32>} : memref<128x128xf32, #tpu.memory_space<vmem>>, vector<16xf32>,
        %mul3A_712 = vector.broadcast %squeeze3A_680 : f32 to vector<16xf32>
        %mul3A_713 = arith.mulf %get3A_711, %mul3A_712 : vector<16xf32>
        %swap3A_714 = arith.index_cast %add3A_684 : i32 to index
        %swap3A_715 = arith.constant 48 : index
        %swap3A_716 = tpu.vector_load %arg11[%swap3A_714, %swap3A_715] {strides = array<i32>} : memref<128x128xf32, #tpu.memory_space<vmem>>, vector<16xf32>,
        tpu.vector_store %arg11[%swap3A_714, %swap3A_715], %mul3A_713 {strides = array<i32>} : memref<128x128xf32, #tpu.memory_space<vmem>>, vector<16xf32>,
        %broadcast_in_dim3A_717 = vector.broadcast %squeeze3A_680 : f32 to vector<16xf32>
        %swap3A_718 = arith.index_cast %add3A_684 : i32 to index
        %swap3A_719 = arith.constant 64 : index
        %swap3A_720 = tpu.vector_load %arg11[%swap3A_718, %swap3A_719] {strides = array<i32>} : memref<128x128xf32, #tpu.memory_space<vmem>>, vector<16xf32>,
        tpu.vector_store %arg11[%swap3A_718, %swap3A_719], %broadcast_in_dim3A_717 {strides = array<i32>} : memref<128x128xf32, #tpu.memory_space<vmem>>, vector<16xf32>,
        %slice3A_721 = vector.extract_strided_slice %exp3A {offsets = [15], sizes = [1], strides = [1]} : vector<16xf32> to vector<1xf32>
        %squeeze3A_722 = vector.extract %slice3A_721[0] : f32 from vector<1xf32>
        %mul3A_723 = arith.constant 16 : i32
        %mul3A_724 = arith.muli %add3A_76, %mul3A_723 : i32
        %add3A_725 = arith.constant 15 : i32
        %add3A_726 = arith.addi %mul3A_724, %add3A_725 : i32
        %get3A_727 = arith.index_cast %add3A_726 : i32 to index
        %get3A_728 = arith.constant 0 : index
        %get3A_729 = tpu.vector_load %arg11[%get3A_727, %get3A_728] {strides = array<i32>} : memref<128x128xf32, #tpu.memory_space<vmem>>, vector<16xf32>,
        %mul3A_730 = vector.broadcast %squeeze3A_722 : f32 to vector<16xf32>
        %mul3A_731 = arith.mulf %get3A_729, %mul3A_730 : vector<16xf32>
        %swap3A_732 = arith.index_cast %add3A_726 : i32 to index
        %swap3A_733 = arith.constant 0 : index
        %swap3A_734 = tpu.vector_load %arg11[%swap3A_732, %swap3A_733] {strides = array<i32>} : memref<128x128xf32, #tpu.memory_space<vmem>>, vector<16xf32>,
        tpu.vector_store %arg11[%swap3A_732, %swap3A_733], %mul3A_731 {strides = array<i32>} : memref<128x128xf32, #tpu.memory_space<vmem>>, vector<16xf32>,
        %get3A_735 = arith.index_cast %add3A_726 : i32 to index
        %get3A_736 = arith.constant 16 : index
        %get3A_737 = tpu.vector_load %arg11[%get3A_735, %get3A_736] {strides = array<i32>} : memref<128x128xf32, #tpu.memory_space<vmem>>, vector<16xf32>,
        %mul3A_738 = vector.broadcast %squeeze3A_722 : f32 to vector<16xf32>
        %mul3A_739 = arith.mulf %get3A_737, %mul3A_738 : vector<16xf32>
        %swap3A_740 = arith.index_cast %add3A_726 : i32 to index
        %swap3A_741 = arith.constant 16 : index
        %swap3A_742 = tpu.vector_load %arg11[%swap3A_740, %swap3A_741] {strides = array<i32>} : memref<128x128xf32, #tpu.memory_space<vmem>>, vector<16xf32>,
        tpu.vector_store %arg11[%swap3A_740, %swap3A_741], %mul3A_739 {strides = array<i32>} : memref<128x128xf32, #tpu.memory_space<vmem>>, vector<16xf32>,
        %get3A_743 = arith.index_cast %add3A_726 : i32 to index
        %get3A_744 = arith.constant 32 : index
        %get3A_745 = tpu.vector_load %arg11[%get3A_743, %get3A_744] {strides = array<i32>} : memref<128x128xf32, #tpu.memory_space<vmem>>, vector<16xf32>,
        %mul3A_746 = vector.broadcast %squeeze3A_722 : f32 to vector<16xf32>
        %mul3A_747 = arith.mulf %get3A_745, %mul3A_746 : vector<16xf32>
        %swap3A_748 = arith.index_cast %add3A_726 : i32 to index
        %swap3A_749 = arith.constant 32 : index
        %swap3A_750 = tpu.vector_load %arg11[%swap3A_748, %swap3A_749] {strides = array<i32>} : memref<128x128xf32, #tpu.memory_space<vmem>>, vector<16xf32>,
        tpu.vector_store %arg11[%swap3A_748, %swap3A_749], %mul3A_747 {strides = array<i32>} : memref<128x128xf32, #tpu.memory_space<vmem>>, vector<16xf32>,
        %get3A_751 = arith.index_cast %add3A_726 : i32 to index
        %get3A_752 = arith.constant 48 : index
        %get3A_753 = tpu.vector_load %arg11[%get3A_751, %get3A_752] {strides = array<i32>} : memref<128x128xf32, #tpu.memory_space<vmem>>, vector<16xf32>,
        %mul3A_754 = vector.broadcast %squeeze3A_722 : f32 to vector<16xf32>
        %mul3A_755 = arith.mulf %get3A_753, %mul3A_754 : vector<16xf32>
        %swap3A_756 = arith.index_cast %add3A_726 : i32 to index
        %swap3A_757 = arith.constant 48 : index
        %swap3A_758 = tpu.vector_load %arg11[%swap3A_756, %swap3A_757] {strides = array<i32>} : memref<128x128xf32, #tpu.memory_space<vmem>>, vector<16xf32>,
        tpu.vector_store %arg11[%swap3A_756, %swap3A_757], %mul3A_755 {strides = array<i32>} : memref<128x128xf32, #tpu.memory_space<vmem>>, vector<16xf32>,
        %broadcast_in_dim3A_759 = vector.broadcast %squeeze3A_722 : f32 to vector<16xf32>
        %swap3A_760 = arith.index_cast %add3A_726 : i32 to index
        %swap3A_761 = arith.constant 64 : index
        %swap3A_762 = tpu.vector_load %arg11[%swap3A_760, %swap3A_761] {strides = array<i32>} : memref<128x128xf32, #tpu.memory_space<vmem>>, vector<16xf32>,
        tpu.vector_store %arg11[%swap3A_760, %swap3A_761], %broadcast_in_dim3A_759 {strides = array<i32>} : memref<128x128xf32, #tpu.memory_space<vmem>>, vector<16xf32>,
      }
      %scan3A_70 = arith.constant 8 : i32
      %run_scoped3A_71 = arith.constant 15 : i32
      "tpu.region"() ({
        %run_scoped3A_72 = tpu.sem_alloc : memref<!tpu.dma_semaphore, #tpu.memory_space<semaphore_mem>>
        %dma_start3A_73 = arith.constant 0 : i32
        %dma_start3A_74 = tpu.memref_slice %arg8[%run_scoped3A_71, %dma_start3A_73] : memref<16x128xi32, #tpu.memory_space<vmem>> -> memref<1x128xi32, #tpu.memory_space<vmem>>
        %dma_start3A_75 = tpu.memref_squeeze %dma_start3A_74 : memref<1x128xi32, #tpu.memory_space<vmem>> -> memref<128xi32, #tpu.memory_space<vmem>>
        %dma_start3A_76 = arith.constant 0 : i32
        %dma_start3A_77 = arith.constant 0 : i32
        %dma_start3A_78 = tpu.memref_slice %arg12[%dma_start3A_76, %dma_start3A_77] : memref<10240x128xf32, #tpu.memory_space<vmem_shared>> -> memref<10240x128xf32, #tpu.memory_space<vmem_shared>>
        tpu.enqueue_indirect_dma source(%arg11 : memref<128x128xf32, #tpu.memory_space<vmem>>) target(%dma_start3A_78 : memref<10240x128xf32, #tpu.memory_space<vmem_shared>>) offsets(%dma_start3A_75 : memref<128xi32, #tpu.memory_space<vmem>>) semaphore(%run_scoped3A_72 : memref<!tpu.dma_semaphore, #tpu.memory_space<semaphore_mem>>) {add = true}
        %dma_wait3A_79 = arith.constant 0 : i32
        %dma_wait3A_80 = tpu.memref_slice %arg8[%run_scoped3A_71, %dma_wait3A_79] : memref<16x128xi32, #tpu.memory_space<vmem>> -> memref<1x128xi32, #tpu.memory_space<vmem>>
        %dma_wait3A_81 = tpu.memref_squeeze %dma_wait3A_80 : memref<1x128xi32, #tpu.memory_space<vmem>> -> memref<128xi32, #tpu.memory_space<vmem>>
        %dma_wait3A_82 = arith.constant 0 : i32
        %dma_wait3A_83 = arith.constant 0 : i32
        %dma_wait3A_84 = tpu.memref_slice %arg12[%dma_wait3A_82, %dma_wait3A_83] : memref<10240x128xf32, #tpu.memory_space<vmem_shared>> -> memref<10240x128xf32, #tpu.memory_space<vmem_shared>>
        tpu.wait_indirect_dma semaphore(%run_scoped3A_72 : memref<!tpu.dma_semaphore, #tpu.memory_space<semaphore_mem>>) src(%arg11 : memref<128x128xf32, #tpu.memory_space<vmem>>) dst(%dma_wait3A_84 : memref<10240x128xf32, #tpu.memory_space<vmem_shared>>)
        tpu.yield
      }) : () -> ()
    }
    %scan3A_14 = arith.constant 5 : i32
    %barrier3A_15 = arith.constant 0 : index
    tpu.barrier barrier_id(%barrier3A_15)
    %mul3A_16 = arith.constant 640 : i32
    %mul3A_17 = arith.muli %arg1, %mul3A_16 : i32
    %mul3A_18 = arith.constant 640 : i32
    %mul3A_19 = arith.muli %arg1, %mul3A_18 : i32
    "tpu.region"() ({
      %run_scoped3A_20 = tpu.sem_alloc : memref<!tpu.dma_semaphore, #tpu.memory_space<semaphore_mem>>
      %dma_start3A = arith.constant 0 : i32
      %dma_start3A_21 = tpu.memref_slice %arg6[%arg0, %mul3A_19, %dma_start3A] : memref<2x10240x128xf32, #tpu.memory_space<hbm>> -> memref<1x640x128xf32, #tpu.memory_space<hbm>>
      %dma_start3A_22 = tpu.memref_squeeze %dma_start3A_21 : memref<1x640x128xf32, #tpu.memory_space<hbm>> -> memref<640x128xf32, #tpu.memory_space<hbm>>
      %dma_start3A_23 = arith.constant 0 : i32
      %dma_start3A_24 = tpu.memref_slice %arg12[%mul3A_17, %dma_start3A_23] : memref<10240x128xf32, #tpu.memory_space<vmem_shared>> -> memref<640x128xf32, #tpu.memory_space<vmem_shared>>
      tpu.enqueue_dma source(%dma_start3A_24 : memref<640x128xf32, #tpu.memory_space<vmem_shared>>) target(%dma_start3A_22 : memref<640x128xf32, #tpu.memory_space<hbm>>) target_semaphore(%run_scoped3A_20 : memref<!tpu.dma_semaphore, #tpu.memory_space<semaphore_mem>>)
      %dma_wait3A = arith.constant 0 : i32
      %dma_wait3A_25 = tpu.memref_slice %arg6[%arg0, %mul3A_19, %dma_wait3A] : memref<2x10240x128xf32, #tpu.memory_space<hbm>> -> memref<1x640x128xf32, #tpu.memory_space<hbm>>
      %dma_wait3A_26 = tpu.memref_squeeze %dma_wait3A_25 : memref<1x640x128xf32, #tpu.memory_space<hbm>> -> memref<640x128xf32, #tpu.memory_space<hbm>>
      %dma_wait3A_27 = arith.constant 0 : i32
      %dma_wait3A_28 = tpu.memref_slice %arg12[%mul3A_17, %dma_wait3A_27] : memref<10240x128xf32, #tpu.memory_space<vmem_shared>> -> memref<640x128xf32, #tpu.memory_space<vmem_shared>>
      tpu.wait_dma2 semaphore(%run_scoped3A_20 : memref<!tpu.dma_semaphore, #tpu.memory_space<semaphore_mem>>) src(%dma_wait3A_28 : memref<640x128xf32, #tpu.memory_space<vmem_shared>>) dst(%dma_wait3A_26 : memref<640x128xf32, #tpu.memory_space<hbm>>)
      tpu.yield
    }) : () -> ()
    return
  }
}

module attributes {stable_mosaic.version = 14 : i64} {
  func.func @_tc_prep(%arg0: memref<10240x128xf32, #tpu.memory_space<vmem>>, %arg1: memref<128x64xf32, #tpu.memory_space<vmem>>, %arg2: memref<1x64xf32, #tpu.memory_space<vmem>>, %arg3: memref<1x64xf32, #tpu.memory_space<vmem>>, %arg4: memref<10240x128xf32, #tpu.memory_space<vmem>>, %arg5: memref<10240x80xf32, #tpu.memory_space<vmem>>, %arg6: memref<2x10240xf32, #tpu.memory_space<vmem>>) attributes {dimension_semantics = [], scalar_prefetch = 0 : i64, scratch_operands = 0 : i64, tpu.core_type = #tpu.core_type<tc>} {
    %get3A = arith.constant 0 : index
    %get3A_0 = arith.constant 0 : index
    %get3A_1 = vector.load %arg0[%get3A, %get3A_0] : memref<10240x128xf32, #tpu.memory_space<vmem>>, vector<10240x128xf32>
    %get3A_2 = arith.constant 0 : index
    %get3A_3 = arith.constant 0 : index
    %get3A_4 = vector.load %arg1[%get3A_2, %get3A_3] : memref<128x64xf32, #tpu.memory_space<vmem>>, vector<128x64xf32>
    %dot_general3A = arith.constant dense<0.000000e+00> : vector<10240x64xf32>
    %dot_general3A_5 = tpu.matmul %get3A_1, %get3A_4, %dot_general3A {dimension_numbers = #tpu.dot_dimension_numbers<[1], [0], [0], [1], [0, 0, 1, 1], [], []>, transpose_lhs_hint = false} : vector<10240x128xf32>, vector<128x64xf32>, vector<10240x64xf32> -> vector<10240x64xf32>
    %get3A_6 = arith.constant 0 : index
    %get3A_7 = arith.constant 0 : index
    %get3A_8 = vector.load %arg2[%get3A_6, %get3A_7] : memref<1x64xf32, #tpu.memory_space<vmem>>, vector<1x64xf32>
    %mul3A = vector.broadcast %get3A_8 : vector<1x64xf32> to vector<10240x64xf32>
    %mul3A_9 = arith.mulf %dot_general3A_5, %mul3A : vector<10240x64xf32>
    %reduce_sum3A = arith.constant dense<0.000000e+00> : vector<10240xf32>
    %reduce_sum3A_10 = vector.multi_reduction <add>, %mul3A_9, %reduce_sum3A [1] : vector<10240x64xf32> to vector<10240xf32>
    %get3A_11 = arith.constant 0 : index
    %get3A_12 = arith.constant 0 : index
    %get3A_13 = vector.load %arg3[%get3A_11, %get3A_12] : memref<1x64xf32, #tpu.memory_space<vmem>>, vector<1x64xf32>
    %mul3A_14 = vector.broadcast %get3A_13 : vector<1x64xf32> to vector<10240x64xf32>
    %mul3A_15 = arith.mulf %dot_general3A_5, %mul3A_14 : vector<10240x64xf32>
    %reduce_sum3A_16 = arith.constant dense<0.000000e+00> : vector<10240xf32>
    %reduce_sum3A_17 = vector.multi_reduction <add>, %mul3A_15, %reduce_sum3A_16 [1] : vector<10240x64xf32> to vector<10240xf32>
    %add3A = arith.addf %reduce_sum3A_10, %reduce_sum3A_17 : vector<10240xf32>
    %ge3A = arith.constant 0.000000e+00 : f32
    %ge3A_18 = vector.broadcast %ge3A : f32 to vector<10240xf32>
    %ge3A_19 = arith.cmpf oge, %add3A, %ge3A_18 : vector<10240xf32>
    %mul3A_20 = arith.constant 2.000000e-01 : f32
    %mul3A_21 = vector.broadcast %mul3A_20 : f32 to vector<10240xf32>
    %mul3A_22 = arith.mulf %mul3A_21, %add3A : vector<10240xf32>
    %select_n3A = arith.select %ge3A_19, %add3A, %mul3A_22 : vector<10240xi1>, vector<10240xf32>
    %exp3A = math.exp %select_n3A : vector<10240xf32>
    %broadcast_in_dim3A = arith.constant 1.000000e+00 : f32
    %broadcast_in_dim3A_23 = vector.broadcast %broadcast_in_dim3A : f32 to vector<10240x1xf32>
    %broadcast_in_dim3A_24 = vector.shape_cast %reduce_sum3A_10 : vector<10240xf32> to vector<10240x1xf32>
    %broadcast_in_dim3A_25 = arith.constant 0.000000e+00 : f32
    %broadcast_in_dim3A_26 = vector.broadcast %broadcast_in_dim3A_25 : f32 to vector<10240x62xf32>
    %concatenate3A = tpu.concatenate %dot_general3A_5, %broadcast_in_dim3A_23, %broadcast_in_dim3A_24, %broadcast_in_dim3A_26 in 1 : vector<10240x64xf32>, vector<10240x1xf32>, vector<10240x1xf32>, vector<10240x62xf32> -> vector<10240x128xf32>
    %swap3A = arith.constant 0 : index
    %swap3A_27 = arith.constant 0 : index
    %swap3A_28 = vector.load %arg4[%swap3A, %swap3A_27] : memref<10240x128xf32, #tpu.memory_space<vmem>>, vector<10240x128xf32>
    tpu.vector_store %arg4[%swap3A, %swap3A_27], %concatenate3A {strides = array<i32>} : memref<10240x128xf32, #tpu.memory_space<vmem>>, vector<10240x128xf32>,
    %broadcast_in_dim3A_29 = arith.constant 0.000000e+00 : f32
    %broadcast_in_dim3A_30 = vector.broadcast %broadcast_in_dim3A_29 : f32 to vector<10240x15xf32>
    %concatenate3A_31 = tpu.concatenate %dot_general3A_5, %broadcast_in_dim3A_23, %broadcast_in_dim3A_30 in 1 : vector<10240x64xf32>, vector<10240x1xf32>, vector<10240x15xf32> -> vector<10240x80xf32>
    %broadcast_in_dim3A_32 = vector.shape_cast %exp3A : vector<10240xf32> to vector<10240x1xf32>
    %mul3A_33 = vector.broadcast %broadcast_in_dim3A_32 : vector<10240x1xf32> to vector<10240x80xf32>
    %mul3A_34 = arith.mulf %concatenate3A_31, %mul3A_33 : vector<10240x80xf32>
    %swap3A_35 = arith.constant 0 : index
    %swap3A_36 = arith.constant 0 : index
    %swap3A_37 = vector.load %arg5[%swap3A_35, %swap3A_36] : memref<10240x80xf32, #tpu.memory_space<vmem>>, vector<10240x80xf32>
    tpu.vector_store %arg5[%swap3A_35, %swap3A_36], %mul3A_34 {strides = array<i32>} : memref<10240x80xf32, #tpu.memory_space<vmem>>, vector<10240x80xf32>,
    %stack3A = vector.shape_cast %reduce_sum3A_10 : vector<10240xf32> to vector<1x10240xf32>
    %stack3A_38 = vector.shape_cast %reduce_sum3A_17 : vector<10240xf32> to vector<1x10240xf32>
    %stack3A_39 = tpu.concatenate %stack3A, %stack3A_38 in 0 : vector<1x10240xf32>, vector<1x10240xf32> -> vector<2x10240xf32>
    %swap3A_40 = arith.constant 0 : index
    %swap3A_41 = arith.constant 0 : index
    %swap3A_42 = vector.load %arg6[%swap3A_40, %swap3A_41] : memref<2x10240xf32, #tpu.memory_space<vmem>>, vector<2x10240xf32>
    tpu.vector_store %arg6[%swap3A_40, %swap3A_41], %stack3A_39 {strides = array<i32>} : memref<2x10240xf32, #tpu.memory_space<vmem>>, vector<2x10240xf32>,
    return
  }
}

module attributes {stable_mosaic.version = 14 : i64} {
  func.func @_tc_head(%arg0: i32, %arg1: memref<2x1024x128xf32, #tpu.memory_space<vmem>>, %arg2: memref<1024x80xf32, #tpu.memory_space<vmem>>, %arg3: memref<1x64xf32, #tpu.memory_space<vmem>>, %arg4: memref<1024x64xf32, #tpu.memory_space<vmem>>, %arg5: memref<1x1xf32, #tpu.memory_space<vmem>>, %arg6: memref<8x1xf32, #tpu.memory_space<vmem>>) attributes {dimension_semantics = [#tpu.dimension_semantics<arbitrary>], iteration_bounds = array<i64: 10>, scalar_prefetch = 0 : i64, scratch_operands = 0 : i64, tpu.core_type = #tpu.core_type<tc>, window_params = [{transform_indices = @transform_0, window_bounds = array<i64: 2, 1024, 128>}, {transform_indices = @transform_1, window_bounds = array<i64: 1024, 80>}, {pipeline_mode = #tpu.pipeline_mode<synchronous>, transform_indices = @transform_2, window_bounds = array<i64: 1, 64>}, {pipeline_mode = #tpu.pipeline_mode<synchronous>, transform_indices = @transform_3, window_bounds = array<i64: 1024, 64>}, {pipeline_mode = #tpu.pipeline_mode<synchronous>, transform_indices = @transform_4, window_bounds = array<i64: 1, 1>}, {transform_indices = @transform_5, window_bounds = array<i64: 8, 1>}]} {
    %get3A = arith.constant 0 : index
    %get3A_0 = arith.constant 0 : index
    %get3A_1 = arith.constant 0 : index
    %get3A_2 = vector.load %arg1[%get3A, %get3A_0, %get3A_1] : memref<2x1024x128xf32, #tpu.memory_space<vmem>>, vector<1x1024x128xf32>
    %get3A_3 = vector.shape_cast %get3A_2 : vector<1x1024x128xf32> to vector<1024x128xf32>
    %get3A_4 = arith.constant 1 : index
    %get3A_5 = arith.constant 0 : index
    %get3A_6 = arith.constant 0 : index
    %get3A_7 = vector.load %arg1[%get3A_4, %get3A_5, %get3A_6] : memref<2x1024x128xf32, #tpu.memory_space<vmem>>, vector<1x1024x128xf32>
    %get3A_8 = vector.shape_cast %get3A_7 : vector<1x1024x128xf32> to vector<1024x128xf32>
    %add3A = arith.addf %get3A_3, %get3A_8 : vector<1024x128xf32>
    %slice3A = vector.extract_strided_slice %add3A {offsets = [0, 0], sizes = [1024, 64], strides = [1, 1]} : vector<1024x128xf32> to vector<1024x64xf32>
    %get3A_9 = arith.constant 0 : index
    %get3A_10 = arith.constant 0 : index
    %get3A_11 = vector.load %arg2[%get3A_9, %get3A_10] : memref<1024x80xf32, #tpu.memory_space<vmem>>, vector<1024x64xf32>
    %add3A_12 = arith.addf %slice3A, %get3A_11 : vector<1024x64xf32>
    %slice3A_13 = vector.extract_strided_slice %add3A {offsets = [0, 64], sizes = [1024, 1], strides = [1, 1]} : vector<1024x128xf32> to vector<1024x1xf32>
    %get3A_14 = arith.constant 0 : index
    %get3A_15 = arith.constant 64 : index
    %get3A_16 = vector.load %arg2[%get3A_14, %get3A_15] : memref<1024x80xf32, #tpu.memory_space<vmem>>, vector<1024x1xf32>
    %add3A_17 = arith.addf %slice3A_13, %get3A_16 : vector<1024x1xf32>
    %div3A = vector.broadcast %add3A_17 : vector<1024x1xf32> to vector<1024x64xf32>
    %div3A_18 = arith.divf %add3A_12, %div3A : vector<1024x64xf32>
    %get3A_19 = arith.constant 0 : index
    %get3A_20 = arith.constant 0 : index
    %get3A_21 = vector.load %arg3[%get3A_19, %get3A_20] : memref<1x64xf32, #tpu.memory_space<vmem>>, vector<1x64xf32>
    %add3A_22 = vector.broadcast %get3A_21 : vector<1x64xf32> to vector<1024x64xf32>
    %add3A_23 = arith.addf %div3A_18, %add3A_22 : vector<1024x64xf32>
    %max3A = arith.constant 0.000000e+00 : f32
    %max3A_24 = vector.broadcast %max3A : f32 to vector<1024x64xf32>
    %max3A_25 = arith.maximumf %add3A_23, %max3A_24 : vector<1024x64xf32>
    %get3A_26 = arith.constant 0 : index
    %get3A_27 = arith.constant 0 : index
    %get3A_28 = vector.load %arg4[%get3A_26, %get3A_27] : memref<1024x64xf32, #tpu.memory_space<vmem>>, vector<1024x64xf32>
    %mul3A = arith.mulf %max3A_25, %get3A_28 : vector<1024x64xf32>
    %reshape3A = vector.shape_cast %mul3A : vector<1024x64xf32> to vector<8x128x64xf32>
    %reduce_sum3A = arith.constant dense<0.000000e+00> : vector<8xf32>
    %reduce_sum3A_29 = vector.multi_reduction <add>, %reshape3A, %reduce_sum3A [1, 2] : vector<8x128x64xf32> to vector<8xf32>
    %get3A_30 = arith.constant 0 : index
    %get3A_31 = arith.constant 0 : index
    %get3A_32 = vector.load %arg5[%get3A_30, %get3A_31] : memref<1x1xf32, #tpu.memory_space<vmem>>, vector<1x1xf32>
    %get3A_33 = vector.extract %get3A_32[0, 0] : f32 from vector<1x1xf32>
    %add3A_34 = vector.broadcast %get3A_33 : f32 to vector<8xf32>
    %add3A_35 = arith.addf %reduce_sum3A_29, %add3A_34 : vector<8xf32>
    %neg3A = arith.constant 0.000000e+00 : f32
    %neg3A_36 = vector.broadcast %neg3A : f32 to vector<8xf32>
    %neg3A_37 = arith.subf %neg3A_36, %add3A_35 : vector<8xf32>
    %exp3A = math.exp %neg3A_37 : vector<8xf32>
    %add3A_38 = arith.constant 1.000000e+00 : f32
    %add3A_39 = vector.broadcast %add3A_38 : f32 to vector<8xf32>
    %add3A_40 = arith.addf %add3A_39, %exp3A : vector<8xf32>
    %div3A_41 = arith.constant 1.000000e+00 : f32
    %div3A_42 = vector.broadcast %div3A_41 : f32 to vector<8xf32>
    %div3A_43 = arith.divf %div3A_42, %add3A_40 : vector<8xf32>
    %broadcast_in_dim3A = vector.shape_cast %div3A_43 : vector<8xf32> to vector<8x1xf32>
    %swap3A = arith.constant 0 : index
    %swap3A_44 = arith.constant 0 : index
    %swap3A_45 = vector.load %arg6[%swap3A, %swap3A_44] : memref<8x1xf32, #tpu.memory_space<vmem>>, vector<8x1xf32>
    tpu.vector_store %arg6[%swap3A, %swap3A_44], %broadcast_in_dim3A {strides = array<i32>} : memref<8x1xf32, #tpu.memory_space<vmem>>, vector<8x1xf32>,
    return
  }
  func.func @transform_0(%arg0: i32) -> (i32, i32, i32) {
    %c0_i32 = arith.constant 0 : i32
    %c0_i32_0 = arith.constant 0 : i32
    %c0_i32_1 = arith.constant 0 : i32
    return %c0_i32, %arg0, %c0_i32_0 : i32, i32, i32
  }
  func.func @transform_1(%arg0: i32) -> (i32, i32) {
    %c0_i32 = arith.constant 0 : i32
    %c0_i32_0 = arith.constant 0 : i32
    return %arg0, %c0_i32 : i32, i32
  }
  func.func @transform_2(%arg0: i32) -> (i32, i32) {
    %c0_i32 = arith.constant 0 : i32
    %c0_i32_0 = arith.constant 0 : i32
    %c0_i32_1 = arith.constant 0 : i32
    return %c0_i32, %c0_i32_0 : i32, i32
  }
  func.func @transform_3(%arg0: i32) -> (i32, i32) {
    %c0_i32 = arith.constant 0 : i32
    %c0_i32_0 = arith.constant 0 : i32
    %c0_i32_1 = arith.constant 0 : i32
    return %c0_i32, %c0_i32_0 : i32, i32
  }
  func.func @transform_4(%arg0: i32) -> (i32, i32) {
    %c0_i32 = arith.constant 0 : i32
    %c0_i32_0 = arith.constant 0 : i32
    %c0_i32_1 = arith.constant 0 : i32
    return %c0_i32, %c0_i32_0 : i32, i32
  }
  func.func @transform_5(%arg0: i32) -> (i32, i32) {
    %c0_i32 = arith.constant 0 : i32
    %c0_i32_0 = arith.constant 0 : i32
    return %arg0, %c0_i32 : i32, i32
  }
}

</mosaic_0001>

<sc_bundles>
// kernel: kernel.5.cloned.1.call-start
scs
__scs_entry_jumppad:
0x0: {  	(pc) =	sbr.rel $0x88, $3  }
0x1: {  	(tag) =	ssettag $0x0;
	lr =	simm.s32 $0x1  }
0x2: {  	[smem:$0x3F99] =	sst lr;
	_ =	strace $0xD0000000  }
0x3: {  	_ = 	snop  }
0x4: {  	_ = 	snop  }
0x5: {  	_ = 	snop  }
0x6: {  	_ = 	snop  }
0x7: {  	_ = 	snop  }
__scs_overlays_trampoline_lowered:
0x8: {  	[smem:$0x3FA8] =	sst s0  }
0x9: {  	[smem:$0x3FA9] =	sst s1  }
0xa: {  	[smem:$0x3FAA] =	sst s2  }
0xb: {  	[smem:$0x3FAB] =	sst s3  }
0xc: {  	[smem:$0x3FAC] =	sst s4  }
0xd: {  	[smem:$0x3FAD] =	sst s5  }
0xe: {  	[smem:$0x3FAE] =	sst s6  }
0xf: {  	[smem:$0x3FAF] =	sst s7  }
0x10: {  	[smem:$0x3FB0] =	sst s8  }
0x11: {  	[smem:$0x3FB1] =	sst s9;
	s0 =	simm.s32 @!p0 $0x0  }
0x12: {  	s1 =	sld [smem:$0x3F97];
	s0 =	simm.s32 @p0 $0x1  }
0x13: {  	[smem:$0x3FB2] =	sst s0;
	s0 =	simm.s32 @!p1 $0x0  }
0x14: {  	s2 =	sld [smem:$0x3F96];
	s0 =	simm.s32 @p1 $0x1  }
0x15: {  	[smem:$0x3FB3] =	sst s0;
	s0 =	simm.s32 @!p2 $0x0  }
0x16: {  	s3 =	sld [smem:$0x3FDB];
	s0 =	simm.s32 @p2 $0x1  }
0x17: {  	s4 =	simm.s32 $0x1BF5;
	[smem:$0x3FB5] =	sst s0  }
0x18: {  	s0 =	sld [smem:$0x3F98];
	_ =	swait.ge [sflag:s4], $0x0  }
0x19: {  	s7 =	sld [smem:$0x3F99]  }
0x1a: {  	s8 =	sadd.s32 $0xFFFFE003, lr  }
0x1b: {  	s9 =	sadd.s32 $0xFFFFFEF7, lr;
	s5 =	simm.s32 $0xFFFFFFFF;
	p2 =	slt.u32 s8, $0xFFFFF086  }
0x1c: {  	p1 =	slt.u32 s9, $0xF7A;
	s5 =	simm.s32 @!p2 $0x0  }
0x1d: {  	s5 =	simm.s32 @p1 $0x1;
	p0 =	seq.s32 s7, s2  }
0x1e: {  	s7 =	smul.u32 @!p0 $0xF7A, s2;
	p2 =	seq.s32 @!p0 s5, $0x0  }
0x1f: {  	s9 =	smul.u32 $0xF7A, s1;
	s8 =	simm.s32 @!p0 $0x1BF5;
	p2 =	por !p2, p0  }
0x20: {  	[sflag:s8] =	ssyncset.s32 @!p0 $0xFFFFF086;
	s6 =	sadd.s32 @!p0 s3, s7;
	s7 =	simm.s32 @!p0 $0x108  }
0x21: {  	s3 =	sadd.s32 s3, s9;
	s6 =	sadd.s32 @!p0 $0x88, s6;
	s7 =	simm.s32 @p2 $0x1082  }
0x22: {  	[simem:s7], [sflag:s8] =	dma.local @!p0 [hbm:s6], $0xF7A  }
0x23: {  	s9 =	sor.u32 $0xD0000000, s2;
	s6 =	simm.s32 $0x108;
	_ =	swait.ge @!p0 [sflag:s8], $0x0  }
0x24: {  	s3 =	sadd.s32 $0x88, s3;
	s6 =	simm.s32 @!p1 $0x1082;
	[sflag:s4] =	ssyncset.s32 $0xFFFFF086  }
0x25: {  	[simem:s6], [sflag:s4] =	dma.local [hbm:s3], $0xF7A  }
0x26: {  	[smem:$0x3F99] =	sst s1;
	(tag) =	ssettag s2;
	_ =	strace s9  }
0x27: {  	s1 =	sld [smem:$0x3FA9]  }
0x28: {  	s2 =	sld [smem:$0x3FAA]  }
0x29: {  	s4 =	sld [smem:$0x3FAC]  }
0x2a: {  	p0 =	seq.s32 s5, $0x0;
	s5 =	sld [smem:$0x3FAD]  }
0x2b: {  	s6 =	sld [smem:$0x3FAE]  }
0x2c: {  	s7 =	sld [smem:$0x3FAF]  }
0x2d: {  	s3 =	simm.s32 $0x108;
	s8 =	sld [smem:$0x3FB0]  }
0x2e: {  	s3 =	simm.s32 @!p0 $0x1082;
	s9 =	sld [smem:$0x3FB1]  }
0x2f: {  	lr =	sadd.s32 s0, s3;
	s0 =	sld [smem:$0x3FA8]  }
0x30: {  	s3 =	sld [smem:$0x3FAB]  }
0x31: {  	[smem:$0x3FB4] =	sst s10  }
0x32: {  	s10 =	sld [smem:$0x3FB2];
	_ =	sdelay $0x3  }
0x33: {  	p0 =	seq.s32 s10, $0x1;
	s10 =	sld [smem:$0x3FB4];
	_ =	sdelay $0x3  }
0x34: {  	[smem:$0x3FB4] =	sst s10  }
0x35: {  	s10 =	sld [smem:$0x3FB3];
	_ =	sdelay $0x3  }
0x36: {  	p1 =	seq.s32 s10, $0x1;
	s10 =	sld [smem:$0x3FB4];
	_ =	sdelay $0x3  }
0x37: {  	[smem:$0x3FB4] =	sst s10  }
0x38: {  	s10 =	sld [smem:$0x3FB5]  }
0x39: {  	_ = 	snop;
	(pc) =	sbr.ind lr, $3  }
0x3a: {  	_ = 	snop  }
0x3b: {  	_ = 	snop  }
0x3c: {  	p2 =	seq.s32 s10, $0x1;
	s10 =	sld [smem:$0x3FB4]  }
0x3d: {  	_ =	shalt  }
0x3e: {  	_ =	shalt  }
0x3f: {  	_ =	shalt  }
0x40: {  	_ =	shalt  }
0x41: {  	_ =	shalt  }
0x42: {  	_ =	shalt  }
0x43: {  	_ =	shalt  }
0x44: {  	_ =	shalt  }
0x45: {  	_ =	shalt  }
0x46: {  	_ =	shalt  }
0x47: {  	_ =	shalt  }
0x48: {  	_ =	shalt  }
0x49: {  	_ =	shalt  }
0x4a: {  	_ =	shalt  }
0x4b: {  	_ =	shalt  }
0x4c: {  	_ =	shalt  }
0x4d: {  	_ =	shalt  }
0x4e: {  	_ =	shalt  }
0x4f: {  	_ =	shalt  }
0x50: {  	_ =	shalt  }
0x51: {  	_ =	shalt  }
0x52: {  	_ =	shalt  }
0x53: {  	_ =	shalt  }
0x54: {  	_ =	shalt  }
0x55: {  	_ =	shalt  }
0x56: {  	_ =	shalt  }
0x57: {  	_ =	shalt  }
0x58: {  	_ =	shalt  }
0x59: {  	_ =	shalt  }
0x5a: {  	_ =	shalt  }
0x5b: {  	_ =	shalt  }
0x5c: {  	_ =	shalt  }
0x5d: {  	_ =	shalt  }
0x5e: {  	_ =	shalt  }
0x5f: {  	_ =	shalt  }
0x60: {  	_ =	shalt  }
0x61: {  	_ =	shalt  }
0x62: {  	_ =	shalt  }
0x63: {  	_ =	shalt  }
0x64: {  	_ =	shalt  }
0x65: {  	_ =	shalt  }
0x66: {  	_ =	shalt  }
0x67: {  	_ =	shalt  }
0x68: {  	_ =	shalt  }
0x69: {  	_ =	shalt  }
0x6a: {  	_ =	shalt  }
0x6b: {  	_ =	shalt  }
0x6c: {  	_ =	shalt  }
0x6d: {  	_ =	shalt  }
0x6e: {  	_ =	shalt  }
0x6f: {  	_ =	shalt  }
0x70: {  	_ =	shalt  }
0x71: {  	_ =	shalt  }
0x72: {  	_ =	shalt  }
0x73: {  	_ =	shalt  }
0x74: {  	_ =	shalt  }
0x75: {  	_ =	shalt  }
0x76: {  	_ =	shalt  }
0x77: {  	_ =	shalt  }
0x78: {  	_ =	shalt  }
0x79: {  	_ =	shalt  }
0x7a: {  	_ =	shalt  }
0x7b: {  	_ =	shalt  }
0x7c: {  	_ =	shalt  }
0x7d: {  	_ =	shalt  }
0x7e: {  	_ =	shalt  }
0x7f: {  	_ =	shalt  }
0x80: {  	_ =	shalt  }
0x81: {  	_ =	shalt  }
0x82: {  	_ =	shalt  }
0x83: {  	_ =	shalt  }
0x84: {  	_ =	shalt  }
0x85: {  	_ =	shalt  }
0x86: {  	_ =	shalt  }
0x87: {  	_ =	shalt  }
.Lfunc_end0:
.L_simem_size_0:
called_computation_lowered:
.L_overlay_start_0:
0x88: {  	s2 =	sld [smem:$0x3FD9]  }
0x89: {  	s3 =	sld [smem:$0x3FFE];
	_ =	sdelay $0x1  }
0x8a: {  	s1 =	srdreg.scid  }
0x8b: {  	s0 =	sand.u32 $0x1, s1  }
0x8c: {  	s16 =	sshll.u32 s0, $0xA;
	s2 =	sadd.s32 s3, s2  }
0x8d: {  	s2 =	sadd.s32 s2, s16  }
0x8e: {  	[smem:$0x3FC0] =	sst s2  }
0x8f: {  	_ = 	snop  }
0x90: {  	(tm) =	ssettm $0x1  }
0x91: {  	s17 =	sld [smem:$0x3FFB];
	_ =	sdelay $0x3  }
0x92: {  	_ =	strace s17  }
0x93: {  	s2 =	sld [smem:$0x3FFC];
	_ =	sdelay $0x3  }
0x94: {  	_ =	strace s2  }
0x95: {  	s2 =	sld [smem:$0x3FFD];
	_ =	sdelay $0x3  }
0x96: {  	_ =	strace s2  }
0x97: {  	_ =	strace $0x8FFFFFFF  }
0x98: {  	s18 =	sld [smem:$0x3FDB];
	_ =	sdelay $0x1  }
0x99: {  	s19 =	simm.s32 $_scs_section_size  }
0x9a: {  	s4 =	simm.s32 $_size__tile_overlayer_lowered;
	s5 =	simm.s32 $_tile_overlayer_lowered  }
0x9b: {  	s22 =	simm.s32 $0x1BFF;
	s21 =	sshll.u32 s5, $0x1;
	s2 =	sadd.s32 s19, s18  }
0x9c: {  	s6 =	simm.s32 $0x0;
	s20 =	sshll.u32 s4, $0x1;
	s4 =	sadd.s32 s21, s2  }
0x9d: {  	[timem:s6], [sflag:s22] =	dma.local [hbm:s4], s20  }
0x9e: {  	_ =	swait.ge [sflag:s22], s20  }
0x9f: {  	s3 =	ssub.s32 $0x0, s20;
	[sflag:s22] =	ssyncset.done $0x0  }
0xa0: {  	[sflag:s22] =	ssyncadd.s32 s3;
	_ =	sdelay $0x1  }
0xa1: {  	s23 =	simm.s32 $0x1B8B  }
0xa2: {  	_ =	swait.ge [sflag:s23], $0x1  }
0xa3: {  	[sflag:s23] =	ssyncset.done $0x0  }
0xa4: {  	s25 =	simm.s32 $0x1B8E;
	s24 =	sld [smem:$0x3FFE];
	[sflag:s23] =	ssyncadd.s32 $0xFFFFFFFF  }
0xa5: {  	s26 =	simm.s32 $execute0_lowered;
	[smem:$0x3FD2] =	sst s25  }
0xa6: {  	s4 =	sshll.u32 s26, $0x1;
	_ =	strace $0x80000046;
	[dreg:$0x1] =	wrdreg $0xFFFFFFFF  }
0xa7: {  	s28 =	simm.s32 $_size_execute0_lowered;
	s2 =	sadd.s32 s2, s4;
	[dreg:$0x0] =	wrdreg $0x0  }
0xa8: {  	s4 =	sshll.u32 s28, $0x1;
	[dreg:$0x2] =	wrdreg s2  }
0xa9: {  	[dreg:$0x3] =	wrdreg s4  }
0xaa: {  	[dreg:$0x4] =	wrdreg $0xC0  }
0xab: {  	_ =	task [dreg:s6], $0x5FFFF  }
0xac: {  	[dreg:$0x1] =	wrdreg $0xFFFFFFFF  }
0xad: {  	[dreg:$0x0] =	wrdreg $0x60  }
0xae: {  	[dreg:$0x2] =	wrdreg s24  }
0xaf: {  	[dreg:$0x3] =	wrdreg $0xB8000  }
0xb0: {  	[dreg:$0x4] =	wrdreg $0x9  }
0xb1: {  	_ =	task.clear_ibuf [dreg:s6], $0x5FFFF;
	_ =	strace $0x90000046  }
0xb2: {  	s29 =	simm.s32 $0x9;
	_ =	strace $0x80000048  }
0xb3: {  	_ =	swait.ge [sflag:s29], $0x1  }
0xb4: {  	[sflag:s29] =	ssyncadd.s32 $0xFFFFFFFF  }
0xb5: {  	_ =	strace $0x90000048  }
0xb6: {  	_ =	sfence  }
0xb7: {  	s30 =	sld [smem:$0x0];
	_ =	sdelay $0x2  }
0xb8: {  	s31 =	sshll.u32 s1, $0xD;
	s1 =	sshrl.u32 s1, $0x2  }
0xb9: {  	s3 =	sand.u32 $0x4000, s31;
	s1 =	sadd.s32 s1, s30  }
0xba: {  	s0 =	sor.u32 s3, s0;
	s1 =	sshll.u32 s1, $0x11  }
0xbb: {  	s0 =	sor.u32 s1, s0  }
0xbc: {  	s0 =	sadd.s32 $0x8F2B, s0  }
0xbd: {  	[sflag:s0] =	ssyncadd.remote.s32 $0x1  }
0xbe: {  	_ =	sfence.sel $0xFFFF  }
0xbf: {  	[dreg:$0x0] =	wrdreg $0xFFFFFFFF;
	(pc) =	sbr.abs _section_cstart, $3  }
0xc0: {  	[dreg:$0x1] =	wrdreg $0xFFFFFFFF  }
0xc1: {  	_ =	task.clear_ibuf [dreg:s6], $0x2FFFF;
	_ =	strace $0x9FFFFFFF  }
0xc2: {  	(tm) =	ssettm $0x7FFFFFFF  }
0xc3: {  	_ =	shalt  }
tec
execute0_lowered:
.L_overlay_start_1:
0x0: {  	(tag) =	ssettag $0x1  }
0x1: {  	s0 =	rddreg [dreg:$0x0]  }
0x2: {  	s1 =	rddreg [dreg:$0x1]  }
0x3: {  	s2 =	srdreg.scid;
	s3 =	simm.s32 $0x0;
	s12 =	stileid.u32  }
0x4: {  	s16 =	simm.s32 $0x80;
	s18 =	simm.s32 $0x1000;
	s19 =	simm.s32 $0x3  }
0x5: {  	s20 =	simm.s32 $0x3800;
	s21 =	simm.s32 $0x7800;
	s22 =	simm.s32 $0x1  }
0x6: {  	s23 =	simm.s32 $0x2;
	s24 =	simm.s32 $0xF00;
	s25 =	simm.s32 $0xF80  }
0x7: {  	s26 =	simm.s32 $0x0;
	s2 =	sand.u32 $0x1, s2;
	s8 =	smul.u32 $0x14000, s12  }
0x8: {  	[smem:$0x7FF] =	sst s3;
	s4 =	sadd.s32 $0x15400, s0;
	s10 =	smul.u32 $0x50000, s12  }
0x9: {  	s5 =	sadd.s32 $0xB400, s0;
	s6 =	sadd.s32 $0x1400, s0;
	s7 =	smul.u32 $0x140000, s2  }
0xa: {  	_ =	strace $0x80000047;
	s29 =	ssub.s32 $0x2, s2;
	s2 =	sshll.u32 s2, $0x4  }
0xb: {  	s9 =	sshrl.u32 s29, $0x1;
	s2 =	sor.u32 s12, s2;
	s30 =	sshrl.u32 s10, $0x2  }
0xc: {  	s7 =	sadd.s32 s8, s7;
	s11 =	ssub.s32 s29, s9;
	s8 =	sadd.s32 s30, s1  }
0xd: {  	s9 =	smul.u32 $0x2800, s2;
	s7 =	sshrl.u32 s7, $0x3;
	s11 =	smax.u32 s11, $0x1  }
0xe: {  	s12 =	sadd.s32 $0x4000, s8;
	s7 =	sadd.s32 s7, s0;
	s0 =	sadd.s32 $0x3D410, s0  }
0xf: {  	v1 =	vlaneseq.u32;
	s13 =	sadd.s32 $0x8000, s8;
	[dreg:$0x3] =	wrdreg s0;
	s31 =	sadd.s32 $0x3DE00, s7  }
0x10: {  	v0 =	vimm.f32 $0.0e+00;
	v1 =	vmul.u32 $0x80, v1;
	s14 =	sadd.s32 $0xC000, s8;
	s15 =	sadd.s32 $0x10000, s8;
	[dreg:$0x4] =	wrdreg s31  }
.LBB2_1:
0x11: {  	s0 =	rddreg [dreg:$0x3];
	s2 =	simm.s32 $0x100  }
0x12: {  	[tilespmem:s18], [sflag:$0x3] =	stream.strided.gather [hbm4b:s0+s16], $0x2800, s2, s16, $0x38;
	[tilespmem:$0x1F800] =	vst v63  }
0x13: {  	_ =	swait.ge [sflag:s19], $0x2800  }
0x14: {  	[sflag:s19] =	ssyncset.done $0x0  }
0x15: {  	s0 =	simm.s32 $0x0;
	s2 =	simm.s32 $0x200;
	[sflag:s19] =	ssyncadd.s32 $0xFFFFD800  }
.LBB2_2:
0x16: {  	p0 =	sne.s32 s2, $0xFE00;
	[tilespmem:s0+$0x3870] =	vst v0  }
0x17: {  	[tilespmem:s0+$0x3800] =	vst v0  }
0x18: {  	[tilespmem:s0+$0x3810] =	vst v0  }
.Ltmp0:
0x19: {  	[tilespmem:s0+$0x3820] =	vst v0;
	(pc) =	sbr.rel @p0 .LBB2_2-.Ltmp0, $4  }
0x1a: {  	[tilespmem:s0+$0x3830] =	vst v0  }
0x1b: {  	[tilespmem:s0+$0x3840] =	vst v0  }
0x1c: {  	[tilespmem:s0+$0x3850] =	vst v0  }
0x1d: {  	[tilespmem:s0+$0x3860] =	vst v0;
	s0 =	sshra.s32 s2, $0x2;
	s2 =	sadd.s32 $0x200, s2  }
0x1e: {  	[tilespmem:s0+$0x3870] =	vst v0  }
0x1f: {  	[tilespmem:s0+$0x3800] =	vst v0  }
0x20: {  	[tilespmem:s0+$0x3810] =	vst v0  }
0x21: {  	[tilespmem:s0+$0x3820] =	vst v0  }
0x22: {  	[tilespmem:s0+$0x3830] =	vst v0  }
0x23: {  	[tilespmem:s0+$0x3840] =	vst v0  }
0x24: {  	[tilespmem:s0+$0x3850] =	vst v0  }
0x25: {  	[tilespmem:s0+$0x3860] =	vst v0  }
0x26: {  	[spmem:s8] =	stream.linear.scatter [tilespmem:s20], [sflag:$0x3], $0x4000, $0x38;
	[tilespmem:$0x1F800] =	vst v63  }
0x27: {  	_ =	swait.ge [sflag:s19], $0x4000  }
0x28: {  	[sflag:s19] =	ssyncset.done $0x0  }
0x29: {  	[sflag:s19] =	ssyncadd.s32 $0xFFFFC000  }
0x2a: {  	[spmem:s12] =	stream.linear.scatter [tilespmem:s20], [sflag:$0x3], $0x4000, $0x38;
	[tilespmem:$0x1F800] =	vst v63  }
0x2b: {  	_ =	swait.ge [sflag:s19], $0x4000  }
0x2c: {  	[sflag:s19] =	ssyncset.done $0x0  }
0x2d: {  	[sflag:s19] =	ssyncadd.s32 $0xFFFFC000  }
0x2e: {  	[spmem:s13] =	stream.linear.scatter [tilespmem:s20], [sflag:$0x3], $0x4000, $0x38;
	[tilespmem:$0x1F800] =	vst v63  }
0x2f: {  	_ =	swait.ge [sflag:s19], $0x4000  }
0x30: {  	[sflag:s19] =	ssyncset.done $0x0  }
0x31: {  	[sflag:s19] =	ssyncadd.s32 $0xFFFFC000  }
0x32: {  	[spmem:s14] =	stream.linear.scatter [tilespmem:s20], [sflag:$0x3], $0x4000, $0x38;
	[tilespmem:$0x1F800] =	vst v63  }
0x33: {  	_ =	swait.ge [sflag:s19], $0x4000  }
0x34: {  	[sflag:s19] =	ssyncset.done $0x0  }
0x35: {  	[sflag:s19] =	ssyncadd.s32 $0xFFFFC000  }
0x36: {  	[spmem:s15] =	stream.linear.scatter [tilespmem:s20], [sflag:$0x3], $0x4000, $0x38;
	[tilespmem:$0x1F800] =	vst v63  }
0x37: {  	_ =	swait.ge [sflag:s19], $0x4000  }
0x38: {  	[sflag:s19] =	ssyncset.done $0x0  }
0x39: {  	[sflag:s19] =	ssyncadd.s32 $0xFFFFC000  }
0x3a: {  	s28 =	simm.s32 $0x0;
	[bflag:$0x0] =	sbarrier.arrive $0xFFFF  }
.LBB2_4:
0x3b: {  	s0 =	sshll.u32 s28, $0xB  }
0x3c: {  	s0 =	sadd.s32 s9, s0  }
0x3d: {  	s0 =	sshrl.u32 s0, $0x3  }
0x3e: {  	s2 =	sadd.s32 s5, s0  }
0x3f: {  	[tilespmem:s26], [sflag:$0x3] =	stream.linear.gather [hbm4b:s2+s26], $0x800, $0x38;
	[tilespmem:$0x1F800] =	vst v63  }
0x40: {  	_ =	swait.ge [sflag:s19], $0x800  }
0x41: {  	[sflag:s19] =	ssyncset.done $0x0  }
0x42: {  	s10 =	simm.s32 $0x800;
	s0 =	sadd.s32 s6, s0;
	[sflag:s19] =	ssyncadd.s32 $0xFFFFF800  }
0x43: {  	[tilespmem:s10], [sflag:$0x3] =	stream.linear.gather [hbm4b:s0+s26], $0x800, $0x38;
	[tilespmem:$0x1F800] =	vst v63  }
0x44: {  	_ =	swait.ge [sflag:s19], $0x800  }
0x45: {  	[sflag:s19] =	ssyncset.done $0x0  }
0x46: {  	[sflag:s19] =	ssyncadd.s32 $0xFFFFF800  }
0x47: {  	[tilespmem:s20], [sflag:$0x1] =	stream.indirect.gather [hbm4b:s4+s16], $0x80, s26, s16, $0xb8;
	[tilespmem:$0x1F800] =	vst v63  }
0x48: {  	s30 =	simm.s32 $0x880;
	s31 =	simm.s32 $0x0  }
0x49: {  	[tilespmem:s21], [sflag:$0x2] =	stream.indirect.gather [hbm4b:s4+s16], $0x80, s16, s16, $0xb8;
	[tilespmem:$0x1F800] =	vst v63  }
.LBB2_5:
0x4a: {  	_ =	swait.ge [sflag:s22], $0x4000;
	s0 =	sshll.u32 s31, $0xA;
	s2 =	simm.s32 $0x0  }
0x4b: {  	s7 =	simm.s32 $0x3C00;
	[sflag:s22] =	ssyncset.done $0x0;
	s0 =	sshrl.u32 s0, $0x2  }
0x4c: {  	s29 =	smov.u32 s10;
	[sflag:s22] =	ssyncadd.s32 $0xFFFFC000;
	s17 =	sadd.s32 $0x800, s0  }
.LBB2_6:
0x4d: {  	v2 =	vmov s2  }
0x4e: {  	v3 =	vld [tilespmem:s29+$0x0];
	v2 =	vshll.u32 v2, $0x7  }
0x4f: {  	v2 =	vor.u32 v1, v2  }
0x50: {  	v2 =	vor.u32 $0x41, v2;
	_ =	sdelay $0x4  }
0x51: {  	v2 =	vld.idx.msk [tilespmem:v2+s20+$0x0], $0xffff  }
0x52: {  	v3 =	vld.idx.msk [tilespmem:v3+s18+$0x0], $0xffff;
	_ =	sdelay $0x4  }
0x53: {  	v2 =	vadd.f32 v3, v2;
	_ =	sdelay $0x1  }
0x54: {  	v3 =	vmul.f32 $2.000000030e-01, v2  }
0x55: {  	vm0 =	vge.f32 v2, $0.0e+00  }
0x56: {  	v2 =	vsel vm0, v2, v3  }
0x57: {  	v2 =	vmul.f32 $1.442695020e+00, v2;
	_ =	sdelay $0x1  }
0x58: {  	(erf) = vpow2.f32 v2;
	_ =	sdelay $0x8  }
0x59: {  	v2 =	vpop (erf)  }
0x5a: {  	v4 =	vbroadcast v2, $0x0  }
0x5b: {  	v6 =	vbroadcast v2, $0x1  }
0x5c: {  	v45 =	vbroadcast v2, $0x3;
	[tilespmem:s7+$0xFFFFFC40] =	vst v4  }
0x5d: {  	v12 =	vbroadcast v2, $0x4;
	[tilespmem:s7+$0xFFFFFCC0] =	vst v6  }
0x5e: {  	v50 =	vbroadcast v2, $0x5;
	[tilespmem:s7+$0xFFFFFDC0] =	vst v45  }
0x5f: {  	v54 =	vbroadcast v2, $0x6;
	[tilespmem:s7+$0xFFFFFE40] =	vst v12  }
0x60: {  	v5 =	vld [tilespmem:s7+$0xFFFFFC80];
	v58 =	vbroadcast v2, $0x7;
	[tilespmem:s7+$0xFFFFFEC0] =	vst v50  }
0x61: {  	v43 =	vld [tilespmem:s7+$0xFFFFFD00];
	v61 =	vbroadcast v2, $0x8;
	[tilespmem:s7+$0xFFFFFF40] =	vst v54  }
0x62: {  	v3 =	vld [tilespmem:s7+$0xFFFFFC00];
	v25 =	vbroadcast v2, $0x9;
	[tilespmem:s7+$0xFFFFFFC0] =	vst v58  }
0x63: {  	v7 =	vld [tilespmem:s7+$0xFFFFFC90];
	v30 =	vbroadcast v2, $0xA;
	[tilespmem:s7+$0x40] =	vst v61  }
0x64: {  	v8 =	vld [tilespmem:s7+$0xFFFFFC20];
	v33 =	vbroadcast v2, $0xB;
	[tilespmem:s7+$0xC0] =	vst v25  }
0x65: {  	v9 =	vld [tilespmem:s7+$0xFFFFFD80];
	v39 =	vbroadcast v2, $0xC;
	[tilespmem:s7+$0x140] =	vst v30  }
0x66: {  	v44 =	vld [tilespmem:s7+$0xFFFFFD10];
	v42 =	vbroadcast v2, $0xD;
	[tilespmem:s7+$0x1C0] =	vst v33  }
0x67: {  	v10 =	vld [tilespmem:s7+$0xFFFFFCA0];
	v3 =	vmul.f32 v4, v3;
	[tilespmem:s7+$0x240] =	vst v39  }
0x68: {  	v11 =	vld [tilespmem:s7+$0xFFFFFC30];
	v5 =	vmul.f32 v5, v6;
	[tilespmem:s7+$0x2C0] =	vst v42  }
0x69: {  	v13 =	vld [tilespmem:s7+$0xFFFFFCB0];
	v7 =	vmul.f32 v7, v6;
	[tilespmem:s7+$0xFFFFFC00] =	vst v3  }
0x6a: {  	v14 =	vld [tilespmem:s7+$0xFFFFFF00];
	v8 =	vmul.f32 v4, v8;
	[tilespmem:s7+$0xFFFFFC80] =	vst v5  }
0x6b: {  	v15 =	vld [tilespmem:s7+$0x0];
	v9 =	vmul.f32 v9, v45;
	[tilespmem:s7+$0xFFFFFC90] =	vst v7  }
0x6c: {  	v10 =	vmul.f32 v10, v6;
	v3 =	vld [tilespmem:s7+$0xFFFFFC10];
	[tilespmem:s7+$0xFFFFFC20] =	vst v8  }
0x6d: {  	v60 =	vld [tilespmem:s7+$0xFFFFFE20];
	v11 =	vmul.f32 v11, v4;
	[tilespmem:s7+$0xFFFFFD80] =	vst v9  }
0x6e: {  	v18 =	vld [tilespmem:s7+$0xFFFFFEA0];
	v13 =	vmul.f32 v13, v6;
	[tilespmem:s7+$0xFFFFFCA0] =	vst v10  }
0x6f: {  	v49 =	vld [tilespmem:s7+$0xFFFFFD20];
	v14 =	vmul.f32 v14, v54;
	[tilespmem:s7+$0xFFFFFC30] =	vst v11  }
0x70: {  	v27 =	vld [tilespmem:s7+$0x100];
	v15 =	vmul.f32 v15, v61;
	[tilespmem:s7+$0xFFFFFCB0] =	vst v13  }
0x71: {  	v31 =	vld [tilespmem:s7+$0x180];
	[tilespmem:s7+$0xFFFFFF00] =	vst v14;
	v3 =	vmul.f32 v4, v3  }
0x72: {  	v57 =	vld [tilespmem:s7+$0xFFFFFD30];
	v6 =	vmul.f32 v60, v12;
	[tilespmem:s7+$0x0] =	vst v15  }
0x73: {  	v46 =	vld [tilespmem:s7+$0xFFFFFE00];
	v21 =	vmul.f32 v18, v50;
	[tilespmem:s7+$0xFFFFFC10] =	vst v3;
	v3 =	vbroadcast v2, $0x2  }
0x74: {  	v47 =	vld [tilespmem:s7+$0xFFFFFD90];
	[tilespmem:s7+$0xFFFFFE20] =	vst v6  }
0x75: {  	v51 =	vld [tilespmem:s7+$0xFFFFFE10];
	v32 =	vmul.f32 v27, v30;
	[tilespmem:s7+$0xFFFFFEA0] =	vst v21;
	v5 =	vmul.f32 v43, v3  }
0x76: {  	v20 =	vld [tilespmem:s7+$0xFFFFFF20];
	v36 =	vmul.f32 v31, v33;
	v52 =	vmul.f32 v49, v3;
	[tilespmem:s7+$0xFFFFFD40] =	vst v3  }
0x77: {  	v13 =	vmul.f32 v57, v3;
	[tilespmem:s7+$0xFFFFFD00] =	vst v5;
	v5 =	vmul.f32 v44, v3;
	v3 =	vld [tilespmem:s7+$0xFFFFFE30]  }
0x78: {  	v24 =	vld [tilespmem:s7+$0xFFFFFEB0];
	v8 =	vmul.f32 v46, v12;
	[tilespmem:s7+$0x100] =	vst v32  }
0x79: {  	v41 =	vld [tilespmem:s7+$0x190];
	v9 =	vmul.f32 v47, v45;
	[tilespmem:s7+$0x180] =	vst v36  }
0x7a: {  	v53 =	vld [tilespmem:s7+$0xFFFFFDA0];
	v11 =	vmul.f32 v51, v12;
	[tilespmem:s7+$0xFFFFFE00] =	vst v8  }
0x7b: {  	v59 =	vld [tilespmem:s7+$0xFFFFFF10];
	v6 =	vmul.f32 v20, v54;
	[tilespmem:s7+$0xFFFFFD90] =	vst v9  }
0x7c: {  	v26 =	vld [tilespmem:s7+$0x20];
	[tilespmem:s7+$0xFFFFFE10] =	vst v11;
	v3 =	vmul.f32 v3, v12  }
0x7d: {  	v37 =	vld [tilespmem:s7+$0x280];
	v7 =	vmul.f32 v24, v50;
	[tilespmem:s7+$0xFFFFFF20] =	vst v6  }
0x7e: {  	v46 =	vmul.f32 v41, v33;
	[tilespmem:s7+$0xFFFFFE30] =	vst v3;
	v3 =	vld [tilespmem:s7+$0xFFFFFF30]  }
0x7f: {  	v56 =	vld [tilespmem:s7+$0xFFFFFE90];
	v9 =	vmul.f32 v53, v45;
	[tilespmem:s7+$0xFFFFFEB0] =	vst v7  }
0x80: {  	v19 =	vld [tilespmem:s7+$0x10];
	v11 =	vmul.f32 v59, v54;
	[tilespmem:s7+$0x190] =	vst v46  }
0x81: {  	v63 =	vld [tilespmem:s7+$0xFFFFFF90];
	v6 =	vmul.f32 v26, v61;
	[tilespmem:s7+$0xFFFFFDA0] =	vst v9  }
0x82: {  	v8 =	vmul.f32 v37, v42;
	[tilespmem:s7+$0xFFFFFF10] =	vst v11  }
0x83: {  	[tilespmem:s7+$0x20] =	vst v6;
	v3 =	vmul.f32 v3, v54  }
0x84: {  	v22 =	vld [tilespmem:s7+$0x80];
	[tilespmem:s7+$0x280] =	vst v8;
	v4 =	vmul.f32 v56, v50  }
0x85: {  	v11 =	vmul.f32 v19, v61;
	[tilespmem:s7+$0xFFFFFF30] =	vst v3;
	v3 =	vld [tilespmem:s7+$0x30]  }
0x86: {  	[tilespmem:s7+$0xFFFFFE90] =	vst v4;
	v4 =	vmul.f32 v63, v58  }
0x87: {  	v35 =	vld [tilespmem:s7+$0x110];
	[tilespmem:s7+$0x10] =	vst v11  }
0x88: {  	v28 =	vld [tilespmem:s7+$0x90];
	[tilespmem:s7+$0xFFFFFF90] =	vst v4  }
0x89: {  	v4 =	vmul.f32 v22, v25;
	[tilespmem:s7+$0xFFFFFD20] =	vst v52  }
0x8a: {  	[tilespmem:s7+$0xFFFFFD30] =	vst v13;
	v3 =	vmul.f32 v3, v61  }
0x8b: {  	v48 =	vld [tilespmem:s7+$0xFFFFFE80];
	[tilespmem:s7+$0x80] =	vst v4  }
0x8c: {  	v40 =	vld [tilespmem:s7+$0x300];
	[tilespmem:s7+$0x30] =	vst v3;
	v3 =	vmul.f32 v35, v30  }
0x8d: {  	v43 =	vld [tilespmem:s7+$0x380];
	v4 =	vmul.f32 v28, v25;
	[tilespmem:s7+$0xFFFFFD10] =	vst v5  }
0x8e: {  	v44 =	vbroadcast v2, $0xE;
	[tilespmem:s7+$0x110] =	vst v3;
	v3 =	vld [tilespmem:s7+$0x210]  }
0x8f: {  	v55 =	vld [tilespmem:s7+$0xFFFFFF80];
	v2 =	vbroadcast v2, $0xF;
	[tilespmem:s7+$0x90] =	vst v4  }
0x90: {  	v47 =	vld [tilespmem:s7+$0x290];
	v5 =	vmul.f32 v48, v50;
	[tilespmem:s7+$0x340] =	vst v44  }
0x91: {  	v51 =	vld [tilespmem:s7+$0x390];
	v4 =	vmul.f32 v40, v44;
	[tilespmem:s7+$0x3C0] =	vst v2  }
0x92: {  	v34 =	vld [tilespmem:s7+$0x200];
	v10 =	vmul.f32 v43, v2;
	[tilespmem:s7+$0xFFFFFE80] =	vst v5  }
0x93: {  	v62 =	vld [tilespmem:s7+$0xFFFFFDB0];
	[tilespmem:s7+$0x300] =	vst v4;
	v3 =	vmul.f32 v3, v39  }
0x94: {  	v48 =	vld [tilespmem:s7+$0xB0];
	v5 =	vmul.f32 v55, v58;
	[tilespmem:s7+$0x380] =	vst v10  }
0x95: {  	v50 =	vld [tilespmem:s7+$0x1A0];
	[tilespmem:s7+$0x210] =	vst v3;
	v3 =	vmul.f32 v47, v42  }
0x96: {  	v23 =	vld [tilespmem:s7+$0xFFFFFFA0];
	v55 =	vmul.f32 v51, v2;
	[tilespmem:s7+$0xFFFFFF80] =	vst v5  }
0x97: {  	v12 =	vmul.f32 v34, v39;
	[tilespmem:s7+$0x290] =	vst v3;
	v3 =	vld [tilespmem:s7+$0x130]  }
0x98: {  	v56 =	vld [tilespmem:s7+$0x320];
	v5 =	vmul.f32 v62, v45;
	[tilespmem:s7+$0x390] =	vst v55  }
0x99: {  	v29 =	vld [tilespmem:s7+$0xFFFFFFB0];
	[tilespmem:s7+$0x200] =	vst v12;
	v4 =	vmul.f32 v48, v25  }
0x9a: {  	v45 =	vld [tilespmem:s7+$0x120];
	v53 =	vmul.f32 v50, v33;
	[tilespmem:s7+$0xFFFFFDB0] =	vst v5  }
0x9b: {  	v38 =	vld [tilespmem:s7+$0xA0];
	v5 =	vmul.f32 v23, v58;
	[tilespmem:s7+$0xB0] =	vst v4  }
0x9c: {  	v52 =	vld [tilespmem:s7+$0x220];
	[tilespmem:s7+$0x1A0] =	vst v53;
	v3 =	vmul.f32 v3, v30  }
0x9d: {  	v49 =	vld [tilespmem:s7+$0x310];
	v4 =	vmul.f32 v56, v44;
	[tilespmem:s7+$0xFFFFFFA0] =	vst v5  }
0x9e: {  	v5 =	vmul.f32 v29, v58;
	[tilespmem:s7+$0x130] =	vst v3;
	v3 =	vld [tilespmem:s7+$0x230]  }
0x9f: {  	v57 =	vld [tilespmem:s7+$0x1B0];
	v8 =	vmul.f32 v45, v30;
	[tilespmem:s7+$0x320] =	vst v4  }
0xa0: {  	v60 =	vld [tilespmem:s7+$0x2B0];
	[tilespmem:s7+$0xFFFFFFB0] =	vst v5;
	v5 =	vmul.f32 v38, v25  }
0xa1: {  	v54 =	vld [tilespmem:s7+$0x2A0];
	[tilespmem:s7+$0x120] =	vst v8;
	v8 =	vmul.f32 v52, v39  }
0xa2: {  	v62 =	vld [tilespmem:s7+$0x330];
	[tilespmem:s7+$0xA0] =	vst v5;
	v5 =	vmul.f32 v49, v44  }
0xa3: {  	v58 =	vld [tilespmem:s7+$0x3A0];
	[tilespmem:s7+$0x220] =	vst v8;
	v3 =	vmul.f32 v3, v39  }
0xa4: {  	v63 =	vld [tilespmem:s7+$0x3B0];
	[tilespmem:s7+$0x310] =	vst v5;
	v5 =	vmul.f32 v57, v33  }
0xa5: {  	[tilespmem:s7+$0x230] =	vst v3;
	v3 =	vmul.f32 v60, v42  }
0xa6: {  	p0 =	sne.s32 s2, $0x70;
	v59 =	vmul.f32 v54, v42;
	[tilespmem:s7+$0x1B0] =	vst v5  }
.Ltmp1:
0xa7: {  	[tilespmem:s7+$0x2B0] =	vst v3;
	v3 =	vmul.f32 v62, v44;
	(pc) =	sbr.rel @p0 .LBB2_6-.Ltmp1, $4  }
0xa8: {  	[tilespmem:s7+$0x2A0] =	vst v59;
	v61 =	vmul.f32 v58, v2  }
0xa9: {  	[tilespmem:s7+$0x330] =	vst v3;
	v3 =	vmul.f32 v63, v2  }
0xaa: {  	[tilespmem:s7+$0x3A0] =	vst v61  }
0xab: {  	s29 =	sadd.s32 $0x10, s29;
	s2 =	sadd.s32 $0x10, s2;
	[tilespmem:s7+$0x3B0] =	vst v3;
	s7 =	sadd.s32 $0x800, s7  }
0xac: {  	[spmem:s1] =	stream.indirect.scatter.add.f32 [tilespmem:s20], [sflag:$0x3], $0x80, s17, s16, $0xb8;
	[tilespmem:$0x1F800] =	vst v63  }
0xad: {  	_ =	swait.ge [sflag:s19], $0x4000  }
0xae: {  	[sflag:s19] =	ssyncset.done $0x0  }
0xaf: {  	s2 =	sadd.s32 $0x100, s0;
	[sflag:s19] =	ssyncadd.s32 $0xFFFFC000  }
0xb0: {  	[tilespmem:s20], [sflag:$0x1] =	stream.indirect.gather [hbm4b:s4+s16], $0x80, s2, s16, $0xb8;
	[tilespmem:$0x1F800] =	vst v63  }
0xb1: {  	_ =	swait.ge [sflag:s23], $0x4000  }
0xb2: {  	s17 =	sadd.s32 $0x880, s0;
	s7 =	simm.s32 $0x7C00;
	[sflag:s23] =	ssyncset.done $0x0  }
0xb3: {  	s29 =	smov.u32 s30;
	s2 =	simm.s32 $0x0;
	[sflag:s23] =	ssyncadd.s32 $0xFFFFC000  }
.LBB2_8:
0xb4: {  	v2 =	vmov s2  }
0xb5: {  	v3 =	vld [tilespmem:s29+$0x0];
	v2 =	vshll.u32 v2, $0x7  }
0xb6: {  	v2 =	vor.u32 v1, v2  }
0xb7: {  	v2 =	vor.u32 $0x41, v2;
	_ =	sdelay $0x4  }
0xb8: {  	v2 =	vld.idx.msk [tilespmem:v2+s21+$0x0], $0xffff  }
0xb9: {  	v3 =	vld.idx.msk [tilespmem:v3+s18+$0x0], $0xffff;
	_ =	sdelay $0x4  }
0xba: {  	v2 =	vadd.f32 v3, v2;
	_ =	sdelay $0x1  }
0xbb: {  	v3 =	vmul.f32 $2.000000030e-01, v2  }
0xbc: {  	vm0 =	vge.f32 v2, $0.0e+00  }
0xbd: {  	v2 =	vsel vm0, v2, v3  }
0xbe: {  	v2 =	vmul.f32 $1.442695020e+00, v2;
	_ =	sdelay $0x1  }
0xbf: {  	(erf) = vpow2.f32 v2;
	_ =	sdelay $0x8  }
0xc0: {  	v2 =	vpop (erf)  }
0xc1: {  	v4 =	vbroadcast v2, $0x0  }
0xc2: {  	v6 =	vbroadcast v2, $0x1  }
0xc3: {  	v45 =	vbroadcast v2, $0x3;
	[tilespmem:s7+$0xFFFFFC40] =	vst v4  }
0xc4: {  	v12 =	vbroadcast v2, $0x4;
	[tilespmem:s7+$0xFFFFFCC0] =	vst v6  }
0xc5: {  	v50 =	vbroadcast v2, $0x5;
	[tilespmem:s7+$0xFFFFFDC0] =	vst v45  }
0xc6: {  	v54 =	vbroadcast v2, $0x6;
	[tilespmem:s7+$0xFFFFFE40] =	vst v12  }
0xc7: {  	v5 =	vld [tilespmem:s7+$0xFFFFFC80];
	v58 =	vbroadcast v2, $0x7;
	[tilespmem:s7+$0xFFFFFEC0] =	vst v50  }
0xc8: {  	v43 =	vld [tilespmem:s7+$0xFFFFFD00];
	v61 =	vbroadcast v2, $0x8;
	[tilespmem:s7+$0xFFFFFF40] =	vst v54  }
0xc9: {  	v3 =	vld [tilespmem:s7+$0xFFFFFC00];
	v25 =	vbroadcast v2, $0x9;
	[tilespmem:s7+$0xFFFFFFC0] =	vst v58  }
0xca: {  	v7 =	vld [tilespmem:s7+$0xFFFFFC90];
	v30 =	vbroadcast v2, $0xA;
	[tilespmem:s7+$0x40] =	vst v61  }
0xcb: {  	v8 =	vld [tilespmem:s7+$0xFFFFFC20];
	v33 =	vbroadcast v2, $0xB;
	[tilespmem:s7+$0xC0] =	vst v25  }
0xcc: {  	v9 =	vld [tilespmem:s7+$0xFFFFFD80];
	v39 =	vbroadcast v2, $0xC;
	[tilespmem:s7+$0x140] =	vst v30  }
0xcd: {  	v44 =	vld [tilespmem:s7+$0xFFFFFD10];
	v42 =	vbroadcast v2, $0xD;
	[tilespmem:s7+$0x1C0] =	vst v33  }
0xce: {  	v10 =	vld [tilespmem:s7+$0xFFFFFCA0];
	v3 =	vmul.f32 v4, v3;
	[tilespmem:s7+$0x240] =	vst v39  }
0xcf: {  	v11 =	vld [tilespmem:s7+$0xFFFFFC30];
	v5 =	vmul.f32 v5, v6;
	[tilespmem:s7+$0x2C0] =	vst v42  }
0xd0: {  	v13 =	vld [tilespmem:s7+$0xFFFFFCB0];
	v7 =	vmul.f32 v7, v6;
	[tilespmem:s7+$0xFFFFFC00] =	vst v3  }
0xd1: {  	v14 =	vld [tilespmem:s7+$0xFFFFFF00];
	v8 =	vmul.f32 v4, v8;
	[tilespmem:s7+$0xFFFFFC80] =	vst v5  }
0xd2: {  	v15 =	vld [tilespmem:s7+$0x0];
	v9 =	vmul.f32 v9, v45;
	[tilespmem:s7+$0xFFFFFC90] =	vst v7  }
0xd3: {  	v10 =	vmul.f32 v10, v6;
	v3 =	vld [tilespmem:s7+$0xFFFFFC10];
	[tilespmem:s7+$0xFFFFFC20] =	vst v8  }
0xd4: {  	v60 =	vld [tilespmem:s7+$0xFFFFFE20];
	v11 =	vmul.f32 v11, v4;
	[tilespmem:s7+$0xFFFFFD80] =	vst v9  }
0xd5: {  	v18 =	vld [tilespmem:s7+$0xFFFFFEA0];
	v13 =	vmul.f32 v13, v6;
	[tilespmem:s7+$0xFFFFFCA0] =	vst v10  }
0xd6: {  	v49 =	vld [tilespmem:s7+$0xFFFFFD20];
	v14 =	vmul.f32 v14, v54;
	[tilespmem:s7+$0xFFFFFC30] =	vst v11  }
0xd7: {  	v27 =	vld [tilespmem:s7+$0x100];
	v15 =	vmul.f32 v15, v61;
	[tilespmem:s7+$0xFFFFFCB0] =	vst v13  }
0xd8: {  	v31 =	vld [tilespmem:s7+$0x180];
	[tilespmem:s7+$0xFFFFFF00] =	vst v14;
	v3 =	vmul.f32 v4, v3  }
0xd9: {  	v57 =	vld [tilespmem:s7+$0xFFFFFD30];
	v6 =	vmul.f32 v60, v12;
	[tilespmem:s7+$0x0] =	vst v15  }
0xda: {  	v46 =	vld [tilespmem:s7+$0xFFFFFE00];
	v21 =	vmul.f32 v18, v50;
	[tilespmem:s7+$0xFFFFFC10] =	vst v3;
	v3 =	vbroadcast v2, $0x2  }
0xdb: {  	v47 =	vld [tilespmem:s7+$0xFFFFFD90];
	[tilespmem:s7+$0xFFFFFE20] =	vst v6  }
0xdc: {  	v51 =	vld [tilespmem:s7+$0xFFFFFE10];
	v32 =	vmul.f32 v27, v30;
	[tilespmem:s7+$0xFFFFFEA0] =	vst v21;
	v5 =	vmul.f32 v43, v3  }
0xdd: {  	v20 =	vld [tilespmem:s7+$0xFFFFFF20];
	v36 =	vmul.f32 v31, v33;
	v52 =	vmul.f32 v49, v3;
	[tilespmem:s7+$0xFFFFFD40] =	vst v3  }
0xde: {  	v13 =	vmul.f32 v57, v3;
	[tilespmem:s7+$0xFFFFFD00] =	vst v5;
	v5 =	vmul.f32 v44, v3;
	v3 =	vld [tilespmem:s7+$0xFFFFFE30]  }
0xdf: {  	v24 =	vld [tilespmem:s7+$0xFFFFFEB0];
	v8 =	vmul.f32 v46, v12;
	[tilespmem:s7+$0x100] =	vst v32  }
0xe0: {  	v41 =	vld [tilespmem:s7+$0x190];
	v9 =	vmul.f32 v47, v45;
	[tilespmem:s7+$0x180] =	vst v36  }
0xe1: {  	v53 =	vld [tilespmem:s7+$0xFFFFFDA0];
	v11 =	vmul.f32 v51, v12;
	[tilespmem:s7+$0xFFFFFE00] =	vst v8  }
0xe2: {  	v59 =	vld [tilespmem:s7+$0xFFFFFF10];
	v6 =	vmul.f32 v20, v54;
	[tilespmem:s7+$0xFFFFFD90] =	vst v9  }
0xe3: {  	v26 =	vld [tilespmem:s7+$0x20];
	[tilespmem:s7+$0xFFFFFE10] =	vst v11;
	v3 =	vmul.f32 v3, v12  }
0xe4: {  	v37 =	vld [tilespmem:s7+$0x280];
	v7 =	vmul.f32 v24, v50;
	[tilespmem:s7+$0xFFFFFF20] =	vst v6  }
0xe5: {  	v46 =	vmul.f32 v41, v33;
	[tilespmem:s7+$0xFFFFFE30] =	vst v3;
	v3 =	vld [tilespmem:s7+$0xFFFFFF30]  }
0xe6: {  	v56 =	vld [tilespmem:s7+$0xFFFFFE90];
	v9 =	vmul.f32 v53, v45;
	[tilespmem:s7+$0xFFFFFEB0] =	vst v7  }
0xe7: {  	v19 =	vld [tilespmem:s7+$0x10];
	v11 =	vmul.f32 v59, v54;
	[tilespmem:s7+$0x190] =	vst v46  }
0xe8: {  	v63 =	vld [tilespmem:s7+$0xFFFFFF90];
	v6 =	vmul.f32 v26, v61;
	[tilespmem:s7+$0xFFFFFDA0] =	vst v9  }
0xe9: {  	v8 =	vmul.f32 v37, v42;
	[tilespmem:s7+$0xFFFFFF10] =	vst v11  }
0xea: {  	[tilespmem:s7+$0x20] =	vst v6;
	v3 =	vmul.f32 v3, v54  }
0xeb: {  	v22 =	vld [tilespmem:s7+$0x80];
	[tilespmem:s7+$0x280] =	vst v8;
	v4 =	vmul.f32 v56, v50  }
0xec: {  	v11 =	vmul.f32 v19, v61;
	[tilespmem:s7+$0xFFFFFF30] =	vst v3;
	v3 =	vld [tilespmem:s7+$0x30]  }
0xed: {  	[tilespmem:s7+$0xFFFFFE90] =	vst v4;
	v4 =	vmul.f32 v63, v58  }
0xee: {  	v35 =	vld [tilespmem:s7+$0x110];
	[tilespmem:s7+$0x10] =	vst v11  }
0xef: {  	v28 =	vld [tilespmem:s7+$0x90];
	[tilespmem:s7+$0xFFFFFF90] =	vst v4  }
0xf0: {  	v4 =	vmul.f32 v22, v25;
	[tilespmem:s7+$0xFFFFFD20] =	vst v52  }
0xf1: {  	[tilespmem:s7+$0xFFFFFD30] =	vst v13;
	v3 =	vmul.f32 v3, v61  }
0xf2: {  	v48 =	vld [tilespmem:s7+$0xFFFFFE80];
	[tilespmem:s7+$0x80] =	vst v4  }
0xf3: {  	v40 =	vld [tilespmem:s7+$0x300];
	[tilespmem:s7+$0x30] =	vst v3;
	v3 =	vmul.f32 v35, v30  }
0xf4: {  	v43 =	vld [tilespmem:s7+$0x380];
	v4 =	vmul.f32 v28, v25;
	[tilespmem:s7+$0xFFFFFD10] =	vst v5  }
0xf5: {  	v44 =	vbroadcast v2, $0xE;
	[tilespmem:s7+$0x110] =	vst v3;
	v3 =	vld [tilespmem:s7+$0x210]  }
0xf6: {  	v55 =	vld [tilespmem:s7+$0xFFFFFF80];
	v2 =	vbroadcast v2, $0xF;
	[tilespmem:s7+$0x90] =	vst v4  }
0xf7: {  	v47 =	vld [tilespmem:s7+$0x290];
	v5 =	vmul.f32 v48, v50;
	[tilespmem:s7+$0x340] =	vst v44  }
0xf8: {  	v51 =	vld [tilespmem:s7+$0x390];
	v4 =	vmul.f32 v40, v44;
	[tilespmem:s7+$0x3C0] =	vst v2  }
0xf9: {  	v34 =	vld [tilespmem:s7+$0x200];
	v10 =	vmul.f32 v43, v2;
	[tilespmem:s7+$0xFFFFFE80] =	vst v5  }
0xfa: {  	v62 =	vld [tilespmem:s7+$0xFFFFFDB0];
	[tilespmem:s7+$0x300] =	vst v4;
	v3 =	vmul.f32 v3, v39  }
0xfb: {  	v48 =	vld [tilespmem:s7+$0xB0];
	v5 =	vmul.f32 v55, v58;
	[tilespmem:s7+$0x380] =	vst v10  }
0xfc: {  	v50 =	vld [tilespmem:s7+$0x1A0];
	[tilespmem:s7+$0x210] =	vst v3;
	v3 =	vmul.f32 v47, v42  }
0xfd: {  	v23 =	vld [tilespmem:s7+$0xFFFFFFA0];
	v55 =	vmul.f32 v51, v2;
	[tilespmem:s7+$0xFFFFFF80] =	vst v5  }
0xfe: {  	v12 =	vmul.f32 v34, v39;
	[tilespmem:s7+$0x290] =	vst v3;
	v3 =	vld [tilespmem:s7+$0x130]  }
0xff: {  	v56 =	vld [tilespmem:s7+$0x320];
	v5 =	vmul.f32 v62, v45;
	[tilespmem:s7+$0x390] =	vst v55  }
0x100: {  	v29 =	vld [tilespmem:s7+$0xFFFFFFB0];
	[tilespmem:s7+$0x200] =	vst v12;
	v4 =	vmul.f32 v48, v25  }
0x101: {  	v45 =	vld [tilespmem:s7+$0x120];
	v53 =	vmul.f32 v50, v33;
	[tilespmem:s7+$0xFFFFFDB0] =	vst v5  }
0x102: {  	v38 =	vld [tilespmem:s7+$0xA0];
	v5 =	vmul.f32 v23, v58;
	[tilespmem:s7+$0xB0] =	vst v4  }
0x103: {  	v52 =	vld [tilespmem:s7+$0x220];
	[tilespmem:s7+$0x1A0] =	vst v53;
	v3 =	vmul.f32 v3, v30  }
0x104: {  	v49 =	vld [tilespmem:s7+$0x310];
	v4 =	vmul.f32 v56, v44;
	[tilespmem:s7+$0xFFFFFFA0] =	vst v5  }
0x105: {  	v5 =	vmul.f32 v29, v58;
	[tilespmem:s7+$0x130] =	vst v3;
	v3 =	vld [tilespmem:s7+$0x230]  }
0x106: {  	v57 =	vld [tilespmem:s7+$0x1B0];
	v8 =	vmul.f32 v45, v30;
	[tilespmem:s7+$0x320] =	vst v4  }
0x107: {  	v60 =	vld [tilespmem:s7+$0x2B0];
	[tilespmem:s7+$0xFFFFFFB0] =	vst v5;
	v5 =	vmul.f32 v38, v25  }
0x108: {  	v54 =	vld [tilespmem:s7+$0x2A0];
	[tilespmem:s7+$0x120] =	vst v8;
	v8 =	vmul.f32 v52, v39  }
0x109: {  	v62 =	vld [tilespmem:s7+$0x330];
	[tilespmem:s7+$0xA0] =	vst v5;
	v5 =	vmul.f32 v49, v44  }
0x10a: {  	v58 =	vld [tilespmem:s7+$0x3A0];
	[tilespmem:s7+$0x220] =	vst v8;
	v3 =	vmul.f32 v3, v39  }
0x10b: {  	v63 =	vld [tilespmem:s7+$0x3B0];
	[tilespmem:s7+$0x310] =	vst v5;
	v5 =	vmul.f32 v57, v33  }
0x10c: {  	[tilespmem:s7+$0x230] =	vst v3;
	v3 =	vmul.f32 v60, v42  }
0x10d: {  	p0 =	sne.s32 s2, $0x70;
	v59 =	vmul.f32 v54, v42;
	[tilespmem:s7+$0x1B0] =	vst v5  }
.Ltmp2:
0x10e: {  	[tilespmem:s7+$0x2B0] =	vst v3;
	v3 =	vmul.f32 v62, v44;
	(pc) =	sbr.rel @p0 .LBB2_8-.Ltmp2, $4  }
0x10f: {  	[tilespmem:s7+$0x2A0] =	vst v59;
	v61 =	vmul.f32 v58, v2  }
0x110: {  	[tilespmem:s7+$0x330] =	vst v3;
	v3 =	vmul.f32 v63, v2  }
0x111: {  	[tilespmem:s7+$0x3A0] =	vst v61  }
0x112: {  	s29 =	sadd.s32 $0x10, s29;
	s2 =	sadd.s32 $0x10, s2;
	[tilespmem:s7+$0x3B0] =	vst v3;
	s7 =	sadd.s32 $0x800, s7  }
0x113: {  	[spmem:s1] =	stream.indirect.scatter.add.f32 [tilespmem:s21], [sflag:$0x3], $0x80, s17, s16, $0xb8;
	[tilespmem:$0x1F800] =	vst v63  }
0x114: {  	s31 =	sadd.s32 $0x1, s31  }
0x115: {  	p0 =	sne.s32 s31, $0x7  }
.Ltmp3:
0x116: {  	_ = 	snop;
	(pc) =	sbr.rel @p0 .LBB2_5-.Ltmp3, $4  }
0x117: {  	_ =	swait.ge [sflag:s19], $0x4000  }
0x118: {  	s0 =	sadd.s32 $0x180, s0;
	[sflag:s19] =	ssyncset.done $0x0  }
0x119: {  	s10 =	sadd.s32 $0x100, s10;
	s30 =	sadd.s32 $0x100, s30;
	[sflag:s19] =	ssyncadd.s32 $0xFFFFC000  }
0x11a: {  	[tilespmem:s21], [sflag:$0x2] =	stream.indirect.gather [hbm4b:s4+s16], $0x80, s0, s16, $0xb8;
	[tilespmem:$0x1F800] =	vst v63  }
0x11b: {  	_ =	swait.ge [sflag:s22], $0x4000  }
0x11c: {  	s0 =	simm.s32 $0x0;
	[sflag:s22] =	ssyncset.done $0x0  }
0x11d: {  	s2 =	simm.s32 $0xF00;
	s7 =	simm.s32 $0x3C00;
	[sflag:s22] =	ssyncadd.s32 $0xFFFFC000  }
.LBB2_11:
0x11e: {  	v2 =	vmov s0  }
0x11f: {  	v3 =	vld [tilespmem:s2+$0x0];
	v2 =	vshll.u32 v2, $0x7  }
0x120: {  	v2 =	vor.u32 v1, v2  }
0x121: {  	v2 =	vor.u32 $0x41, v2;
	_ =	sdelay $0x4  }
0x122: {  	v2 =	vld.idx.msk [tilespmem:v2+s20+$0x0], $0xffff  }
0x123: {  	v3 =	vld.idx.msk [tilespmem:v3+s18+$0x0], $0xffff;
	_ =	sdelay $0x4  }
0x124: {  	v2 =	vadd.f32 v3, v2;
	_ =	sdelay $0x1  }
0x125: {  	v3 =	vmul.f32 $2.000000030e-01, v2  }
0x126: {  	vm0 =	vge.f32 v2, $0.0e+00  }
0x127: {  	v2 =	vsel vm0, v2, v3  }
0x128: {  	v2 =	vmul.f32 $1.442695020e+00, v2;
	_ =	sdelay $0x1  }
0x129: {  	(erf) = vpow2.f32 v2;
	_ =	sdelay $0x8  }
0x12a: {  	v2 =	vpop (erf)  }
0x12b: {  	v4 =	vbroadcast v2, $0x0  }
0x12c: {  	v6 =	vbroadcast v2, $0x1  }
0x12d: {  	v45 =	vbroadcast v2, $0x3;
	[tilespmem:s7+$0xFFFFFC40] =	vst v4  }
0x12e: {  	v12 =	vbroadcast v2, $0x4;
	[tilespmem:s7+$0xFFFFFCC0] =	vst v6  }
0x12f: {  	v50 =	vbroadcast v2, $0x5;
	[tilespmem:s7+$0xFFFFFDC0] =	vst v45  }
0x130: {  	v54 =	vbroadcast v2, $0x6;
	[tilespmem:s7+$0xFFFFFE40] =	vst v12  }
0x131: {  	v5 =	vld [tilespmem:s7+$0xFFFFFC80];
	v58 =	vbroadcast v2, $0x7;
	[tilespmem:s7+$0xFFFFFEC0] =	vst v50  }
0x132: {  	v43 =	vld [tilespmem:s7+$0xFFFFFD00];
	v61 =	vbroadcast v2, $0x8;
	[tilespmem:s7+$0xFFFFFF40] =	vst v54  }
0x133: {  	v3 =	vld [tilespmem:s7+$0xFFFFFC00];
	v25 =	vbroadcast v2, $0x9;
	[tilespmem:s7+$0xFFFFFFC0] =	vst v58  }
0x134: {  	v7 =	vld [tilespmem:s7+$0xFFFFFC90];
	v30 =	vbroadcast v2, $0xA;
	[tilespmem:s7+$0x40] =	vst v61  }
0x135: {  	v8 =	vld [tilespmem:s7+$0xFFFFFC20];
	v33 =	vbroadcast v2, $0xB;
	[tilespmem:s7+$0xC0] =	vst v25  }
0x136: {  	v9 =	vld [tilespmem:s7+$0xFFFFFD80];
	v39 =	vbroadcast v2, $0xC;
	[tilespmem:s7+$0x140] =	vst v30  }
0x137: {  	v44 =	vld [tilespmem:s7+$0xFFFFFD10];
	v42 =	vbroadcast v2, $0xD;
	[tilespmem:s7+$0x1C0] =	vst v33  }
0x138: {  	v10 =	vld [tilespmem:s7+$0xFFFFFCA0];
	v3 =	vmul.f32 v4, v3;
	[tilespmem:s7+$0x240] =	vst v39  }
0x139: {  	v11 =	vld [tilespmem:s7+$0xFFFFFC30];
	v5 =	vmul.f32 v5, v6;
	[tilespmem:s7+$0x2C0] =	vst v42  }
0x13a: {  	v13 =	vld [tilespmem:s7+$0xFFFFFCB0];
	v7 =	vmul.f32 v7, v6;
	[tilespmem:s7+$0xFFFFFC00] =	vst v3  }
0x13b: {  	v14 =	vld [tilespmem:s7+$0xFFFFFF00];
	v8 =	vmul.f32 v4, v8;
	[tilespmem:s7+$0xFFFFFC80] =	vst v5  }
0x13c: {  	v15 =	vld [tilespmem:s7+$0x0];
	v9 =	vmul.f32 v9, v45;
	[tilespmem:s7+$0xFFFFFC90] =	vst v7  }
0x13d: {  	v10 =	vmul.f32 v10, v6;
	v3 =	vld [tilespmem:s7+$0xFFFFFC10];
	[tilespmem:s7+$0xFFFFFC20] =	vst v8  }
0x13e: {  	v60 =	vld [tilespmem:s7+$0xFFFFFE20];
	v11 =	vmul.f32 v11, v4;
	[tilespmem:s7+$0xFFFFFD80] =	vst v9  }
0x13f: {  	v18 =	vld [tilespmem:s7+$0xFFFFFEA0];
	v13 =	vmul.f32 v13, v6;
	[tilespmem:s7+$0xFFFFFCA0] =	vst v10  }
0x140: {  	v49 =	vld [tilespmem:s7+$0xFFFFFD20];
	v14 =	vmul.f32 v14, v54;
	[tilespmem:s7+$0xFFFFFC30] =	vst v11  }
0x141: {  	v27 =	vld [tilespmem:s7+$0x100];
	v15 =	vmul.f32 v15, v61;
	[tilespmem:s7+$0xFFFFFCB0] =	vst v13  }
0x142: {  	v31 =	vld [tilespmem:s7+$0x180];
	[tilespmem:s7+$0xFFFFFF00] =	vst v14;
	v3 =	vmul.f32 v4, v3  }
0x143: {  	v57 =	vld [tilespmem:s7+$0xFFFFFD30];
	v6 =	vmul.f32 v60, v12;
	[tilespmem:s7+$0x0] =	vst v15  }
0x144: {  	v46 =	vld [tilespmem:s7+$0xFFFFFE00];
	v21 =	vmul.f32 v18, v50;
	[tilespmem:s7+$0xFFFFFC10] =	vst v3;
	v3 =	vbroadcast v2, $0x2  }
0x145: {  	v47 =	vld [tilespmem:s7+$0xFFFFFD90];
	[tilespmem:s7+$0xFFFFFE20] =	vst v6  }
0x146: {  	v51 =	vld [tilespmem:s7+$0xFFFFFE10];
	v32 =	vmul.f32 v27, v30;
	[tilespmem:s7+$0xFFFFFEA0] =	vst v21;
	v5 =	vmul.f32 v43, v3  }
0x147: {  	v20 =	vld [tilespmem:s7+$0xFFFFFF20];
	v36 =	vmul.f32 v31, v33;
	v52 =	vmul.f32 v49, v3;
	[tilespmem:s7+$0xFFFFFD40] =	vst v3  }
0x148: {  	v13 =	vmul.f32 v57, v3;
	[tilespmem:s7+$0xFFFFFD00] =	vst v5;
	v5 =	vmul.f32 v44, v3;
	v3 =	vld [tilespmem:s7+$0xFFFFFE30]  }
0x149: {  	v24 =	vld [tilespmem:s7+$0xFFFFFEB0];
	v8 =	vmul.f32 v46, v12;
	[tilespmem:s7+$0x100] =	vst v32  }
0x14a: {  	v41 =	vld [tilespmem:s7+$0x190];
	v9 =	vmul.f32 v47, v45;
	[tilespmem:s7+$0x180] =	vst v36  }
0x14b: {  	v53 =	vld [tilespmem:s7+$0xFFFFFDA0];
	v11 =	vmul.f32 v51, v12;
	[tilespmem:s7+$0xFFFFFE00] =	vst v8  }
0x14c: {  	v59 =	vld [tilespmem:s7+$0xFFFFFF10];
	v6 =	vmul.f32 v20, v54;
	[tilespmem:s7+$0xFFFFFD90] =	vst v9  }
0x14d: {  	v26 =	vld [tilespmem:s7+$0x20];
	[tilespmem:s7+$0xFFFFFE10] =	vst v11;
	v3 =	vmul.f32 v3, v12  }
0x14e: {  	v37 =	vld [tilespmem:s7+$0x280];
	v7 =	vmul.f32 v24, v50;
	[tilespmem:s7+$0xFFFFFF20] =	vst v6  }
0x14f: {  	v46 =	vmul.f32 v41, v33;
	[tilespmem:s7+$0xFFFFFE30] =	vst v3;
	v3 =	vld [tilespmem:s7+$0xFFFFFF30]  }
0x150: {  	v56 =	vld [tilespmem:s7+$0xFFFFFE90];
	v9 =	vmul.f32 v53, v45;
	[tilespmem:s7+$0xFFFFFEB0] =	vst v7  }
0x151: {  	v19 =	vld [tilespmem:s7+$0x10];
	v11 =	vmul.f32 v59, v54;
	[tilespmem:s7+$0x190] =	vst v46  }
0x152: {  	v63 =	vld [tilespmem:s7+$0xFFFFFF90];
	v6 =	vmul.f32 v26, v61;
	[tilespmem:s7+$0xFFFFFDA0] =	vst v9  }
0x153: {  	v8 =	vmul.f32 v37, v42;
	[tilespmem:s7+$0xFFFFFF10] =	vst v11  }
0x154: {  	[tilespmem:s7+$0x20] =	vst v6;
	v3 =	vmul.f32 v3, v54  }
0x155: {  	v22 =	vld [tilespmem:s7+$0x80];
	[tilespmem:s7+$0x280] =	vst v8;
	v4 =	vmul.f32 v56, v50  }
0x156: {  	v11 =	vmul.f32 v19, v61;
	[tilespmem:s7+$0xFFFFFF30] =	vst v3;
	v3 =	vld [tilespmem:s7+$0x30]  }
0x157: {  	[tilespmem:s7+$0xFFFFFE90] =	vst v4;
	v4 =	vmul.f32 v63, v58  }
0x158: {  	v35 =	vld [tilespmem:s7+$0x110];
	[tilespmem:s7+$0x10] =	vst v11  }
0x159: {  	v28 =	vld [tilespmem:s7+$0x90];
	[tilespmem:s7+$0xFFFFFF90] =	vst v4  }
0x15a: {  	v4 =	vmul.f32 v22, v25;
	[tilespmem:s7+$0xFFFFFD20] =	vst v52  }
0x15b: {  	[tilespmem:s7+$0xFFFFFD30] =	vst v13;
	v3 =	vmul.f32 v3, v61  }
0x15c: {  	v48 =	vld [tilespmem:s7+$0xFFFFFE80];
	[tilespmem:s7+$0x80] =	vst v4  }
0x15d: {  	v40 =	vld [tilespmem:s7+$0x300];
	[tilespmem:s7+$0x30] =	vst v3;
	v3 =	vmul.f32 v35, v30  }
0x15e: {  	v43 =	vld [tilespmem:s7+$0x380];
	v4 =	vmul.f32 v28, v25;
	[tilespmem:s7+$0xFFFFFD10] =	vst v5  }
0x15f: {  	v44 =	vbroadcast v2, $0xE;
	[tilespmem:s7+$0x110] =	vst v3;
	v3 =	vld [tilespmem:s7+$0x210]  }
0x160: {  	v55 =	vld [tilespmem:s7+$0xFFFFFF80];
	v2 =	vbroadcast v2, $0xF;
	[tilespmem:s7+$0x90] =	vst v4  }
0x161: {  	v47 =	vld [tilespmem:s7+$0x290];
	v5 =	vmul.f32 v48, v50;
	[tilespmem:s7+$0x340] =	vst v44  }
0x162: {  	v51 =	vld [tilespmem:s7+$0x390];
	v4 =	vmul.f32 v40, v44;
	[tilespmem:s7+$0x3C0] =	vst v2  }
0x163: {  	v34 =	vld [tilespmem:s7+$0x200];
	v10 =	vmul.f32 v43, v2;
	[tilespmem:s7+$0xFFFFFE80] =	vst v5  }
0x164: {  	v62 =	vld [tilespmem:s7+$0xFFFFFDB0];
	[tilespmem:s7+$0x300] =	vst v4;
	v3 =	vmul.f32 v3, v39  }
0x165: {  	v48 =	vld [tilespmem:s7+$0xB0];
	v5 =	vmul.f32 v55, v58;
	[tilespmem:s7+$0x380] =	vst v10  }
0x166: {  	v50 =	vld [tilespmem:s7+$0x1A0];
	[tilespmem:s7+$0x210] =	vst v3;
	v3 =	vmul.f32 v47, v42  }
0x167: {  	v23 =	vld [tilespmem:s7+$0xFFFFFFA0];
	v55 =	vmul.f32 v51, v2;
	[tilespmem:s7+$0xFFFFFF80] =	vst v5  }
0x168: {  	v12 =	vmul.f32 v34, v39;
	[tilespmem:s7+$0x290] =	vst v3;
	v3 =	vld [tilespmem:s7+$0x130]  }
0x169: {  	v56 =	vld [tilespmem:s7+$0x320];
	v5 =	vmul.f32 v62, v45;
	[tilespmem:s7+$0x390] =	vst v55  }
0x16a: {  	v29 =	vld [tilespmem:s7+$0xFFFFFFB0];
	[tilespmem:s7+$0x200] =	vst v12;
	v4 =	vmul.f32 v48, v25  }
0x16b: {  	v45 =	vld [tilespmem:s7+$0x120];
	v53 =	vmul.f32 v50, v33;
	[tilespmem:s7+$0xFFFFFDB0] =	vst v5  }
0x16c: {  	v38 =	vld [tilespmem:s7+$0xA0];
	v5 =	vmul.f32 v23, v58;
	[tilespmem:s7+$0xB0] =	vst v4  }
0x16d: {  	v52 =	vld [tilespmem:s7+$0x220];
	[tilespmem:s7+$0x1A0] =	vst v53;
	v3 =	vmul.f32 v3, v30  }
0x16e: {  	v49 =	vld [tilespmem:s7+$0x310];
	v4 =	vmul.f32 v56, v44;
	[tilespmem:s7+$0xFFFFFFA0] =	vst v5  }
0x16f: {  	v5 =	vmul.f32 v29, v58;
	[tilespmem:s7+$0x130] =	vst v3;
	v3 =	vld [tilespmem:s7+$0x230]  }
0x170: {  	v57 =	vld [tilespmem:s7+$0x1B0];
	v8 =	vmul.f32 v45, v30;
	[tilespmem:s7+$0x320] =	vst v4  }
0x171: {  	v60 =	vld [tilespmem:s7+$0x2B0];
	[tilespmem:s7+$0xFFFFFFB0] =	vst v5;
	v5 =	vmul.f32 v38, v25  }
0x172: {  	v54 =	vld [tilespmem:s7+$0x2A0];
	[tilespmem:s7+$0x120] =	vst v8;
	v8 =	vmul.f32 v52, v39  }
0x173: {  	v62 =	vld [tilespmem:s7+$0x330];
	[tilespmem:s7+$0xA0] =	vst v5;
	v5 =	vmul.f32 v49, v44  }
0x174: {  	v58 =	vld [tilespmem:s7+$0x3A0];
	[tilespmem:s7+$0x220] =	vst v8;
	v3 =	vmul.f32 v3, v39  }
0x175: {  	v63 =	vld [tilespmem:s7+$0x3B0];
	[tilespmem:s7+$0x310] =	vst v5;
	v5 =	vmul.f32 v57, v33  }
0x176: {  	[tilespmem:s7+$0x230] =	vst v3;
	v3 =	vmul.f32 v60, v42  }
0x177: {  	p0 =	sne.s32 s0, $0x70;
	v59 =	vmul.f32 v54, v42;
	[tilespmem:s7+$0x1B0] =	vst v5  }
.Ltmp4:
0x178: {  	[tilespmem:s7+$0x2B0] =	vst v3;
	v3 =	vmul.f32 v62, v44;
	(pc) =	sbr.rel @p0 .LBB2_11-.Ltmp4, $4  }
0x179: {  	[tilespmem:s7+$0x2A0] =	vst v59;
	v61 =	vmul.f32 v58, v2  }
0x17a: {  	[tilespmem:s7+$0x330] =	vst v3;
	v3 =	vmul.f32 v63, v2  }
0x17b: {  	[tilespmem:s7+$0x3A0] =	vst v61  }
0x17c: {  	s2 =	sadd.s32 $0x10, s2;
	s0 =	sadd.s32 $0x10, s0;
	[tilespmem:s7+$0x3B0] =	vst v3;
	s7 =	sadd.s32 $0x800, s7  }
0x17d: {  	[spmem:s1] =	stream.indirect.scatter.add.f32 [tilespmem:s20], [sflag:$0x3], $0x80, s24, s16, $0xb8;
	[tilespmem:$0x1F800] =	vst v63  }
0x17e: {  	_ =	swait.ge [sflag:s19], $0x4000  }
0x17f: {  	[sflag:s19] =	ssyncset.done $0x0  }
0x180: {  	[sflag:s19] =	ssyncadd.s32 $0xFFFFC000  }
0x181: {  	_ =	swait.ge [sflag:s23], $0x4000  }
0x182: {  	s0 =	simm.s32 $0x0;
	[sflag:s23] =	ssyncset.done $0x0  }
0x183: {  	s2 =	simm.s32 $0xF80;
	s7 =	simm.s32 $0x7C00;
	[sflag:s23] =	ssyncadd.s32 $0xFFFFC000  }
.LBB2_13:
0x184: {  	v2 =	vmov s0  }
0x185: {  	v3 =	vld [tilespmem:s2+$0x0];
	v2 =	vshll.u32 v2, $0x7  }
0x186: {  	v2 =	vor.u32 v1, v2  }
0x187: {  	v2 =	vor.u32 $0x41, v2;
	_ =	sdelay $0x4  }
0x188: {  	v2 =	vld.idx.msk [tilespmem:v2+s21+$0x0], $0xffff  }
0x189: {  	v3 =	vld.idx.msk [tilespmem:v3+s18+$0x0], $0xffff;
	_ =	sdelay $0x4  }
0x18a: {  	v2 =	vadd.f32 v3, v2;
	_ =	sdelay $0x1  }
0x18b: {  	v3 =	vmul.f32 $2.000000030e-01, v2  }
0x18c: {  	vm0 =	vge.f32 v2, $0.0e+00  }
0x18d: {  	v2 =	vsel vm0, v2, v3  }
0x18e: {  	v2 =	vmul.f32 $1.442695020e+00, v2;
	_ =	sdelay $0x1  }
0x18f: {  	(erf) = vpow2.f32 v2;
	_ =	sdelay $0x8  }
0x190: {  	v2 =	vpop (erf)  }
0x191: {  	v4 =	vbroadcast v2, $0x0  }
0x192: {  	v6 =	vbroadcast v2, $0x1  }
0x193: {  	v45 =	vbroadcast v2, $0x3;
	[tilespmem:s7+$0xFFFFFC40] =	vst v4  }
0x194: {  	v12 =	vbroadcast v2, $0x4;
	[tilespmem:s7+$0xFFFFFCC0] =	vst v6  }
0x195: {  	v50 =	vbroadcast v2, $0x5;
	[tilespmem:s7+$0xFFFFFDC0] =	vst v45  }
0x196: {  	v54 =	vbroadcast v2, $0x6;
	[tilespmem:s7+$0xFFFFFE40] =	vst v12  }
0x197: {  	v5 =	vld [tilespmem:s7+$0xFFFFFC80];
	v58 =	vbroadcast v2, $0x7;
	[tilespmem:s7+$0xFFFFFEC0] =	vst v50  }
0x198: {  	v43 =	vld [tilespmem:s7+$0xFFFFFD00];
	v61 =	vbroadcast v2, $0x8;
	[tilespmem:s7+$0xFFFFFF40] =	vst v54  }
0x199: {  	v3 =	vld [tilespmem:s7+$0xFFFFFC00];
	v25 =	vbroadcast v2, $0x9;
	[tilespmem:s7+$0xFFFFFFC0] =	vst v58  }
0x19a: {  	v7 =	vld [tilespmem:s7+$0xFFFFFC90];
	v30 =	vbroadcast v2, $0xA;
	[tilespmem:s7+$0x40] =	vst v61  }
0x19b: {  	v8 =	vld [tilespmem:s7+$0xFFFFFC20];
	v33 =	vbroadcast v2, $0xB;
	[tilespmem:s7+$0xC0] =	vst v25  }
0x19c: {  	v9 =	vld [tilespmem:s7+$0xFFFFFD80];
	v39 =	vbroadcast v2, $0xC;
	[tilespmem:s7+$0x140] =	vst v30  }
0x19d: {  	v44 =	vld [tilespmem:s7+$0xFFFFFD10];
	v42 =	vbroadcast v2, $0xD;
	[tilespmem:s7+$0x1C0] =	vst v33  }
0x19e: {  	v10 =	vld [tilespmem:s7+$0xFFFFFCA0];
	v3 =	vmul.f32 v4, v3;
	[tilespmem:s7+$0x240] =	vst v39  }
0x19f: {  	v11 =	vld [tilespmem:s7+$0xFFFFFC30];
	v5 =	vmul.f32 v5, v6;
	[tilespmem:s7+$0x2C0] =	vst v42  }
0x1a0: {  	v13 =	vld [tilespmem:s7+$0xFFFFFCB0];
	v7 =	vmul.f32 v7, v6;
	[tilespmem:s7+$0xFFFFFC00] =	vst v3  }
0x1a1: {  	v14 =	vld [tilespmem:s7+$0xFFFFFF00];
	v8 =	vmul.f32 v4, v8;
	[tilespmem:s7+$0xFFFFFC80] =	vst v5  }
0x1a2: {  	v15 =	vld [tilespmem:s7+$0x0];
	v9 =	vmul.f32 v9, v45;
	[tilespmem:s7+$0xFFFFFC90] =	vst v7  }
0x1a3: {  	v10 =	vmul.f32 v10, v6;
	v3 =	vld [tilespmem:s7+$0xFFFFFC10];
	[tilespmem:s7+$0xFFFFFC20] =	vst v8  }
0x1a4: {  	v60 =	vld [tilespmem:s7+$0xFFFFFE20];
	v11 =	vmul.f32 v11, v4;
	[tilespmem:s7+$0xFFFFFD80] =	vst v9  }
0x1a5: {  	v18 =	vld [tilespmem:s7+$0xFFFFFEA0];
	v13 =	vmul.f32 v13, v6;
	[tilespmem:s7+$0xFFFFFCA0] =	vst v10  }
0x1a6: {  	v49 =	vld [tilespmem:s7+$0xFFFFFD20];
	v14 =	vmul.f32 v14, v54;
	[tilespmem:s7+$0xFFFFFC30] =	vst v11  }
0x1a7: {  	v27 =	vld [tilespmem:s7+$0x100];
	v15 =	vmul.f32 v15, v61;
	[tilespmem:s7+$0xFFFFFCB0] =	vst v13  }
0x1a8: {  	v31 =	vld [tilespmem:s7+$0x180];
	[tilespmem:s7+$0xFFFFFF00] =	vst v14;
	v3 =	vmul.f32 v4, v3  }
0x1a9: {  	v57 =	vld [tilespmem:s7+$0xFFFFFD30];
	v6 =	vmul.f32 v60, v12;
	[tilespmem:s7+$0x0] =	vst v15  }
0x1aa: {  	v46 =	vld [tilespmem:s7+$0xFFFFFE00];
	v21 =	vmul.f32 v18, v50;
	[tilespmem:s7+$0xFFFFFC10] =	vst v3;
	v3 =	vbroadcast v2, $0x2  }
0x1ab: {  	v47 =	vld [tilespmem:s7+$0xFFFFFD90];
	[tilespmem:s7+$0xFFFFFE20] =	vst v6  }
0x1ac: {  	v51 =	vld [tilespmem:s7+$0xFFFFFE10];
	v32 =	vmul.f32 v27, v30;
	[tilespmem:s7+$0xFFFFFEA0] =	vst v21;
	v5 =	vmul.f32 v43, v3  }
0x1ad: {  	v20 =	vld [tilespmem:s7+$0xFFFFFF20];
	v36 =	vmul.f32 v31, v33;
	v52 =	vmul.f32 v49, v3;
	[tilespmem:s7+$0xFFFFFD40] =	vst v3  }
0x1ae: {  	v13 =	vmul.f32 v57, v3;
	[tilespmem:s7+$0xFFFFFD00] =	vst v5;
	v5 =	vmul.f32 v44, v3;
	v3 =	vld [tilespmem:s7+$0xFFFFFE30]  }
0x1af: {  	v24 =	vld [tilespmem:s7+$0xFFFFFEB0];
	v8 =	vmul.f32 v46, v12;
	[tilespmem:s7+$0x100] =	vst v32  }
0x1b0: {  	v41 =	vld [tilespmem:s7+$0x190];
	v9 =	vmul.f32 v47, v45;
	[tilespmem:s7+$0x180] =	vst v36  }
0x1b1: {  	v53 =	vld [tilespmem:s7+$0xFFFFFDA0];
	v11 =	vmul.f32 v51, v12;
	[tilespmem:s7+$0xFFFFFE00] =	vst v8  }
0x1b2: {  	v59 =	vld [tilespmem:s7+$0xFFFFFF10];
	v6 =	vmul.f32 v20, v54;
	[tilespmem:s7+$0xFFFFFD90] =	vst v9  }
0x1b3: {  	v26 =	vld [tilespmem:s7+$0x20];
	[tilespmem:s7+$0xFFFFFE10] =	vst v11;
	v3 =	vmul.f32 v3, v12  }
0x1b4: {  	v37 =	vld [tilespmem:s7+$0x280];
	v7 =	vmul.f32 v24, v50;
	[tilespmem:s7+$0xFFFFFF20] =	vst v6  }
0x1b5: {  	v46 =	vmul.f32 v41, v33;
	[tilespmem:s7+$0xFFFFFE30] =	vst v3;
	v3 =	vld [tilespmem:s7+$0xFFFFFF30]  }
0x1b6: {  	v56 =	vld [tilespmem:s7+$0xFFFFFE90];
	v9 =	vmul.f32 v53, v45;
	[tilespmem:s7+$0xFFFFFEB0] =	vst v7  }
0x1b7: {  	v19 =	vld [tilespmem:s7+$0x10];
	v11 =	vmul.f32 v59, v54;
	[tilespmem:s7+$0x190] =	vst v46  }
0x1b8: {  	v63 =	vld [tilespmem:s7+$0xFFFFFF90];
	v6 =	vmul.f32 v26, v61;
	[tilespmem:s7+$0xFFFFFDA0] =	vst v9  }
0x1b9: {  	v8 =	vmul.f32 v37, v42;
	[tilespmem:s7+$0xFFFFFF10] =	vst v11  }
0x1ba: {  	[tilespmem:s7+$0x20] =	vst v6;
	v3 =	vmul.f32 v3, v54  }
0x1bb: {  	v22 =	vld [tilespmem:s7+$0x80];
	[tilespmem:s7+$0x280] =	vst v8;
	v4 =	vmul.f32 v56, v50  }
0x1bc: {  	v11 =	vmul.f32 v19, v61;
	[tilespmem:s7+$0xFFFFFF30] =	vst v3;
	v3 =	vld [tilespmem:s7+$0x30]  }
0x1bd: {  	[tilespmem:s7+$0xFFFFFE90] =	vst v4;
	v4 =	vmul.f32 v63, v58  }
0x1be: {  	v35 =	vld [tilespmem:s7+$0x110];
	[tilespmem:s7+$0x10] =	vst v11  }
0x1bf: {  	v28 =	vld [tilespmem:s7+$0x90];
	[tilespmem:s7+$0xFFFFFF90] =	vst v4  }
0x1c0: {  	v4 =	vmul.f32 v22, v25;
	[tilespmem:s7+$0xFFFFFD20] =	vst v52  }
0x1c1: {  	[tilespmem:s7+$0xFFFFFD30] =	vst v13;
	v3 =	vmul.f32 v3, v61  }
0x1c2: {  	v48 =	vld [tilespmem:s7+$0xFFFFFE80];
	[tilespmem:s7+$0x80] =	vst v4  }
0x1c3: {  	v40 =	vld [tilespmem:s7+$0x300];
	[tilespmem:s7+$0x30] =	vst v3;
	v3 =	vmul.f32 v35, v30  }
0x1c4: {  	v43 =	vld [tilespmem:s7+$0x380];
	v4 =	vmul.f32 v28, v25;
	[tilespmem:s7+$0xFFFFFD10] =	vst v5  }
0x1c5: {  	v44 =	vbroadcast v2, $0xE;
	[tilespmem:s7+$0x110] =	vst v3;
	v3 =	vld [tilespmem:s7+$0x210]  }
0x1c6: {  	v55 =	vld [tilespmem:s7+$0xFFFFFF80];
	v2 =	vbroadcast v2, $0xF;
	[tilespmem:s7+$0x90] =	vst v4  }
0x1c7: {  	v47 =	vld [tilespmem:s7+$0x290];
	v5 =	vmul.f32 v48, v50;
	[tilespmem:s7+$0x340] =	vst v44  }
0x1c8: {  	v51 =	vld [tilespmem:s7+$0x390];
	v4 =	vmul.f32 v40, v44;
	[tilespmem:s7+$0x3C0] =	vst v2  }
0x1c9: {  	v34 =	vld [tilespmem:s7+$0x200];
	v10 =	vmul.f32 v43, v2;
	[tilespmem:s7+$0xFFFFFE80] =	vst v5  }
0x1ca: {  	v62 =	vld [tilespmem:s7+$0xFFFFFDB0];
	[tilespmem:s7+$0x300] =	vst v4;
	v3 =	vmul.f32 v3, v39  }
0x1cb: {  	v48 =	vld [tilespmem:s7+$0xB0];
	v5 =	vmul.f32 v55, v58;
	[tilespmem:s7+$0x380] =	vst v10  }
0x1cc: {  	v50 =	vld [tilespmem:s7+$0x1A0];
	[tilespmem:s7+$0x210] =	vst v3;
	v3 =	vmul.f32 v47, v42  }
0x1cd: {  	v23 =	vld [tilespmem:s7+$0xFFFFFFA0];
	v55 =	vmul.f32 v51, v2;
	[tilespmem:s7+$0xFFFFFF80] =	vst v5  }
0x1ce: {  	v12 =	vmul.f32 v34, v39;
	[tilespmem:s7+$0x290] =	vst v3;
	v3 =	vld [tilespmem:s7+$0x130]  }
0x1cf: {  	v56 =	vld [tilespmem:s7+$0x320];
	v5 =	vmul.f32 v62, v45;
	[tilespmem:s7+$0x390] =	vst v55  }
0x1d0: {  	v29 =	vld [tilespmem:s7+$0xFFFFFFB0];
	[tilespmem:s7+$0x200] =	vst v12;
	v4 =	vmul.f32 v48, v25  }
0x1d1: {  	v45 =	vld [tilespmem:s7+$0x120];
	v53 =	vmul.f32 v50, v33;
	[tilespmem:s7+$0xFFFFFDB0] =	vst v5  }
0x1d2: {  	v38 =	vld [tilespmem:s7+$0xA0];
	v5 =	vmul.f32 v23, v58;
	[tilespmem:s7+$0xB0] =	vst v4  }
0x1d3: {  	v52 =	vld [tilespmem:s7+$0x220];
	[tilespmem:s7+$0x1A0] =	vst v53;
	v3 =	vmul.f32 v3, v30  }
0x1d4: {  	v49 =	vld [tilespmem:s7+$0x310];
	v4 =	vmul.f32 v56, v44;
	[tilespmem:s7+$0xFFFFFFA0] =	vst v5  }
0x1d5: {  	v5 =	vmul.f32 v29, v58;
	[tilespmem:s7+$0x130] =	vst v3;
	v3 =	vld [tilespmem:s7+$0x230]  }
0x1d6: {  	v57 =	vld [tilespmem:s7+$0x1B0];
	v8 =	vmul.f32 v45, v30;
	[tilespmem:s7+$0x320] =	vst v4  }
0x1d7: {  	v60 =	vld [tilespmem:s7+$0x2B0];
	[tilespmem:s7+$0xFFFFFFB0] =	vst v5;
	v5 =	vmul.f32 v38, v25  }
0x1d8: {  	v54 =	vld [tilespmem:s7+$0x2A0];
	[tilespmem:s7+$0x120] =	vst v8;
	v8 =	vmul.f32 v52, v39  }
0x1d9: {  	v62 =	vld [tilespmem:s7+$0x330];
	[tilespmem:s7+$0xA0] =	vst v5;
	v5 =	vmul.f32 v49, v44  }
0x1da: {  	v58 =	vld [tilespmem:s7+$0x3A0];
	[tilespmem:s7+$0x220] =	vst v8;
	v3 =	vmul.f32 v3, v39  }
0x1db: {  	v63 =	vld [tilespmem:s7+$0x3B0];
	[tilespmem:s7+$0x310] =	vst v5;
	v5 =	vmul.f32 v57, v33  }
0x1dc: {  	[tilespmem:s7+$0x230] =	vst v3;
	v3 =	vmul.f32 v60, v42  }
0x1dd: {  	p0 =	sne.s32 s0, $0x70;
	v59 =	vmul.f32 v54, v42;
	[tilespmem:s7+$0x1B0] =	vst v5  }
.Ltmp5:
0x1de: {  	[tilespmem:s7+$0x2B0] =	vst v3;
	v3 =	vmul.f32 v62, v44;
	(pc) =	sbr.rel @p0 .LBB2_13-.Ltmp5, $4  }
0x1df: {  	[tilespmem:s7+$0x2A0] =	vst v59;
	v61 =	vmul.f32 v58, v2  }
0x1e0: {  	[tilespmem:s7+$0x330] =	vst v3;
	v3 =	vmul.f32 v63, v2  }
0x1e1: {  	[tilespmem:s7+$0x3A0] =	vst v61  }
0x1e2: {  	s2 =	sadd.s32 $0x10, s2;
	s0 =	sadd.s32 $0x10, s0;
	[tilespmem:s7+$0x3B0] =	vst v3;
	s7 =	sadd.s32 $0x800, s7  }
0x1e3: {  	s28 =	sadd.s32 $0x1, s28  }
0x1e4: {  	p0 =	sne.s32 s28, $0x5  }
.Ltmp6:
0x1e5: {  	_ = 	snop;
	(pc) =	sbr.rel @p0 .LBB2_4-.Ltmp6, $4  }
0x1e6: {  	[spmem:s1] =	stream.indirect.scatter.add.f32 [tilespmem:s21], [sflag:$0x3], $0x80, s25, s16, $0xb8;
	[tilespmem:$0x1F800] =	vst v63  }
0x1e7: {  	_ =	swait.ge [sflag:s19], $0x4000  }
0x1e8: {  	[sflag:s19] =	ssyncset.done $0x0  }
0x1e9: {  	[sflag:s19] =	ssyncadd.s32 $0xFFFFC000  }
0x1ea: {  	s0 =	stileid.u32;
	[bflag:$0x0] =	sbarrier.arrive $0xFFFF;
	s3 =	sadd.s32 $0x1, s3  }
0x1eb: {  	s2 =	sshrl.u32 s8, $0x3;
	s0 =	sshll.u32 s0, $0x6;
	p0 =	sne.s32 s3, s11  }
.Ltmp7:
0x1ec: {  	s7 =	rddreg [dreg:$0x4];
	s0 =	sor.u32 $0x1C03, s0;
	(pc) =	sbr.rel @p0 .LBB2_1-.Ltmp7, $4  }
0x1ed: {  	[hbm:s7], [sflag:s0] =	dma.local [spmem:s2], $0x2800  }
0x1ee: {  	_ =	swait.ge [sflag:s19], $0x2800  }
0x1ef: {  	[sflag:s19] =	ssyncset.done $0x0  }
0x1f0: {  	[sflag:s19] =	ssyncadd.s32 $0xFFFFD800  }
0x1f1: {  	_ =	sfence.sel $0x180000  }
0x1f2: {  	[bflag:$0x0] =	sbarrier.arrive $0xFFFF  }
0x1f3: {  	_ =	strace $0x90000047  }
0x1f4: {  	s0 =	stileid.u32;
	[bflag:$0x2] =	sbarrier.arrive $0xFFFF  }
0x1f5: {  	p0 =	sne.s32 s0, $0x0;
	s0 =	rddreg [dreg:$0x2]  }
0x1f6: {  	s0 =	sadd.s32 @!p0 $0x100000, s0  }
0x1f7: {  	[sflag:s0] =	ssyncadd.tile.s32 @!p0 $0x1;
	_ =	shalt  }
.Lfunc_end2:
_tile_overlayer_lowered:
.L_overlay_start_2:
0x1f8: {  	(tag) =	ssettag $0x2  }
0x1f9: {  	s0 =	rddreg [dreg:$0x0];
	s2 =	stileid.u32  }
0x1fa: {  	s1 =	rddreg [dreg:$0x1];
	p0 =	sne.s32 s2, $0x0  }
0x1fb: {  	s3 =	rddreg [dreg:$0x2];
	[bflag:$0x3] =	sbarrier.arrive $0xFFFF;
	s2 =	simm.s32 @!p0 $0x1C03  }
0x1fc: {  	[timem:s3], [sflag:s2] =	dma.local @!p0 [hbm:s0], s1  }
0x1fd: {  	s0 =	simm.s32 @!p0 $0x3  }
0x1fe: {  	_ =	swait.ge @!p0 [sflag:s0], s1  }
0x1ff: {  	s1 =	ssub.s32 @!p0 $0x0, s1;
	[sflag:s0] =	ssyncset.done @!p0 $0x0  }
0x200: {  	[sflag:s0] =	ssyncadd.s32 @!p0 s1  }
0x201: {  	[bflag:$0x3] =	sbarrier.arrive $0xFFFF  }
0x202: {  	_ =	shalt  }

</sc_bundles>
